<compile_context>
chip_gen: v7x
topology: tpu7x:2x2x1
jax: 0.10.2.dev20260603
libtpu: 0.0.44.dev20260713+nightly
codegen_flags: <defaults>
</compile_context>

<pallas_src>
import functools

import jax
import jax.numpy as jnp
from jax import lax
from jax.experimental import pallas as pl
from jax.experimental.pallas import tpu as pltpu
from jax.experimental.pallas import tpu_sc as plsc

B = 4096
T = 200
D = 64
N = B * T

NC = 2
NS = 16
NW = NC * NS

ROWS_PER_W = B // NW
CHUNK = T
NCHUNK = ROWS_PER_W
NBUF = 4
K = 2
NSUPER = NCHUNK // NBUF


def _make_kernel():
    mesh = plsc.VectorSubcoreMesh(core_axis_name="c", subcore_axis_name="s")

    scratch = (
        [pltpu.VMEM((CHUNK,), jnp.int32) for _ in range(NBUF)]
        + [pltpu.VMEM((CHUNK,), jnp.int32) for _ in range(NBUF)]
        + [pltpu.VMEM((CHUNK, D), jnp.float32) for _ in range(NBUF)]
        + [pltpu.VMEM((CHUNK, D), jnp.float32) for _ in range(NBUF)]
        + [pltpu.VMEM((T, D), jnp.float32)]
        + [
            pltpu.VMEM_SHARED((1000, D), jnp.float32),
            pltpu.VMEM_SHARED((201, D), jnp.float32),
        ]
        + [pltpu.SemaphoreType.DMA for _ in range(3 * NBUF)]
    )

    @functools.partial(
        pl.kernel,
        out_type=jax.ShapeDtypeStruct((B, T, D), jnp.float32),
        mesh=mesh,
        scratch_types=scratch,
        compiler_params=pltpu.CompilerParams(use_tc_tiling_on_sc=False),
    )
    def embed_kernel(xt_hbm, yt_hbm, xtab_hbm, ytab_hbm, ptab_hbm, out_hbm,
                     *refs):
        xidx = refs[0:NBUF]
        yidx = refs[NBUF:2 * NBUF]
        bufX = refs[2 * NBUF:3 * NBUF]
        bufY = refs[3 * NBUF:4 * NBUF]
        tmpl = refs[4 * NBUF]
        xtab_sp, ytab_sp = refs[4 * NBUF + 1:4 * NBUF + 3]
        sems = refs[4 * NBUF + 3:]
        semA = sems[0:NBUF]
        semB = sems[NBUF:2 * NBUF]
        semD = sems[2 * NBUF:3 * NBUF]

        wid = lax.axis_index("s") * NC + lax.axis_index("c")
        base_tok = wid * (ROWS_PER_W * T)

        @pl.when(lax.axis_index("s") == 0)
        def _():
            pltpu.sync_copy(xtab_hbm, xtab_sp)
            pltpu.sync_copy(ytab_hbm, ytab_sp)

        pltpu.sync_copy(ptab_hbm, tmpl)
        plsc.subcore_barrier()

        def drain(sem, dst):
            pltpu.make_async_copy(out_hbm.at[0], dst, sem).wait()

        def drain_idx(sem, dst):
            pltpu.make_async_copy(xt_hbm.at[pl.ds(0, CHUNK)], dst, sem).wait()

        def combine_store(bj, rowj):
            drain(semB[bj], bufX[bj])
            drain(semB[bj], bufY[bj])

            def vrow(j, _):
                for r in range(4):
                    row = j * 4 + r
                    for k in range(D // 16):
                        sl = pl.ds(k * 16, 16)
                        bufX[bj][row, sl] = (
                            bufX[bj][row, sl]
                            + bufY[bj][row, sl]
                            + tmpl[row, sl]
                        )
                return ()

            lax.fori_loop(0, CHUNK // 4, vrow, ())

            pltpu.async_copy(bufX[bj], out_hbm.at[rowj], semD[bj])

        def superstep(g, _):
            for b in range(NBUF):
                ci = g * NBUF + b
                tok0 = base_tok + ci * CHUNK

                @pl.when(g > 0)
                def _(b=b):
                    drain(semD[b], bufX[b])
                    drain_idx(semA[b], xidx[b])
                    drain_idx(semA[b], yidx[b])

                @pl.when(g == 0)
                def _(b=b, tok0=tok0):
                    pltpu.sync_copy(xt_hbm.at[pl.ds(tok0, CHUNK)], xidx[b])
                    pltpu.sync_copy(yt_hbm.at[pl.ds(tok0, CHUNK)], yidx[b])

                pltpu.async_copy(xtab_sp.at[xidx[b]], bufX[b], semB[b])
                pltpu.async_copy(ytab_sp.at[yidx[b]], bufY[b], semB[b])

                bj = (b - K) % NBUF
                cj = ci - K
                tokj = base_tok + cj * CHUNK

                rowj = wid * ROWS_PER_W + cj

                @pl.when(cj >= 0)
                def _(bj=bj, rowj=rowj):
                    combine_store(bj, rowj)

                @pl.when(jnp.logical_and(cj >= 0, cj + NBUF < NCHUNK))
                def _(bj=bj, tokj=tokj):
                    tok1 = tokj + NBUF * CHUNK
                    pltpu.async_copy(
                        xt_hbm.at[pl.ds(tok1, CHUNK)], xidx[bj], semA[bj])
                    pltpu.async_copy(
                        yt_hbm.at[pl.ds(tok1, CHUNK)], yidx[bj], semA[bj])
            return ()

        lax.fori_loop(0, NSUPER, superstep, ())

        for bj in range(NBUF - K, NBUF):
            cj = NCHUNK - NBUF + bj
            combine_store(bj, wid * ROWS_PER_W + cj)
        for b in range(NBUF):
            drain(semD[b], bufX[b])

    return embed_kernel


_kernel = _make_kernel()


@jax.jit
def kernel(x_tokens, y_tokens, x_table, y_table, pos_table):
    xt = x_tokens.reshape(N).astype(jnp.int32)
    yt = y_tokens.reshape(N).astype(jnp.int32)
    return _kernel(xt, yt, x_table, y_table, pos_table)

# --- scband reference (transcript-rebuilt; emitter-appended) ---
"""Pipeline reference for scband-keypoint-embedding-34935263985933 (READ-ONLY COPY).

The authoritative reference and input builder live on the scoring server;
editing this copy changes nothing except your own understanding.
"""

import jax, jax.numpy as jnp
import numpy as np

NBINS_X = 1000
MAX_Y_TOKENS = 201
EMBED_DIM = 64
MAX_LEN = 200
B = 4096
T = 200

def setup_inputs(seed: int = 0) -> dict:
    key = jax.random.key(seed)
    k1, k2, k3, k4, k5 = jax.random.split(key, 5)
    x_tokens = jax.random.randint(k1, (B, T), 0, NBINS_X, dtype=jnp.int64 if jax.config.jax_enable_x64 else jnp.int32)
    y_tokens = jax.random.randint(k2, (B, T), 0, MAX_Y_TOKENS, dtype=jnp.int64 if jax.config.jax_enable_x64 else jnp.int32)
    x_table = jax.random.normal(k3, (NBINS_X, EMBED_DIM), dtype=jnp.float32)
    y_table = jax.random.normal(k4, (MAX_Y_TOKENS, EMBED_DIM), dtype=jnp.float32)
    pos_table = jax.random.normal(k5, (MAX_LEN, EMBED_DIM), dtype=jnp.float32)
    return {"x_tokens": x_tokens, "y_tokens": y_tokens, "x_table": x_table, "y_table": y_table, "pos_table": pos_table}

def reference(x_tokens, y_tokens, x_table, y_table, pos_table):
    batch_size, seq_len = x_tokens.shape
    pos_ids = jnp.broadcast_to(jnp.arange(seq_len)[None, :], (batch_size, seq_len))
    x_emb = jnp.take(x_table, x_tokens, axis=0)
    y_emb = jnp.take(y_table, y_tokens, axis=0)
    pos_emb = jnp.take(pos_table, pos_ids, axis=0)
    return x_emb + y_emb + pos_emb

if __name__ == "__main__":
    import jax
    _d = setup_inputs()
    print(jax.jit(kernel)(*tuple(_d.values())))

</pallas_src>

<mosaic_0001>
#map = affine_map<(d0, d1) -> (0)>
#map1 = affine_map<(d0, d1) -> (0, 0)>
#map2 = affine_map<(d0, d1) -> (0, 0, 0)>
module attributes {stable_mosaic.version = 14 : i64} {
  func.func @embed_kernel(%arg0: i32, %arg1: i32, %arg2: memref<819200xi32, #tpu.memory_space<hbm>>, %arg3: memref<819200xi32, #tpu.memory_space<hbm>>, %arg4: memref<1000x64xf32, #tpu.memory_space<hbm>>, %arg5: memref<201x64xf32, #tpu.memory_space<hbm>>, %arg6: memref<200x64xf32, #tpu.memory_space<hbm>>, %arg7: memref<4096x200x64xf32, #tpu.memory_space<hbm>>, %arg8: memref<200xi32, #tpu.memory_space<vmem>>, %arg9: memref<200xi32, #tpu.memory_space<vmem>>, %arg10: memref<200xi32, #tpu.memory_space<vmem>>, %arg11: memref<200xi32, #tpu.memory_space<vmem>>, %arg12: memref<200xi32, #tpu.memory_space<vmem>>, %arg13: memref<200xi32, #tpu.memory_space<vmem>>, %arg14: memref<200xi32, #tpu.memory_space<vmem>>, %arg15: memref<200xi32, #tpu.memory_space<vmem>>, %arg16: memref<200x64xf32, #tpu.memory_space<vmem>>, %arg17: memref<200x64xf32, #tpu.memory_space<vmem>>, %arg18: memref<200x64xf32, #tpu.memory_space<vmem>>, %arg19: memref<200x64xf32, #tpu.memory_space<vmem>>, %arg20: memref<200x64xf32, #tpu.memory_space<vmem>>, %arg21: memref<200x64xf32, #tpu.memory_space<vmem>>, %arg22: memref<200x64xf32, #tpu.memory_space<vmem>>, %arg23: memref<200x64xf32, #tpu.memory_space<vmem>>, %arg24: memref<200x64xf32, #tpu.memory_space<vmem>>, %arg25: memref<1000x64xf32, #tpu.memory_space<vmem_shared>>, %arg26: memref<201x64xf32, #tpu.memory_space<vmem_shared>>, %arg27: memref<!tpu.dma_semaphore, #tpu.memory_space<semaphore_mem>>, %arg28: memref<!tpu.dma_semaphore, #tpu.memory_space<semaphore_mem>>, %arg29: memref<!tpu.dma_semaphore, #tpu.memory_space<semaphore_mem>>, %arg30: memref<!tpu.dma_semaphore, #tpu.memory_space<semaphore_mem>>, %arg31: memref<!tpu.dma_semaphore, #tpu.memory_space<semaphore_mem>>, %arg32: memref<!tpu.dma_semaphore, #tpu.memory_space<semaphore_mem>>, %arg33: memref<!tpu.dma_semaphore, #tpu.memory_space<semaphore_mem>>, %arg34: memref<!tpu.dma_semaphore, #tpu.memory_space<semaphore_mem>>, %arg35: memref<!tpu.dma_semaphore, #tpu.memory_space<semaphore_mem>>, %arg36: memref<!tpu.dma_semaphore, #tpu.memory_space<semaphore_mem>>, %arg37: memref<!tpu.dma_semaphore, #tpu.memory_space<semaphore_mem>>, %arg38: memref<!tpu.dma_semaphore, #tpu.memory_space<semaphore_mem>>) attributes {dimension_semantics = [#tpu.dimension_semantics<core_parallel>, #tpu.dimension_semantics<subcore_parallel>], iteration_bounds = array<i64: 2, 16>, scalar_prefetch = 0 : i64, scratch_operands = 31 : i64, tpu.core_type = #tpu.core_type<sc_vector_subcore>, window_params = [{transform_indices = #map}, {transform_indices = #map}, {transform_indices = #map1}, {transform_indices = #map1}, {transform_indices = #map1}, {transform_indices = #map2}]} {
    %mul3A = arith.constant 2 : i32
    %mul3A_0 = arith.muli %arg1, %mul3A : i32
    %add3A = arith.addi %mul3A_0, %arg0 : i32
    %mul3A_1 = arith.constant 25600 : i32
    %mul3A_2 = arith.muli %add3A, %mul3A_1 : i32
    %eq3A = arith.constant 0 : i32
    %eq3A_3 = arith.cmpi eq, %arg1, %eq3A : i32
    %convert_element_type3A = arith.extui %eq3A_3 : i1 to i32
    %cond3A = arith.constant 0 : i32
    %cond3A_4 = arith.cmpi ne, %convert_element_type3A, %cond3A : i32
    scf.if %cond3A_4 {
      "tpu.region"() ({
        %run_scoped3A = tpu.sem_alloc : memref<!tpu.dma_semaphore, #tpu.memory_space<semaphore_mem>>
        tpu.enqueue_dma source(%arg4 : memref<1000x64xf32, #tpu.memory_space<hbm>>) target(%arg25 : memref<1000x64xf32, #tpu.memory_space<vmem_shared>>) target_semaphore(%run_scoped3A : memref<!tpu.dma_semaphore, #tpu.memory_space<semaphore_mem>>)
        tpu.wait_dma2 semaphore(%run_scoped3A : memref<!tpu.dma_semaphore, #tpu.memory_space<semaphore_mem>>) src(%arg4 : memref<1000x64xf32, #tpu.memory_space<hbm>>) dst(%arg25 : memref<1000x64xf32, #tpu.memory_space<vmem_shared>>)
        tpu.yield
      }) : () -> ()
      "tpu.region"() ({
        %run_scoped3A = tpu.sem_alloc : memref<!tpu.dma_semaphore, #tpu.memory_space<semaphore_mem>>
        tpu.enqueue_dma source(%arg5 : memref<201x64xf32, #tpu.memory_space<hbm>>) target(%arg26 : memref<201x64xf32, #tpu.memory_space<vmem_shared>>) target_semaphore(%run_scoped3A : memref<!tpu.dma_semaphore, #tpu.memory_space<semaphore_mem>>)
        tpu.wait_dma2 semaphore(%run_scoped3A : memref<!tpu.dma_semaphore, #tpu.memory_space<semaphore_mem>>) src(%arg5 : memref<201x64xf32, #tpu.memory_space<hbm>>) dst(%arg26 : memref<201x64xf32, #tpu.memory_space<vmem_shared>>)
        tpu.yield
      }) : () -> ()
    } else {
    }
    "tpu.region"() ({
      %run_scoped3A = tpu.sem_alloc : memref<!tpu.dma_semaphore, #tpu.memory_space<semaphore_mem>>
      tpu.enqueue_dma source(%arg6 : memref<200x64xf32, #tpu.memory_space<hbm>>) target(%arg24 : memref<200x64xf32, #tpu.memory_space<vmem>>) target_semaphore(%run_scoped3A : memref<!tpu.dma_semaphore, #tpu.memory_space<semaphore_mem>>)
      tpu.wait_dma2 semaphore(%run_scoped3A : memref<!tpu.dma_semaphore, #tpu.memory_space<semaphore_mem>>) src(%arg6 : memref<200x64xf32, #tpu.memory_space<hbm>>) dst(%arg24 : memref<200x64xf32, #tpu.memory_space<vmem>>)
      tpu.yield
    }) : () -> ()
    %barrier3A = arith.constant 0 : index
    tpu.barrier barrier_id(%barrier3A)
    %scan3A = arith.constant 0 : i32
    %scan3A_5 = arith.constant 32 : i32
    %scan3A_6 = arith.addi %scan3A, %scan3A_5 : i32
    %scan3A_7 = arith.constant 1 : i32
    scf.for %scan3A_113 = %scan3A to %scan3A_6 step %scan3A_7  : i32 {
      %mul3A_114 = arith.constant 4 : i32
      %mul3A_115 = arith.muli %scan3A_113, %mul3A_114 : i32
      %add3A_116 = arith.constant 0 : i32
      %add3A_117 = arith.addi %mul3A_115, %add3A_116 : i32
      %mul3A_118 = arith.constant 200 : i32
      %mul3A_119 = arith.muli %add3A_117, %mul3A_118 : i32
      %add3A_120 = arith.addi %mul3A_2, %mul3A_119 : i32
      %gt3A = arith.constant 0 : i32
      %gt3A_121 = arith.cmpi sgt, %scan3A_113, %gt3A : i32
      %convert_element_type3A_122 = arith.extui %gt3A_121 : i1 to i32
      %cond3A_123 = arith.constant 0 : i32
      %cond3A_124 = arith.cmpi ne, %convert_element_type3A_122, %cond3A_123 : i32
      scf.if %cond3A_124 {
        %dma_wait3A_293 = arith.constant 0 : i32
        %dma_wait3A_294 = arith.constant 0 : i32
        %dma_wait3A_295 = arith.constant 0 : i32
        %dma_wait3A_296 = tpu.memref_slice %arg7[%dma_wait3A_293, %dma_wait3A_294, %dma_wait3A_295] : memref<4096x200x64xf32, #tpu.memory_space<hbm>> -> memref<1x200x64xf32, #tpu.memory_space<hbm>>
        %dma_wait3A_297 = tpu.memref_squeeze %dma_wait3A_296 : memref<1x200x64xf32, #tpu.memory_space<hbm>> -> memref<200x64xf32, #tpu.memory_space<hbm>>
        %dma_wait3A_298 = arith.constant 0 : i32
        %dma_wait3A_299 = arith.constant 0 : i32
        %dma_wait3A_300 = tpu.memref_slice %arg7[%dma_wait3A_293, %dma_wait3A_298, %dma_wait3A_299] : memref<4096x200x64xf32, #tpu.memory_space<hbm>> -> memref<1x200x64xf32, #tpu.memory_space<hbm>>
        %dma_wait3A_301 = tpu.memref_squeeze %dma_wait3A_300 : memref<1x200x64xf32, #tpu.memory_space<hbm>> -> memref<200x64xf32, #tpu.memory_space<hbm>>
        tpu.wait_dma2 semaphore(%arg35 : memref<!tpu.dma_semaphore, #tpu.memory_space<semaphore_mem>>) src(%dma_wait3A_301 : memref<200x64xf32, #tpu.memory_space<hbm>>) dst(%arg16 : memref<200x64xf32, #tpu.memory_space<vmem>>)
        %dma_wait3A_302 = arith.constant 0 : i32
        %dma_wait3A_303 = tpu.memref_slice %arg2[%dma_wait3A_302] : memref<819200xi32, #tpu.memory_space<hbm>> -> memref<200xi32, #tpu.memory_space<hbm>>
        %dma_wait3A_304 = arith.constant 0 : i32
        %dma_wait3A_305 = tpu.memref_slice %arg2[%dma_wait3A_304] : memref<819200xi32, #tpu.memory_space<hbm>> -> memref<200xi32, #tpu.memory_space<hbm>>
        tpu.wait_dma2 semaphore(%arg27 : memref<!tpu.dma_semaphore, #tpu.memory_space<semaphore_mem>>) src(%dma_wait3A_305 : memref<200xi32, #tpu.memory_space<hbm>>) dst(%arg8 : memref<200xi32, #tpu.memory_space<vmem>>)
        %dma_wait3A_306 = arith.constant 0 : i32
        %dma_wait3A_307 = tpu.memref_slice %arg2[%dma_wait3A_306] : memref<819200xi32, #tpu.memory_space<hbm>> -> memref<200xi32, #tpu.memory_space<hbm>>
        %dma_wait3A_308 = arith.constant 0 : i32
        %dma_wait3A_309 = tpu.memref_slice %arg2[%dma_wait3A_308] : memref<819200xi32, #tpu.memory_space<hbm>> -> memref<200xi32, #tpu.memory_space<hbm>>
        tpu.wait_dma2 semaphore(%arg27 : memref<!tpu.dma_semaphore, #tpu.memory_space<semaphore_mem>>) src(%dma_wait3A_309 : memref<200xi32, #tpu.memory_space<hbm>>) dst(%arg12 : memref<200xi32, #tpu.memory_space<vmem>>)
      } else {
      }
      %eq3A_125 = arith.constant 0 : i32
      %eq3A_126 = arith.cmpi eq, %scan3A_113, %eq3A_125 : i32
      %convert_element_type3A_127 = arith.extui %eq3A_126 : i1 to i32
      %cond3A_128 = arith.constant 0 : i32
      %cond3A_129 = arith.cmpi ne, %convert_element_type3A_127, %cond3A_128 : i32
      scf.if %cond3A_129 {
        "tpu.region"() ({
          %run_scoped3A = tpu.sem_alloc : memref<!tpu.dma_semaphore, #tpu.memory_space<semaphore_mem>>
          %dma_start3A_293 = tpu.memref_slice %arg2[%add3A_120] : memref<819200xi32, #tpu.memory_space<hbm>> -> memref<200xi32, #tpu.memory_space<hbm>>
          %dma_start3A_294 = tpu.memref_slice %arg2[%add3A_120] : memref<819200xi32, #tpu.memory_space<hbm>> -> memref<200xi32, #tpu.memory_space<hbm>>
          tpu.enqueue_dma source(%dma_start3A_294 : memref<200xi32, #tpu.memory_space<hbm>>) target(%arg8 : memref<200xi32, #tpu.memory_space<vmem>>) target_semaphore(%run_scoped3A : memref<!tpu.dma_semaphore, #tpu.memory_space<semaphore_mem>>)
          %dma_wait3A_295 = tpu.memref_slice %arg2[%add3A_120] : memref<819200xi32, #tpu.memory_space<hbm>> -> memref<200xi32, #tpu.memory_space<hbm>>
          %dma_wait3A_296 = tpu.memref_slice %arg2[%add3A_120] : memref<819200xi32, #tpu.memory_space<hbm>> -> memref<200xi32, #tpu.memory_space<hbm>>
          tpu.wait_dma2 semaphore(%run_scoped3A : memref<!tpu.dma_semaphore, #tpu.memory_space<semaphore_mem>>) src(%dma_wait3A_296 : memref<200xi32, #tpu.memory_space<hbm>>) dst(%arg8 : memref<200xi32, #tpu.memory_space<vmem>>)
          tpu.yield
        }) : () -> ()
        "tpu.region"() ({
          %run_scoped3A = tpu.sem_alloc : memref<!tpu.dma_semaphore, #tpu.memory_space<semaphore_mem>>
          %dma_start3A_293 = tpu.memref_slice %arg3[%add3A_120] : memref<819200xi32, #tpu.memory_space<hbm>> -> memref<200xi32, #tpu.memory_space<hbm>>
          %dma_start3A_294 = tpu.memref_slice %arg3[%add3A_120] : memref<819200xi32, #tpu.memory_space<hbm>> -> memref<200xi32, #tpu.memory_space<hbm>>
          tpu.enqueue_dma source(%dma_start3A_294 : memref<200xi32, #tpu.memory_space<hbm>>) target(%arg12 : memref<200xi32, #tpu.memory_space<vmem>>) target_semaphore(%run_scoped3A : memref<!tpu.dma_semaphore, #tpu.memory_space<semaphore_mem>>)
          %dma_wait3A_295 = tpu.memref_slice %arg3[%add3A_120] : memref<819200xi32, #tpu.memory_space<hbm>> -> memref<200xi32, #tpu.memory_space<hbm>>
          %dma_wait3A_296 = tpu.memref_slice %arg3[%add3A_120] : memref<819200xi32, #tpu.memory_space<hbm>> -> memref<200xi32, #tpu.memory_space<hbm>>
          tpu.wait_dma2 semaphore(%run_scoped3A : memref<!tpu.dma_semaphore, #tpu.memory_space<semaphore_mem>>) src(%dma_wait3A_296 : memref<200xi32, #tpu.memory_space<hbm>>) dst(%arg12 : memref<200xi32, #tpu.memory_space<vmem>>)
          tpu.yield
        }) : () -> ()
      } else {
      }
      %dma_start3A_130 = arith.constant 0 : i32
      %dma_start3A_131 = arith.constant 0 : i32
      %dma_start3A_132 = tpu.memref_slice %arg25[%dma_start3A_130, %dma_start3A_131] : memref<1000x64xf32, #tpu.memory_space<vmem_shared>> -> memref<1000x64xf32, #tpu.memory_space<vmem_shared>>
      tpu.enqueue_indirect_dma source(%dma_start3A_132 : memref<1000x64xf32, #tpu.memory_space<vmem_shared>>) target(%arg16 : memref<200x64xf32, #tpu.memory_space<vmem>>) offsets(%arg8 : memref<200xi32, #tpu.memory_space<vmem>>) semaphore(%arg31 : memref<!tpu.dma_semaphore, #tpu.memory_space<semaphore_mem>>)
      %dma_start3A_133 = arith.constant 0 : i32
      %dma_start3A_134 = arith.constant 0 : i32
      %dma_start3A_135 = tpu.memref_slice %arg26[%dma_start3A_133, %dma_start3A_134] : memref<201x64xf32, #tpu.memory_space<vmem_shared>> -> memref<201x64xf32, #tpu.memory_space<vmem_shared>>
      tpu.enqueue_indirect_dma source(%dma_start3A_135 : memref<201x64xf32, #tpu.memory_space<vmem_shared>>) target(%arg20 : memref<200x64xf32, #tpu.memory_space<vmem>>) offsets(%arg12 : memref<200xi32, #tpu.memory_space<vmem>>) semaphore(%arg31 : memref<!tpu.dma_semaphore, #tpu.memory_space<semaphore_mem>>)
      %sub3A = arith.constant 2 : i32
      %sub3A_136 = arith.subi %add3A_117, %sub3A : i32
      %mul3A_137 = arith.constant 200 : i32
      %mul3A_138 = arith.muli %sub3A_136, %mul3A_137 : i32
      %add3A_139 = arith.addi %mul3A_2, %mul3A_138 : i32
      %mul3A_140 = arith.constant 128 : i32
      %mul3A_141 = arith.muli %add3A, %mul3A_140 : i32
      %add3A_142 = arith.addi %mul3A_141, %sub3A_136 : i32
      %ge3A = arith.constant 0 : i32
      %ge3A_143 = arith.cmpi sge, %sub3A_136, %ge3A : i32
      %convert_element_type3A_144 = arith.extui %ge3A_143 : i1 to i32
      %cond3A_145 = arith.constant 0 : i32
      %cond3A_146 = arith.cmpi ne, %convert_element_type3A_144, %cond3A_145 : i32
      scf.if %cond3A_146 {
        %dma_wait3A_293 = arith.constant 0 : i32
        %dma_wait3A_294 = arith.constant 0 : i32
        %dma_wait3A_295 = arith.constant 0 : i32
        %dma_wait3A_296 = tpu.memref_slice %arg7[%dma_wait3A_293, %dma_wait3A_294, %dma_wait3A_295] : memref<4096x200x64xf32, #tpu.memory_space<hbm>> -> memref<1x200x64xf32, #tpu.memory_space<hbm>>
        %dma_wait3A_297 = tpu.memref_squeeze %dma_wait3A_296 : memref<1x200x64xf32, #tpu.memory_space<hbm>> -> memref<200x64xf32, #tpu.memory_space<hbm>>
        %dma_wait3A_298 = arith.constant 0 : i32
        %dma_wait3A_299 = arith.constant 0 : i32
        %dma_wait3A_300 = tpu.memref_slice %arg7[%dma_wait3A_293, %dma_wait3A_298, %dma_wait3A_299] : memref<4096x200x64xf32, #tpu.memory_space<hbm>> -> memref<1x200x64xf32, #tpu.memory_space<hbm>>
        %dma_wait3A_301 = tpu.memref_squeeze %dma_wait3A_300 : memref<1x200x64xf32, #tpu.memory_space<hbm>> -> memref<200x64xf32, #tpu.memory_space<hbm>>
        tpu.wait_dma2 semaphore(%arg33 : memref<!tpu.dma_semaphore, #tpu.memory_space<semaphore_mem>>) src(%dma_wait3A_301 : memref<200x64xf32, #tpu.memory_space<hbm>>) dst(%arg18 : memref<200x64xf32, #tpu.memory_space<vmem>>)
        %dma_wait3A_302 = arith.constant 0 : i32
        %dma_wait3A_303 = arith.constant 0 : i32
        %dma_wait3A_304 = arith.constant 0 : i32
        %dma_wait3A_305 = tpu.memref_slice %arg7[%dma_wait3A_302, %dma_wait3A_303, %dma_wait3A_304] : memref<4096x200x64xf32, #tpu.memory_space<hbm>> -> memref<1x200x64xf32, #tpu.memory_space<hbm>>
        %dma_wait3A_306 = tpu.memref_squeeze %dma_wait3A_305 : memref<1x200x64xf32, #tpu.memory_space<hbm>> -> memref<200x64xf32, #tpu.memory_space<hbm>>
        %dma_wait3A_307 = arith.constant 0 : i32
        %dma_wait3A_308 = arith.constant 0 : i32
        %dma_wait3A_309 = tpu.memref_slice %arg7[%dma_wait3A_302, %dma_wait3A_307, %dma_wait3A_308] : memref<4096x200x64xf32, #tpu.memory_space<hbm>> -> memref<1x200x64xf32, #tpu.memory_space<hbm>>
        %dma_wait3A_310 = tpu.memref_squeeze %dma_wait3A_309 : memref<1x200x64xf32, #tpu.memory_space<hbm>> -> memref<200x64xf32, #tpu.memory_space<hbm>>
        tpu.wait_dma2 semaphore(%arg33 : memref<!tpu.dma_semaphore, #tpu.memory_space<semaphore_mem>>) src(%dma_wait3A_310 : memref<200x64xf32, #tpu.memory_space<hbm>>) dst(%arg22 : memref<200x64xf32, #tpu.memory_space<vmem>>)
        %scan3A_311 = arith.constant 0 : i32
        %scan3A_312 = arith.constant 50 : i32
        %scan3A_313 = arith.addi %scan3A_311, %scan3A_312 : i32
        %scan3A_314 = arith.constant 1 : i32
        scf.for %scan3A_324 = %scan3A_311 to %scan3A_313 step %scan3A_314  : i32 {
          %mul3A_325 = arith.constant 4 : i32
          %mul3A_326 = arith.muli %scan3A_324, %mul3A_325 : i32
          %add3A_327 = arith.constant 0 : i32
          %add3A_328 = arith.addi %mul3A_326, %add3A_327 : i32
          %get3A = arith.index_cast %add3A_328 : i32 to index
          %get3A_329 = arith.constant 0 : index
          %get3A_330 = tpu.vector_load %arg18[%get3A, %get3A_329] {strides = array<i32>} : memref<200x64xf32, #tpu.memory_space<vmem>>, vector<1x16xf32>,
          %get3A_331 = vector.shape_cast %get3A_330 : vector<1x16xf32> to vector<16xf32>
          %get3A_332 = arith.index_cast %add3A_328 : i32 to index
          %get3A_333 = arith.constant 0 : index
          %get3A_334 = tpu.vector_load %arg22[%get3A_332, %get3A_333] {strides = array<i32>} : memref<200x64xf32, #tpu.memory_space<vmem>>, vector<1x16xf32>,
          %get3A_335 = vector.shape_cast %get3A_334 : vector<1x16xf32> to vector<16xf32>
          %add3A_336 = arith.addf %get3A_331, %get3A_335 : vector<16xf32>
          %get3A_337 = arith.index_cast %add3A_328 : i32 to index
          %get3A_338 = arith.constant 0 : index
          %get3A_339 = tpu.vector_load %arg24[%get3A_337, %get3A_338] {strides = array<i32>} : memref<200x64xf32, #tpu.memory_space<vmem>>, vector<1x16xf32>,
          %get3A_340 = vector.shape_cast %get3A_339 : vector<1x16xf32> to vector<16xf32>
          %add3A_341 = arith.addf %add3A_336, %get3A_340 : vector<16xf32>
          %swap3A = arith.index_cast %add3A_328 : i32 to index
          %swap3A_342 = arith.constant 0 : index
          %swap3A_343 = tpu.vector_load %arg18[%swap3A, %swap3A_342] {strides = array<i32>} : memref<200x64xf32, #tpu.memory_space<vmem>>, vector<1x16xf32>,
          %swap3A_344 = vector.shape_cast %swap3A_343 : vector<1x16xf32> to vector<16xf32>
          %swap3A_345 = vector.shape_cast %add3A_341 : vector<16xf32> to vector<1x16xf32>
          tpu.vector_store %arg18[%swap3A, %swap3A_342], %swap3A_345 {strides = array<i32>} : memref<200x64xf32, #tpu.memory_space<vmem>>, vector<1x16xf32>,
          %get3A_346 = arith.index_cast %add3A_328 : i32 to index
          %get3A_347 = arith.constant 16 : index
          %get3A_348 = tpu.vector_load %arg18[%get3A_346, %get3A_347] {strides = array<i32>} : memref<200x64xf32, #tpu.memory_space<vmem>>, vector<1x16xf32>,
          %get3A_349 = vector.shape_cast %get3A_348 : vector<1x16xf32> to vector<16xf32>
          %get3A_350 = arith.index_cast %add3A_328 : i32 to index
          %get3A_351 = arith.constant 16 : index
          %get3A_352 = tpu.vector_load %arg22[%get3A_350, %get3A_351] {strides = array<i32>} : memref<200x64xf32, #tpu.memory_space<vmem>>, vector<1x16xf32>,
          %get3A_353 = vector.shape_cast %get3A_352 : vector<1x16xf32> to vector<16xf32>
          %add3A_354 = arith.addf %get3A_349, %get3A_353 : vector<16xf32>
          %get3A_355 = arith.index_cast %add3A_328 : i32 to index
          %get3A_356 = arith.constant 16 : index
          %get3A_357 = tpu.vector_load %arg24[%get3A_355, %get3A_356] {strides = array<i32>} : memref<200x64xf32, #tpu.memory_space<vmem>>, vector<1x16xf32>,
          %get3A_358 = vector.shape_cast %get3A_357 : vector<1x16xf32> to vector<16xf32>
          %add3A_359 = arith.addf %add3A_354, %get3A_358 : vector<16xf32>
          %swap3A_360 = arith.index_cast %add3A_328 : i32 to index
          %swap3A_361 = arith.constant 16 : index
          %swap3A_362 = tpu.vector_load %arg18[%swap3A_360, %swap3A_361] {strides = array<i32>} : memref<200x64xf32, #tpu.memory_space<vmem>>, vector<1x16xf32>,
          %swap3A_363 = vector.shape_cast %swap3A_362 : vector<1x16xf32> to vector<16xf32>
          %swap3A_364 = vector.shape_cast %add3A_359 : vector<16xf32> to vector<1x16xf32>
          tpu.vector_store %arg18[%swap3A_360, %swap3A_361], %swap3A_364 {strides = array<i32>} : memref<200x64xf32, #tpu.memory_space<vmem>>, vector<1x16xf32>,
          %get3A_365 = arith.index_cast %add3A_328 : i32 to index
          %get3A_366 = arith.constant 32 : index
          %get3A_367 = tpu.vector_load %arg18[%get3A_365, %get3A_366] {strides = array<i32>} : memref<200x64xf32, #tpu.memory_space<vmem>>, vector<1x16xf32>,
          %get3A_368 = vector.shape_cast %get3A_367 : vector<1x16xf32> to vector<16xf32>
          %get3A_369 = arith.index_cast %add3A_328 : i32 to index
          %get3A_370 = arith.constant 32 : index
          %get3A_371 = tpu.vector_load %arg22[%get3A_369, %get3A_370] {strides = array<i32>} : memref<200x64xf32, #tpu.memory_space<vmem>>, vector<1x16xf32>,
          %get3A_372 = vector.shape_cast %get3A_371 : vector<1x16xf32> to vector<16xf32>
          %add3A_373 = arith.addf %get3A_368, %get3A_372 : vector<16xf32>
          %get3A_374 = arith.index_cast %add3A_328 : i32 to index
          %get3A_375 = arith.constant 32 : index
          %get3A_376 = tpu.vector_load %arg24[%get3A_374, %get3A_375] {strides = array<i32>} : memref<200x64xf32, #tpu.memory_space<vmem>>, vector<1x16xf32>,
          %get3A_377 = vector.shape_cast %get3A_376 : vector<1x16xf32> to vector<16xf32>
          %add3A_378 = arith.addf %add3A_373, %get3A_377 : vector<16xf32>
          %swap3A_379 = arith.index_cast %add3A_328 : i32 to index
          %swap3A_380 = arith.constant 32 : index
          %swap3A_381 = tpu.vector_load %arg18[%swap3A_379, %swap3A_380] {strides = array<i32>} : memref<200x64xf32, #tpu.memory_space<vmem>>, vector<1x16xf32>,
          %swap3A_382 = vector.shape_cast %swap3A_381 : vector<1x16xf32> to vector<16xf32>
          %swap3A_383 = vector.shape_cast %add3A_378 : vector<16xf32> to vector<1x16xf32>
          tpu.vector_store %arg18[%swap3A_379, %swap3A_380], %swap3A_383 {strides = array<i32>} : memref<200x64xf32, #tpu.memory_space<vmem>>, vector<1x16xf32>,
          %get3A_384 = arith.index_cast %add3A_328 : i32 to index
          %get3A_385 = arith.constant 48 : index
          %get3A_386 = tpu.vector_load %arg18[%get3A_384, %get3A_385] {strides = array<i32>} : memref<200x64xf32, #tpu.memory_space<vmem>>, vector<1x16xf32>,
          %get3A_387 = vector.shape_cast %get3A_386 : vector<1x16xf32> to vector<16xf32>
          %get3A_388 = arith.index_cast %add3A_328 : i32 to index
          %get3A_389 = arith.constant 48 : index
          %get3A_390 = tpu.vector_load %arg22[%get3A_388, %get3A_389] {strides = array<i32>} : memref<200x64xf32, #tpu.memory_space<vmem>>, vector<1x16xf32>,
          %get3A_391 = vector.shape_cast %get3A_390 : vector<1x16xf32> to vector<16xf32>
          %add3A_392 = arith.addf %get3A_387, %get3A_391 : vector<16xf32>
          %get3A_393 = arith.index_cast %add3A_328 : i32 to index
          %get3A_394 = arith.constant 48 : index
          %get3A_395 = tpu.vector_load %arg24[%get3A_393, %get3A_394] {strides = array<i32>} : memref<200x64xf32, #tpu.memory_space<vmem>>, vector<1x16xf32>,
          %get3A_396 = vector.shape_cast %get3A_395 : vector<1x16xf32> to vector<16xf32>
          %add3A_397 = arith.addf %add3A_392, %get3A_396 : vector<16xf32>
          %swap3A_398 = arith.index_cast %add3A_328 : i32 to index
          %swap3A_399 = arith.constant 48 : index
          %swap3A_400 = tpu.vector_load %arg18[%swap3A_398, %swap3A_399] {strides = array<i32>} : memref<200x64xf32, #tpu.memory_space<vmem>>, vector<1x16xf32>,
          %swap3A_401 = vector.shape_cast %swap3A_400 : vector<1x16xf32> to vector<16xf32>
          %swap3A_402 = vector.shape_cast %add3A_397 : vector<16xf32> to vector<1x16xf32>
          tpu.vector_store %arg18[%swap3A_398, %swap3A_399], %swap3A_402 {strides = array<i32>} : memref<200x64xf32, #tpu.memory_space<vmem>>, vector<1x16xf32>,
          %mul3A_403 = arith.constant 4 : i32
          %mul3A_404 = arith.muli %scan3A_324, %mul3A_403 : i32
          %add3A_405 = arith.constant 1 : i32
          %add3A_406 = arith.addi %mul3A_404, %add3A_405 : i32
          %get3A_407 = arith.index_cast %add3A_406 : i32 to index
          %get3A_408 = arith.constant 0 : index
          %get3A_409 = tpu.vector_load %arg18[%get3A_407, %get3A_408] {strides = array<i32>} : memref<200x64xf32, #tpu.memory_space<vmem>>, vector<1x16xf32>,
          %get3A_410 = vector.shape_cast %get3A_409 : vector<1x16xf32> to vector<16xf32>
          %get3A_411 = arith.index_cast %add3A_406 : i32 to index
          %get3A_412 = arith.constant 0 : index
          %get3A_413 = tpu.vector_load %arg22[%get3A_411, %get3A_412] {strides = array<i32>} : memref<200x64xf32, #tpu.memory_space<vmem>>, vector<1x16xf32>,
          %get3A_414 = vector.shape_cast %get3A_413 : vector<1x16xf32> to vector<16xf32>
          %add3A_415 = arith.addf %get3A_410, %get3A_414 : vector<16xf32>
          %get3A_416 = arith.index_cast %add3A_406 : i32 to index
          %get3A_417 = arith.constant 0 : index
          %get3A_418 = tpu.vector_load %arg24[%get3A_416, %get3A_417] {strides = array<i32>} : memref<200x64xf32, #tpu.memory_space<vmem>>, vector<1x16xf32>,
          %get3A_419 = vector.shape_cast %get3A_418 : vector<1x16xf32> to vector<16xf32>
          %add3A_420 = arith.addf %add3A_415, %get3A_419 : vector<16xf32>
          %swap3A_421 = arith.index_cast %add3A_406 : i32 to index
          %swap3A_422 = arith.constant 0 : index
          %swap3A_423 = tpu.vector_load %arg18[%swap3A_421, %swap3A_422] {strides = array<i32>} : memref<200x64xf32, #tpu.memory_space<vmem>>, vector<1x16xf32>,
          %swap3A_424 = vector.shape_cast %swap3A_423 : vector<1x16xf32> to vector<16xf32>
          %swap3A_425 = vector.shape_cast %add3A_420 : vector<16xf32> to vector<1x16xf32>
          tpu.vector_store %arg18[%swap3A_421, %swap3A_422], %swap3A_425 {strides = array<i32>} : memref<200x64xf32, #tpu.memory_space<vmem>>, vector<1x16xf32>,
          %get3A_426 = arith.index_cast %add3A_406 : i32 to index
          %get3A_427 = arith.constant 16 : index
          %get3A_428 = tpu.vector_load %arg18[%get3A_426, %get3A_427] {strides = array<i32>} : memref<200x64xf32, #tpu.memory_space<vmem>>, vector<1x16xf32>,
          %get3A_429 = vector.shape_cast %get3A_428 : vector<1x16xf32> to vector<16xf32>
          %get3A_430 = arith.index_cast %add3A_406 : i32 to index
          %get3A_431 = arith.constant 16 : index
          %get3A_432 = tpu.vector_load %arg22[%get3A_430, %get3A_431] {strides = array<i32>} : memref<200x64xf32, #tpu.memory_space<vmem>>, vector<1x16xf32>,
          %get3A_433 = vector.shape_cast %get3A_432 : vector<1x16xf32> to vector<16xf32>
          %add3A_434 = arith.addf %get3A_429, %get3A_433 : vector<16xf32>
          %get3A_435 = arith.index_cast %add3A_406 : i32 to index
          %get3A_436 = arith.constant 16 : index
          %get3A_437 = tpu.vector_load %arg24[%get3A_435, %get3A_436] {strides = array<i32>} : memref<200x64xf32, #tpu.memory_space<vmem>>, vector<1x16xf32>,
          %get3A_438 = vector.shape_cast %get3A_437 : vector<1x16xf32> to vector<16xf32>
          %add3A_439 = arith.addf %add3A_434, %get3A_438 : vector<16xf32>
          %swap3A_440 = arith.index_cast %add3A_406 : i32 to index
          %swap3A_441 = arith.constant 16 : index
          %swap3A_442 = tpu.vector_load %arg18[%swap3A_440, %swap3A_441] {strides = array<i32>} : memref<200x64xf32, #tpu.memory_space<vmem>>, vector<1x16xf32>,
          %swap3A_443 = vector.shape_cast %swap3A_442 : vector<1x16xf32> to vector<16xf32>
          %swap3A_444 = vector.shape_cast %add3A_439 : vector<16xf32> to vector<1x16xf32>
          tpu.vector_store %arg18[%swap3A_440, %swap3A_441], %swap3A_444 {strides = array<i32>} : memref<200x64xf32, #tpu.memory_space<vmem>>, vector<1x16xf32>,
          %get3A_445 = arith.index_cast %add3A_406 : i32 to index
          %get3A_446 = arith.constant 32 : index
          %get3A_447 = tpu.vector_load %arg18[%get3A_445, %get3A_446] {strides = array<i32>} : memref<200x64xf32, #tpu.memory_space<vmem>>, vector<1x16xf32>,
          %get3A_448 = vector.shape_cast %get3A_447 : vector<1x16xf32> to vector<16xf32>
          %get3A_449 = arith.index_cast %add3A_406 : i32 to index
          %get3A_450 = arith.constant 32 : index
          %get3A_451 = tpu.vector_load %arg22[%get3A_449, %get3A_450] {strides = array<i32>} : memref<200x64xf32, #tpu.memory_space<vmem>>, vector<1x16xf32>,
          %get3A_452 = vector.shape_cast %get3A_451 : vector<1x16xf32> to vector<16xf32>
          %add3A_453 = arith.addf %get3A_448, %get3A_452 : vector<16xf32>
          %get3A_454 = arith.index_cast %add3A_406 : i32 to index
          %get3A_455 = arith.constant 32 : index
          %get3A_456 = tpu.vector_load %arg24[%get3A_454, %get3A_455] {strides = array<i32>} : memref<200x64xf32, #tpu.memory_space<vmem>>, vector<1x16xf32>,
          %get3A_457 = vector.shape_cast %get3A_456 : vector<1x16xf32> to vector<16xf32>
          %add3A_458 = arith.addf %add3A_453, %get3A_457 : vector<16xf32>
          %swap3A_459 = arith.index_cast %add3A_406 : i32 to index
          %swap3A_460 = arith.constant 32 : index
          %swap3A_461 = tpu.vector_load %arg18[%swap3A_459, %swap3A_460] {strides = array<i32>} : memref<200x64xf32, #tpu.memory_space<vmem>>, vector<1x16xf32>,
          %swap3A_462 = vector.shape_cast %swap3A_461 : vector<1x16xf32> to vector<16xf32>
          %swap3A_463 = vector.shape_cast %add3A_458 : vector<16xf32> to vector<1x16xf32>
          tpu.vector_store %arg18[%swap3A_459, %swap3A_460], %swap3A_463 {strides = array<i32>} : memref<200x64xf32, #tpu.memory_space<vmem>>, vector<1x16xf32>,
          %get3A_464 = arith.index_cast %add3A_406 : i32 to index
          %get3A_465 = arith.constant 48 : index
          %get3A_466 = tpu.vector_load %arg18[%get3A_464, %get3A_465] {strides = array<i32>} : memref<200x64xf32, #tpu.memory_space<vmem>>, vector<1x16xf32>,
          %get3A_467 = vector.shape_cast %get3A_466 : vector<1x16xf32> to vector<16xf32>
          %get3A_468 = arith.index_cast %add3A_406 : i32 to index
          %get3A_469 = arith.constant 48 : index
          %get3A_470 = tpu.vector_load %arg22[%get3A_468, %get3A_469] {strides = array<i32>} : memref<200x64xf32, #tpu.memory_space<vmem>>, vector<1x16xf32>,
          %get3A_471 = vector.shape_cast %get3A_470 : vector<1x16xf32> to vector<16xf32>
          %add3A_472 = arith.addf %get3A_467, %get3A_471 : vector<16xf32>
          %get3A_473 = arith.index_cast %add3A_406 : i32 to index
          %get3A_474 = arith.constant 48 : index
          %get3A_475 = tpu.vector_load %arg24[%get3A_473, %get3A_474] {strides = array<i32>} : memref<200x64xf32, #tpu.memory_space<vmem>>, vector<1x16xf32>,
          %get3A_476 = vector.shape_cast %get3A_475 : vector<1x16xf32> to vector<16xf32>
          %add3A_477 = arith.addf %add3A_472, %get3A_476 : vector<16xf32>
          %swap3A_478 = arith.index_cast %add3A_406 : i32 to index
          %swap3A_479 = arith.constant 48 : index
          %swap3A_480 = tpu.vector_load %arg18[%swap3A_478, %swap3A_479] {strides = array<i32>} : memref<200x64xf32, #tpu.memory_space<vmem>>, vector<1x16xf32>,
          %swap3A_481 = vector.shape_cast %swap3A_480 : vector<1x16xf32> to vector<16xf32>
          %swap3A_482 = vector.shape_cast %add3A_477 : vector<16xf32> to vector<1x16xf32>
          tpu.vector_store %arg18[%swap3A_478, %swap3A_479], %swap3A_482 {strides = array<i32>} : memref<200x64xf32, #tpu.memory_space<vmem>>, vector<1x16xf32>,
          %mul3A_483 = arith.constant 4 : i32
          %mul3A_484 = arith.muli %scan3A_324, %mul3A_483 : i32
          %add3A_485 = arith.constant 2 : i32
          %add3A_486 = arith.addi %mul3A_484, %add3A_485 : i32
          %get3A_487 = arith.index_cast %add3A_486 : i32 to index
          %get3A_488 = arith.constant 0 : index
          %get3A_489 = tpu.vector_load %arg18[%get3A_487, %get3A_488] {strides = array<i32>} : memref<200x64xf32, #tpu.memory_space<vmem>>, vector<1x16xf32>,
          %get3A_490 = vector.shape_cast %get3A_489 : vector<1x16xf32> to vector<16xf32>
          %get3A_491 = arith.index_cast %add3A_486 : i32 to index
          %get3A_492 = arith.constant 0 : index
          %get3A_493 = tpu.vector_load %arg22[%get3A_491, %get3A_492] {strides = array<i32>} : memref<200x64xf32, #tpu.memory_space<vmem>>, vector<1x16xf32>,
          %get3A_494 = vector.shape_cast %get3A_493 : vector<1x16xf32> to vector<16xf32>
          %add3A_495 = arith.addf %get3A_490, %get3A_494 : vector<16xf32>
          %get3A_496 = arith.index_cast %add3A_486 : i32 to index
          %get3A_497 = arith.constant 0 : index
          %get3A_498 = tpu.vector_load %arg24[%get3A_496, %get3A_497] {strides = array<i32>} : memref<200x64xf32, #tpu.memory_space<vmem>>, vector<1x16xf32>,
          %get3A_499 = vector.shape_cast %get3A_498 : vector<1x16xf32> to vector<16xf32>
          %add3A_500 = arith.addf %add3A_495, %get3A_499 : vector<16xf32>
          %swap3A_501 = arith.index_cast %add3A_486 : i32 to index
          %swap3A_502 = arith.constant 0 : index
          %swap3A_503 = tpu.vector_load %arg18[%swap3A_501, %swap3A_502] {strides = array<i32>} : memref<200x64xf32, #tpu.memory_space<vmem>>, vector<1x16xf32>,
          %swap3A_504 = vector.shape_cast %swap3A_503 : vector<1x16xf32> to vector<16xf32>
          %swap3A_505 = vector.shape_cast %add3A_500 : vector<16xf32> to vector<1x16xf32>
          tpu.vector_store %arg18[%swap3A_501, %swap3A_502], %swap3A_505 {strides = array<i32>} : memref<200x64xf32, #tpu.memory_space<vmem>>, vector<1x16xf32>,
          %get3A_506 = arith.index_cast %add3A_486 : i32 to index
          %get3A_507 = arith.constant 16 : index
          %get3A_508 = tpu.vector_load %arg18[%get3A_506, %get3A_507] {strides = array<i32>} : memref<200x64xf32, #tpu.memory_space<vmem>>, vector<1x16xf32>,
          %get3A_509 = vector.shape_cast %get3A_508 : vector<1x16xf32> to vector<16xf32>
          %get3A_510 = arith.index_cast %add3A_486 : i32 to index
          %get3A_511 = arith.constant 16 : index
          %get3A_512 = tpu.vector_load %arg22[%get3A_510, %get3A_511] {strides = array<i32>} : memref<200x64xf32, #tpu.memory_space<vmem>>, vector<1x16xf32>,
          %get3A_513 = vector.shape_cast %get3A_512 : vector<1x16xf32> to vector<16xf32>
          %add3A_514 = arith.addf %get3A_509, %get3A_513 : vector<16xf32>
          %get3A_515 = arith.index_cast %add3A_486 : i32 to index
          %get3A_516 = arith.constant 16 : index
          %get3A_517 = tpu.vector_load %arg24[%get3A_515, %get3A_516] {strides = array<i32>} : memref<200x64xf32, #tpu.memory_space<vmem>>, vector<1x16xf32>,
          %get3A_518 = vector.shape_cast %get3A_517 : vector<1x16xf32> to vector<16xf32>
          %add3A_519 = arith.addf %add3A_514, %get3A_518 : vector<16xf32>
          %swap3A_520 = arith.index_cast %add3A_486 : i32 to index
          %swap3A_521 = arith.constant 16 : index
          %swap3A_522 = tpu.vector_load %arg18[%swap3A_520, %swap3A_521] {strides = array<i32>} : memref<200x64xf32, #tpu.memory_space<vmem>>, vector<1x16xf32>,
          %swap3A_523 = vector.shape_cast %swap3A_522 : vector<1x16xf32> to vector<16xf32>
          %swap3A_524 = vector.shape_cast %add3A_519 : vector<16xf32> to vector<1x16xf32>
          tpu.vector_store %arg18[%swap3A_520, %swap3A_521], %swap3A_524 {strides = array<i32>} : memref<200x64xf32, #tpu.memory_space<vmem>>, vector<1x16xf32>,
          %get3A_525 = arith.index_cast %add3A_486 : i32 to index
          %get3A_526 = arith.constant 32 : index
          %get3A_527 = tpu.vector_load %arg18[%get3A_525, %get3A_526] {strides = array<i32>} : memref<200x64xf32, #tpu.memory_space<vmem>>, vector<1x16xf32>,
          %get3A_528 = vector.shape_cast %get3A_527 : vector<1x16xf32> to vector<16xf32>
          %get3A_529 = arith.index_cast %add3A_486 : i32 to index
          %get3A_530 = arith.constant 32 : index
          %get3A_531 = tpu.vector_load %arg22[%get3A_529, %get3A_530] {strides = array<i32>} : memref<200x64xf32, #tpu.memory_space<vmem>>, vector<1x16xf32>,
          %get3A_532 = vector.shape_cast %get3A_531 : vector<1x16xf32> to vector<16xf32>
          %add3A_533 = arith.addf %get3A_528, %get3A_532 : vector<16xf32>
          %get3A_534 = arith.index_cast %add3A_486 : i32 to index
          %get3A_535 = arith.constant 32 : index
          %get3A_536 = tpu.vector_load %arg24[%get3A_534, %get3A_535] {strides = array<i32>} : memref<200x64xf32, #tpu.memory_space<vmem>>, vector<1x16xf32>,
          %get3A_537 = vector.shape_cast %get3A_536 : vector<1x16xf32> to vector<16xf32>
          %add3A_538 = arith.addf %add3A_533, %get3A_537 : vector<16xf32>
          %swap3A_539 = arith.index_cast %add3A_486 : i32 to index
          %swap3A_540 = arith.constant 32 : index
          %swap3A_541 = tpu.vector_load %arg18[%swap3A_539, %swap3A_540] {strides = array<i32>} : memref<200x64xf32, #tpu.memory_space<vmem>>, vector<1x16xf32>,
          %swap3A_542 = vector.shape_cast %swap3A_541 : vector<1x16xf32> to vector<16xf32>
          %swap3A_543 = vector.shape_cast %add3A_538 : vector<16xf32> to vector<1x16xf32>
          tpu.vector_store %arg18[%swap3A_539, %swap3A_540], %swap3A_543 {strides = array<i32>} : memref<200x64xf32, #tpu.memory_space<vmem>>, vector<1x16xf32>,
          %get3A_544 = arith.index_cast %add3A_486 : i32 to index
          %get3A_545 = arith.constant 48 : index
          %get3A_546 = tpu.vector_load %arg18[%get3A_544, %get3A_545] {strides = array<i32>} : memref<200x64xf32, #tpu.memory_space<vmem>>, vector<1x16xf32>,
          %get3A_547 = vector.shape_cast %get3A_546 : vector<1x16xf32> to vector<16xf32>
          %get3A_548 = arith.index_cast %add3A_486 : i32 to index
          %get3A_549 = arith.constant 48 : index
          %get3A_550 = tpu.vector_load %arg22[%get3A_548, %get3A_549] {strides = array<i32>} : memref<200x64xf32, #tpu.memory_space<vmem>>, vector<1x16xf32>,
          %get3A_551 = vector.shape_cast %get3A_550 : vector<1x16xf32> to vector<16xf32>
          %add3A_552 = arith.addf %get3A_547, %get3A_551 : vector<16xf32>
          %get3A_553 = arith.index_cast %add3A_486 : i32 to index
          %get3A_554 = arith.constant 48 : index
          %get3A_555 = tpu.vector_load %arg24[%get3A_553, %get3A_554] {strides = array<i32>} : memref<200x64xf32, #tpu.memory_space<vmem>>, vector<1x16xf32>,
          %get3A_556 = vector.shape_cast %get3A_555 : vector<1x16xf32> to vector<16xf32>
          %add3A_557 = arith.addf %add3A_552, %get3A_556 : vector<16xf32>
          %swap3A_558 = arith.index_cast %add3A_486 : i32 to index
          %swap3A_559 = arith.constant 48 : index
          %swap3A_560 = tpu.vector_load %arg18[%swap3A_558, %swap3A_559] {strides = array<i32>} : memref<200x64xf32, #tpu.memory_space<vmem>>, vector<1x16xf32>,
          %swap3A_561 = vector.shape_cast %swap3A_560 : vector<1x16xf32> to vector<16xf32>
          %swap3A_562 = vector.shape_cast %add3A_557 : vector<16xf32> to vector<1x16xf32>
          tpu.vector_store %arg18[%swap3A_558, %swap3A_559], %swap3A_562 {strides = array<i32>} : memref<200x64xf32, #tpu.memory_space<vmem>>, vector<1x16xf32>,
          %mul3A_563 = arith.constant 4 : i32
          %mul3A_564 = arith.muli %scan3A_324, %mul3A_563 : i32
          %add3A_565 = arith.constant 3 : i32
          %add3A_566 = arith.addi %mul3A_564, %add3A_565 : i32
          %get3A_567 = arith.index_cast %add3A_566 : i32 to index
          %get3A_568 = arith.constant 0 : index
          %get3A_569 = tpu.vector_load %arg18[%get3A_567, %get3A_568] {strides = array<i32>} : memref<200x64xf32, #tpu.memory_space<vmem>>, vector<1x16xf32>,
          %get3A_570 = vector.shape_cast %get3A_569 : vector<1x16xf32> to vector<16xf32>
          %get3A_571 = arith.index_cast %add3A_566 : i32 to index
          %get3A_572 = arith.constant 0 : index
          %get3A_573 = tpu.vector_load %arg22[%get3A_571, %get3A_572] {strides = array<i32>} : memref<200x64xf32, #tpu.memory_space<vmem>>, vector<1x16xf32>,
          %get3A_574 = vector.shape_cast %get3A_573 : vector<1x16xf32> to vector<16xf32>
          %add3A_575 = arith.addf %get3A_570, %get3A_574 : vector<16xf32>
          %get3A_576 = arith.index_cast %add3A_566 : i32 to index
          %get3A_577 = arith.constant 0 : index
          %get3A_578 = tpu.vector_load %arg24[%get3A_576, %get3A_577] {strides = array<i32>} : memref<200x64xf32, #tpu.memory_space<vmem>>, vector<1x16xf32>,
          %get3A_579 = vector.shape_cast %get3A_578 : vector<1x16xf32> to vector<16xf32>
          %add3A_580 = arith.addf %add3A_575, %get3A_579 : vector<16xf32>
          %swap3A_581 = arith.index_cast %add3A_566 : i32 to index
          %swap3A_582 = arith.constant 0 : index
          %swap3A_583 = tpu.vector_load %arg18[%swap3A_581, %swap3A_582] {strides = array<i32>} : memref<200x64xf32, #tpu.memory_space<vmem>>, vector<1x16xf32>,
          %swap3A_584 = vector.shape_cast %swap3A_583 : vector<1x16xf32> to vector<16xf32>
          %swap3A_585 = vector.shape_cast %add3A_580 : vector<16xf32> to vector<1x16xf32>
          tpu.vector_store %arg18[%swap3A_581, %swap3A_582], %swap3A_585 {strides = array<i32>} : memref<200x64xf32, #tpu.memory_space<vmem>>, vector<1x16xf32>,
          %get3A_586 = arith.index_cast %add3A_566 : i32 to index
          %get3A_587 = arith.constant 16 : index
          %get3A_588 = tpu.vector_load %arg18[%get3A_586, %get3A_587] {strides = array<i32>} : memref<200x64xf32, #tpu.memory_space<vmem>>, vector<1x16xf32>,
          %get3A_589 = vector.shape_cast %get3A_588 : vector<1x16xf32> to vector<16xf32>
          %get3A_590 = arith.index_cast %add3A_566 : i32 to index
          %get3A_591 = arith.constant 16 : index
          %get3A_592 = tpu.vector_load %arg22[%get3A_590, %get3A_591] {strides = array<i32>} : memref<200x64xf32, #tpu.memory_space<vmem>>, vector<1x16xf32>,
          %get3A_593 = vector.shape_cast %get3A_592 : vector<1x16xf32> to vector<16xf32>
          %add3A_594 = arith.addf %get3A_589, %get3A_593 : vector<16xf32>
          %get3A_595 = arith.index_cast %add3A_566 : i32 to index
          %get3A_596 = arith.constant 16 : index
          %get3A_597 = tpu.vector_load %arg24[%get3A_595, %get3A_596] {strides = array<i32>} : memref<200x64xf32, #tpu.memory_space<vmem>>, vector<1x16xf32>,
          %get3A_598 = vector.shape_cast %get3A_597 : vector<1x16xf32> to vector<16xf32>
          %add3A_599 = arith.addf %add3A_594, %get3A_598 : vector<16xf32>
          %swap3A_600 = arith.index_cast %add3A_566 : i32 to index
          %swap3A_601 = arith.constant 16 : index
          %swap3A_602 = tpu.vector_load %arg18[%swap3A_600, %swap3A_601] {strides = array<i32>} : memref<200x64xf32, #tpu.memory_space<vmem>>, vector<1x16xf32>,
          %swap3A_603 = vector.shape_cast %swap3A_602 : vector<1x16xf32> to vector<16xf32>
          %swap3A_604 = vector.shape_cast %add3A_599 : vector<16xf32> to vector<1x16xf32>
          tpu.vector_store %arg18[%swap3A_600, %swap3A_601], %swap3A_604 {strides = array<i32>} : memref<200x64xf32, #tpu.memory_space<vmem>>, vector<1x16xf32>,
          %get3A_605 = arith.index_cast %add3A_566 : i32 to index
          %get3A_606 = arith.constant 32 : index
          %get3A_607 = tpu.vector_load %arg18[%get3A_605, %get3A_606] {strides = array<i32>} : memref<200x64xf32, #tpu.memory_space<vmem>>, vector<1x16xf32>,
          %get3A_608 = vector.shape_cast %get3A_607 : vector<1x16xf32> to vector<16xf32>
          %get3A_609 = arith.index_cast %add3A_566 : i32 to index
          %get3A_610 = arith.constant 32 : index
          %get3A_611 = tpu.vector_load %arg22[%get3A_609, %get3A_610] {strides = array<i32>} : memref<200x64xf32, #tpu.memory_space<vmem>>, vector<1x16xf32>,
          %get3A_612 = vector.shape_cast %get3A_611 : vector<1x16xf32> to vector<16xf32>
          %add3A_613 = arith.addf %get3A_608, %get3A_612 : vector<16xf32>
          %get3A_614 = arith.index_cast %add3A_566 : i32 to index
          %get3A_615 = arith.constant 32 : index
          %get3A_616 = tpu.vector_load %arg24[%get3A_614, %get3A_615] {strides = array<i32>} : memref<200x64xf32, #tpu.memory_space<vmem>>, vector<1x16xf32>,
          %get3A_617 = vector.shape_cast %get3A_616 : vector<1x16xf32> to vector<16xf32>
          %add3A_618 = arith.addf %add3A_613, %get3A_617 : vector<16xf32>
          %swap3A_619 = arith.index_cast %add3A_566 : i32 to index
          %swap3A_620 = arith.constant 32 : index
          %swap3A_621 = tpu.vector_load %arg18[%swap3A_619, %swap3A_620] {strides = array<i32>} : memref<200x64xf32, #tpu.memory_space<vmem>>, vector<1x16xf32>,
          %swap3A_622 = vector.shape_cast %swap3A_621 : vector<1x16xf32> to vector<16xf32>
          %swap3A_623 = vector.shape_cast %add3A_618 : vector<16xf32> to vector<1x16xf32>
          tpu.vector_store %arg18[%swap3A_619, %swap3A_620], %swap3A_623 {strides = array<i32>} : memref<200x64xf32, #tpu.memory_space<vmem>>, vector<1x16xf32>,
          %get3A_624 = arith.index_cast %add3A_566 : i32 to index
          %get3A_625 = arith.constant 48 : index
          %get3A_626 = tpu.vector_load %arg18[%get3A_624, %get3A_625] {strides = array<i32>} : memref<200x64xf32, #tpu.memory_space<vmem>>, vector<1x16xf32>,
          %get3A_627 = vector.shape_cast %get3A_626 : vector<1x16xf32> to vector<16xf32>
          %get3A_628 = arith.index_cast %add3A_566 : i32 to index
          %get3A_629 = arith.constant 48 : index
          %get3A_630 = tpu.vector_load %arg22[%get3A_628, %get3A_629] {strides = array<i32>} : memref<200x64xf32, #tpu.memory_space<vmem>>, vector<1x16xf32>,
          %get3A_631 = vector.shape_cast %get3A_630 : vector<1x16xf32> to vector<16xf32>
          %add3A_632 = arith.addf %get3A_627, %get3A_631 : vector<16xf32>
          %get3A_633 = arith.index_cast %add3A_566 : i32 to index
          %get3A_634 = arith.constant 48 : index
          %get3A_635 = tpu.vector_load %arg24[%get3A_633, %get3A_634] {strides = array<i32>} : memref<200x64xf32, #tpu.memory_space<vmem>>, vector<1x16xf32>,
          %get3A_636 = vector.shape_cast %get3A_635 : vector<1x16xf32> to vector<16xf32>
          %add3A_637 = arith.addf %add3A_632, %get3A_636 : vector<16xf32>
          %swap3A_638 = arith.index_cast %add3A_566 : i32 to index
          %swap3A_639 = arith.constant 48 : index
          %swap3A_640 = tpu.vector_load %arg18[%swap3A_638, %swap3A_639] {strides = array<i32>} : memref<200x64xf32, #tpu.memory_space<vmem>>, vector<1x16xf32>,
          %swap3A_641 = vector.shape_cast %swap3A_640 : vector<1x16xf32> to vector<16xf32>
          %swap3A_642 = vector.shape_cast %add3A_637 : vector<16xf32> to vector<1x16xf32>
          tpu.vector_store %arg18[%swap3A_638, %swap3A_639], %swap3A_642 {strides = array<i32>} : memref<200x64xf32, #tpu.memory_space<vmem>>, vector<1x16xf32>,
        }
        %scan3A_315 = arith.constant 50 : i32
        %dma_start3A_316 = arith.constant 0 : i32
        %dma_start3A_317 = arith.constant 0 : i32
        %dma_start3A_318 = tpu.memref_slice %arg7[%add3A_142, %dma_start3A_316, %dma_start3A_317] : memref<4096x200x64xf32, #tpu.memory_space<hbm>> -> memref<1x200x64xf32, #tpu.memory_space<hbm>>
        %dma_start3A_319 = tpu.memref_squeeze %dma_start3A_318 : memref<1x200x64xf32, #tpu.memory_space<hbm>> -> memref<200x64xf32, #tpu.memory_space<hbm>>
        %dma_start3A_320 = arith.constant 0 : i32
        %dma_start3A_321 = arith.constant 0 : i32
        %dma_start3A_322 = tpu.memref_slice %arg7[%add3A_142, %dma_start3A_320, %dma_start3A_321] : memref<4096x200x64xf32, #tpu.memory_space<hbm>> -> memref<1x200x64xf32, #tpu.memory_space<hbm>>
        %dma_start3A_323 = tpu.memref_squeeze %dma_start3A_322 : memref<1x200x64xf32, #tpu.memory_space<hbm>> -> memref<200x64xf32, #tpu.memory_space<hbm>>
        tpu.enqueue_dma source(%arg18 : memref<200x64xf32, #tpu.memory_space<vmem>>) target(%dma_start3A_323 : memref<200x64xf32, #tpu.memory_space<hbm>>) target_semaphore(%arg37 : memref<!tpu.dma_semaphore, #tpu.memory_space<semaphore_mem>>)
      } else {
      }
      %ge3A_147 = arith.constant 0 : i32
      %ge3A_148 = arith.cmpi sge, %sub3A_136, %ge3A_147 : i32
      %add3A_149 = arith.constant 4 : i32
      %add3A_150 = arith.addi %sub3A_136, %add3A_149 : i32
      %lt3A = arith.constant 128 : i32
      %lt3A_151 = arith.cmpi slt, %add3A_150, %lt3A : i32
      %and3A = arith.andi %ge3A_148, %lt3A_151 : i1
      %convert_element_type3A_152 = arith.extui %and3A : i1 to i32
      %cond3A_153 = arith.constant 0 : i32
      %cond3A_154 = arith.cmpi ne, %convert_element_type3A_152, %cond3A_153 : i32
      scf.if %cond3A_154 {
        %add3A_293 = arith.constant 800 : i32
        %add3A_294 = arith.addi %add3A_139, %add3A_293 : i32
        %dma_start3A_295 = tpu.memref_slice %arg2[%add3A_294] : memref<819200xi32, #tpu.memory_space<hbm>> -> memref<200xi32, #tpu.memory_space<hbm>>
        %dma_start3A_296 = tpu.memref_slice %arg2[%add3A_294] : memref<819200xi32, #tpu.memory_space<hbm>> -> memref<200xi32, #tpu.memory_space<hbm>>
        tpu.enqueue_dma source(%dma_start3A_296 : memref<200xi32, #tpu.memory_space<hbm>>) target(%arg10 : memref<200xi32, #tpu.memory_space<vmem>>) target_semaphore(%arg29 : memref<!tpu.dma_semaphore, #tpu.memory_space<semaphore_mem>>)
        %dma_start3A_297 = tpu.memref_slice %arg3[%add3A_294] : memref<819200xi32, #tpu.memory_space<hbm>> -> memref<200xi32, #tpu.memory_space<hbm>>
        %dma_start3A_298 = tpu.memref_slice %arg3[%add3A_294] : memref<819200xi32, #tpu.memory_space<hbm>> -> memref<200xi32, #tpu.memory_space<hbm>>
        tpu.enqueue_dma source(%dma_start3A_298 : memref<200xi32, #tpu.memory_space<hbm>>) target(%arg14 : memref<200xi32, #tpu.memory_space<vmem>>) target_semaphore(%arg29 : memref<!tpu.dma_semaphore, #tpu.memory_space<semaphore_mem>>)
      } else {
      }
      %mul3A_155 = arith.constant 4 : i32
      %mul3A_156 = arith.muli %scan3A_113, %mul3A_155 : i32
      %add3A_157 = arith.constant 1 : i32
      %add3A_158 = arith.addi %mul3A_156, %add3A_157 : i32
      %mul3A_159 = arith.constant 200 : i32
      %mul3A_160 = arith.muli %add3A_158, %mul3A_159 : i32
      %add3A_161 = arith.addi %mul3A_2, %mul3A_160 : i32
      %gt3A_162 = arith.constant 0 : i32
      %gt3A_163 = arith.cmpi sgt, %scan3A_113, %gt3A_162 : i32
      %convert_element_type3A_164 = arith.extui %gt3A_163 : i1 to i32
      %cond3A_165 = arith.constant 0 : i32
      %cond3A_166 = arith.cmpi ne, %convert_element_type3A_164, %cond3A_165 : i32
      scf.if %cond3A_166 {
        %dma_wait3A_293 = arith.constant 0 : i32
        %dma_wait3A_294 = arith.constant 0 : i32
        %dma_wait3A_295 = arith.constant 0 : i32
        %dma_wait3A_296 = tpu.memref_slice %arg7[%dma_wait3A_293, %dma_wait3A_294, %dma_wait3A_295] : memref<4096x200x64xf32, #tpu.memory_space<hbm>> -> memref<1x200x64xf32, #tpu.memory_space<hbm>>
        %dma_wait3A_297 = tpu.memref_squeeze %dma_wait3A_296 : memref<1x200x64xf32, #tpu.memory_space<hbm>> -> memref<200x64xf32, #tpu.memory_space<hbm>>
        %dma_wait3A_298 = arith.constant 0 : i32
        %dma_wait3A_299 = arith.constant 0 : i32
        %dma_wait3A_300 = tpu.memref_slice %arg7[%dma_wait3A_293, %dma_wait3A_298, %dma_wait3A_299] : memref<4096x200x64xf32, #tpu.memory_space<hbm>> -> memref<1x200x64xf32, #tpu.memory_space<hbm>>
        %dma_wait3A_301 = tpu.memref_squeeze %dma_wait3A_300 : memref<1x200x64xf32, #tpu.memory_space<hbm>> -> memref<200x64xf32, #tpu.memory_space<hbm>>
        tpu.wait_dma2 semaphore(%arg36 : memref<!tpu.dma_semaphore, #tpu.memory_space<semaphore_mem>>) src(%dma_wait3A_301 : memref<200x64xf32, #tpu.memory_space<hbm>>) dst(%arg17 : memref<200x64xf32, #tpu.memory_space<vmem>>)
        %dma_wait3A_302 = arith.constant 0 : i32
        %dma_wait3A_303 = tpu.memref_slice %arg2[%dma_wait3A_302] : memref<819200xi32, #tpu.memory_space<hbm>> -> memref<200xi32, #tpu.memory_space<hbm>>
        %dma_wait3A_304 = arith.constant 0 : i32
        %dma_wait3A_305 = tpu.memref_slice %arg2[%dma_wait3A_304] : memref<819200xi32, #tpu.memory_space<hbm>> -> memref<200xi32, #tpu.memory_space<hbm>>
        tpu.wait_dma2 semaphore(%arg28 : memref<!tpu.dma_semaphore, #tpu.memory_space<semaphore_mem>>) src(%dma_wait3A_305 : memref<200xi32, #tpu.memory_space<hbm>>) dst(%arg9 : memref<200xi32, #tpu.memory_space<vmem>>)
        %dma_wait3A_306 = arith.constant 0 : i32
        %dma_wait3A_307 = tpu.memref_slice %arg2[%dma_wait3A_306] : memref<819200xi32, #tpu.memory_space<hbm>> -> memref<200xi32, #tpu.memory_space<hbm>>
        %dma_wait3A_308 = arith.constant 0 : i32
        %dma_wait3A_309 = tpu.memref_slice %arg2[%dma_wait3A_308] : memref<819200xi32, #tpu.memory_space<hbm>> -> memref<200xi32, #tpu.memory_space<hbm>>
        tpu.wait_dma2 semaphore(%arg28 : memref<!tpu.dma_semaphore, #tpu.memory_space<semaphore_mem>>) src(%dma_wait3A_309 : memref<200xi32, #tpu.memory_space<hbm>>) dst(%arg13 : memref<200xi32, #tpu.memory_space<vmem>>)
      } else {
      }
      %eq3A_167 = arith.constant 0 : i32
      %eq3A_168 = arith.cmpi eq, %scan3A_113, %eq3A_167 : i32
      %convert_element_type3A_169 = arith.extui %eq3A_168 : i1 to i32
      %cond3A_170 = arith.constant 0 : i32
      %cond3A_171 = arith.cmpi ne, %convert_element_type3A_169, %cond3A_170 : i32
      scf.if %cond3A_171 {
        "tpu.region"() ({
          %run_scoped3A = tpu.sem_alloc : memref<!tpu.dma_semaphore, #tpu.memory_space<semaphore_mem>>
          %dma_start3A_293 = tpu.memref_slice %arg2[%add3A_161] : memref<819200xi32, #tpu.memory_space<hbm>> -> memref<200xi32, #tpu.memory_space<hbm>>
          %dma_start3A_294 = tpu.memref_slice %arg2[%add3A_161] : memref<819200xi32, #tpu.memory_space<hbm>> -> memref<200xi32, #tpu.memory_space<hbm>>
          tpu.enqueue_dma source(%dma_start3A_294 : memref<200xi32, #tpu.memory_space<hbm>>) target(%arg9 : memref<200xi32, #tpu.memory_space<vmem>>) target_semaphore(%run_scoped3A : memref<!tpu.dma_semaphore, #tpu.memory_space<semaphore_mem>>)
          %dma_wait3A_295 = tpu.memref_slice %arg2[%add3A_161] : memref<819200xi32, #tpu.memory_space<hbm>> -> memref<200xi32, #tpu.memory_space<hbm>>
          %dma_wait3A_296 = tpu.memref_slice %arg2[%add3A_161] : memref<819200xi32, #tpu.memory_space<hbm>> -> memref<200xi32, #tpu.memory_space<hbm>>
          tpu.wait_dma2 semaphore(%run_scoped3A : memref<!tpu.dma_semaphore, #tpu.memory_space<semaphore_mem>>) src(%dma_wait3A_296 : memref<200xi32, #tpu.memory_space<hbm>>) dst(%arg9 : memref<200xi32, #tpu.memory_space<vmem>>)
          tpu.yield
        }) : () -> ()
        "tpu.region"() ({
          %run_scoped3A = tpu.sem_alloc : memref<!tpu.dma_semaphore, #tpu.memory_space<semaphore_mem>>
          %dma_start3A_293 = tpu.memref_slice %arg3[%add3A_161] : memref<819200xi32, #tpu.memory_space<hbm>> -> memref<200xi32, #tpu.memory_space<hbm>>
          %dma_start3A_294 = tpu.memref_slice %arg3[%add3A_161] : memref<819200xi32, #tpu.memory_space<hbm>> -> memref<200xi32, #tpu.memory_space<hbm>>
          tpu.enqueue_dma source(%dma_start3A_294 : memref<200xi32, #tpu.memory_space<hbm>>) target(%arg13 : memref<200xi32, #tpu.memory_space<vmem>>) target_semaphore(%run_scoped3A : memref<!tpu.dma_semaphore, #tpu.memory_space<semaphore_mem>>)
          %dma_wait3A_295 = tpu.memref_slice %arg3[%add3A_161] : memref<819200xi32, #tpu.memory_space<hbm>> -> memref<200xi32, #tpu.memory_space<hbm>>
          %dma_wait3A_296 = tpu.memref_slice %arg3[%add3A_161] : memref<819200xi32, #tpu.memory_space<hbm>> -> memref<200xi32, #tpu.memory_space<hbm>>
          tpu.wait_dma2 semaphore(%run_scoped3A : memref<!tpu.dma_semaphore, #tpu.memory_space<semaphore_mem>>) src(%dma_wait3A_296 : memref<200xi32, #tpu.memory_space<hbm>>) dst(%arg13 : memref<200xi32, #tpu.memory_space<vmem>>)
          tpu.yield
        }) : () -> ()
      } else {
      }
      %dma_start3A_172 = arith.constant 0 : i32
      %dma_start3A_173 = arith.constant 0 : i32
      %dma_start3A_174 = tpu.memref_slice %arg25[%dma_start3A_172, %dma_start3A_173] : memref<1000x64xf32, #tpu.memory_space<vmem_shared>> -> memref<1000x64xf32, #tpu.memory_space<vmem_shared>>
      tpu.enqueue_indirect_dma source(%dma_start3A_174 : memref<1000x64xf32, #tpu.memory_space<vmem_shared>>) target(%arg17 : memref<200x64xf32, #tpu.memory_space<vmem>>) offsets(%arg9 : memref<200xi32, #tpu.memory_space<vmem>>) semaphore(%arg32 : memref<!tpu.dma_semaphore, #tpu.memory_space<semaphore_mem>>)
      %dma_start3A_175 = arith.constant 0 : i32
      %dma_start3A_176 = arith.constant 0 : i32
      %dma_start3A_177 = tpu.memref_slice %arg26[%dma_start3A_175, %dma_start3A_176] : memref<201x64xf32, #tpu.memory_space<vmem_shared>> -> memref<201x64xf32, #tpu.memory_space<vmem_shared>>
      tpu.enqueue_indirect_dma source(%dma_start3A_177 : memref<201x64xf32, #tpu.memory_space<vmem_shared>>) target(%arg21 : memref<200x64xf32, #tpu.memory_space<vmem>>) offsets(%arg13 : memref<200xi32, #tpu.memory_space<vmem>>) semaphore(%arg32 : memref<!tpu.dma_semaphore, #tpu.memory_space<semaphore_mem>>)
      %sub3A_178 = arith.constant 2 : i32
      %sub3A_179 = arith.subi %add3A_158, %sub3A_178 : i32
      %mul3A_180 = arith.constant 200 : i32
      %mul3A_181 = arith.muli %sub3A_179, %mul3A_180 : i32
      %add3A_182 = arith.addi %mul3A_2, %mul3A_181 : i32
      %mul3A_183 = arith.constant 128 : i32
      %mul3A_184 = arith.muli %add3A, %mul3A_183 : i32
      %add3A_185 = arith.addi %mul3A_184, %sub3A_179 : i32
      %ge3A_186 = arith.constant 0 : i32
      %ge3A_187 = arith.cmpi sge, %sub3A_179, %ge3A_186 : i32
      %convert_element_type3A_188 = arith.extui %ge3A_187 : i1 to i32
      %cond3A_189 = arith.constant 0 : i32
      %cond3A_190 = arith.cmpi ne, %convert_element_type3A_188, %cond3A_189 : i32
      scf.if %cond3A_190 {
        %dma_wait3A_293 = arith.constant 0 : i32
        %dma_wait3A_294 = arith.constant 0 : i32
        %dma_wait3A_295 = arith.constant 0 : i32
        %dma_wait3A_296 = tpu.memref_slice %arg7[%dma_wait3A_293, %dma_wait3A_294, %dma_wait3A_295] : memref<4096x200x64xf32, #tpu.memory_space<hbm>> -> memref<1x200x64xf32, #tpu.memory_space<hbm>>
        %dma_wait3A_297 = tpu.memref_squeeze %dma_wait3A_296 : memref<1x200x64xf32, #tpu.memory_space<hbm>> -> memref<200x64xf32, #tpu.memory_space<hbm>>
        %dma_wait3A_298 = arith.constant 0 : i32
        %dma_wait3A_299 = arith.constant 0 : i32
        %dma_wait3A_300 = tpu.memref_slice %arg7[%dma_wait3A_293, %dma_wait3A_298, %dma_wait3A_299] : memref<4096x200x64xf32, #tpu.memory_space<hbm>> -> memref<1x200x64xf32, #tpu.memory_space<hbm>>
        %dma_wait3A_301 = tpu.memref_squeeze %dma_wait3A_300 : memref<1x200x64xf32, #tpu.memory_space<hbm>> -> memref<200x64xf32, #tpu.memory_space<hbm>>
        tpu.wait_dma2 semaphore(%arg34 : memref<!tpu.dma_semaphore, #tpu.memory_space<semaphore_mem>>) src(%dma_wait3A_301 : memref<200x64xf32, #tpu.memory_space<hbm>>) dst(%arg19 : memref<200x64xf32, #tpu.memory_space<vmem>>)
        %dma_wait3A_302 = arith.constant 0 : i32
        %dma_wait3A_303 = arith.constant 0 : i32
        %dma_wait3A_304 = arith.constant 0 : i32
        %dma_wait3A_305 = tpu.memref_slice %arg7[%dma_wait3A_302, %dma_wait3A_303, %dma_wait3A_304] : memref<4096x200x64xf32, #tpu.memory_space<hbm>> -> memref<1x200x64xf32, #tpu.memory_space<hbm>>
        %dma_wait3A_306 = tpu.memref_squeeze %dma_wait3A_305 : memref<1x200x64xf32, #tpu.memory_space<hbm>> -> memref<200x64xf32, #tpu.memory_space<hbm>>
        %dma_wait3A_307 = arith.constant 0 : i32
        %dma_wait3A_308 = arith.constant 0 : i32
        %dma_wait3A_309 = tpu.memref_slice %arg7[%dma_wait3A_302, %dma_wait3A_307, %dma_wait3A_308] : memref<4096x200x64xf32, #tpu.memory_space<hbm>> -> memref<1x200x64xf32, #tpu.memory_space<hbm>>
        %dma_wait3A_310 = tpu.memref_squeeze %dma_wait3A_309 : memref<1x200x64xf32, #tpu.memory_space<hbm>> -> memref<200x64xf32, #tpu.memory_space<hbm>>
        tpu.wait_dma2 semaphore(%arg34 : memref<!tpu.dma_semaphore, #tpu.memory_space<semaphore_mem>>) src(%dma_wait3A_310 : memref<200x64xf32, #tpu.memory_space<hbm>>) dst(%arg23 : memref<200x64xf32, #tpu.memory_space<vmem>>)
        %scan3A_311 = arith.constant 0 : i32
        %scan3A_312 = arith.constant 50 : i32
        %scan3A_313 = arith.addi %scan3A_311, %scan3A_312 : i32
        %scan3A_314 = arith.constant 1 : i32
        scf.for %scan3A_324 = %scan3A_311 to %scan3A_313 step %scan3A_314  : i32 {
          %mul3A_325 = arith.constant 4 : i32
          %mul3A_326 = arith.muli %scan3A_324, %mul3A_325 : i32
          %add3A_327 = arith.constant 0 : i32
          %add3A_328 = arith.addi %mul3A_326, %add3A_327 : i32
          %get3A = arith.index_cast %add3A_328 : i32 to index
          %get3A_329 = arith.constant 0 : index
          %get3A_330 = tpu.vector_load %arg19[%get3A, %get3A_329] {strides = array<i32>} : memref<200x64xf32, #tpu.memory_space<vmem>>, vector<1x16xf32>,
          %get3A_331 = vector.shape_cast %get3A_330 : vector<1x16xf32> to vector<16xf32>
          %get3A_332 = arith.index_cast %add3A_328 : i32 to index
          %get3A_333 = arith.constant 0 : index
          %get3A_334 = tpu.vector_load %arg23[%get3A_332, %get3A_333] {strides = array<i32>} : memref<200x64xf32, #tpu.memory_space<vmem>>, vector<1x16xf32>,
          %get3A_335 = vector.shape_cast %get3A_334 : vector<1x16xf32> to vector<16xf32>
          %add3A_336 = arith.addf %get3A_331, %get3A_335 : vector<16xf32>
          %get3A_337 = arith.index_cast %add3A_328 : i32 to index
          %get3A_338 = arith.constant 0 : index
          %get3A_339 = tpu.vector_load %arg24[%get3A_337, %get3A_338] {strides = array<i32>} : memref<200x64xf32, #tpu.memory_space<vmem>>, vector<1x16xf32>,
          %get3A_340 = vector.shape_cast %get3A_339 : vector<1x16xf32> to vector<16xf32>
          %add3A_341 = arith.addf %add3A_336, %get3A_340 : vector<16xf32>
          %swap3A = arith.index_cast %add3A_328 : i32 to index
          %swap3A_342 = arith.constant 0 : index
          %swap3A_343 = tpu.vector_load %arg19[%swap3A, %swap3A_342] {strides = array<i32>} : memref<200x64xf32, #tpu.memory_space<vmem>>, vector<1x16xf32>,
          %swap3A_344 = vector.shape_cast %swap3A_343 : vector<1x16xf32> to vector<16xf32>
          %swap3A_345 = vector.shape_cast %add3A_341 : vector<16xf32> to vector<1x16xf32>
          tpu.vector_store %arg19[%swap3A, %swap3A_342], %swap3A_345 {strides = array<i32>} : memref<200x64xf32, #tpu.memory_space<vmem>>, vector<1x16xf32>,
          %get3A_346 = arith.index_cast %add3A_328 : i32 to index
          %get3A_347 = arith.constant 16 : index
          %get3A_348 = tpu.vector_load %arg19[%get3A_346, %get3A_347] {strides = array<i32>} : memref<200x64xf32, #tpu.memory_space<vmem>>, vector<1x16xf32>,
          %get3A_349 = vector.shape_cast %get3A_348 : vector<1x16xf32> to vector<16xf32>
          %get3A_350 = arith.index_cast %add3A_328 : i32 to index
          %get3A_351 = arith.constant 16 : index
          %get3A_352 = tpu.vector_load %arg23[%get3A_350, %get3A_351] {strides = array<i32>} : memref<200x64xf32, #tpu.memory_space<vmem>>, vector<1x16xf32>,
          %get3A_353 = vector.shape_cast %get3A_352 : vector<1x16xf32> to vector<16xf32>
          %add3A_354 = arith.addf %get3A_349, %get3A_353 : vector<16xf32>
          %get3A_355 = arith.index_cast %add3A_328 : i32 to index
          %get3A_356 = arith.constant 16 : index
          %get3A_357 = tpu.vector_load %arg24[%get3A_355, %get3A_356] {strides = array<i32>} : memref<200x64xf32, #tpu.memory_space<vmem>>, vector<1x16xf32>,
          %get3A_358 = vector.shape_cast %get3A_357 : vector<1x16xf32> to vector<16xf32>
          %add3A_359 = arith.addf %add3A_354, %get3A_358 : vector<16xf32>
          %swap3A_360 = arith.index_cast %add3A_328 : i32 to index
          %swap3A_361 = arith.constant 16 : index
          %swap3A_362 = tpu.vector_load %arg19[%swap3A_360, %swap3A_361] {strides = array<i32>} : memref<200x64xf32, #tpu.memory_space<vmem>>, vector<1x16xf32>,
          %swap3A_363 = vector.shape_cast %swap3A_362 : vector<1x16xf32> to vector<16xf32>
          %swap3A_364 = vector.shape_cast %add3A_359 : vector<16xf32> to vector<1x16xf32>
          tpu.vector_store %arg19[%swap3A_360, %swap3A_361], %swap3A_364 {strides = array<i32>} : memref<200x64xf32, #tpu.memory_space<vmem>>, vector<1x16xf32>,
          %get3A_365 = arith.index_cast %add3A_328 : i32 to index
          %get3A_366 = arith.constant 32 : index
          %get3A_367 = tpu.vector_load %arg19[%get3A_365, %get3A_366] {strides = array<i32>} : memref<200x64xf32, #tpu.memory_space<vmem>>, vector<1x16xf32>,
          %get3A_368 = vector.shape_cast %get3A_367 : vector<1x16xf32> to vector<16xf32>
          %get3A_369 = arith.index_cast %add3A_328 : i32 to index
          %get3A_370 = arith.constant 32 : index
          %get3A_371 = tpu.vector_load %arg23[%get3A_369, %get3A_370] {strides = array<i32>} : memref<200x64xf32, #tpu.memory_space<vmem>>, vector<1x16xf32>,
          %get3A_372 = vector.shape_cast %get3A_371 : vector<1x16xf32> to vector<16xf32>
          %add3A_373 = arith.addf %get3A_368, %get3A_372 : vector<16xf32>
          %get3A_374 = arith.index_cast %add3A_328 : i32 to index
          %get3A_375 = arith.constant 32 : index
          %get3A_376 = tpu.vector_load %arg24[%get3A_374, %get3A_375] {strides = array<i32>} : memref<200x64xf32, #tpu.memory_space<vmem>>, vector<1x16xf32>,
          %get3A_377 = vector.shape_cast %get3A_376 : vector<1x16xf32> to vector<16xf32>
          %add3A_378 = arith.addf %add3A_373, %get3A_377 : vector<16xf32>
          %swap3A_379 = arith.index_cast %add3A_328 : i32 to index
          %swap3A_380 = arith.constant 32 : index
          %swap3A_381 = tpu.vector_load %arg19[%swap3A_379, %swap3A_380] {strides = array<i32>} : memref<200x64xf32, #tpu.memory_space<vmem>>, vector<1x16xf32>,
          %swap3A_382 = vector.shape_cast %swap3A_381 : vector<1x16xf32> to vector<16xf32>
          %swap3A_383 = vector.shape_cast %add3A_378 : vector<16xf32> to vector<1x16xf32>
          tpu.vector_store %arg19[%swap3A_379, %swap3A_380], %swap3A_383 {strides = array<i32>} : memref<200x64xf32, #tpu.memory_space<vmem>>, vector<1x16xf32>,
          %get3A_384 = arith.index_cast %add3A_328 : i32 to index
          %get3A_385 = arith.constant 48 : index
          %get3A_386 = tpu.vector_load %arg19[%get3A_384, %get3A_385] {strides = array<i32>} : memref<200x64xf32, #tpu.memory_space<vmem>>, vector<1x16xf32>,
          %get3A_387 = vector.shape_cast %get3A_386 : vector<1x16xf32> to vector<16xf32>
          %get3A_388 = arith.index_cast %add3A_328 : i32 to index
          %get3A_389 = arith.constant 48 : index
          %get3A_390 = tpu.vector_load %arg23[%get3A_388, %get3A_389] {strides = array<i32>} : memref<200x64xf32, #tpu.memory_space<vmem>>, vector<1x16xf32>,
          %get3A_391 = vector.shape_cast %get3A_390 : vector<1x16xf32> to vector<16xf32>
          %add3A_392 = arith.addf %get3A_387, %get3A_391 : vector<16xf32>
          %get3A_393 = arith.index_cast %add3A_328 : i32 to index
          %get3A_394 = arith.constant 48 : index
          %get3A_395 = tpu.vector_load %arg24[%get3A_393, %get3A_394] {strides = array<i32>} : memref<200x64xf32, #tpu.memory_space<vmem>>, vector<1x16xf32>,
          %get3A_396 = vector.shape_cast %get3A_395 : vector<1x16xf32> to vector<16xf32>
          %add3A_397 = arith.addf %add3A_392, %get3A_396 : vector<16xf32>
          %swap3A_398 = arith.index_cast %add3A_328 : i32 to index
          %swap3A_399 = arith.constant 48 : index
          %swap3A_400 = tpu.vector_load %arg19[%swap3A_398, %swap3A_399] {strides = array<i32>} : memref<200x64xf32, #tpu.memory_space<vmem>>, vector<1x16xf32>,
          %swap3A_401 = vector.shape_cast %swap3A_400 : vector<1x16xf32> to vector<16xf32>
          %swap3A_402 = vector.shape_cast %add3A_397 : vector<16xf32> to vector<1x16xf32>
          tpu.vector_store %arg19[%swap3A_398, %swap3A_399], %swap3A_402 {strides = array<i32>} : memref<200x64xf32, #tpu.memory_space<vmem>>, vector<1x16xf32>,
          %mul3A_403 = arith.constant 4 : i32
          %mul3A_404 = arith.muli %scan3A_324, %mul3A_403 : i32
          %add3A_405 = arith.constant 1 : i32
          %add3A_406 = arith.addi %mul3A_404, %add3A_405 : i32
          %get3A_407 = arith.index_cast %add3A_406 : i32 to index
          %get3A_408 = arith.constant 0 : index
          %get3A_409 = tpu.vector_load %arg19[%get3A_407, %get3A_408] {strides = array<i32>} : memref<200x64xf32, #tpu.memory_space<vmem>>, vector<1x16xf32>,
          %get3A_410 = vector.shape_cast %get3A_409 : vector<1x16xf32> to vector<16xf32>
          %get3A_411 = arith.index_cast %add3A_406 : i32 to index
          %get3A_412 = arith.constant 0 : index
          %get3A_413 = tpu.vector_load %arg23[%get3A_411, %get3A_412] {strides = array<i32>} : memref<200x64xf32, #tpu.memory_space<vmem>>, vector<1x16xf32>,
          %get3A_414 = vector.shape_cast %get3A_413 : vector<1x16xf32> to vector<16xf32>
          %add3A_415 = arith.addf %get3A_410, %get3A_414 : vector<16xf32>
          %get3A_416 = arith.index_cast %add3A_406 : i32 to index
          %get3A_417 = arith.constant 0 : index
          %get3A_418 = tpu.vector_load %arg24[%get3A_416, %get3A_417] {strides = array<i32>} : memref<200x64xf32, #tpu.memory_space<vmem>>, vector<1x16xf32>,
          %get3A_419 = vector.shape_cast %get3A_418 : vector<1x16xf32> to vector<16xf32>
          %add3A_420 = arith.addf %add3A_415, %get3A_419 : vector<16xf32>
          %swap3A_421 = arith.index_cast %add3A_406 : i32 to index
          %swap3A_422 = arith.constant 0 : index
          %swap3A_423 = tpu.vector_load %arg19[%swap3A_421, %swap3A_422] {strides = array<i32>} : memref<200x64xf32, #tpu.memory_space<vmem>>, vector<1x16xf32>,
          %swap3A_424 = vector.shape_cast %swap3A_423 : vector<1x16xf32> to vector<16xf32>
          %swap3A_425 = vector.shape_cast %add3A_420 : vector<16xf32> to vector<1x16xf32>
          tpu.vector_store %arg19[%swap3A_421, %swap3A_422], %swap3A_425 {strides = array<i32>} : memref<200x64xf32, #tpu.memory_space<vmem>>, vector<1x16xf32>,
          %get3A_426 = arith.index_cast %add3A_406 : i32 to index
          %get3A_427 = arith.constant 16 : index
          %get3A_428 = tpu.vector_load %arg19[%get3A_426, %get3A_427] {strides = array<i32>} : memref<200x64xf32, #tpu.memory_space<vmem>>, vector<1x16xf32>,
          %get3A_429 = vector.shape_cast %get3A_428 : vector<1x16xf32> to vector<16xf32>
          %get3A_430 = arith.index_cast %add3A_406 : i32 to index
          %get3A_431 = arith.constant 16 : index
          %get3A_432 = tpu.vector_load %arg23[%get3A_430, %get3A_431] {strides = array<i32>} : memref<200x64xf32, #tpu.memory_space<vmem>>, vector<1x16xf32>,
          %get3A_433 = vector.shape_cast %get3A_432 : vector<1x16xf32> to vector<16xf32>
          %add3A_434 = arith.addf %get3A_429, %get3A_433 : vector<16xf32>
          %get3A_435 = arith.index_cast %add3A_406 : i32 to index
          %get3A_436 = arith.constant 16 : index
          %get3A_437 = tpu.vector_load %arg24[%get3A_435, %get3A_436] {strides = array<i32>} : memref<200x64xf32, #tpu.memory_space<vmem>>, vector<1x16xf32>,
          %get3A_438 = vector.shape_cast %get3A_437 : vector<1x16xf32> to vector<16xf32>
          %add3A_439 = arith.addf %add3A_434, %get3A_438 : vector<16xf32>
          %swap3A_440 = arith.index_cast %add3A_406 : i32 to index
          %swap3A_441 = arith.constant 16 : index
          %swap3A_442 = tpu.vector_load %arg19[%swap3A_440, %swap3A_441] {strides = array<i32>} : memref<200x64xf32, #tpu.memory_space<vmem>>, vector<1x16xf32>,
          %swap3A_443 = vector.shape_cast %swap3A_442 : vector<1x16xf32> to vector<16xf32>
          %swap3A_444 = vector.shape_cast %add3A_439 : vector<16xf32> to vector<1x16xf32>
          tpu.vector_store %arg19[%swap3A_440, %swap3A_441], %swap3A_444 {strides = array<i32>} : memref<200x64xf32, #tpu.memory_space<vmem>>, vector<1x16xf32>,
          %get3A_445 = arith.index_cast %add3A_406 : i32 to index
          %get3A_446 = arith.constant 32 : index
          %get3A_447 = tpu.vector_load %arg19[%get3A_445, %get3A_446] {strides = array<i32>} : memref<200x64xf32, #tpu.memory_space<vmem>>, vector<1x16xf32>,
          %get3A_448 = vector.shape_cast %get3A_447 : vector<1x16xf32> to vector<16xf32>
          %get3A_449 = arith.index_cast %add3A_406 : i32 to index
          %get3A_450 = arith.constant 32 : index
          %get3A_451 = tpu.vector_load %arg23[%get3A_449, %get3A_450] {strides = array<i32>} : memref<200x64xf32, #tpu.memory_space<vmem>>, vector<1x16xf32>,
          %get3A_452 = vector.shape_cast %get3A_451 : vector<1x16xf32> to vector<16xf32>
          %add3A_453 = arith.addf %get3A_448, %get3A_452 : vector<16xf32>
          %get3A_454 = arith.index_cast %add3A_406 : i32 to index
          %get3A_455 = arith.constant 32 : index
          %get3A_456 = tpu.vector_load %arg24[%get3A_454, %get3A_455] {strides = array<i32>} : memref<200x64xf32, #tpu.memory_space<vmem>>, vector<1x16xf32>,
          %get3A_457 = vector.shape_cast %get3A_456 : vector<1x16xf32> to vector<16xf32>
          %add3A_458 = arith.addf %add3A_453, %get3A_457 : vector<16xf32>
          %swap3A_459 = arith.index_cast %add3A_406 : i32 to index
          %swap3A_460 = arith.constant 32 : index
          %swap3A_461 = tpu.vector_load %arg19[%swap3A_459, %swap3A_460] {strides = array<i32>} : memref<200x64xf32, #tpu.memory_space<vmem>>, vector<1x16xf32>,
          %swap3A_462 = vector.shape_cast %swap3A_461 : vector<1x16xf32> to vector<16xf32>
          %swap3A_463 = vector.shape_cast %add3A_458 : vector<16xf32> to vector<1x16xf32>
          tpu.vector_store %arg19[%swap3A_459, %swap3A_460], %swap3A_463 {strides = array<i32>} : memref<200x64xf32, #tpu.memory_space<vmem>>, vector<1x16xf32>,
          %get3A_464 = arith.index_cast %add3A_406 : i32 to index
          %get3A_465 = arith.constant 48 : index
          %get3A_466 = tpu.vector_load %arg19[%get3A_464, %get3A_465] {strides = array<i32>} : memref<200x64xf32, #tpu.memory_space<vmem>>, vector<1x16xf32>,
          %get3A_467 = vector.shape_cast %get3A_466 : vector<1x16xf32> to vector<16xf32>
          %get3A_468 = arith.index_cast %add3A_406 : i32 to index
          %get3A_469 = arith.constant 48 : index
          %get3A_470 = tpu.vector_load %arg23[%get3A_468, %get3A_469] {strides = array<i32>} : memref<200x64xf32, #tpu.memory_space<vmem>>, vector<1x16xf32>,
          %get3A_471 = vector.shape_cast %get3A_470 : vector<1x16xf32> to vector<16xf32>
          %add3A_472 = arith.addf %get3A_467, %get3A_471 : vector<16xf32>
          %get3A_473 = arith.index_cast %add3A_406 : i32 to index
          %get3A_474 = arith.constant 48 : index
          %get3A_475 = tpu.vector_load %arg24[%get3A_473, %get3A_474] {strides = array<i32>} : memref<200x64xf32, #tpu.memory_space<vmem>>, vector<1x16xf32>,
          %get3A_476 = vector.shape_cast %get3A_475 : vector<1x16xf32> to vector<16xf32>
          %add3A_477 = arith.addf %add3A_472, %get3A_476 : vector<16xf32>
          %swap3A_478 = arith.index_cast %add3A_406 : i32 to index
          %swap3A_479 = arith.constant 48 : index
          %swap3A_480 = tpu.vector_load %arg19[%swap3A_478, %swap3A_479] {strides = array<i32>} : memref<200x64xf32, #tpu.memory_space<vmem>>, vector<1x16xf32>,
          %swap3A_481 = vector.shape_cast %swap3A_480 : vector<1x16xf32> to vector<16xf32>
          %swap3A_482 = vector.shape_cast %add3A_477 : vector<16xf32> to vector<1x16xf32>
          tpu.vector_store %arg19[%swap3A_478, %swap3A_479], %swap3A_482 {strides = array<i32>} : memref<200x64xf32, #tpu.memory_space<vmem>>, vector<1x16xf32>,
          %mul3A_483 = arith.constant 4 : i32
          %mul3A_484 = arith.muli %scan3A_324, %mul3A_483 : i32
          %add3A_485 = arith.constant 2 : i32
          %add3A_486 = arith.addi %mul3A_484, %add3A_485 : i32
          %get3A_487 = arith.index_cast %add3A_486 : i32 to index
          %get3A_488 = arith.constant 0 : index
          %get3A_489 = tpu.vector_load %arg19[%get3A_487, %get3A_488] {strides = array<i32>} : memref<200x64xf32, #tpu.memory_space<vmem>>, vector<1x16xf32>,
          %get3A_490 = vector.shape_cast %get3A_489 : vector<1x16xf32> to vector<16xf32>
          %get3A_491 = arith.index_cast %add3A_486 : i32 to index
          %get3A_492 = arith.constant 0 : index
          %get3A_493 = tpu.vector_load %arg23[%get3A_491, %get3A_492] {strides = array<i32>} : memref<200x64xf32, #tpu.memory_space<vmem>>, vector<1x16xf32>,
          %get3A_494 = vector.shape_cast %get3A_493 : vector<1x16xf32> to vector<16xf32>
          %add3A_495 = arith.addf %get3A_490, %get3A_494 : vector<16xf32>
          %get3A_496 = arith.index_cast %add3A_486 : i32 to index
          %get3A_497 = arith.constant 0 : index
          %get3A_498 = tpu.vector_load %arg24[%get3A_496, %get3A_497] {strides = array<i32>} : memref<200x64xf32, #tpu.memory_space<vmem>>, vector<1x16xf32>,
          %get3A_499 = vector.shape_cast %get3A_498 : vector<1x16xf32> to vector<16xf32>
          %add3A_500 = arith.addf %add3A_495, %get3A_499 : vector<16xf32>
          %swap3A_501 = arith.index_cast %add3A_486 : i32 to index
          %swap3A_502 = arith.constant 0 : index
          %swap3A_503 = tpu.vector_load %arg19[%swap3A_501, %swap3A_502] {strides = array<i32>} : memref<200x64xf32, #tpu.memory_space<vmem>>, vector<1x16xf32>,
          %swap3A_504 = vector.shape_cast %swap3A_503 : vector<1x16xf32> to vector<16xf32>
          %swap3A_505 = vector.shape_cast %add3A_500 : vector<16xf32> to vector<1x16xf32>
          tpu.vector_store %arg19[%swap3A_501, %swap3A_502], %swap3A_505 {strides = array<i32>} : memref<200x64xf32, #tpu.memory_space<vmem>>, vector<1x16xf32>,
          %get3A_506 = arith.index_cast %add3A_486 : i32 to index
          %get3A_507 = arith.constant 16 : index
          %get3A_508 = tpu.vector_load %arg19[%get3A_506, %get3A_507] {strides = array<i32>} : memref<200x64xf32, #tpu.memory_space<vmem>>, vector<1x16xf32>,
          %get3A_509 = vector.shape_cast %get3A_508 : vector<1x16xf32> to vector<16xf32>
          %get3A_510 = arith.index_cast %add3A_486 : i32 to index
          %get3A_511 = arith.constant 16 : index
          %get3A_512 = tpu.vector_load %arg23[%get3A_510, %get3A_511] {strides = array<i32>} : memref<200x64xf32, #tpu.memory_space<vmem>>, vector<1x16xf32>,
          %get3A_513 = vector.shape_cast %get3A_512 : vector<1x16xf32> to vector<16xf32>
          %add3A_514 = arith.addf %get3A_509, %get3A_513 : vector<16xf32>
          %get3A_515 = arith.index_cast %add3A_486 : i32 to index
          %get3A_516 = arith.constant 16 : index
          %get3A_517 = tpu.vector_load %arg24[%get3A_515, %get3A_516] {strides = array<i32>} : memref<200x64xf32, #tpu.memory_space<vmem>>, vector<1x16xf32>,
          %get3A_518 = vector.shape_cast %get3A_517 : vector<1x16xf32> to vector<16xf32>
          %add3A_519 = arith.addf %add3A_514, %get3A_518 : vector<16xf32>
          %swap3A_520 = arith.index_cast %add3A_486 : i32 to index
          %swap3A_521 = arith.constant 16 : index
          %swap3A_522 = tpu.vector_load %arg19[%swap3A_520, %swap3A_521] {strides = array<i32>} : memref<200x64xf32, #tpu.memory_space<vmem>>, vector<1x16xf32>,
          %swap3A_523 = vector.shape_cast %swap3A_522 : vector<1x16xf32> to vector<16xf32>
          %swap3A_524 = vector.shape_cast %add3A_519 : vector<16xf32> to vector<1x16xf32>
          tpu.vector_store %arg19[%swap3A_520, %swap3A_521], %swap3A_524 {strides = array<i32>} : memref<200x64xf32, #tpu.memory_space<vmem>>, vector<1x16xf32>,
          %get3A_525 = arith.index_cast %add3A_486 : i32 to index
          %get3A_526 = arith.constant 32 : index
          %get3A_527 = tpu.vector_load %arg19[%get3A_525, %get3A_526] {strides = array<i32>} : memref<200x64xf32, #tpu.memory_space<vmem>>, vector<1x16xf32>,
          %get3A_528 = vector.shape_cast %get3A_527 : vector<1x16xf32> to vector<16xf32>
          %get3A_529 = arith.index_cast %add3A_486 : i32 to index
          %get3A_530 = arith.constant 32 : index
          %get3A_531 = tpu.vector_load %arg23[%get3A_529, %get3A_530] {strides = array<i32>} : memref<200x64xf32, #tpu.memory_space<vmem>>, vector<1x16xf32>,
          %get3A_532 = vector.shape_cast %get3A_531 : vector<1x16xf32> to vector<16xf32>
          %add3A_533 = arith.addf %get3A_528, %get3A_532 : vector<16xf32>
          %get3A_534 = arith.index_cast %add3A_486 : i32 to index
          %get3A_535 = arith.constant 32 : index
          %get3A_536 = tpu.vector_load %arg24[%get3A_534, %get3A_535] {strides = array<i32>} : memref<200x64xf32, #tpu.memory_space<vmem>>, vector<1x16xf32>,
          %get3A_537 = vector.shape_cast %get3A_536 : vector<1x16xf32> to vector<16xf32>
          %add3A_538 = arith.addf %add3A_533, %get3A_537 : vector<16xf32>
          %swap3A_539 = arith.index_cast %add3A_486 : i32 to index
          %swap3A_540 = arith.constant 32 : index
          %swap3A_541 = tpu.vector_load %arg19[%swap3A_539, %swap3A_540] {strides = array<i32>} : memref<200x64xf32, #tpu.memory_space<vmem>>, vector<1x16xf32>,
          %swap3A_542 = vector.shape_cast %swap3A_541 : vector<1x16xf32> to vector<16xf32>
          %swap3A_543 = vector.shape_cast %add3A_538 : vector<16xf32> to vector<1x16xf32>
          tpu.vector_store %arg19[%swap3A_539, %swap3A_540], %swap3A_543 {strides = array<i32>} : memref<200x64xf32, #tpu.memory_space<vmem>>, vector<1x16xf32>,
          %get3A_544 = arith.index_cast %add3A_486 : i32 to index
          %get3A_545 = arith.constant 48 : index
          %get3A_546 = tpu.vector_load %arg19[%get3A_544, %get3A_545] {strides = array<i32>} : memref<200x64xf32, #tpu.memory_space<vmem>>, vector<1x16xf32>,
          %get3A_547 = vector.shape_cast %get3A_546 : vector<1x16xf32> to vector<16xf32>
          %get3A_548 = arith.index_cast %add3A_486 : i32 to index
          %get3A_549 = arith.constant 48 : index
          %get3A_550 = tpu.vector_load %arg23[%get3A_548, %get3A_549] {strides = array<i32>} : memref<200x64xf32, #tpu.memory_space<vmem>>, vector<1x16xf32>,
          %get3A_551 = vector.shape_cast %get3A_550 : vector<1x16xf32> to vector<16xf32>
          %add3A_552 = arith.addf %get3A_547, %get3A_551 : vector<16xf32>
          %get3A_553 = arith.index_cast %add3A_486 : i32 to index
          %get3A_554 = arith.constant 48 : index
          %get3A_555 = tpu.vector_load %arg24[%get3A_553, %get3A_554] {strides = array<i32>} : memref<200x64xf32, #tpu.memory_space<vmem>>, vector<1x16xf32>,
          %get3A_556 = vector.shape_cast %get3A_555 : vector<1x16xf32> to vector<16xf32>
          %add3A_557 = arith.addf %add3A_552, %get3A_556 : vector<16xf32>
          %swap3A_558 = arith.index_cast %add3A_486 : i32 to index
          %swap3A_559 = arith.constant 48 : index
          %swap3A_560 = tpu.vector_load %arg19[%swap3A_558, %swap3A_559] {strides = array<i32>} : memref<200x64xf32, #tpu.memory_space<vmem>>, vector<1x16xf32>,
          %swap3A_561 = vector.shape_cast %swap3A_560 : vector<1x16xf32> to vector<16xf32>
          %swap3A_562 = vector.shape_cast %add3A_557 : vector<16xf32> to vector<1x16xf32>
          tpu.vector_store %arg19[%swap3A_558, %swap3A_559], %swap3A_562 {strides = array<i32>} : memref<200x64xf32, #tpu.memory_space<vmem>>, vector<1x16xf32>,
          %mul3A_563 = arith.constant 4 : i32
          %mul3A_564 = arith.muli %scan3A_324, %mul3A_563 : i32
          %add3A_565 = arith.constant 3 : i32
          %add3A_566 = arith.addi %mul3A_564, %add3A_565 : i32
          %get3A_567 = arith.index_cast %add3A_566 : i32 to index
          %get3A_568 = arith.constant 0 : index
          %get3A_569 = tpu.vector_load %arg19[%get3A_567, %get3A_568] {strides = array<i32>} : memref<200x64xf32, #tpu.memory_space<vmem>>, vector<1x16xf32>,
          %get3A_570 = vector.shape_cast %get3A_569 : vector<1x16xf32> to vector<16xf32>
          %get3A_571 = arith.index_cast %add3A_566 : i32 to index
          %get3A_572 = arith.constant 0 : index
          %get3A_573 = tpu.vector_load %arg23[%get3A_571, %get3A_572] {strides = array<i32>} : memref<200x64xf32, #tpu.memory_space<vmem>>, vector<1x16xf32>,
          %get3A_574 = vector.shape_cast %get3A_573 : vector<1x16xf32> to vector<16xf32>
          %add3A_575 = arith.addf %get3A_570, %get3A_574 : vector<16xf32>
          %get3A_576 = arith.index_cast %add3A_566 : i32 to index
          %get3A_577 = arith.constant 0 : index
          %get3A_578 = tpu.vector_load %arg24[%get3A_576, %get3A_577] {strides = array<i32>} : memref<200x64xf32, #tpu.memory_space<vmem>>, vector<1x16xf32>,
          %get3A_579 = vector.shape_cast %get3A_578 : vector<1x16xf32> to vector<16xf32>
          %add3A_580 = arith.addf %add3A_575, %get3A_579 : vector<16xf32>
          %swap3A_581 = arith.index_cast %add3A_566 : i32 to index
          %swap3A_582 = arith.constant 0 : index
          %swap3A_583 = tpu.vector_load %arg19[%swap3A_581, %swap3A_582] {strides = array<i32>} : memref<200x64xf32, #tpu.memory_space<vmem>>, vector<1x16xf32>,
          %swap3A_584 = vector.shape_cast %swap3A_583 : vector<1x16xf32> to vector<16xf32>
          %swap3A_585 = vector.shape_cast %add3A_580 : vector<16xf32> to vector<1x16xf32>
          tpu.vector_store %arg19[%swap3A_581, %swap3A_582], %swap3A_585 {strides = array<i32>} : memref<200x64xf32, #tpu.memory_space<vmem>>, vector<1x16xf32>,
          %get3A_586 = arith.index_cast %add3A_566 : i32 to index
          %get3A_587 = arith.constant 16 : index
          %get3A_588 = tpu.vector_load %arg19[%get3A_586, %get3A_587] {strides = array<i32>} : memref<200x64xf32, #tpu.memory_space<vmem>>, vector<1x16xf32>,
          %get3A_589 = vector.shape_cast %get3A_588 : vector<1x16xf32> to vector<16xf32>
          %get3A_590 = arith.index_cast %add3A_566 : i32 to index
          %get3A_591 = arith.constant 16 : index
          %get3A_592 = tpu.vector_load %arg23[%get3A_590, %get3A_591] {strides = array<i32>} : memref<200x64xf32, #tpu.memory_space<vmem>>, vector<1x16xf32>,
          %get3A_593 = vector.shape_cast %get3A_592 : vector<1x16xf32> to vector<16xf32>
          %add3A_594 = arith.addf %get3A_589, %get3A_593 : vector<16xf32>
          %get3A_595 = arith.index_cast %add3A_566 : i32 to index
          %get3A_596 = arith.constant 16 : index
          %get3A_597 = tpu.vector_load %arg24[%get3A_595, %get3A_596] {strides = array<i32>} : memref<200x64xf32, #tpu.memory_space<vmem>>, vector<1x16xf32>,
          %get3A_598 = vector.shape_cast %get3A_597 : vector<1x16xf32> to vector<16xf32>
          %add3A_599 = arith.addf %add3A_594, %get3A_598 : vector<16xf32>
          %swap3A_600 = arith.index_cast %add3A_566 : i32 to index
          %swap3A_601 = arith.constant 16 : index
          %swap3A_602 = tpu.vector_load %arg19[%swap3A_600, %swap3A_601] {strides = array<i32>} : memref<200x64xf32, #tpu.memory_space<vmem>>, vector<1x16xf32>,
          %swap3A_603 = vector.shape_cast %swap3A_602 : vector<1x16xf32> to vector<16xf32>
          %swap3A_604 = vector.shape_cast %add3A_599 : vector<16xf32> to vector<1x16xf32>
          tpu.vector_store %arg19[%swap3A_600, %swap3A_601], %swap3A_604 {strides = array<i32>} : memref<200x64xf32, #tpu.memory_space<vmem>>, vector<1x16xf32>,
          %get3A_605 = arith.index_cast %add3A_566 : i32 to index
          %get3A_606 = arith.constant 32 : index
          %get3A_607 = tpu.vector_load %arg19[%get3A_605, %get3A_606] {strides = array<i32>} : memref<200x64xf32, #tpu.memory_space<vmem>>, vector<1x16xf32>,
          %get3A_608 = vector.shape_cast %get3A_607 : vector<1x16xf32> to vector<16xf32>
          %get3A_609 = arith.index_cast %add3A_566 : i32 to index
          %get3A_610 = arith.constant 32 : index
          %get3A_611 = tpu.vector_load %arg23[%get3A_609, %get3A_610] {strides = array<i32>} : memref<200x64xf32, #tpu.memory_space<vmem>>, vector<1x16xf32>,
          %get3A_612 = vector.shape_cast %get3A_611 : vector<1x16xf32> to vector<16xf32>
          %add3A_613 = arith.addf %get3A_608, %get3A_612 : vector<16xf32>
          %get3A_614 = arith.index_cast %add3A_566 : i32 to index
          %get3A_615 = arith.constant 32 : index
          %get3A_616 = tpu.vector_load %arg24[%get3A_614, %get3A_615] {strides = array<i32>} : memref<200x64xf32, #tpu.memory_space<vmem>>, vector<1x16xf32>,
          %get3A_617 = vector.shape_cast %get3A_616 : vector<1x16xf32> to vector<16xf32>
          %add3A_618 = arith.addf %add3A_613, %get3A_617 : vector<16xf32>
          %swap3A_619 = arith.index_cast %add3A_566 : i32 to index
          %swap3A_620 = arith.constant 32 : index
          %swap3A_621 = tpu.vector_load %arg19[%swap3A_619, %swap3A_620] {strides = array<i32>} : memref<200x64xf32, #tpu.memory_space<vmem>>, vector<1x16xf32>,
          %swap3A_622 = vector.shape_cast %swap3A_621 : vector<1x16xf32> to vector<16xf32>
          %swap3A_623 = vector.shape_cast %add3A_618 : vector<16xf32> to vector<1x16xf32>
          tpu.vector_store %arg19[%swap3A_619, %swap3A_620], %swap3A_623 {strides = array<i32>} : memref<200x64xf32, #tpu.memory_space<vmem>>, vector<1x16xf32>,
          %get3A_624 = arith.index_cast %add3A_566 : i32 to index
          %get3A_625 = arith.constant 48 : index
          %get3A_626 = tpu.vector_load %arg19[%get3A_624, %get3A_625] {strides = array<i32>} : memref<200x64xf32, #tpu.memory_space<vmem>>, vector<1x16xf32>,
          %get3A_627 = vector.shape_cast %get3A_626 : vector<1x16xf32> to vector<16xf32>
          %get3A_628 = arith.index_cast %add3A_566 : i32 to index
          %get3A_629 = arith.constant 48 : index
          %get3A_630 = tpu.vector_load %arg23[%get3A_628, %get3A_629] {strides = array<i32>} : memref<200x64xf32, #tpu.memory_space<vmem>>, vector<1x16xf32>,
          %get3A_631 = vector.shape_cast %get3A_630 : vector<1x16xf32> to vector<16xf32>
          %add3A_632 = arith.addf %get3A_627, %get3A_631 : vector<16xf32>
          %get3A_633 = arith.index_cast %add3A_566 : i32 to index
          %get3A_634 = arith.constant 48 : index
          %get3A_635 = tpu.vector_load %arg24[%get3A_633, %get3A_634] {strides = array<i32>} : memref<200x64xf32, #tpu.memory_space<vmem>>, vector<1x16xf32>,
          %get3A_636 = vector.shape_cast %get3A_635 : vector<1x16xf32> to vector<16xf32>
          %add3A_637 = arith.addf %add3A_632, %get3A_636 : vector<16xf32>
          %swap3A_638 = arith.index_cast %add3A_566 : i32 to index
          %swap3A_639 = arith.constant 48 : index
          %swap3A_640 = tpu.vector_load %arg19[%swap3A_638, %swap3A_639] {strides = array<i32>} : memref<200x64xf32, #tpu.memory_space<vmem>>, vector<1x16xf32>,
          %swap3A_641 = vector.shape_cast %swap3A_640 : vector<1x16xf32> to vector<16xf32>
          %swap3A_642 = vector.shape_cast %add3A_637 : vector<16xf32> to vector<1x16xf32>
          tpu.vector_store %arg19[%swap3A_638, %swap3A_639], %swap3A_642 {strides = array<i32>} : memref<200x64xf32, #tpu.memory_space<vmem>>, vector<1x16xf32>,
        }
        %scan3A_315 = arith.constant 50 : i32
        %dma_start3A_316 = arith.constant 0 : i32
        %dma_start3A_317 = arith.constant 0 : i32
        %dma_start3A_318 = tpu.memref_slice %arg7[%add3A_185, %dma_start3A_316, %dma_start3A_317] : memref<4096x200x64xf32, #tpu.memory_space<hbm>> -> memref<1x200x64xf32, #tpu.memory_space<hbm>>
        %dma_start3A_319 = tpu.memref_squeeze %dma_start3A_318 : memref<1x200x64xf32, #tpu.memory_space<hbm>> -> memref<200x64xf32, #tpu.memory_space<hbm>>
        %dma_start3A_320 = arith.constant 0 : i32
        %dma_start3A_321 = arith.constant 0 : i32
        %dma_start3A_322 = tpu.memref_slice %arg7[%add3A_185, %dma_start3A_320, %dma_start3A_321] : memref<4096x200x64xf32, #tpu.memory_space<hbm>> -> memref<1x200x64xf32, #tpu.memory_space<hbm>>
        %dma_start3A_323 = tpu.memref_squeeze %dma_start3A_322 : memref<1x200x64xf32, #tpu.memory_space<hbm>> -> memref<200x64xf32, #tpu.memory_space<hbm>>
        tpu.enqueue_dma source(%arg19 : memref<200x64xf32, #tpu.memory_space<vmem>>) target(%dma_start3A_323 : memref<200x64xf32, #tpu.memory_space<hbm>>) target_semaphore(%arg38 : memref<!tpu.dma_semaphore, #tpu.memory_space<semaphore_mem>>)
      } else {
      }
      %ge3A_191 = arith.constant 0 : i32
      %ge3A_192 = arith.cmpi sge, %sub3A_179, %ge3A_191 : i32
      %add3A_193 = arith.constant 4 : i32
      %add3A_194 = arith.addi %sub3A_179, %add3A_193 : i32
      %lt3A_195 = arith.constant 128 : i32
      %lt3A_196 = arith.cmpi slt, %add3A_194, %lt3A_195 : i32
      %and3A_197 = arith.andi %ge3A_192, %lt3A_196 : i1
      %convert_element_type3A_198 = arith.extui %and3A_197 : i1 to i32
      %cond3A_199 = arith.constant 0 : i32
      %cond3A_200 = arith.cmpi ne, %convert_element_type3A_198, %cond3A_199 : i32
      scf.if %cond3A_200 {
        %add3A_293 = arith.constant 800 : i32
        %add3A_294 = arith.addi %add3A_182, %add3A_293 : i32
        %dma_start3A_295 = tpu.memref_slice %arg2[%add3A_294] : memref<819200xi32, #tpu.memory_space<hbm>> -> memref<200xi32, #tpu.memory_space<hbm>>
        %dma_start3A_296 = tpu.memref_slice %arg2[%add3A_294] : memref<819200xi32, #tpu.memory_space<hbm>> -> memref<200xi32, #tpu.memory_space<hbm>>
        tpu.enqueue_dma source(%dma_start3A_296 : memref<200xi32, #tpu.memory_space<hbm>>) target(%arg11 : memref<200xi32, #tpu.memory_space<vmem>>) target_semaphore(%arg30 : memref<!tpu.dma_semaphore, #tpu.memory_space<semaphore_mem>>)
        %dma_start3A_297 = tpu.memref_slice %arg3[%add3A_294] : memref<819200xi32, #tpu.memory_space<hbm>> -> memref<200xi32, #tpu.memory_space<hbm>>
        %dma_start3A_298 = tpu.memref_slice %arg3[%add3A_294] : memref<819200xi32, #tpu.memory_space<hbm>> -> memref<200xi32, #tpu.memory_space<hbm>>
        tpu.enqueue_dma source(%dma_start3A_298 : memref<200xi32, #tpu.memory_space<hbm>>) target(%arg15 : memref<200xi32, #tpu.memory_space<vmem>>) target_semaphore(%arg30 : memref<!tpu.dma_semaphore, #tpu.memory_space<semaphore_mem>>)
      } else {
      }
      %mul3A_201 = arith.constant 4 : i32
      %mul3A_202 = arith.muli %scan3A_113, %mul3A_201 : i32
      %add3A_203 = arith.constant 2 : i32
      %add3A_204 = arith.addi %mul3A_202, %add3A_203 : i32
      %mul3A_205 = arith.constant 200 : i32
      %mul3A_206 = arith.muli %add3A_204, %mul3A_205 : i32
      %add3A_207 = arith.addi %mul3A_2, %mul3A_206 : i32
      %gt3A_208 = arith.constant 0 : i32
      %gt3A_209 = arith.cmpi sgt, %scan3A_113, %gt3A_208 : i32
      %convert_element_type3A_210 = arith.extui %gt3A_209 : i1 to i32
      %cond3A_211 = arith.constant 0 : i32
      %cond3A_212 = arith.cmpi ne, %convert_element_type3A_210, %cond3A_211 : i32
      scf.if %cond3A_212 {
        %dma_wait3A_293 = arith.constant 0 : i32
        %dma_wait3A_294 = arith.constant 0 : i32
        %dma_wait3A_295 = arith.constant 0 : i32
        %dma_wait3A_296 = tpu.memref_slice %arg7[%dma_wait3A_293, %dma_wait3A_294, %dma_wait3A_295] : memref<4096x200x64xf32, #tpu.memory_space<hbm>> -> memref<1x200x64xf32, #tpu.memory_space<hbm>>
        %dma_wait3A_297 = tpu.memref_squeeze %dma_wait3A_296 : memref<1x200x64xf32, #tpu.memory_space<hbm>> -> memref<200x64xf32, #tpu.memory_space<hbm>>
        %dma_wait3A_298 = arith.constant 0 : i32
        %dma_wait3A_299 = arith.constant 0 : i32
        %dma_wait3A_300 = tpu.memref_slice %arg7[%dma_wait3A_293, %dma_wait3A_298, %dma_wait3A_299] : memref<4096x200x64xf32, #tpu.memory_space<hbm>> -> memref<1x200x64xf32, #tpu.memory_space<hbm>>
        %dma_wait3A_301 = tpu.memref_squeeze %dma_wait3A_300 : memref<1x200x64xf32, #tpu.memory_space<hbm>> -> memref<200x64xf32, #tpu.memory_space<hbm>>
        tpu.wait_dma2 semaphore(%arg37 : memref<!tpu.dma_semaphore, #tpu.memory_space<semaphore_mem>>) src(%dma_wait3A_301 : memref<200x64xf32, #tpu.memory_space<hbm>>) dst(%arg18 : memref<200x64xf32, #tpu.memory_space<vmem>>)
        %dma_wait3A_302 = arith.constant 0 : i32
        %dma_wait3A_303 = tpu.memref_slice %arg2[%dma_wait3A_302] : memref<819200xi32, #tpu.memory_space<hbm>> -> memref<200xi32, #tpu.memory_space<hbm>>
        %dma_wait3A_304 = arith.constant 0 : i32
        %dma_wait3A_305 = tpu.memref_slice %arg2[%dma_wait3A_304] : memref<819200xi32, #tpu.memory_space<hbm>> -> memref<200xi32, #tpu.memory_space<hbm>>
        tpu.wait_dma2 semaphore(%arg29 : memref<!tpu.dma_semaphore, #tpu.memory_space<semaphore_mem>>) src(%dma_wait3A_305 : memref<200xi32, #tpu.memory_space<hbm>>) dst(%arg10 : memref<200xi32, #tpu.memory_space<vmem>>)
        %dma_wait3A_306 = arith.constant 0 : i32
        %dma_wait3A_307 = tpu.memref_slice %arg2[%dma_wait3A_306] : memref<819200xi32, #tpu.memory_space<hbm>> -> memref<200xi32, #tpu.memory_space<hbm>>
        %dma_wait3A_308 = arith.constant 0 : i32
        %dma_wait3A_309 = tpu.memref_slice %arg2[%dma_wait3A_308] : memref<819200xi32, #tpu.memory_space<hbm>> -> memref<200xi32, #tpu.memory_space<hbm>>
        tpu.wait_dma2 semaphore(%arg29 : memref<!tpu.dma_semaphore, #tpu.memory_space<semaphore_mem>>) src(%dma_wait3A_309 : memref<200xi32, #tpu.memory_space<hbm>>) dst(%arg14 : memref<200xi32, #tpu.memory_space<vmem>>)
      } else {
      }
      %eq3A_213 = arith.constant 0 : i32
      %eq3A_214 = arith.cmpi eq, %scan3A_113, %eq3A_213 : i32
      %convert_element_type3A_215 = arith.extui %eq3A_214 : i1 to i32
      %cond3A_216 = arith.constant 0 : i32
      %cond3A_217 = arith.cmpi ne, %convert_element_type3A_215, %cond3A_216 : i32
      scf.if %cond3A_217 {
        "tpu.region"() ({
          %run_scoped3A = tpu.sem_alloc : memref<!tpu.dma_semaphore, #tpu.memory_space<semaphore_mem>>
          %dma_start3A_293 = tpu.memref_slice %arg2[%add3A_207] : memref<819200xi32, #tpu.memory_space<hbm>> -> memref<200xi32, #tpu.memory_space<hbm>>
          %dma_start3A_294 = tpu.memref_slice %arg2[%add3A_207] : memref<819200xi32, #tpu.memory_space<hbm>> -> memref<200xi32, #tpu.memory_space<hbm>>
          tpu.enqueue_dma source(%dma_start3A_294 : memref<200xi32, #tpu.memory_space<hbm>>) target(%arg10 : memref<200xi32, #tpu.memory_space<vmem>>) target_semaphore(%run_scoped3A : memref<!tpu.dma_semaphore, #tpu.memory_space<semaphore_mem>>)
          %dma_wait3A_295 = tpu.memref_slice %arg2[%add3A_207] : memref<819200xi32, #tpu.memory_space<hbm>> -> memref<200xi32, #tpu.memory_space<hbm>>
          %dma_wait3A_296 = tpu.memref_slice %arg2[%add3A_207] : memref<819200xi32, #tpu.memory_space<hbm>> -> memref<200xi32, #tpu.memory_space<hbm>>
          tpu.wait_dma2 semaphore(%run_scoped3A : memref<!tpu.dma_semaphore, #tpu.memory_space<semaphore_mem>>) src(%dma_wait3A_296 : memref<200xi32, #tpu.memory_space<hbm>>) dst(%arg10 : memref<200xi32, #tpu.memory_space<vmem>>)
          tpu.yield
        }) : () -> ()
        "tpu.region"() ({
          %run_scoped3A = tpu.sem_alloc : memref<!tpu.dma_semaphore, #tpu.memory_space<semaphore_mem>>
          %dma_start3A_293 = tpu.memref_slice %arg3[%add3A_207] : memref<819200xi32, #tpu.memory_space<hbm>> -> memref<200xi32, #tpu.memory_space<hbm>>
          %dma_start3A_294 = tpu.memref_slice %arg3[%add3A_207] : memref<819200xi32, #tpu.memory_space<hbm>> -> memref<200xi32, #tpu.memory_space<hbm>>
          tpu.enqueue_dma source(%dma_start3A_294 : memref<200xi32, #tpu.memory_space<hbm>>) target(%arg14 : memref<200xi32, #tpu.memory_space<vmem>>) target_semaphore(%run_scoped3A : memref<!tpu.dma_semaphore, #tpu.memory_space<semaphore_mem>>)
          %dma_wait3A_295 = tpu.memref_slice %arg3[%add3A_207] : memref<819200xi32, #tpu.memory_space<hbm>> -> memref<200xi32, #tpu.memory_space<hbm>>
          %dma_wait3A_296 = tpu.memref_slice %arg3[%add3A_207] : memref<819200xi32, #tpu.memory_space<hbm>> -> memref<200xi32, #tpu.memory_space<hbm>>
          tpu.wait_dma2 semaphore(%run_scoped3A : memref<!tpu.dma_semaphore, #tpu.memory_space<semaphore_mem>>) src(%dma_wait3A_296 : memref<200xi32, #tpu.memory_space<hbm>>) dst(%arg14 : memref<200xi32, #tpu.memory_space<vmem>>)
          tpu.yield
        }) : () -> ()
      } else {
      }
      %dma_start3A_218 = arith.constant 0 : i32
      %dma_start3A_219 = arith.constant 0 : i32
      %dma_start3A_220 = tpu.memref_slice %arg25[%dma_start3A_218, %dma_start3A_219] : memref<1000x64xf32, #tpu.memory_space<vmem_shared>> -> memref<1000x64xf32, #tpu.memory_space<vmem_shared>>
      tpu.enqueue_indirect_dma source(%dma_start3A_220 : memref<1000x64xf32, #tpu.memory_space<vmem_shared>>) target(%arg18 : memref<200x64xf32, #tpu.memory_space<vmem>>) offsets(%arg10 : memref<200xi32, #tpu.memory_space<vmem>>) semaphore(%arg33 : memref<!tpu.dma_semaphore, #tpu.memory_space<semaphore_mem>>)
      %dma_start3A_221 = arith.constant 0 : i32
      %dma_start3A_222 = arith.constant 0 : i32
      %dma_start3A_223 = tpu.memref_slice %arg26[%dma_start3A_221, %dma_start3A_222] : memref<201x64xf32, #tpu.memory_space<vmem_shared>> -> memref<201x64xf32, #tpu.memory_space<vmem_shared>>
      tpu.enqueue_indirect_dma source(%dma_start3A_223 : memref<201x64xf32, #tpu.memory_space<vmem_shared>>) target(%arg22 : memref<200x64xf32, #tpu.memory_space<vmem>>) offsets(%arg14 : memref<200xi32, #tpu.memory_space<vmem>>) semaphore(%arg33 : memref<!tpu.dma_semaphore, #tpu.memory_space<semaphore_mem>>)
      %sub3A_224 = arith.constant 2 : i32
      %sub3A_225 = arith.subi %add3A_204, %sub3A_224 : i32
      %mul3A_226 = arith.constant 200 : i32
      %mul3A_227 = arith.muli %sub3A_225, %mul3A_226 : i32
      %add3A_228 = arith.addi %mul3A_2, %mul3A_227 : i32
      %mul3A_229 = arith.constant 128 : i32
      %mul3A_230 = arith.muli %add3A, %mul3A_229 : i32
      %add3A_231 = arith.addi %mul3A_230, %sub3A_225 : i32
      %ge3A_232 = arith.constant 0 : i32
      %ge3A_233 = arith.cmpi sge, %sub3A_225, %ge3A_232 : i32
      %convert_element_type3A_234 = arith.extui %ge3A_233 : i1 to i32
      %cond3A_235 = arith.constant 0 : i32
      %cond3A_236 = arith.cmpi ne, %convert_element_type3A_234, %cond3A_235 : i32
      scf.if %cond3A_236 {
        %dma_wait3A_293 = arith.constant 0 : i32
        %dma_wait3A_294 = arith.constant 0 : i32
        %dma_wait3A_295 = arith.constant 0 : i32
        %dma_wait3A_296 = tpu.memref_slice %arg7[%dma_wait3A_293, %dma_wait3A_294, %dma_wait3A_295] : memref<4096x200x64xf32, #tpu.memory_space<hbm>> -> memref<1x200x64xf32, #tpu.memory_space<hbm>>
        %dma_wait3A_297 = tpu.memref_squeeze %dma_wait3A_296 : memref<1x200x64xf32, #tpu.memory_space<hbm>> -> memref<200x64xf32, #tpu.memory_space<hbm>>
        %dma_wait3A_298 = arith.constant 0 : i32
        %dma_wait3A_299 = arith.constant 0 : i32
        %dma_wait3A_300 = tpu.memref_slice %arg7[%dma_wait3A_293, %dma_wait3A_298, %dma_wait3A_299] : memref<4096x200x64xf32, #tpu.memory_space<hbm>> -> memref<1x200x64xf32, #tpu.memory_space<hbm>>
        %dma_wait3A_301 = tpu.memref_squeeze %dma_wait3A_300 : memref<1x200x64xf32, #tpu.memory_space<hbm>> -> memref<200x64xf32, #tpu.memory_space<hbm>>
        tpu.wait_dma2 semaphore(%arg31 : memref<!tpu.dma_semaphore, #tpu.memory_space<semaphore_mem>>) src(%dma_wait3A_301 : memref<200x64xf32, #tpu.memory_space<hbm>>) dst(%arg16 : memref<200x64xf32, #tpu.memory_space<vmem>>)
        %dma_wait3A_302 = arith.constant 0 : i32
        %dma_wait3A_303 = arith.constant 0 : i32
        %dma_wait3A_304 = arith.constant 0 : i32
        %dma_wait3A_305 = tpu.memref_slice %arg7[%dma_wait3A_302, %dma_wait3A_303, %dma_wait3A_304] : memref<4096x200x64xf32, #tpu.memory_space<hbm>> -> memref<1x200x64xf32, #tpu.memory_space<hbm>>
        %dma_wait3A_306 = tpu.memref_squeeze %dma_wait3A_305 : memref<1x200x64xf32, #tpu.memory_space<hbm>> -> memref<200x64xf32, #tpu.memory_space<hbm>>
        %dma_wait3A_307 = arith.constant 0 : i32
        %dma_wait3A_308 = arith.constant 0 : i32
        %dma_wait3A_309 = tpu.memref_slice %arg7[%dma_wait3A_302, %dma_wait3A_307, %dma_wait3A_308] : memref<4096x200x64xf32, #tpu.memory_space<hbm>> -> memref<1x200x64xf32, #tpu.memory_space<hbm>>
        %dma_wait3A_310 = tpu.memref_squeeze %dma_wait3A_309 : memref<1x200x64xf32, #tpu.memory_space<hbm>> -> memref<200x64xf32, #tpu.memory_space<hbm>>
        tpu.wait_dma2 semaphore(%arg31 : memref<!tpu.dma_semaphore, #tpu.memory_space<semaphore_mem>>) src(%dma_wait3A_310 : memref<200x64xf32, #tpu.memory_space<hbm>>) dst(%arg20 : memref<200x64xf32, #tpu.memory_space<vmem>>)
        %scan3A_311 = arith.constant 0 : i32
        %scan3A_312 = arith.constant 50 : i32
        %scan3A_313 = arith.addi %scan3A_311, %scan3A_312 : i32
        %scan3A_314 = arith.constant 1 : i32
        scf.for %scan3A_324 = %scan3A_311 to %scan3A_313 step %scan3A_314  : i32 {
          %mul3A_325 = arith.constant 4 : i32
          %mul3A_326 = arith.muli %scan3A_324, %mul3A_325 : i32
          %add3A_327 = arith.constant 0 : i32
          %add3A_328 = arith.addi %mul3A_326, %add3A_327 : i32
          %get3A = arith.index_cast %add3A_328 : i32 to index
          %get3A_329 = arith.constant 0 : index
          %get3A_330 = tpu.vector_load %arg16[%get3A, %get3A_329] {strides = array<i32>} : memref<200x64xf32, #tpu.memory_space<vmem>>, vector<1x16xf32>,
          %get3A_331 = vector.shape_cast %get3A_330 : vector<1x16xf32> to vector<16xf32>
          %get3A_332 = arith.index_cast %add3A_328 : i32 to index
          %get3A_333 = arith.constant 0 : index
          %get3A_334 = tpu.vector_load %arg20[%get3A_332, %get3A_333] {strides = array<i32>} : memref<200x64xf32, #tpu.memory_space<vmem>>, vector<1x16xf32>,
          %get3A_335 = vector.shape_cast %get3A_334 : vector<1x16xf32> to vector<16xf32>
          %add3A_336 = arith.addf %get3A_331, %get3A_335 : vector<16xf32>
          %get3A_337 = arith.index_cast %add3A_328 : i32 to index
          %get3A_338 = arith.constant 0 : index
          %get3A_339 = tpu.vector_load %arg24[%get3A_337, %get3A_338] {strides = array<i32>} : memref<200x64xf32, #tpu.memory_space<vmem>>, vector<1x16xf32>,
          %get3A_340 = vector.shape_cast %get3A_339 : vector<1x16xf32> to vector<16xf32>
          %add3A_341 = arith.addf %add3A_336, %get3A_340 : vector<16xf32>
          %swap3A = arith.index_cast %add3A_328 : i32 to index
          %swap3A_342 = arith.constant 0 : index
          %swap3A_343 = tpu.vector_load %arg16[%swap3A, %swap3A_342] {strides = array<i32>} : memref<200x64xf32, #tpu.memory_space<vmem>>, vector<1x16xf32>,
          %swap3A_344 = vector.shape_cast %swap3A_343 : vector<1x16xf32> to vector<16xf32>
          %swap3A_345 = vector.shape_cast %add3A_341 : vector<16xf32> to vector<1x16xf32>
          tpu.vector_store %arg16[%swap3A, %swap3A_342], %swap3A_345 {strides = array<i32>} : memref<200x64xf32, #tpu.memory_space<vmem>>, vector<1x16xf32>,
          %get3A_346 = arith.index_cast %add3A_328 : i32 to index
          %get3A_347 = arith.constant 16 : index
          %get3A_348 = tpu.vector_load %arg16[%get3A_346, %get3A_347] {strides = array<i32>} : memref<200x64xf32, #tpu.memory_space<vmem>>, vector<1x16xf32>,
          %get3A_349 = vector.shape_cast %get3A_348 : vector<1x16xf32> to vector<16xf32>
          %get3A_350 = arith.index_cast %add3A_328 : i32 to index
          %get3A_351 = arith.constant 16 : index
          %get3A_352 = tpu.vector_load %arg20[%get3A_350, %get3A_351] {strides = array<i32>} : memref<200x64xf32, #tpu.memory_space<vmem>>, vector<1x16xf32>,
          %get3A_353 = vector.shape_cast %get3A_352 : vector<1x16xf32> to vector<16xf32>
          %add3A_354 = arith.addf %get3A_349, %get3A_353 : vector<16xf32>
          %get3A_355 = arith.index_cast %add3A_328 : i32 to index
          %get3A_356 = arith.constant 16 : index
          %get3A_357 = tpu.vector_load %arg24[%get3A_355, %get3A_356] {strides = array<i32>} : memref<200x64xf32, #tpu.memory_space<vmem>>, vector<1x16xf32>,
          %get3A_358 = vector.shape_cast %get3A_357 : vector<1x16xf32> to vector<16xf32>
          %add3A_359 = arith.addf %add3A_354, %get3A_358 : vector<16xf32>
          %swap3A_360 = arith.index_cast %add3A_328 : i32 to index
          %swap3A_361 = arith.constant 16 : index
          %swap3A_362 = tpu.vector_load %arg16[%swap3A_360, %swap3A_361] {strides = array<i32>} : memref<200x64xf32, #tpu.memory_space<vmem>>, vector<1x16xf32>,
          %swap3A_363 = vector.shape_cast %swap3A_362 : vector<1x16xf32> to vector<16xf32>
          %swap3A_364 = vector.shape_cast %add3A_359 : vector<16xf32> to vector<1x16xf32>
          tpu.vector_store %arg16[%swap3A_360, %swap3A_361], %swap3A_364 {strides = array<i32>} : memref<200x64xf32, #tpu.memory_space<vmem>>, vector<1x16xf32>,
          %get3A_365 = arith.index_cast %add3A_328 : i32 to index
          %get3A_366 = arith.constant 32 : index
          %get3A_367 = tpu.vector_load %arg16[%get3A_365, %get3A_366] {strides = array<i32>} : memref<200x64xf32, #tpu.memory_space<vmem>>, vector<1x16xf32>,
          %get3A_368 = vector.shape_cast %get3A_367 : vector<1x16xf32> to vector<16xf32>
          %get3A_369 = arith.index_cast %add3A_328 : i32 to index
          %get3A_370 = arith.constant 32 : index
          %get3A_371 = tpu.vector_load %arg20[%get3A_369, %get3A_370] {strides = array<i32>} : memref<200x64xf32, #tpu.memory_space<vmem>>, vector<1x16xf32>,
          %get3A_372 = vector.shape_cast %get3A_371 : vector<1x16xf32> to vector<16xf32>
          %add3A_373 = arith.addf %get3A_368, %get3A_372 : vector<16xf32>
          %get3A_374 = arith.index_cast %add3A_328 : i32 to index
          %get3A_375 = arith.constant 32 : index
          %get3A_376 = tpu.vector_load %arg24[%get3A_374, %get3A_375] {strides = array<i32>} : memref<200x64xf32, #tpu.memory_space<vmem>>, vector<1x16xf32>,
          %get3A_377 = vector.shape_cast %get3A_376 : vector<1x16xf32> to vector<16xf32>
          %add3A_378 = arith.addf %add3A_373, %get3A_377 : vector<16xf32>
          %swap3A_379 = arith.index_cast %add3A_328 : i32 to index
          %swap3A_380 = arith.constant 32 : index
          %swap3A_381 = tpu.vector_load %arg16[%swap3A_379, %swap3A_380] {strides = array<i32>} : memref<200x64xf32, #tpu.memory_space<vmem>>, vector<1x16xf32>,
          %swap3A_382 = vector.shape_cast %swap3A_381 : vector<1x16xf32> to vector<16xf32>
          %swap3A_383 = vector.shape_cast %add3A_378 : vector<16xf32> to vector<1x16xf32>
          tpu.vector_store %arg16[%swap3A_379, %swap3A_380], %swap3A_383 {strides = array<i32>} : memref<200x64xf32, #tpu.memory_space<vmem>>, vector<1x16xf32>,
          %get3A_384 = arith.index_cast %add3A_328 : i32 to index
          %get3A_385 = arith.constant 48 : index
          %get3A_386 = tpu.vector_load %arg16[%get3A_384, %get3A_385] {strides = array<i32>} : memref<200x64xf32, #tpu.memory_space<vmem>>, vector<1x16xf32>,
          %get3A_387 = vector.shape_cast %get3A_386 : vector<1x16xf32> to vector<16xf32>
          %get3A_388 = arith.index_cast %add3A_328 : i32 to index
          %get3A_389 = arith.constant 48 : index
          %get3A_390 = tpu.vector_load %arg20[%get3A_388, %get3A_389] {strides = array<i32>} : memref<200x64xf32, #tpu.memory_space<vmem>>, vector<1x16xf32>,
          %get3A_391 = vector.shape_cast %get3A_390 : vector<1x16xf32> to vector<16xf32>
          %add3A_392 = arith.addf %get3A_387, %get3A_391 : vector<16xf32>
          %get3A_393 = arith.index_cast %add3A_328 : i32 to index
          %get3A_394 = arith.constant 48 : index
          %get3A_395 = tpu.vector_load %arg24[%get3A_393, %get3A_394] {strides = array<i32>} : memref<200x64xf32, #tpu.memory_space<vmem>>, vector<1x16xf32>,
          %get3A_396 = vector.shape_cast %get3A_395 : vector<1x16xf32> to vector<16xf32>
          %add3A_397 = arith.addf %add3A_392, %get3A_396 : vector<16xf32>
          %swap3A_398 = arith.index_cast %add3A_328 : i32 to index
          %swap3A_399 = arith.constant 48 : index
          %swap3A_400 = tpu.vector_load %arg16[%swap3A_398, %swap3A_399] {strides = array<i32>} : memref<200x64xf32, #tpu.memory_space<vmem>>, vector<1x16xf32>,
          %swap3A_401 = vector.shape_cast %swap3A_400 : vector<1x16xf32> to vector<16xf32>
          %swap3A_402 = vector.shape_cast %add3A_397 : vector<16xf32> to vector<1x16xf32>
          tpu.vector_store %arg16[%swap3A_398, %swap3A_399], %swap3A_402 {strides = array<i32>} : memref<200x64xf32, #tpu.memory_space<vmem>>, vector<1x16xf32>,
          %mul3A_403 = arith.constant 4 : i32
          %mul3A_404 = arith.muli %scan3A_324, %mul3A_403 : i32
          %add3A_405 = arith.constant 1 : i32
          %add3A_406 = arith.addi %mul3A_404, %add3A_405 : i32
          %get3A_407 = arith.index_cast %add3A_406 : i32 to index
          %get3A_408 = arith.constant 0 : index
          %get3A_409 = tpu.vector_load %arg16[%get3A_407, %get3A_408] {strides = array<i32>} : memref<200x64xf32, #tpu.memory_space<vmem>>, vector<1x16xf32>,
          %get3A_410 = vector.shape_cast %get3A_409 : vector<1x16xf32> to vector<16xf32>
          %get3A_411 = arith.index_cast %add3A_406 : i32 to index
          %get3A_412 = arith.constant 0 : index
          %get3A_413 = tpu.vector_load %arg20[%get3A_411, %get3A_412] {strides = array<i32>} : memref<200x64xf32, #tpu.memory_space<vmem>>, vector<1x16xf32>,
          %get3A_414 = vector.shape_cast %get3A_413 : vector<1x16xf32> to vector<16xf32>
          %add3A_415 = arith.addf %get3A_410, %get3A_414 : vector<16xf32>
          %get3A_416 = arith.index_cast %add3A_406 : i32 to index
          %get3A_417 = arith.constant 0 : index
          %get3A_418 = tpu.vector_load %arg24[%get3A_416, %get3A_417] {strides = array<i32>} : memref<200x64xf32, #tpu.memory_space<vmem>>, vector<1x16xf32>,
          %get3A_419 = vector.shape_cast %get3A_418 : vector<1x16xf32> to vector<16xf32>
          %add3A_420 = arith.addf %add3A_415, %get3A_419 : vector<16xf32>
          %swap3A_421 = arith.index_cast %add3A_406 : i32 to index
          %swap3A_422 = arith.constant 0 : index
          %swap3A_423 = tpu.vector_load %arg16[%swap3A_421, %swap3A_422] {strides = array<i32>} : memref<200x64xf32, #tpu.memory_space<vmem>>, vector<1x16xf32>,
          %swap3A_424 = vector.shape_cast %swap3A_423 : vector<1x16xf32> to vector<16xf32>
          %swap3A_425 = vector.shape_cast %add3A_420 : vector<16xf32> to vector<1x16xf32>
          tpu.vector_store %arg16[%swap3A_421, %swap3A_422], %swap3A_425 {strides = array<i32>} : memref<200x64xf32, #tpu.memory_space<vmem>>, vector<1x16xf32>,
          %get3A_426 = arith.index_cast %add3A_406 : i32 to index
          %get3A_427 = arith.constant 16 : index
          %get3A_428 = tpu.vector_load %arg16[%get3A_426, %get3A_427] {strides = array<i32>} : memref<200x64xf32, #tpu.memory_space<vmem>>, vector<1x16xf32>,
          %get3A_429 = vector.shape_cast %get3A_428 : vector<1x16xf32> to vector<16xf32>
          %get3A_430 = arith.index_cast %add3A_406 : i32 to index
          %get3A_431 = arith.constant 16 : index
          %get3A_432 = tpu.vector_load %arg20[%get3A_430, %get3A_431] {strides = array<i32>} : memref<200x64xf32, #tpu.memory_space<vmem>>, vector<1x16xf32>,
          %get3A_433 = vector.shape_cast %get3A_432 : vector<1x16xf32> to vector<16xf32>
          %add3A_434 = arith.addf %get3A_429, %get3A_433 : vector<16xf32>
          %get3A_435 = arith.index_cast %add3A_406 : i32 to index
          %get3A_436 = arith.constant 16 : index
          %get3A_437 = tpu.vector_load %arg24[%get3A_435, %get3A_436] {strides = array<i32>} : memref<200x64xf32, #tpu.memory_space<vmem>>, vector<1x16xf32>,
          %get3A_438 = vector.shape_cast %get3A_437 : vector<1x16xf32> to vector<16xf32>
          %add3A_439 = arith.addf %add3A_434, %get3A_438 : vector<16xf32>
          %swap3A_440 = arith.index_cast %add3A_406 : i32 to index
          %swap3A_441 = arith.constant 16 : index
          %swap3A_442 = tpu.vector_load %arg16[%swap3A_440, %swap3A_441] {strides = array<i32>} : memref<200x64xf32, #tpu.memory_space<vmem>>, vector<1x16xf32>,
          %swap3A_443 = vector.shape_cast %swap3A_442 : vector<1x16xf32> to vector<16xf32>
          %swap3A_444 = vector.shape_cast %add3A_439 : vector<16xf32> to vector<1x16xf32>
          tpu.vector_store %arg16[%swap3A_440, %swap3A_441], %swap3A_444 {strides = array<i32>} : memref<200x64xf32, #tpu.memory_space<vmem>>, vector<1x16xf32>,
          %get3A_445 = arith.index_cast %add3A_406 : i32 to index
          %get3A_446 = arith.constant 32 : index
          %get3A_447 = tpu.vector_load %arg16[%get3A_445, %get3A_446] {strides = array<i32>} : memref<200x64xf32, #tpu.memory_space<vmem>>, vector<1x16xf32>,
          %get3A_448 = vector.shape_cast %get3A_447 : vector<1x16xf32> to vector<16xf32>
          %get3A_449 = arith.index_cast %add3A_406 : i32 to index
          %get3A_450 = arith.constant 32 : index
          %get3A_451 = tpu.vector_load %arg20[%get3A_449, %get3A_450] {strides = array<i32>} : memref<200x64xf32, #tpu.memory_space<vmem>>, vector<1x16xf32>,
          %get3A_452 = vector.shape_cast %get3A_451 : vector<1x16xf32> to vector<16xf32>
          %add3A_453 = arith.addf %get3A_448, %get3A_452 : vector<16xf32>
          %get3A_454 = arith.index_cast %add3A_406 : i32 to index
          %get3A_455 = arith.constant 32 : index
          %get3A_456 = tpu.vector_load %arg24[%get3A_454, %get3A_455] {strides = array<i32>} : memref<200x64xf32, #tpu.memory_space<vmem>>, vector<1x16xf32>,
          %get3A_457 = vector.shape_cast %get3A_456 : vector<1x16xf32> to vector<16xf32>
          %add3A_458 = arith.addf %add3A_453, %get3A_457 : vector<16xf32>
          %swap3A_459 = arith.index_cast %add3A_406 : i32 to index
          %swap3A_460 = arith.constant 32 : index
          %swap3A_461 = tpu.vector_load %arg16[%swap3A_459, %swap3A_460] {strides = array<i32>} : memref<200x64xf32, #tpu.memory_space<vmem>>, vector<1x16xf32>,
          %swap3A_462 = vector.shape_cast %swap3A_461 : vector<1x16xf32> to vector<16xf32>
          %swap3A_463 = vector.shape_cast %add3A_458 : vector<16xf32> to vector<1x16xf32>
          tpu.vector_store %arg16[%swap3A_459, %swap3A_460], %swap3A_463 {strides = array<i32>} : memref<200x64xf32, #tpu.memory_space<vmem>>, vector<1x16xf32>,
          %get3A_464 = arith.index_cast %add3A_406 : i32 to index
          %get3A_465 = arith.constant 48 : index
          %get3A_466 = tpu.vector_load %arg16[%get3A_464, %get3A_465] {strides = array<i32>} : memref<200x64xf32, #tpu.memory_space<vmem>>, vector<1x16xf32>,
          %get3A_467 = vector.shape_cast %get3A_466 : vector<1x16xf32> to vector<16xf32>
          %get3A_468 = arith.index_cast %add3A_406 : i32 to index
          %get3A_469 = arith.constant 48 : index
          %get3A_470 = tpu.vector_load %arg20[%get3A_468, %get3A_469] {strides = array<i32>} : memref<200x64xf32, #tpu.memory_space<vmem>>, vector<1x16xf32>,
          %get3A_471 = vector.shape_cast %get3A_470 : vector<1x16xf32> to vector<16xf32>
          %add3A_472 = arith.addf %get3A_467, %get3A_471 : vector<16xf32>
          %get3A_473 = arith.index_cast %add3A_406 : i32 to index
          %get3A_474 = arith.constant 48 : index
          %get3A_475 = tpu.vector_load %arg24[%get3A_473, %get3A_474] {strides = array<i32>} : memref<200x64xf32, #tpu.memory_space<vmem>>, vector<1x16xf32>,
          %get3A_476 = vector.shape_cast %get3A_475 : vector<1x16xf32> to vector<16xf32>
          %add3A_477 = arith.addf %add3A_472, %get3A_476 : vector<16xf32>
          %swap3A_478 = arith.index_cast %add3A_406 : i32 to index
          %swap3A_479 = arith.constant 48 : index
          %swap3A_480 = tpu.vector_load %arg16[%swap3A_478, %swap3A_479] {strides = array<i32>} : memref<200x64xf32, #tpu.memory_space<vmem>>, vector<1x16xf32>,
          %swap3A_481 = vector.shape_cast %swap3A_480 : vector<1x16xf32> to vector<16xf32>
          %swap3A_482 = vector.shape_cast %add3A_477 : vector<16xf32> to vector<1x16xf32>
          tpu.vector_store %arg16[%swap3A_478, %swap3A_479], %swap3A_482 {strides = array<i32>} : memref<200x64xf32, #tpu.memory_space<vmem>>, vector<1x16xf32>,
          %mul3A_483 = arith.constant 4 : i32
          %mul3A_484 = arith.muli %scan3A_324, %mul3A_483 : i32
          %add3A_485 = arith.constant 2 : i32
          %add3A_486 = arith.addi %mul3A_484, %add3A_485 : i32
          %get3A_487 = arith.index_cast %add3A_486 : i32 to index
          %get3A_488 = arith.constant 0 : index
          %get3A_489 = tpu.vector_load %arg16[%get3A_487, %get3A_488] {strides = array<i32>} : memref<200x64xf32, #tpu.memory_space<vmem>>, vector<1x16xf32>,
          %get3A_490 = vector.shape_cast %get3A_489 : vector<1x16xf32> to vector<16xf32>
          %get3A_491 = arith.index_cast %add3A_486 : i32 to index
          %get3A_492 = arith.constant 0 : index
          %get3A_493 = tpu.vector_load %arg20[%get3A_491, %get3A_492] {strides = array<i32>} : memref<200x64xf32, #tpu.memory_space<vmem>>, vector<1x16xf32>,
          %get3A_494 = vector.shape_cast %get3A_493 : vector<1x16xf32> to vector<16xf32>
          %add3A_495 = arith.addf %get3A_490, %get3A_494 : vector<16xf32>
          %get3A_496 = arith.index_cast %add3A_486 : i32 to index
          %get3A_497 = arith.constant 0 : index
          %get3A_498 = tpu.vector_load %arg24[%get3A_496, %get3A_497] {strides = array<i32>} : memref<200x64xf32, #tpu.memory_space<vmem>>, vector<1x16xf32>,
          %get3A_499 = vector.shape_cast %get3A_498 : vector<1x16xf32> to vector<16xf32>
          %add3A_500 = arith.addf %add3A_495, %get3A_499 : vector<16xf32>
          %swap3A_501 = arith.index_cast %add3A_486 : i32 to index
          %swap3A_502 = arith.constant 0 : index
          %swap3A_503 = tpu.vector_load %arg16[%swap3A_501, %swap3A_502] {strides = array<i32>} : memref<200x64xf32, #tpu.memory_space<vmem>>, vector<1x16xf32>,
          %swap3A_504 = vector.shape_cast %swap3A_503 : vector<1x16xf32> to vector<16xf32>
          %swap3A_505 = vector.shape_cast %add3A_500 : vector<16xf32> to vector<1x16xf32>
          tpu.vector_store %arg16[%swap3A_501, %swap3A_502], %swap3A_505 {strides = array<i32>} : memref<200x64xf32, #tpu.memory_space<vmem>>, vector<1x16xf32>,
          %get3A_506 = arith.index_cast %add3A_486 : i32 to index
          %get3A_507 = arith.constant 16 : index
          %get3A_508 = tpu.vector_load %arg16[%get3A_506, %get3A_507] {strides = array<i32>} : memref<200x64xf32, #tpu.memory_space<vmem>>, vector<1x16xf32>,
          %get3A_509 = vector.shape_cast %get3A_508 : vector<1x16xf32> to vector<16xf32>
          %get3A_510 = arith.index_cast %add3A_486 : i32 to index
          %get3A_511 = arith.constant 16 : index
          %get3A_512 = tpu.vector_load %arg20[%get3A_510, %get3A_511] {strides = array<i32>} : memref<200x64xf32, #tpu.memory_space<vmem>>, vector<1x16xf32>,
          %get3A_513 = vector.shape_cast %get3A_512 : vector<1x16xf32> to vector<16xf32>
          %add3A_514 = arith.addf %get3A_509, %get3A_513 : vector<16xf32>
          %get3A_515 = arith.index_cast %add3A_486 : i32 to index
          %get3A_516 = arith.constant 16 : index
          %get3A_517 = tpu.vector_load %arg24[%get3A_515, %get3A_516] {strides = array<i32>} : memref<200x64xf32, #tpu.memory_space<vmem>>, vector<1x16xf32>,
          %get3A_518 = vector.shape_cast %get3A_517 : vector<1x16xf32> to vector<16xf32>
          %add3A_519 = arith.addf %add3A_514, %get3A_518 : vector<16xf32>
          %swap3A_520 = arith.index_cast %add3A_486 : i32 to index
          %swap3A_521 = arith.constant 16 : index
          %swap3A_522 = tpu.vector_load %arg16[%swap3A_520, %swap3A_521] {strides = array<i32>} : memref<200x64xf32, #tpu.memory_space<vmem>>, vector<1x16xf32>,
          %swap3A_523 = vector.shape_cast %swap3A_522 : vector<1x16xf32> to vector<16xf32>
          %swap3A_524 = vector.shape_cast %add3A_519 : vector<16xf32> to vector<1x16xf32>
          tpu.vector_store %arg16[%swap3A_520, %swap3A_521], %swap3A_524 {strides = array<i32>} : memref<200x64xf32, #tpu.memory_space<vmem>>, vector<1x16xf32>,
          %get3A_525 = arith.index_cast %add3A_486 : i32 to index
          %get3A_526 = arith.constant 32 : index
          %get3A_527 = tpu.vector_load %arg16[%get3A_525, %get3A_526] {strides = array<i32>} : memref<200x64xf32, #tpu.memory_space<vmem>>, vector<1x16xf32>,
          %get3A_528 = vector.shape_cast %get3A_527 : vector<1x16xf32> to vector<16xf32>
          %get3A_529 = arith.index_cast %add3A_486 : i32 to index
          %get3A_530 = arith.constant 32 : index
          %get3A_531 = tpu.vector_load %arg20[%get3A_529, %get3A_530] {strides = array<i32>} : memref<200x64xf32, #tpu.memory_space<vmem>>, vector<1x16xf32>,
          %get3A_532 = vector.shape_cast %get3A_531 : vector<1x16xf32> to vector<16xf32>
          %add3A_533 = arith.addf %get3A_528, %get3A_532 : vector<16xf32>
          %get3A_534 = arith.index_cast %add3A_486 : i32 to index
          %get3A_535 = arith.constant 32 : index
          %get3A_536 = tpu.vector_load %arg24[%get3A_534, %get3A_535] {strides = array<i32>} : memref<200x64xf32, #tpu.memory_space<vmem>>, vector<1x16xf32>,
          %get3A_537 = vector.shape_cast %get3A_536 : vector<1x16xf32> to vector<16xf32>
          %add3A_538 = arith.addf %add3A_533, %get3A_537 : vector<16xf32>
          %swap3A_539 = arith.index_cast %add3A_486 : i32 to index
          %swap3A_540 = arith.constant 32 : index
          %swap3A_541 = tpu.vector_load %arg16[%swap3A_539, %swap3A_540] {strides = array<i32>} : memref<200x64xf32, #tpu.memory_space<vmem>>, vector<1x16xf32>,
          %swap3A_542 = vector.shape_cast %swap3A_541 : vector<1x16xf32> to vector<16xf32>
          %swap3A_543 = vector.shape_cast %add3A_538 : vector<16xf32> to vector<1x16xf32>
          tpu.vector_store %arg16[%swap3A_539, %swap3A_540], %swap3A_543 {strides = array<i32>} : memref<200x64xf32, #tpu.memory_space<vmem>>, vector<1x16xf32>,
          %get3A_544 = arith.index_cast %add3A_486 : i32 to index
          %get3A_545 = arith.constant 48 : index
          %get3A_546 = tpu.vector_load %arg16[%get3A_544, %get3A_545] {strides = array<i32>} : memref<200x64xf32, #tpu.memory_space<vmem>>, vector<1x16xf32>,
          %get3A_547 = vector.shape_cast %get3A_546 : vector<1x16xf32> to vector<16xf32>
          %get3A_548 = arith.index_cast %add3A_486 : i32 to index
          %get3A_549 = arith.constant 48 : index
          %get3A_550 = tpu.vector_load %arg20[%get3A_548, %get3A_549] {strides = array<i32>} : memref<200x64xf32, #tpu.memory_space<vmem>>, vector<1x16xf32>,
          %get3A_551 = vector.shape_cast %get3A_550 : vector<1x16xf32> to vector<16xf32>
          %add3A_552 = arith.addf %get3A_547, %get3A_551 : vector<16xf32>
          %get3A_553 = arith.index_cast %add3A_486 : i32 to index
          %get3A_554 = arith.constant 48 : index
          %get3A_555 = tpu.vector_load %arg24[%get3A_553, %get3A_554] {strides = array<i32>} : memref<200x64xf32, #tpu.memory_space<vmem>>, vector<1x16xf32>,
          %get3A_556 = vector.shape_cast %get3A_555 : vector<1x16xf32> to vector<16xf32>
          %add3A_557 = arith.addf %add3A_552, %get3A_556 : vector<16xf32>
          %swap3A_558 = arith.index_cast %add3A_486 : i32 to index
          %swap3A_559 = arith.constant 48 : index
          %swap3A_560 = tpu.vector_load %arg16[%swap3A_558, %swap3A_559] {strides = array<i32>} : memref<200x64xf32, #tpu.memory_space<vmem>>, vector<1x16xf32>,
          %swap3A_561 = vector.shape_cast %swap3A_560 : vector<1x16xf32> to vector<16xf32>
          %swap3A_562 = vector.shape_cast %add3A_557 : vector<16xf32> to vector<1x16xf32>
          tpu.vector_store %arg16[%swap3A_558, %swap3A_559], %swap3A_562 {strides = array<i32>} : memref<200x64xf32, #tpu.memory_space<vmem>>, vector<1x16xf32>,
          %mul3A_563 = arith.constant 4 : i32
          %mul3A_564 = arith.muli %scan3A_324, %mul3A_563 : i32
          %add3A_565 = arith.constant 3 : i32
          %add3A_566 = arith.addi %mul3A_564, %add3A_565 : i32
          %get3A_567 = arith.index_cast %add3A_566 : i32 to index
          %get3A_568 = arith.constant 0 : index
          %get3A_569 = tpu.vector_load %arg16[%get3A_567, %get3A_568] {strides = array<i32>} : memref<200x64xf32, #tpu.memory_space<vmem>>, vector<1x16xf32>,
          %get3A_570 = vector.shape_cast %get3A_569 : vector<1x16xf32> to vector<16xf32>
          %get3A_571 = arith.index_cast %add3A_566 : i32 to index
          %get3A_572 = arith.constant 0 : index
          %get3A_573 = tpu.vector_load %arg20[%get3A_571, %get3A_572] {strides = array<i32>} : memref<200x64xf32, #tpu.memory_space<vmem>>, vector<1x16xf32>,
          %get3A_574 = vector.shape_cast %get3A_573 : vector<1x16xf32> to vector<16xf32>
          %add3A_575 = arith.addf %get3A_570, %get3A_574 : vector<16xf32>
          %get3A_576 = arith.index_cast %add3A_566 : i32 to index
          %get3A_577 = arith.constant 0 : index
          %get3A_578 = tpu.vector_load %arg24[%get3A_576, %get3A_577] {strides = array<i32>} : memref<200x64xf32, #tpu.memory_space<vmem>>, vector<1x16xf32>,
          %get3A_579 = vector.shape_cast %get3A_578 : vector<1x16xf32> to vector<16xf32>
          %add3A_580 = arith.addf %add3A_575, %get3A_579 : vector<16xf32>
          %swap3A_581 = arith.index_cast %add3A_566 : i32 to index
          %swap3A_582 = arith.constant 0 : index
          %swap3A_583 = tpu.vector_load %arg16[%swap3A_581, %swap3A_582] {strides = array<i32>} : memref<200x64xf32, #tpu.memory_space<vmem>>, vector<1x16xf32>,
          %swap3A_584 = vector.shape_cast %swap3A_583 : vector<1x16xf32> to vector<16xf32>
          %swap3A_585 = vector.shape_cast %add3A_580 : vector<16xf32> to vector<1x16xf32>
          tpu.vector_store %arg16[%swap3A_581, %swap3A_582], %swap3A_585 {strides = array<i32>} : memref<200x64xf32, #tpu.memory_space<vmem>>, vector<1x16xf32>,
          %get3A_586 = arith.index_cast %add3A_566 : i32 to index
          %get3A_587 = arith.constant 16 : index
          %get3A_588 = tpu.vector_load %arg16[%get3A_586, %get3A_587] {strides = array<i32>} : memref<200x64xf32, #tpu.memory_space<vmem>>, vector<1x16xf32>,
          %get3A_589 = vector.shape_cast %get3A_588 : vector<1x16xf32> to vector<16xf32>
          %get3A_590 = arith.index_cast %add3A_566 : i32 to index
          %get3A_591 = arith.constant 16 : index
          %get3A_592 = tpu.vector_load %arg20[%get3A_590, %get3A_591] {strides = array<i32>} : memref<200x64xf32, #tpu.memory_space<vmem>>, vector<1x16xf32>,
          %get3A_593 = vector.shape_cast %get3A_592 : vector<1x16xf32> to vector<16xf32>
          %add3A_594 = arith.addf %get3A_589, %get3A_593 : vector<16xf32>
          %get3A_595 = arith.index_cast %add3A_566 : i32 to index
          %get3A_596 = arith.constant 16 : index
          %get3A_597 = tpu.vector_load %arg24[%get3A_595, %get3A_596] {strides = array<i32>} : memref<200x64xf32, #tpu.memory_space<vmem>>, vector<1x16xf32>,
          %get3A_598 = vector.shape_cast %get3A_597 : vector<1x16xf32> to vector<16xf32>
          %add3A_599 = arith.addf %add3A_594, %get3A_598 : vector<16xf32>
          %swap3A_600 = arith.index_cast %add3A_566 : i32 to index
          %swap3A_601 = arith.constant 16 : index
          %swap3A_602 = tpu.vector_load %arg16[%swap3A_600, %swap3A_601] {strides = array<i32>} : memref<200x64xf32, #tpu.memory_space<vmem>>, vector<1x16xf32>,
          %swap3A_603 = vector.shape_cast %swap3A_602 : vector<1x16xf32> to vector<16xf32>
          %swap3A_604 = vector.shape_cast %add3A_599 : vector<16xf32> to vector<1x16xf32>
          tpu.vector_store %arg16[%swap3A_600, %swap3A_601], %swap3A_604 {strides = array<i32>} : memref<200x64xf32, #tpu.memory_space<vmem>>, vector<1x16xf32>,
          %get3A_605 = arith.index_cast %add3A_566 : i32 to index
          %get3A_606 = arith.constant 32 : index
          %get3A_607 = tpu.vector_load %arg16[%get3A_605, %get3A_606] {strides = array<i32>} : memref<200x64xf32, #tpu.memory_space<vmem>>, vector<1x16xf32>,
          %get3A_608 = vector.shape_cast %get3A_607 : vector<1x16xf32> to vector<16xf32>
          %get3A_609 = arith.index_cast %add3A_566 : i32 to index
          %get3A_610 = arith.constant 32 : index
          %get3A_611 = tpu.vector_load %arg20[%get3A_609, %get3A_610] {strides = array<i32>} : memref<200x64xf32, #tpu.memory_space<vmem>>, vector<1x16xf32>,
          %get3A_612 = vector.shape_cast %get3A_611 : vector<1x16xf32> to vector<16xf32>
          %add3A_613 = arith.addf %get3A_608, %get3A_612 : vector<16xf32>
          %get3A_614 = arith.index_cast %add3A_566 : i32 to index
          %get3A_615 = arith.constant 32 : index
          %get3A_616 = tpu.vector_load %arg24[%get3A_614, %get3A_615] {strides = array<i32>} : memref<200x64xf32, #tpu.memory_space<vmem>>, vector<1x16xf32>,
          %get3A_617 = vector.shape_cast %get3A_616 : vector<1x16xf32> to vector<16xf32>
          %add3A_618 = arith.addf %add3A_613, %get3A_617 : vector<16xf32>
          %swap3A_619 = arith.index_cast %add3A_566 : i32 to index
          %swap3A_620 = arith.constant 32 : index
          %swap3A_621 = tpu.vector_load %arg16[%swap3A_619, %swap3A_620] {strides = array<i32>} : memref<200x64xf32, #tpu.memory_space<vmem>>, vector<1x16xf32>,
          %swap3A_622 = vector.shape_cast %swap3A_621 : vector<1x16xf32> to vector<16xf32>
          %swap3A_623 = vector.shape_cast %add3A_618 : vector<16xf32> to vector<1x16xf32>
          tpu.vector_store %arg16[%swap3A_619, %swap3A_620], %swap3A_623 {strides = array<i32>} : memref<200x64xf32, #tpu.memory_space<vmem>>, vector<1x16xf32>,
          %get3A_624 = arith.index_cast %add3A_566 : i32 to index
          %get3A_625 = arith.constant 48 : index
          %get3A_626 = tpu.vector_load %arg16[%get3A_624, %get3A_625] {strides = array<i32>} : memref<200x64xf32, #tpu.memory_space<vmem>>, vector<1x16xf32>,
          %get3A_627 = vector.shape_cast %get3A_626 : vector<1x16xf32> to vector<16xf32>
          %get3A_628 = arith.index_cast %add3A_566 : i32 to index
          %get3A_629 = arith.constant 48 : index
          %get3A_630 = tpu.vector_load %arg20[%get3A_628, %get3A_629] {strides = array<i32>} : memref<200x64xf32, #tpu.memory_space<vmem>>, vector<1x16xf32>,
          %get3A_631 = vector.shape_cast %get3A_630 : vector<1x16xf32> to vector<16xf32>
          %add3A_632 = arith.addf %get3A_627, %get3A_631 : vector<16xf32>
          %get3A_633 = arith.index_cast %add3A_566 : i32 to index
          %get3A_634 = arith.constant 48 : index
          %get3A_635 = tpu.vector_load %arg24[%get3A_633, %get3A_634] {strides = array<i32>} : memref<200x64xf32, #tpu.memory_space<vmem>>, vector<1x16xf32>,
          %get3A_636 = vector.shape_cast %get3A_635 : vector<1x16xf32> to vector<16xf32>
          %add3A_637 = arith.addf %add3A_632, %get3A_636 : vector<16xf32>
          %swap3A_638 = arith.index_cast %add3A_566 : i32 to index
          %swap3A_639 = arith.constant 48 : index
          %swap3A_640 = tpu.vector_load %arg16[%swap3A_638, %swap3A_639] {strides = array<i32>} : memref<200x64xf32, #tpu.memory_space<vmem>>, vector<1x16xf32>,
          %swap3A_641 = vector.shape_cast %swap3A_640 : vector<1x16xf32> to vector<16xf32>
          %swap3A_642 = vector.shape_cast %add3A_637 : vector<16xf32> to vector<1x16xf32>
          tpu.vector_store %arg16[%swap3A_638, %swap3A_639], %swap3A_642 {strides = array<i32>} : memref<200x64xf32, #tpu.memory_space<vmem>>, vector<1x16xf32>,
        }
        %scan3A_315 = arith.constant 50 : i32
        %dma_start3A_316 = arith.constant 0 : i32
        %dma_start3A_317 = arith.constant 0 : i32
        %dma_start3A_318 = tpu.memref_slice %arg7[%add3A_231, %dma_start3A_316, %dma_start3A_317] : memref<4096x200x64xf32, #tpu.memory_space<hbm>> -> memref<1x200x64xf32, #tpu.memory_space<hbm>>
        %dma_start3A_319 = tpu.memref_squeeze %dma_start3A_318 : memref<1x200x64xf32, #tpu.memory_space<hbm>> -> memref<200x64xf32, #tpu.memory_space<hbm>>
        %dma_start3A_320 = arith.constant 0 : i32
        %dma_start3A_321 = arith.constant 0 : i32
        %dma_start3A_322 = tpu.memref_slice %arg7[%add3A_231, %dma_start3A_320, %dma_start3A_321] : memref<4096x200x64xf32, #tpu.memory_space<hbm>> -> memref<1x200x64xf32, #tpu.memory_space<hbm>>
        %dma_start3A_323 = tpu.memref_squeeze %dma_start3A_322 : memref<1x200x64xf32, #tpu.memory_space<hbm>> -> memref<200x64xf32, #tpu.memory_space<hbm>>
        tpu.enqueue_dma source(%arg16 : memref<200x64xf32, #tpu.memory_space<vmem>>) target(%dma_start3A_323 : memref<200x64xf32, #tpu.memory_space<hbm>>) target_semaphore(%arg35 : memref<!tpu.dma_semaphore, #tpu.memory_space<semaphore_mem>>)
      } else {
      }
      %ge3A_237 = arith.constant 0 : i32
      %ge3A_238 = arith.cmpi sge, %sub3A_225, %ge3A_237 : i32
      %add3A_239 = arith.constant 4 : i32
      %add3A_240 = arith.addi %sub3A_225, %add3A_239 : i32
      %lt3A_241 = arith.constant 128 : i32
      %lt3A_242 = arith.cmpi slt, %add3A_240, %lt3A_241 : i32
      %and3A_243 = arith.andi %ge3A_238, %lt3A_242 : i1
      %convert_element_type3A_244 = arith.extui %and3A_243 : i1 to i32
      %cond3A_245 = arith.constant 0 : i32
      %cond3A_246 = arith.cmpi ne, %convert_element_type3A_244, %cond3A_245 : i32
      scf.if %cond3A_246 {
        %add3A_293 = arith.constant 800 : i32
        %add3A_294 = arith.addi %add3A_228, %add3A_293 : i32
        %dma_start3A_295 = tpu.memref_slice %arg2[%add3A_294] : memref<819200xi32, #tpu.memory_space<hbm>> -> memref<200xi32, #tpu.memory_space<hbm>>
        %dma_start3A_296 = tpu.memref_slice %arg2[%add3A_294] : memref<819200xi32, #tpu.memory_space<hbm>> -> memref<200xi32, #tpu.memory_space<hbm>>
        tpu.enqueue_dma source(%dma_start3A_296 : memref<200xi32, #tpu.memory_space<hbm>>) target(%arg8 : memref<200xi32, #tpu.memory_space<vmem>>) target_semaphore(%arg27 : memref<!tpu.dma_semaphore, #tpu.memory_space<semaphore_mem>>)
        %dma_start3A_297 = tpu.memref_slice %arg3[%add3A_294] : memref<819200xi32, #tpu.memory_space<hbm>> -> memref<200xi32, #tpu.memory_space<hbm>>
        %dma_start3A_298 = tpu.memref_slice %arg3[%add3A_294] : memref<819200xi32, #tpu.memory_space<hbm>> -> memref<200xi32, #tpu.memory_space<hbm>>
        tpu.enqueue_dma source(%dma_start3A_298 : memref<200xi32, #tpu.memory_space<hbm>>) target(%arg12 : memref<200xi32, #tpu.memory_space<vmem>>) target_semaphore(%arg27 : memref<!tpu.dma_semaphore, #tpu.memory_space<semaphore_mem>>)
      } else {
      }
      %mul3A_247 = arith.constant 4 : i32
      %mul3A_248 = arith.muli %scan3A_113, %mul3A_247 : i32
      %add3A_249 = arith.constant 3 : i32
      %add3A_250 = arith.addi %mul3A_248, %add3A_249 : i32
      %mul3A_251 = arith.constant 200 : i32
      %mul3A_252 = arith.muli %add3A_250, %mul3A_251 : i32
      %add3A_253 = arith.addi %mul3A_2, %mul3A_252 : i32
      %gt3A_254 = arith.constant 0 : i32
      %gt3A_255 = arith.cmpi sgt, %scan3A_113, %gt3A_254 : i32
      %convert_element_type3A_256 = arith.extui %gt3A_255 : i1 to i32
      %cond3A_257 = arith.constant 0 : i32
      %cond3A_258 = arith.cmpi ne, %convert_element_type3A_256, %cond3A_257 : i32
      scf.if %cond3A_258 {
        %dma_wait3A_293 = arith.constant 0 : i32
        %dma_wait3A_294 = arith.constant 0 : i32
        %dma_wait3A_295 = arith.constant 0 : i32
        %dma_wait3A_296 = tpu.memref_slice %arg7[%dma_wait3A_293, %dma_wait3A_294, %dma_wait3A_295] : memref<4096x200x64xf32, #tpu.memory_space<hbm>> -> memref<1x200x64xf32, #tpu.memory_space<hbm>>
        %dma_wait3A_297 = tpu.memref_squeeze %dma_wait3A_296 : memref<1x200x64xf32, #tpu.memory_space<hbm>> -> memref<200x64xf32, #tpu.memory_space<hbm>>
        %dma_wait3A_298 = arith.constant 0 : i32
        %dma_wait3A_299 = arith.constant 0 : i32
        %dma_wait3A_300 = tpu.memref_slice %arg7[%dma_wait3A_293, %dma_wait3A_298, %dma_wait3A_299] : memref<4096x200x64xf32, #tpu.memory_space<hbm>> -> memref<1x200x64xf32, #tpu.memory_space<hbm>>
        %dma_wait3A_301 = tpu.memref_squeeze %dma_wait3A_300 : memref<1x200x64xf32, #tpu.memory_space<hbm>> -> memref<200x64xf32, #tpu.memory_space<hbm>>
        tpu.wait_dma2 semaphore(%arg38 : memref<!tpu.dma_semaphore, #tpu.memory_space<semaphore_mem>>) src(%dma_wait3A_301 : memref<200x64xf32, #tpu.memory_space<hbm>>) dst(%arg19 : memref<200x64xf32, #tpu.memory_space<vmem>>)
        %dma_wait3A_302 = arith.constant 0 : i32
        %dma_wait3A_303 = tpu.memref_slice %arg2[%dma_wait3A_302] : memref<819200xi32, #tpu.memory_space<hbm>> -> memref<200xi32, #tpu.memory_space<hbm>>
        %dma_wait3A_304 = arith.constant 0 : i32
        %dma_wait3A_305 = tpu.memref_slice %arg2[%dma_wait3A_304] : memref<819200xi32, #tpu.memory_space<hbm>> -> memref<200xi32, #tpu.memory_space<hbm>>
        tpu.wait_dma2 semaphore(%arg30 : memref<!tpu.dma_semaphore, #tpu.memory_space<semaphore_mem>>) src(%dma_wait3A_305 : memref<200xi32, #tpu.memory_space<hbm>>) dst(%arg11 : memref<200xi32, #tpu.memory_space<vmem>>)
        %dma_wait3A_306 = arith.constant 0 : i32
        %dma_wait3A_307 = tpu.memref_slice %arg2[%dma_wait3A_306] : memref<819200xi32, #tpu.memory_space<hbm>> -> memref<200xi32, #tpu.memory_space<hbm>>
        %dma_wait3A_308 = arith.constant 0 : i32
        %dma_wait3A_309 = tpu.memref_slice %arg2[%dma_wait3A_308] : memref<819200xi32, #tpu.memory_space<hbm>> -> memref<200xi32, #tpu.memory_space<hbm>>
        tpu.wait_dma2 semaphore(%arg30 : memref<!tpu.dma_semaphore, #tpu.memory_space<semaphore_mem>>) src(%dma_wait3A_309 : memref<200xi32, #tpu.memory_space<hbm>>) dst(%arg15 : memref<200xi32, #tpu.memory_space<vmem>>)
      } else {
      }
      %eq3A_259 = arith.constant 0 : i32
      %eq3A_260 = arith.cmpi eq, %scan3A_113, %eq3A_259 : i32
      %convert_element_type3A_261 = arith.extui %eq3A_260 : i1 to i32
      %cond3A_262 = arith.constant 0 : i32
      %cond3A_263 = arith.cmpi ne, %convert_element_type3A_261, %cond3A_262 : i32
      scf.if %cond3A_263 {
        "tpu.region"() ({
          %run_scoped3A = tpu.sem_alloc : memref<!tpu.dma_semaphore, #tpu.memory_space<semaphore_mem>>
          %dma_start3A_293 = tpu.memref_slice %arg2[%add3A_253] : memref<819200xi32, #tpu.memory_space<hbm>> -> memref<200xi32, #tpu.memory_space<hbm>>
          %dma_start3A_294 = tpu.memref_slice %arg2[%add3A_253] : memref<819200xi32, #tpu.memory_space<hbm>> -> memref<200xi32, #tpu.memory_space<hbm>>
          tpu.enqueue_dma source(%dma_start3A_294 : memref<200xi32, #tpu.memory_space<hbm>>) target(%arg11 : memref<200xi32, #tpu.memory_space<vmem>>) target_semaphore(%run_scoped3A : memref<!tpu.dma_semaphore, #tpu.memory_space<semaphore_mem>>)
          %dma_wait3A_295 = tpu.memref_slice %arg2[%add3A_253] : memref<819200xi32, #tpu.memory_space<hbm>> -> memref<200xi32, #tpu.memory_space<hbm>>
          %dma_wait3A_296 = tpu.memref_slice %arg2[%add3A_253] : memref<819200xi32, #tpu.memory_space<hbm>> -> memref<200xi32, #tpu.memory_space<hbm>>
          tpu.wait_dma2 semaphore(%run_scoped3A : memref<!tpu.dma_semaphore, #tpu.memory_space<semaphore_mem>>) src(%dma_wait3A_296 : memref<200xi32, #tpu.memory_space<hbm>>) dst(%arg11 : memref<200xi32, #tpu.memory_space<vmem>>)
          tpu.yield
        }) : () -> ()
        "tpu.region"() ({
          %run_scoped3A = tpu.sem_alloc : memref<!tpu.dma_semaphore, #tpu.memory_space<semaphore_mem>>
          %dma_start3A_293 = tpu.memref_slice %arg3[%add3A_253] : memref<819200xi32, #tpu.memory_space<hbm>> -> memref<200xi32, #tpu.memory_space<hbm>>
          %dma_start3A_294 = tpu.memref_slice %arg3[%add3A_253] : memref<819200xi32, #tpu.memory_space<hbm>> -> memref<200xi32, #tpu.memory_space<hbm>>
          tpu.enqueue_dma source(%dma_start3A_294 : memref<200xi32, #tpu.memory_space<hbm>>) target(%arg15 : memref<200xi32, #tpu.memory_space<vmem>>) target_semaphore(%run_scoped3A : memref<!tpu.dma_semaphore, #tpu.memory_space<semaphore_mem>>)
          %dma_wait3A_295 = tpu.memref_slice %arg3[%add3A_253] : memref<819200xi32, #tpu.memory_space<hbm>> -> memref<200xi32, #tpu.memory_space<hbm>>
          %dma_wait3A_296 = tpu.memref_slice %arg3[%add3A_253] : memref<819200xi32, #tpu.memory_space<hbm>> -> memref<200xi32, #tpu.memory_space<hbm>>
          tpu.wait_dma2 semaphore(%run_scoped3A : memref<!tpu.dma_semaphore, #tpu.memory_space<semaphore_mem>>) src(%dma_wait3A_296 : memref<200xi32, #tpu.memory_space<hbm>>) dst(%arg15 : memref<200xi32, #tpu.memory_space<vmem>>)
          tpu.yield
        }) : () -> ()
      } else {
      }
      %dma_start3A_264 = arith.constant 0 : i32
      %dma_start3A_265 = arith.constant 0 : i32
      %dma_start3A_266 = tpu.memref_slice %arg25[%dma_start3A_264, %dma_start3A_265] : memref<1000x64xf32, #tpu.memory_space<vmem_shared>> -> memref<1000x64xf32, #tpu.memory_space<vmem_shared>>
      tpu.enqueue_indirect_dma source(%dma_start3A_266 : memref<1000x64xf32, #tpu.memory_space<vmem_shared>>) target(%arg19 : memref<200x64xf32, #tpu.memory_space<vmem>>) offsets(%arg11 : memref<200xi32, #tpu.memory_space<vmem>>) semaphore(%arg34 : memref<!tpu.dma_semaphore, #tpu.memory_space<semaphore_mem>>)
      %dma_start3A_267 = arith.constant 0 : i32
      %dma_start3A_268 = arith.constant 0 : i32
      %dma_start3A_269 = tpu.memref_slice %arg26[%dma_start3A_267, %dma_start3A_268] : memref<201x64xf32, #tpu.memory_space<vmem_shared>> -> memref<201x64xf32, #tpu.memory_space<vmem_shared>>
      tpu.enqueue_indirect_dma source(%dma_start3A_269 : memref<201x64xf32, #tpu.memory_space<vmem_shared>>) target(%arg23 : memref<200x64xf32, #tpu.memory_space<vmem>>) offsets(%arg15 : memref<200xi32, #tpu.memory_space<vmem>>) semaphore(%arg34 : memref<!tpu.dma_semaphore, #tpu.memory_space<semaphore_mem>>)
      %sub3A_270 = arith.constant 2 : i32
      %sub3A_271 = arith.subi %add3A_250, %sub3A_270 : i32
      %mul3A_272 = arith.constant 200 : i32
      %mul3A_273 = arith.muli %sub3A_271, %mul3A_272 : i32
      %add3A_274 = arith.addi %mul3A_2, %mul3A_273 : i32
      %mul3A_275 = arith.constant 128 : i32
      %mul3A_276 = arith.muli %add3A, %mul3A_275 : i32
      %add3A_277 = arith.addi %mul3A_276, %sub3A_271 : i32
      %ge3A_278 = arith.constant 0 : i32
      %ge3A_279 = arith.cmpi sge, %sub3A_271, %ge3A_278 : i32
      %convert_element_type3A_280 = arith.extui %ge3A_279 : i1 to i32
      %cond3A_281 = arith.constant 0 : i32
      %cond3A_282 = arith.cmpi ne, %convert_element_type3A_280, %cond3A_281 : i32
      scf.if %cond3A_282 {
        %dma_wait3A_293 = arith.constant 0 : i32
        %dma_wait3A_294 = arith.constant 0 : i32
        %dma_wait3A_295 = arith.constant 0 : i32
        %dma_wait3A_296 = tpu.memref_slice %arg7[%dma_wait3A_293, %dma_wait3A_294, %dma_wait3A_295] : memref<4096x200x64xf32, #tpu.memory_space<hbm>> -> memref<1x200x64xf32, #tpu.memory_space<hbm>>
        %dma_wait3A_297 = tpu.memref_squeeze %dma_wait3A_296 : memref<1x200x64xf32, #tpu.memory_space<hbm>> -> memref<200x64xf32, #tpu.memory_space<hbm>>
        %dma_wait3A_298 = arith.constant 0 : i32
        %dma_wait3A_299 = arith.constant 0 : i32
        %dma_wait3A_300 = tpu.memref_slice %arg7[%dma_wait3A_293, %dma_wait3A_298, %dma_wait3A_299] : memref<4096x200x64xf32, #tpu.memory_space<hbm>> -> memref<1x200x64xf32, #tpu.memory_space<hbm>>
        %dma_wait3A_301 = tpu.memref_squeeze %dma_wait3A_300 : memref<1x200x64xf32, #tpu.memory_space<hbm>> -> memref<200x64xf32, #tpu.memory_space<hbm>>
        tpu.wait_dma2 semaphore(%arg32 : memref<!tpu.dma_semaphore, #tpu.memory_space<semaphore_mem>>) src(%dma_wait3A_301 : memref<200x64xf32, #tpu.memory_space<hbm>>) dst(%arg17 : memref<200x64xf32, #tpu.memory_space<vmem>>)
        %dma_wait3A_302 = arith.constant 0 : i32
        %dma_wait3A_303 = arith.constant 0 : i32
        %dma_wait3A_304 = arith.constant 0 : i32
        %dma_wait3A_305 = tpu.memref_slice %arg7[%dma_wait3A_302, %dma_wait3A_303, %dma_wait3A_304] : memref<4096x200x64xf32, #tpu.memory_space<hbm>> -> memref<1x200x64xf32, #tpu.memory_space<hbm>>
        %dma_wait3A_306 = tpu.memref_squeeze %dma_wait3A_305 : memref<1x200x64xf32, #tpu.memory_space<hbm>> -> memref<200x64xf32, #tpu.memory_space<hbm>>
        %dma_wait3A_307 = arith.constant 0 : i32
        %dma_wait3A_308 = arith.constant 0 : i32
        %dma_wait3A_309 = tpu.memref_slice %arg7[%dma_wait3A_302, %dma_wait3A_307, %dma_wait3A_308] : memref<4096x200x64xf32, #tpu.memory_space<hbm>> -> memref<1x200x64xf32, #tpu.memory_space<hbm>>
        %dma_wait3A_310 = tpu.memref_squeeze %dma_wait3A_309 : memref<1x200x64xf32, #tpu.memory_space<hbm>> -> memref<200x64xf32, #tpu.memory_space<hbm>>
        tpu.wait_dma2 semaphore(%arg32 : memref<!tpu.dma_semaphore, #tpu.memory_space<semaphore_mem>>) src(%dma_wait3A_310 : memref<200x64xf32, #tpu.memory_space<hbm>>) dst(%arg21 : memref<200x64xf32, #tpu.memory_space<vmem>>)
        %scan3A_311 = arith.constant 0 : i32
        %scan3A_312 = arith.constant 50 : i32
        %scan3A_313 = arith.addi %scan3A_311, %scan3A_312 : i32
        %scan3A_314 = arith.constant 1 : i32
        scf.for %scan3A_324 = %scan3A_311 to %scan3A_313 step %scan3A_314  : i32 {
          %mul3A_325 = arith.constant 4 : i32
          %mul3A_326 = arith.muli %scan3A_324, %mul3A_325 : i32
          %add3A_327 = arith.constant 0 : i32
          %add3A_328 = arith.addi %mul3A_326, %add3A_327 : i32
          %get3A = arith.index_cast %add3A_328 : i32 to index
          %get3A_329 = arith.constant 0 : index
          %get3A_330 = tpu.vector_load %arg17[%get3A, %get3A_329] {strides = array<i32>} : memref<200x64xf32, #tpu.memory_space<vmem>>, vector<1x16xf32>,
          %get3A_331 = vector.shape_cast %get3A_330 : vector<1x16xf32> to vector<16xf32>
          %get3A_332 = arith.index_cast %add3A_328 : i32 to index
          %get3A_333 = arith.constant 0 : index
          %get3A_334 = tpu.vector_load %arg21[%get3A_332, %get3A_333] {strides = array<i32>} : memref<200x64xf32, #tpu.memory_space<vmem>>, vector<1x16xf32>,
          %get3A_335 = vector.shape_cast %get3A_334 : vector<1x16xf32> to vector<16xf32>
          %add3A_336 = arith.addf %get3A_331, %get3A_335 : vector<16xf32>
          %get3A_337 = arith.index_cast %add3A_328 : i32 to index
          %get3A_338 = arith.constant 0 : index
          %get3A_339 = tpu.vector_load %arg24[%get3A_337, %get3A_338] {strides = array<i32>} : memref<200x64xf32, #tpu.memory_space<vmem>>, vector<1x16xf32>,
          %get3A_340 = vector.shape_cast %get3A_339 : vector<1x16xf32> to vector<16xf32>
          %add3A_341 = arith.addf %add3A_336, %get3A_340 : vector<16xf32>
          %swap3A = arith.index_cast %add3A_328 : i32 to index
          %swap3A_342 = arith.constant 0 : index
          %swap3A_343 = tpu.vector_load %arg17[%swap3A, %swap3A_342] {strides = array<i32>} : memref<200x64xf32, #tpu.memory_space<vmem>>, vector<1x16xf32>,
          %swap3A_344 = vector.shape_cast %swap3A_343 : vector<1x16xf32> to vector<16xf32>
          %swap3A_345 = vector.shape_cast %add3A_341 : vector<16xf32> to vector<1x16xf32>
          tpu.vector_store %arg17[%swap3A, %swap3A_342], %swap3A_345 {strides = array<i32>} : memref<200x64xf32, #tpu.memory_space<vmem>>, vector<1x16xf32>,
          %get3A_346 = arith.index_cast %add3A_328 : i32 to index
          %get3A_347 = arith.constant 16 : index
          %get3A_348 = tpu.vector_load %arg17[%get3A_346, %get3A_347] {strides = array<i32>} : memref<200x64xf32, #tpu.memory_space<vmem>>, vector<1x16xf32>,
          %get3A_349 = vector.shape_cast %get3A_348 : vector<1x16xf32> to vector<16xf32>
          %get3A_350 = arith.index_cast %add3A_328 : i32 to index
          %get3A_351 = arith.constant 16 : index
          %get3A_352 = tpu.vector_load %arg21[%get3A_350, %get3A_351] {strides = array<i32>} : memref<200x64xf32, #tpu.memory_space<vmem>>, vector<1x16xf32>,
          %get3A_353 = vector.shape_cast %get3A_352 : vector<1x16xf32> to vector<16xf32>
          %add3A_354 = arith.addf %get3A_349, %get3A_353 : vector<16xf32>
          %get3A_355 = arith.index_cast %add3A_328 : i32 to index
          %get3A_356 = arith.constant 16 : index
          %get3A_357 = tpu.vector_load %arg24[%get3A_355, %get3A_356] {strides = array<i32>} : memref<200x64xf32, #tpu.memory_space<vmem>>, vector<1x16xf32>,
          %get3A_358 = vector.shape_cast %get3A_357 : vector<1x16xf32> to vector<16xf32>
          %add3A_359 = arith.addf %add3A_354, %get3A_358 : vector<16xf32>
          %swap3A_360 = arith.index_cast %add3A_328 : i32 to index
          %swap3A_361 = arith.constant 16 : index
          %swap3A_362 = tpu.vector_load %arg17[%swap3A_360, %swap3A_361] {strides = array<i32>} : memref<200x64xf32, #tpu.memory_space<vmem>>, vector<1x16xf32>,
          %swap3A_363 = vector.shape_cast %swap3A_362 : vector<1x16xf32> to vector<16xf32>
          %swap3A_364 = vector.shape_cast %add3A_359 : vector<16xf32> to vector<1x16xf32>
          tpu.vector_store %arg17[%swap3A_360, %swap3A_361], %swap3A_364 {strides = array<i32>} : memref<200x64xf32, #tpu.memory_space<vmem>>, vector<1x16xf32>,
          %get3A_365 = arith.index_cast %add3A_328 : i32 to index
          %get3A_366 = arith.constant 32 : index
          %get3A_367 = tpu.vector_load %arg17[%get3A_365, %get3A_366] {strides = array<i32>} : memref<200x64xf32, #tpu.memory_space<vmem>>, vector<1x16xf32>,
          %get3A_368 = vector.shape_cast %get3A_367 : vector<1x16xf32> to vector<16xf32>
          %get3A_369 = arith.index_cast %add3A_328 : i32 to index
          %get3A_370 = arith.constant 32 : index
          %get3A_371 = tpu.vector_load %arg21[%get3A_369, %get3A_370] {strides = array<i32>} : memref<200x64xf32, #tpu.memory_space<vmem>>, vector<1x16xf32>,
          %get3A_372 = vector.shape_cast %get3A_371 : vector<1x16xf32> to vector<16xf32>
          %add3A_373 = arith.addf %get3A_368, %get3A_372 : vector<16xf32>
          %get3A_374 = arith.index_cast %add3A_328 : i32 to index
          %get3A_375 = arith.constant 32 : index
          %get3A_376 = tpu.vector_load %arg24[%get3A_374, %get3A_375] {strides = array<i32>} : memref<200x64xf32, #tpu.memory_space<vmem>>, vector<1x16xf32>,
          %get3A_377 = vector.shape_cast %get3A_376 : vector<1x16xf32> to vector<16xf32>
          %add3A_378 = arith.addf %add3A_373, %get3A_377 : vector<16xf32>
          %swap3A_379 = arith.index_cast %add3A_328 : i32 to index
          %swap3A_380 = arith.constant 32 : index
          %swap3A_381 = tpu.vector_load %arg17[%swap3A_379, %swap3A_380] {strides = array<i32>} : memref<200x64xf32, #tpu.memory_space<vmem>>, vector<1x16xf32>,
          %swap3A_382 = vector.shape_cast %swap3A_381 : vector<1x16xf32> to vector<16xf32>
          %swap3A_383 = vector.shape_cast %add3A_378 : vector<16xf32> to vector<1x16xf32>
          tpu.vector_store %arg17[%swap3A_379, %swap3A_380], %swap3A_383 {strides = array<i32>} : memref<200x64xf32, #tpu.memory_space<vmem>>, vector<1x16xf32>,
          %get3A_384 = arith.index_cast %add3A_328 : i32 to index
          %get3A_385 = arith.constant 48 : index
          %get3A_386 = tpu.vector_load %arg17[%get3A_384, %get3A_385] {strides = array<i32>} : memref<200x64xf32, #tpu.memory_space<vmem>>, vector<1x16xf32>,
          %get3A_387 = vector.shape_cast %get3A_386 : vector<1x16xf32> to vector<16xf32>
          %get3A_388 = arith.index_cast %add3A_328 : i32 to index
          %get3A_389 = arith.constant 48 : index
          %get3A_390 = tpu.vector_load %arg21[%get3A_388, %get3A_389] {strides = array<i32>} : memref<200x64xf32, #tpu.memory_space<vmem>>, vector<1x16xf32>,
          %get3A_391 = vector.shape_cast %get3A_390 : vector<1x16xf32> to vector<16xf32>
          %add3A_392 = arith.addf %get3A_387, %get3A_391 : vector<16xf32>
          %get3A_393 = arith.index_cast %add3A_328 : i32 to index
          %get3A_394 = arith.constant 48 : index
          %get3A_395 = tpu.vector_load %arg24[%get3A_393, %get3A_394] {strides = array<i32>} : memref<200x64xf32, #tpu.memory_space<vmem>>, vector<1x16xf32>,
          %get3A_396 = vector.shape_cast %get3A_395 : vector<1x16xf32> to vector<16xf32>
          %add3A_397 = arith.addf %add3A_392, %get3A_396 : vector<16xf32>
          %swap3A_398 = arith.index_cast %add3A_328 : i32 to index
          %swap3A_399 = arith.constant 48 : index
          %swap3A_400 = tpu.vector_load %arg17[%swap3A_398, %swap3A_399] {strides = array<i32>} : memref<200x64xf32, #tpu.memory_space<vmem>>, vector<1x16xf32>,
          %swap3A_401 = vector.shape_cast %swap3A_400 : vector<1x16xf32> to vector<16xf32>
          %swap3A_402 = vector.shape_cast %add3A_397 : vector<16xf32> to vector<1x16xf32>
          tpu.vector_store %arg17[%swap3A_398, %swap3A_399], %swap3A_402 {strides = array<i32>} : memref<200x64xf32, #tpu.memory_space<vmem>>, vector<1x16xf32>,
          %mul3A_403 = arith.constant 4 : i32
          %mul3A_404 = arith.muli %scan3A_324, %mul3A_403 : i32
          %add3A_405 = arith.constant 1 : i32
          %add3A_406 = arith.addi %mul3A_404, %add3A_405 : i32
          %get3A_407 = arith.index_cast %add3A_406 : i32 to index
          %get3A_408 = arith.constant 0 : index
          %get3A_409 = tpu.vector_load %arg17[%get3A_407, %get3A_408] {strides = array<i32>} : memref<200x64xf32, #tpu.memory_space<vmem>>, vector<1x16xf32>,
          %get3A_410 = vector.shape_cast %get3A_409 : vector<1x16xf32> to vector<16xf32>
          %get3A_411 = arith.index_cast %add3A_406 : i32 to index
          %get3A_412 = arith.constant 0 : index
          %get3A_413 = tpu.vector_load %arg21[%get3A_411, %get3A_412] {strides = array<i32>} : memref<200x64xf32, #tpu.memory_space<vmem>>, vector<1x16xf32>,
          %get3A_414 = vector.shape_cast %get3A_413 : vector<1x16xf32> to vector<16xf32>
          %add3A_415 = arith.addf %get3A_410, %get3A_414 : vector<16xf32>
          %get3A_416 = arith.index_cast %add3A_406 : i32 to index
          %get3A_417 = arith.constant 0 : index
          %get3A_418 = tpu.vector_load %arg24[%get3A_416, %get3A_417] {strides = array<i32>} : memref<200x64xf32, #tpu.memory_space<vmem>>, vector<1x16xf32>,
          %get3A_419 = vector.shape_cast %get3A_418 : vector<1x16xf32> to vector<16xf32>
          %add3A_420 = arith.addf %add3A_415, %get3A_419 : vector<16xf32>
          %swap3A_421 = arith.index_cast %add3A_406 : i32 to index
          %swap3A_422 = arith.constant 0 : index
          %swap3A_423 = tpu.vector_load %arg17[%swap3A_421, %swap3A_422] {strides = array<i32>} : memref<200x64xf32, #tpu.memory_space<vmem>>, vector<1x16xf32>,
          %swap3A_424 = vector.shape_cast %swap3A_423 : vector<1x16xf32> to vector<16xf32>
          %swap3A_425 = vector.shape_cast %add3A_420 : vector<16xf32> to vector<1x16xf32>
          tpu.vector_store %arg17[%swap3A_421, %swap3A_422], %swap3A_425 {strides = array<i32>} : memref<200x64xf32, #tpu.memory_space<vmem>>, vector<1x16xf32>,
          %get3A_426 = arith.index_cast %add3A_406 : i32 to index
          %get3A_427 = arith.constant 16 : index
          %get3A_428 = tpu.vector_load %arg17[%get3A_426, %get3A_427] {strides = array<i32>} : memref<200x64xf32, #tpu.memory_space<vmem>>, vector<1x16xf32>,
          %get3A_429 = vector.shape_cast %get3A_428 : vector<1x16xf32> to vector<16xf32>
          %get3A_430 = arith.index_cast %add3A_406 : i32 to index
          %get3A_431 = arith.constant 16 : index
          %get3A_432 = tpu.vector_load %arg21[%get3A_430, %get3A_431] {strides = array<i32>} : memref<200x64xf32, #tpu.memory_space<vmem>>, vector<1x16xf32>,
          %get3A_433 = vector.shape_cast %get3A_432 : vector<1x16xf32> to vector<16xf32>
          %add3A_434 = arith.addf %get3A_429, %get3A_433 : vector<16xf32>
          %get3A_435 = arith.index_cast %add3A_406 : i32 to index
          %get3A_436 = arith.constant 16 : index
          %get3A_437 = tpu.vector_load %arg24[%get3A_435, %get3A_436] {strides = array<i32>} : memref<200x64xf32, #tpu.memory_space<vmem>>, vector<1x16xf32>,
          %get3A_438 = vector.shape_cast %get3A_437 : vector<1x16xf32> to vector<16xf32>
          %add3A_439 = arith.addf %add3A_434, %get3A_438 : vector<16xf32>
          %swap3A_440 = arith.index_cast %add3A_406 : i32 to index
          %swap3A_441 = arith.constant 16 : index
          %swap3A_442 = tpu.vector_load %arg17[%swap3A_440, %swap3A_441] {strides = array<i32>} : memref<200x64xf32, #tpu.memory_space<vmem>>, vector<1x16xf32>,
          %swap3A_443 = vector.shape_cast %swap3A_442 : vector<1x16xf32> to vector<16xf32>
          %swap3A_444 = vector.shape_cast %add3A_439 : vector<16xf32> to vector<1x16xf32>
          tpu.vector_store %arg17[%swap3A_440, %swap3A_441], %swap3A_444 {strides = array<i32>} : memref<200x64xf32, #tpu.memory_space<vmem>>, vector<1x16xf32>,
          %get3A_445 = arith.index_cast %add3A_406 : i32 to index
          %get3A_446 = arith.constant 32 : index
          %get3A_447 = tpu.vector_load %arg17[%get3A_445, %get3A_446] {strides = array<i32>} : memref<200x64xf32, #tpu.memory_space<vmem>>, vector<1x16xf32>,
          %get3A_448 = vector.shape_cast %get3A_447 : vector<1x16xf32> to vector<16xf32>
          %get3A_449 = arith.index_cast %add3A_406 : i32 to index
          %get3A_450 = arith.constant 32 : index
          %get3A_451 = tpu.vector_load %arg21[%get3A_449, %get3A_450] {strides = array<i32>} : memref<200x64xf32, #tpu.memory_space<vmem>>, vector<1x16xf32>,
          %get3A_452 = vector.shape_cast %get3A_451 : vector<1x16xf32> to vector<16xf32>
          %add3A_453 = arith.addf %get3A_448, %get3A_452 : vector<16xf32>
          %get3A_454 = arith.index_cast %add3A_406 : i32 to index
          %get3A_455 = arith.constant 32 : index
          %get3A_456 = tpu.vector_load %arg24[%get3A_454, %get3A_455] {strides = array<i32>} : memref<200x64xf32, #tpu.memory_space<vmem>>, vector<1x16xf32>,
          %get3A_457 = vector.shape_cast %get3A_456 : vector<1x16xf32> to vector<16xf32>
          %add3A_458 = arith.addf %add3A_453, %get3A_457 : vector<16xf32>
          %swap3A_459 = arith.index_cast %add3A_406 : i32 to index
          %swap3A_460 = arith.constant 32 : index
          %swap3A_461 = tpu.vector_load %arg17[%swap3A_459, %swap3A_460] {strides = array<i32>} : memref<200x64xf32, #tpu.memory_space<vmem>>, vector<1x16xf32>,
          %swap3A_462 = vector.shape_cast %swap3A_461 : vector<1x16xf32> to vector<16xf32>
          %swap3A_463 = vector.shape_cast %add3A_458 : vector<16xf32> to vector<1x16xf32>
          tpu.vector_store %arg17[%swap3A_459, %swap3A_460], %swap3A_463 {strides = array<i32>} : memref<200x64xf32, #tpu.memory_space<vmem>>, vector<1x16xf32>,
          %get3A_464 = arith.index_cast %add3A_406 : i32 to index
          %get3A_465 = arith.constant 48 : index
          %get3A_466 = tpu.vector_load %arg17[%get3A_464, %get3A_465] {strides = array<i32>} : memref<200x64xf32, #tpu.memory_space<vmem>>, vector<1x16xf32>,
          %get3A_467 = vector.shape_cast %get3A_466 : vector<1x16xf32> to vector<16xf32>
          %get3A_468 = arith.index_cast %add3A_406 : i32 to index
          %get3A_469 = arith.constant 48 : index
          %get3A_470 = tpu.vector_load %arg21[%get3A_468, %get3A_469] {strides = array<i32>} : memref<200x64xf32, #tpu.memory_space<vmem>>, vector<1x16xf32>,
          %get3A_471 = vector.shape_cast %get3A_470 : vector<1x16xf32> to vector<16xf32>
          %add3A_472 = arith.addf %get3A_467, %get3A_471 : vector<16xf32>
          %get3A_473 = arith.index_cast %add3A_406 : i32 to index
          %get3A_474 = arith.constant 48 : index
          %get3A_475 = tpu.vector_load %arg24[%get3A_473, %get3A_474] {strides = array<i32>} : memref<200x64xf32, #tpu.memory_space<vmem>>, vector<1x16xf32>,
          %get3A_476 = vector.shape_cast %get3A_475 : vector<1x16xf32> to vector<16xf32>
          %add3A_477 = arith.addf %add3A_472, %get3A_476 : vector<16xf32>
          %swap3A_478 = arith.index_cast %add3A_406 : i32 to index
          %swap3A_479 = arith.constant 48 : index
          %swap3A_480 = tpu.vector_load %arg17[%swap3A_478, %swap3A_479] {strides = array<i32>} : memref<200x64xf32, #tpu.memory_space<vmem>>, vector<1x16xf32>,
          %swap3A_481 = vector.shape_cast %swap3A_480 : vector<1x16xf32> to vector<16xf32>
          %swap3A_482 = vector.shape_cast %add3A_477 : vector<16xf32> to vector<1x16xf32>
          tpu.vector_store %arg17[%swap3A_478, %swap3A_479], %swap3A_482 {strides = array<i32>} : memref<200x64xf32, #tpu.memory_space<vmem>>, vector<1x16xf32>,
          %mul3A_483 = arith.constant 4 : i32
          %mul3A_484 = arith.muli %scan3A_324, %mul3A_483 : i32
          %add3A_485 = arith.constant 2 : i32
          %add3A_486 = arith.addi %mul3A_484, %add3A_485 : i32
          %get3A_487 = arith.index_cast %add3A_486 : i32 to index
          %get3A_488 = arith.constant 0 : index
          %get3A_489 = tpu.vector_load %arg17[%get3A_487, %get3A_488] {strides = array<i32>} : memref<200x64xf32, #tpu.memory_space<vmem>>, vector<1x16xf32>,
          %get3A_490 = vector.shape_cast %get3A_489 : vector<1x16xf32> to vector<16xf32>
          %get3A_491 = arith.index_cast %add3A_486 : i32 to index
          %get3A_492 = arith.constant 0 : index
          %get3A_493 = tpu.vector_load %arg21[%get3A_491, %get3A_492] {strides = array<i32>} : memref<200x64xf32, #tpu.memory_space<vmem>>, vector<1x16xf32>,
          %get3A_494 = vector.shape_cast %get3A_493 : vector<1x16xf32> to vector<16xf32>
          %add3A_495 = arith.addf %get3A_490, %get3A_494 : vector<16xf32>
          %get3A_496 = arith.index_cast %add3A_486 : i32 to index
          %get3A_497 = arith.constant 0 : index
          %get3A_498 = tpu.vector_load %arg24[%get3A_496, %get3A_497] {strides = array<i32>} : memref<200x64xf32, #tpu.memory_space<vmem>>, vector<1x16xf32>,
          %get3A_499 = vector.shape_cast %get3A_498 : vector<1x16xf32> to vector<16xf32>
          %add3A_500 = arith.addf %add3A_495, %get3A_499 : vector<16xf32>
          %swap3A_501 = arith.index_cast %add3A_486 : i32 to index
          %swap3A_502 = arith.constant 0 : index
          %swap3A_503 = tpu.vector_load %arg17[%swap3A_501, %swap3A_502] {strides = array<i32>} : memref<200x64xf32, #tpu.memory_space<vmem>>, vector<1x16xf32>,
          %swap3A_504 = vector.shape_cast %swap3A_503 : vector<1x16xf32> to vector<16xf32>
          %swap3A_505 = vector.shape_cast %add3A_500 : vector<16xf32> to vector<1x16xf32>
          tpu.vector_store %arg17[%swap3A_501, %swap3A_502], %swap3A_505 {strides = array<i32>} : memref<200x64xf32, #tpu.memory_space<vmem>>, vector<1x16xf32>,
          %get3A_506 = arith.index_cast %add3A_486 : i32 to index
          %get3A_507 = arith.constant 16 : index
          %get3A_508 = tpu.vector_load %arg17[%get3A_506, %get3A_507] {strides = array<i32>} : memref<200x64xf32, #tpu.memory_space<vmem>>, vector<1x16xf32>,
          %get3A_509 = vector.shape_cast %get3A_508 : vector<1x16xf32> to vector<16xf32>
          %get3A_510 = arith.index_cast %add3A_486 : i32 to index
          %get3A_511 = arith.constant 16 : index
          %get3A_512 = tpu.vector_load %arg21[%get3A_510, %get3A_511] {strides = array<i32>} : memref<200x64xf32, #tpu.memory_space<vmem>>, vector<1x16xf32>,
          %get3A_513 = vector.shape_cast %get3A_512 : vector<1x16xf32> to vector<16xf32>
          %add3A_514 = arith.addf %get3A_509, %get3A_513 : vector<16xf32>
          %get3A_515 = arith.index_cast %add3A_486 : i32 to index
          %get3A_516 = arith.constant 16 : index
          %get3A_517 = tpu.vector_load %arg24[%get3A_515, %get3A_516] {strides = array<i32>} : memref<200x64xf32, #tpu.memory_space<vmem>>, vector<1x16xf32>,
          %get3A_518 = vector.shape_cast %get3A_517 : vector<1x16xf32> to vector<16xf32>
          %add3A_519 = arith.addf %add3A_514, %get3A_518 : vector<16xf32>
          %swap3A_520 = arith.index_cast %add3A_486 : i32 to index
          %swap3A_521 = arith.constant 16 : index
          %swap3A_522 = tpu.vector_load %arg17[%swap3A_520, %swap3A_521] {strides = array<i32>} : memref<200x64xf32, #tpu.memory_space<vmem>>, vector<1x16xf32>,
          %swap3A_523 = vector.shape_cast %swap3A_522 : vector<1x16xf32> to vector<16xf32>
          %swap3A_524 = vector.shape_cast %add3A_519 : vector<16xf32> to vector<1x16xf32>
          tpu.vector_store %arg17[%swap3A_520, %swap3A_521], %swap3A_524 {strides = array<i32>} : memref<200x64xf32, #tpu.memory_space<vmem>>, vector<1x16xf32>,
          %get3A_525 = arith.index_cast %add3A_486 : i32 to index
          %get3A_526 = arith.constant 32 : index
          %get3A_527 = tpu.vector_load %arg17[%get3A_525, %get3A_526] {strides = array<i32>} : memref<200x64xf32, #tpu.memory_space<vmem>>, vector<1x16xf32>,
          %get3A_528 = vector.shape_cast %get3A_527 : vector<1x16xf32> to vector<16xf32>
          %get3A_529 = arith.index_cast %add3A_486 : i32 to index
          %get3A_530 = arith.constant 32 : index
          %get3A_531 = tpu.vector_load %arg21[%get3A_529, %get3A_530] {strides = array<i32>} : memref<200x64xf32, #tpu.memory_space<vmem>>, vector<1x16xf32>,
          %get3A_532 = vector.shape_cast %get3A_531 : vector<1x16xf32> to vector<16xf32>
          %add3A_533 = arith.addf %get3A_528, %get3A_532 : vector<16xf32>
          %get3A_534 = arith.index_cast %add3A_486 : i32 to index
          %get3A_535 = arith.constant 32 : index
          %get3A_536 = tpu.vector_load %arg24[%get3A_534, %get3A_535] {strides = array<i32>} : memref<200x64xf32, #tpu.memory_space<vmem>>, vector<1x16xf32>,
          %get3A_537 = vector.shape_cast %get3A_536 : vector<1x16xf32> to vector<16xf32>
          %add3A_538 = arith.addf %add3A_533, %get3A_537 : vector<16xf32>
          %swap3A_539 = arith.index_cast %add3A_486 : i32 to index
          %swap3A_540 = arith.constant 32 : index
          %swap3A_541 = tpu.vector_load %arg17[%swap3A_539, %swap3A_540] {strides = array<i32>} : memref<200x64xf32, #tpu.memory_space<vmem>>, vector<1x16xf32>,
          %swap3A_542 = vector.shape_cast %swap3A_541 : vector<1x16xf32> to vector<16xf32>
          %swap3A_543 = vector.shape_cast %add3A_538 : vector<16xf32> to vector<1x16xf32>
          tpu.vector_store %arg17[%swap3A_539, %swap3A_540], %swap3A_543 {strides = array<i32>} : memref<200x64xf32, #tpu.memory_space<vmem>>, vector<1x16xf32>,
          %get3A_544 = arith.index_cast %add3A_486 : i32 to index
          %get3A_545 = arith.constant 48 : index
          %get3A_546 = tpu.vector_load %arg17[%get3A_544, %get3A_545] {strides = array<i32>} : memref<200x64xf32, #tpu.memory_space<vmem>>, vector<1x16xf32>,
          %get3A_547 = vector.shape_cast %get3A_546 : vector<1x16xf32> to vector<16xf32>
          %get3A_548 = arith.index_cast %add3A_486 : i32 to index
          %get3A_549 = arith.constant 48 : index
          %get3A_550 = tpu.vector_load %arg21[%get3A_548, %get3A_549] {strides = array<i32>} : memref<200x64xf32, #tpu.memory_space<vmem>>, vector<1x16xf32>,
          %get3A_551 = vector.shape_cast %get3A_550 : vector<1x16xf32> to vector<16xf32>
          %add3A_552 = arith.addf %get3A_547, %get3A_551 : vector<16xf32>
          %get3A_553 = arith.index_cast %add3A_486 : i32 to index
          %get3A_554 = arith.constant 48 : index
          %get3A_555 = tpu.vector_load %arg24[%get3A_553, %get3A_554] {strides = array<i32>} : memref<200x64xf32, #tpu.memory_space<vmem>>, vector<1x16xf32>,
          %get3A_556 = vector.shape_cast %get3A_555 : vector<1x16xf32> to vector<16xf32>
          %add3A_557 = arith.addf %add3A_552, %get3A_556 : vector<16xf32>
          %swap3A_558 = arith.index_cast %add3A_486 : i32 to index
          %swap3A_559 = arith.constant 48 : index
          %swap3A_560 = tpu.vector_load %arg17[%swap3A_558, %swap3A_559] {strides = array<i32>} : memref<200x64xf32, #tpu.memory_space<vmem>>, vector<1x16xf32>,
          %swap3A_561 = vector.shape_cast %swap3A_560 : vector<1x16xf32> to vector<16xf32>
          %swap3A_562 = vector.shape_cast %add3A_557 : vector<16xf32> to vector<1x16xf32>
          tpu.vector_store %arg17[%swap3A_558, %swap3A_559], %swap3A_562 {strides = array<i32>} : memref<200x64xf32, #tpu.memory_space<vmem>>, vector<1x16xf32>,
          %mul3A_563 = arith.constant 4 : i32
          %mul3A_564 = arith.muli %scan3A_324, %mul3A_563 : i32
          %add3A_565 = arith.constant 3 : i32
          %add3A_566 = arith.addi %mul3A_564, %add3A_565 : i32
          %get3A_567 = arith.index_cast %add3A_566 : i32 to index
          %get3A_568 = arith.constant 0 : index
          %get3A_569 = tpu.vector_load %arg17[%get3A_567, %get3A_568] {strides = array<i32>} : memref<200x64xf32, #tpu.memory_space<vmem>>, vector<1x16xf32>,
          %get3A_570 = vector.shape_cast %get3A_569 : vector<1x16xf32> to vector<16xf32>
          %get3A_571 = arith.index_cast %add3A_566 : i32 to index
          %get3A_572 = arith.constant 0 : index
          %get3A_573 = tpu.vector_load %arg21[%get3A_571, %get3A_572] {strides = array<i32>} : memref<200x64xf32, #tpu.memory_space<vmem>>, vector<1x16xf32>,
          %get3A_574 = vector.shape_cast %get3A_573 : vector<1x16xf32> to vector<16xf32>
          %add3A_575 = arith.addf %get3A_570, %get3A_574 : vector<16xf32>
          %get3A_576 = arith.index_cast %add3A_566 : i32 to index
          %get3A_577 = arith.constant 0 : index
          %get3A_578 = tpu.vector_load %arg24[%get3A_576, %get3A_577] {strides = array<i32>} : memref<200x64xf32, #tpu.memory_space<vmem>>, vector<1x16xf32>,
          %get3A_579 = vector.shape_cast %get3A_578 : vector<1x16xf32> to vector<16xf32>
          %add3A_580 = arith.addf %add3A_575, %get3A_579 : vector<16xf32>
          %swap3A_581 = arith.index_cast %add3A_566 : i32 to index
          %swap3A_582 = arith.constant 0 : index
          %swap3A_583 = tpu.vector_load %arg17[%swap3A_581, %swap3A_582] {strides = array<i32>} : memref<200x64xf32, #tpu.memory_space<vmem>>, vector<1x16xf32>,
          %swap3A_584 = vector.shape_cast %swap3A_583 : vector<1x16xf32> to vector<16xf32>
          %swap3A_585 = vector.shape_cast %add3A_580 : vector<16xf32> to vector<1x16xf32>
          tpu.vector_store %arg17[%swap3A_581, %swap3A_582], %swap3A_585 {strides = array<i32>} : memref<200x64xf32, #tpu.memory_space<vmem>>, vector<1x16xf32>,
          %get3A_586 = arith.index_cast %add3A_566 : i32 to index
          %get3A_587 = arith.constant 16 : index
          %get3A_588 = tpu.vector_load %arg17[%get3A_586, %get3A_587] {strides = array<i32>} : memref<200x64xf32, #tpu.memory_space<vmem>>, vector<1x16xf32>,
          %get3A_589 = vector.shape_cast %get3A_588 : vector<1x16xf32> to vector<16xf32>
          %get3A_590 = arith.index_cast %add3A_566 : i32 to index
          %get3A_591 = arith.constant 16 : index
          %get3A_592 = tpu.vector_load %arg21[%get3A_590, %get3A_591] {strides = array<i32>} : memref<200x64xf32, #tpu.memory_space<vmem>>, vector<1x16xf32>,
          %get3A_593 = vector.shape_cast %get3A_592 : vector<1x16xf32> to vector<16xf32>
          %add3A_594 = arith.addf %get3A_589, %get3A_593 : vector<16xf32>
          %get3A_595 = arith.index_cast %add3A_566 : i32 to index
          %get3A_596 = arith.constant 16 : index
          %get3A_597 = tpu.vector_load %arg24[%get3A_595, %get3A_596] {strides = array<i32>} : memref<200x64xf32, #tpu.memory_space<vmem>>, vector<1x16xf32>,
          %get3A_598 = vector.shape_cast %get3A_597 : vector<1x16xf32> to vector<16xf32>
          %add3A_599 = arith.addf %add3A_594, %get3A_598 : vector<16xf32>
          %swap3A_600 = arith.index_cast %add3A_566 : i32 to index
          %swap3A_601 = arith.constant 16 : index
          %swap3A_602 = tpu.vector_load %arg17[%swap3A_600, %swap3A_601] {strides = array<i32>} : memref<200x64xf32, #tpu.memory_space<vmem>>, vector<1x16xf32>,
          %swap3A_603 = vector.shape_cast %swap3A_602 : vector<1x16xf32> to vector<16xf32>
          %swap3A_604 = vector.shape_cast %add3A_599 : vector<16xf32> to vector<1x16xf32>
          tpu.vector_store %arg17[%swap3A_600, %swap3A_601], %swap3A_604 {strides = array<i32>} : memref<200x64xf32, #tpu.memory_space<vmem>>, vector<1x16xf32>,
          %get3A_605 = arith.index_cast %add3A_566 : i32 to index
          %get3A_606 = arith.constant 32 : index
          %get3A_607 = tpu.vector_load %arg17[%get3A_605, %get3A_606] {strides = array<i32>} : memref<200x64xf32, #tpu.memory_space<vmem>>, vector<1x16xf32>,
          %get3A_608 = vector.shape_cast %get3A_607 : vector<1x16xf32> to vector<16xf32>
          %get3A_609 = arith.index_cast %add3A_566 : i32 to index
          %get3A_610 = arith.constant 32 : index
          %get3A_611 = tpu.vector_load %arg21[%get3A_609, %get3A_610] {strides = array<i32>} : memref<200x64xf32, #tpu.memory_space<vmem>>, vector<1x16xf32>,
          %get3A_612 = vector.shape_cast %get3A_611 : vector<1x16xf32> to vector<16xf32>
          %add3A_613 = arith.addf %get3A_608, %get3A_612 : vector<16xf32>
          %get3A_614 = arith.index_cast %add3A_566 : i32 to index
          %get3A_615 = arith.constant 32 : index
          %get3A_616 = tpu.vector_load %arg24[%get3A_614, %get3A_615] {strides = array<i32>} : memref<200x64xf32, #tpu.memory_space<vmem>>, vector<1x16xf32>,
          %get3A_617 = vector.shape_cast %get3A_616 : vector<1x16xf32> to vector<16xf32>
          %add3A_618 = arith.addf %add3A_613, %get3A_617 : vector<16xf32>
          %swap3A_619 = arith.index_cast %add3A_566 : i32 to index
          %swap3A_620 = arith.constant 32 : index
          %swap3A_621 = tpu.vector_load %arg17[%swap3A_619, %swap3A_620] {strides = array<i32>} : memref<200x64xf32, #tpu.memory_space<vmem>>, vector<1x16xf32>,
          %swap3A_622 = vector.shape_cast %swap3A_621 : vector<1x16xf32> to vector<16xf32>
          %swap3A_623 = vector.shape_cast %add3A_618 : vector<16xf32> to vector<1x16xf32>
          tpu.vector_store %arg17[%swap3A_619, %swap3A_620], %swap3A_623 {strides = array<i32>} : memref<200x64xf32, #tpu.memory_space<vmem>>, vector<1x16xf32>,
          %get3A_624 = arith.index_cast %add3A_566 : i32 to index
          %get3A_625 = arith.constant 48 : index
          %get3A_626 = tpu.vector_load %arg17[%get3A_624, %get3A_625] {strides = array<i32>} : memref<200x64xf32, #tpu.memory_space<vmem>>, vector<1x16xf32>,
          %get3A_627 = vector.shape_cast %get3A_626 : vector<1x16xf32> to vector<16xf32>
          %get3A_628 = arith.index_cast %add3A_566 : i32 to index
          %get3A_629 = arith.constant 48 : index
          %get3A_630 = tpu.vector_load %arg21[%get3A_628, %get3A_629] {strides = array<i32>} : memref<200x64xf32, #tpu.memory_space<vmem>>, vector<1x16xf32>,
          %get3A_631 = vector.shape_cast %get3A_630 : vector<1x16xf32> to vector<16xf32>
          %add3A_632 = arith.addf %get3A_627, %get3A_631 : vector<16xf32>
          %get3A_633 = arith.index_cast %add3A_566 : i32 to index
          %get3A_634 = arith.constant 48 : index
          %get3A_635 = tpu.vector_load %arg24[%get3A_633, %get3A_634] {strides = array<i32>} : memref<200x64xf32, #tpu.memory_space<vmem>>, vector<1x16xf32>,
          %get3A_636 = vector.shape_cast %get3A_635 : vector<1x16xf32> to vector<16xf32>
          %add3A_637 = arith.addf %add3A_632, %get3A_636 : vector<16xf32>
          %swap3A_638 = arith.index_cast %add3A_566 : i32 to index
          %swap3A_639 = arith.constant 48 : index
          %swap3A_640 = tpu.vector_load %arg17[%swap3A_638, %swap3A_639] {strides = array<i32>} : memref<200x64xf32, #tpu.memory_space<vmem>>, vector<1x16xf32>,
          %swap3A_641 = vector.shape_cast %swap3A_640 : vector<1x16xf32> to vector<16xf32>
          %swap3A_642 = vector.shape_cast %add3A_637 : vector<16xf32> to vector<1x16xf32>
          tpu.vector_store %arg17[%swap3A_638, %swap3A_639], %swap3A_642 {strides = array<i32>} : memref<200x64xf32, #tpu.memory_space<vmem>>, vector<1x16xf32>,
        }
        %scan3A_315 = arith.constant 50 : i32
        %dma_start3A_316 = arith.constant 0 : i32
        %dma_start3A_317 = arith.constant 0 : i32
        %dma_start3A_318 = tpu.memref_slice %arg7[%add3A_277, %dma_start3A_316, %dma_start3A_317] : memref<4096x200x64xf32, #tpu.memory_space<hbm>> -> memref<1x200x64xf32, #tpu.memory_space<hbm>>
        %dma_start3A_319 = tpu.memref_squeeze %dma_start3A_318 : memref<1x200x64xf32, #tpu.memory_space<hbm>> -> memref<200x64xf32, #tpu.memory_space<hbm>>
        %dma_start3A_320 = arith.constant 0 : i32
        %dma_start3A_321 = arith.constant 0 : i32
        %dma_start3A_322 = tpu.memref_slice %arg7[%add3A_277, %dma_start3A_320, %dma_start3A_321] : memref<4096x200x64xf32, #tpu.memory_space<hbm>> -> memref<1x200x64xf32, #tpu.memory_space<hbm>>
        %dma_start3A_323 = tpu.memref_squeeze %dma_start3A_322 : memref<1x200x64xf32, #tpu.memory_space<hbm>> -> memref<200x64xf32, #tpu.memory_space<hbm>>
        tpu.enqueue_dma source(%arg17 : memref<200x64xf32, #tpu.memory_space<vmem>>) target(%dma_start3A_323 : memref<200x64xf32, #tpu.memory_space<hbm>>) target_semaphore(%arg36 : memref<!tpu.dma_semaphore, #tpu.memory_space<semaphore_mem>>)
      } else {
      }
      %ge3A_283 = arith.constant 0 : i32
      %ge3A_284 = arith.cmpi sge, %sub3A_271, %ge3A_283 : i32
      %add3A_285 = arith.constant 4 : i32
      %add3A_286 = arith.addi %sub3A_271, %add3A_285 : i32
      %lt3A_287 = arith.constant 128 : i32
      %lt3A_288 = arith.cmpi slt, %add3A_286, %lt3A_287 : i32
      %and3A_289 = arith.andi %ge3A_284, %lt3A_288 : i1
      %convert_element_type3A_290 = arith.extui %and3A_289 : i1 to i32
      %cond3A_291 = arith.constant 0 : i32
      %cond3A_292 = arith.cmpi ne, %convert_element_type3A_290, %cond3A_291 : i32
      scf.if %cond3A_292 {
        %add3A_293 = arith.constant 800 : i32
        %add3A_294 = arith.addi %add3A_274, %add3A_293 : i32
        %dma_start3A_295 = tpu.memref_slice %arg2[%add3A_294] : memref<819200xi32, #tpu.memory_space<hbm>> -> memref<200xi32, #tpu.memory_space<hbm>>
        %dma_start3A_296 = tpu.memref_slice %arg2[%add3A_294] : memref<819200xi32, #tpu.memory_space<hbm>> -> memref<200xi32, #tpu.memory_space<hbm>>
        tpu.enqueue_dma source(%dma_start3A_296 : memref<200xi32, #tpu.memory_space<hbm>>) target(%arg9 : memref<200xi32, #tpu.memory_space<vmem>>) target_semaphore(%arg28 : memref<!tpu.dma_semaphore, #tpu.memory_space<semaphore_mem>>)
        %dma_start3A_297 = tpu.memref_slice %arg3[%add3A_294] : memref<819200xi32, #tpu.memory_space<hbm>> -> memref<200xi32, #tpu.memory_space<hbm>>
        %dma_start3A_298 = tpu.memref_slice %arg3[%add3A_294] : memref<819200xi32, #tpu.memory_space<hbm>> -> memref<200xi32, #tpu.memory_space<hbm>>
        tpu.enqueue_dma source(%dma_start3A_298 : memref<200xi32, #tpu.memory_space<hbm>>) target(%arg13 : memref<200xi32, #tpu.memory_space<vmem>>) target_semaphore(%arg28 : memref<!tpu.dma_semaphore, #tpu.memory_space<semaphore_mem>>)
      } else {
      }
    }
    %scan3A_8 = arith.constant 32 : i32
    %mul3A_9 = arith.constant 128 : i32
    %mul3A_10 = arith.muli %add3A, %mul3A_9 : i32
    %add3A_11 = arith.constant 126 : i32
    %add3A_12 = arith.addi %mul3A_10, %add3A_11 : i32
    %dma_wait3A = arith.constant 0 : i32
    %dma_wait3A_13 = arith.constant 0 : i32
    %dma_wait3A_14 = arith.constant 0 : i32
    %dma_wait3A_15 = tpu.memref_slice %arg7[%dma_wait3A, %dma_wait3A_13, %dma_wait3A_14] : memref<4096x200x64xf32, #tpu.memory_space<hbm>> -> memref<1x200x64xf32, #tpu.memory_space<hbm>>
    %dma_wait3A_16 = tpu.memref_squeeze %dma_wait3A_15 : memref<1x200x64xf32, #tpu.memory_space<hbm>> -> memref<200x64xf32, #tpu.memory_space<hbm>>
    %dma_wait3A_17 = arith.constant 0 : i32
    %dma_wait3A_18 = arith.constant 0 : i32
    %dma_wait3A_19 = tpu.memref_slice %arg7[%dma_wait3A, %dma_wait3A_17, %dma_wait3A_18] : memref<4096x200x64xf32, #tpu.memory_space<hbm>> -> memref<1x200x64xf32, #tpu.memory_space<hbm>>
    %dma_wait3A_20 = tpu.memref_squeeze %dma_wait3A_19 : memref<1x200x64xf32, #tpu.memory_space<hbm>> -> memref<200x64xf32, #tpu.memory_space<hbm>>
    tpu.wait_dma2 semaphore(%arg33 : memref<!tpu.dma_semaphore, #tpu.memory_space<semaphore_mem>>) src(%dma_wait3A_20 : memref<200x64xf32, #tpu.memory_space<hbm>>) dst(%arg18 : memref<200x64xf32, #tpu.memory_space<vmem>>)
    %dma_wait3A_21 = arith.constant 0 : i32
    %dma_wait3A_22 = arith.constant 0 : i32
    %dma_wait3A_23 = arith.constant 0 : i32
    %dma_wait3A_24 = tpu.memref_slice %arg7[%dma_wait3A_21, %dma_wait3A_22, %dma_wait3A_23] : memref<4096x200x64xf32, #tpu.memory_space<hbm>> -> memref<1x200x64xf32, #tpu.memory_space<hbm>>
    %dma_wait3A_25 = tpu.memref_squeeze %dma_wait3A_24 : memref<1x200x64xf32, #tpu.memory_space<hbm>> -> memref<200x64xf32, #tpu.memory_space<hbm>>
    %dma_wait3A_26 = arith.constant 0 : i32
    %dma_wait3A_27 = arith.constant 0 : i32
    %dma_wait3A_28 = tpu.memref_slice %arg7[%dma_wait3A_21, %dma_wait3A_26, %dma_wait3A_27] : memref<4096x200x64xf32, #tpu.memory_space<hbm>> -> memref<1x200x64xf32, #tpu.memory_space<hbm>>
    %dma_wait3A_29 = tpu.memref_squeeze %dma_wait3A_28 : memref<1x200x64xf32, #tpu.memory_space<hbm>> -> memref<200x64xf32, #tpu.memory_space<hbm>>
    tpu.wait_dma2 semaphore(%arg33 : memref<!tpu.dma_semaphore, #tpu.memory_space<semaphore_mem>>) src(%dma_wait3A_29 : memref<200x64xf32, #tpu.memory_space<hbm>>) dst(%arg22 : memref<200x64xf32, #tpu.memory_space<vmem>>)
    %scan3A_30 = arith.constant 0 : i32
    %scan3A_31 = arith.constant 50 : i32
    %scan3A_32 = arith.addi %scan3A_30, %scan3A_31 : i32
    %scan3A_33 = arith.constant 1 : i32
    scf.for %scan3A_113 = %scan3A_30 to %scan3A_32 step %scan3A_33  : i32 {
      %mul3A_114 = arith.constant 4 : i32
      %mul3A_115 = arith.muli %scan3A_113, %mul3A_114 : i32
      %add3A_116 = arith.constant 0 : i32
      %add3A_117 = arith.addi %mul3A_115, %add3A_116 : i32
      %get3A = arith.index_cast %add3A_117 : i32 to index
      %get3A_118 = arith.constant 0 : index
      %get3A_119 = tpu.vector_load %arg18[%get3A, %get3A_118] {strides = array<i32>} : memref<200x64xf32, #tpu.memory_space<vmem>>, vector<1x16xf32>,
      %get3A_120 = vector.shape_cast %get3A_119 : vector<1x16xf32> to vector<16xf32>
      %get3A_121 = arith.index_cast %add3A_117 : i32 to index
      %get3A_122 = arith.constant 0 : index
      %get3A_123 = tpu.vector_load %arg22[%get3A_121, %get3A_122] {strides = array<i32>} : memref<200x64xf32, #tpu.memory_space<vmem>>, vector<1x16xf32>,
      %get3A_124 = vector.shape_cast %get3A_123 : vector<1x16xf32> to vector<16xf32>
      %add3A_125 = arith.addf %get3A_120, %get3A_124 : vector<16xf32>
      %get3A_126 = arith.index_cast %add3A_117 : i32 to index
      %get3A_127 = arith.constant 0 : index
      %get3A_128 = tpu.vector_load %arg24[%get3A_126, %get3A_127] {strides = array<i32>} : memref<200x64xf32, #tpu.memory_space<vmem>>, vector<1x16xf32>,
      %get3A_129 = vector.shape_cast %get3A_128 : vector<1x16xf32> to vector<16xf32>
      %add3A_130 = arith.addf %add3A_125, %get3A_129 : vector<16xf32>
      %swap3A = arith.index_cast %add3A_117 : i32 to index
      %swap3A_131 = arith.constant 0 : index
      %swap3A_132 = tpu.vector_load %arg18[%swap3A, %swap3A_131] {strides = array<i32>} : memref<200x64xf32, #tpu.memory_space<vmem>>, vector<1x16xf32>,
      %swap3A_133 = vector.shape_cast %swap3A_132 : vector<1x16xf32> to vector<16xf32>
      %swap3A_134 = vector.shape_cast %add3A_130 : vector<16xf32> to vector<1x16xf32>
      tpu.vector_store %arg18[%swap3A, %swap3A_131], %swap3A_134 {strides = array<i32>} : memref<200x64xf32, #tpu.memory_space<vmem>>, vector<1x16xf32>,
      %get3A_135 = arith.index_cast %add3A_117 : i32 to index
      %get3A_136 = arith.constant 16 : index
      %get3A_137 = tpu.vector_load %arg18[%get3A_135, %get3A_136] {strides = array<i32>} : memref<200x64xf32, #tpu.memory_space<vmem>>, vector<1x16xf32>,
      %get3A_138 = vector.shape_cast %get3A_137 : vector<1x16xf32> to vector<16xf32>
      %get3A_139 = arith.index_cast %add3A_117 : i32 to index
      %get3A_140 = arith.constant 16 : index
      %get3A_141 = tpu.vector_load %arg22[%get3A_139, %get3A_140] {strides = array<i32>} : memref<200x64xf32, #tpu.memory_space<vmem>>, vector<1x16xf32>,
      %get3A_142 = vector.shape_cast %get3A_141 : vector<1x16xf32> to vector<16xf32>
      %add3A_143 = arith.addf %get3A_138, %get3A_142 : vector<16xf32>
      %get3A_144 = arith.index_cast %add3A_117 : i32 to index
      %get3A_145 = arith.constant 16 : index
      %get3A_146 = tpu.vector_load %arg24[%get3A_144, %get3A_145] {strides = array<i32>} : memref<200x64xf32, #tpu.memory_space<vmem>>, vector<1x16xf32>,
      %get3A_147 = vector.shape_cast %get3A_146 : vector<1x16xf32> to vector<16xf32>
      %add3A_148 = arith.addf %add3A_143, %get3A_147 : vector<16xf32>
      %swap3A_149 = arith.index_cast %add3A_117 : i32 to index
      %swap3A_150 = arith.constant 16 : index
      %swap3A_151 = tpu.vector_load %arg18[%swap3A_149, %swap3A_150] {strides = array<i32>} : memref<200x64xf32, #tpu.memory_space<vmem>>, vector<1x16xf32>,
      %swap3A_152 = vector.shape_cast %swap3A_151 : vector<1x16xf32> to vector<16xf32>
      %swap3A_153 = vector.shape_cast %add3A_148 : vector<16xf32> to vector<1x16xf32>
      tpu.vector_store %arg18[%swap3A_149, %swap3A_150], %swap3A_153 {strides = array<i32>} : memref<200x64xf32, #tpu.memory_space<vmem>>, vector<1x16xf32>,
      %get3A_154 = arith.index_cast %add3A_117 : i32 to index
      %get3A_155 = arith.constant 32 : index
      %get3A_156 = tpu.vector_load %arg18[%get3A_154, %get3A_155] {strides = array<i32>} : memref<200x64xf32, #tpu.memory_space<vmem>>, vector<1x16xf32>,
      %get3A_157 = vector.shape_cast %get3A_156 : vector<1x16xf32> to vector<16xf32>
      %get3A_158 = arith.index_cast %add3A_117 : i32 to index
      %get3A_159 = arith.constant 32 : index
      %get3A_160 = tpu.vector_load %arg22[%get3A_158, %get3A_159] {strides = array<i32>} : memref<200x64xf32, #tpu.memory_space<vmem>>, vector<1x16xf32>,
      %get3A_161 = vector.shape_cast %get3A_160 : vector<1x16xf32> to vector<16xf32>
      %add3A_162 = arith.addf %get3A_157, %get3A_161 : vector<16xf32>
      %get3A_163 = arith.index_cast %add3A_117 : i32 to index
      %get3A_164 = arith.constant 32 : index
      %get3A_165 = tpu.vector_load %arg24[%get3A_163, %get3A_164] {strides = array<i32>} : memref<200x64xf32, #tpu.memory_space<vmem>>, vector<1x16xf32>,
      %get3A_166 = vector.shape_cast %get3A_165 : vector<1x16xf32> to vector<16xf32>
      %add3A_167 = arith.addf %add3A_162, %get3A_166 : vector<16xf32>
      %swap3A_168 = arith.index_cast %add3A_117 : i32 to index
      %swap3A_169 = arith.constant 32 : index
      %swap3A_170 = tpu.vector_load %arg18[%swap3A_168, %swap3A_169] {strides = array<i32>} : memref<200x64xf32, #tpu.memory_space<vmem>>, vector<1x16xf32>,
      %swap3A_171 = vector.shape_cast %swap3A_170 : vector<1x16xf32> to vector<16xf32>
      %swap3A_172 = vector.shape_cast %add3A_167 : vector<16xf32> to vector<1x16xf32>
      tpu.vector_store %arg18[%swap3A_168, %swap3A_169], %swap3A_172 {strides = array<i32>} : memref<200x64xf32, #tpu.memory_space<vmem>>, vector<1x16xf32>,
      %get3A_173 = arith.index_cast %add3A_117 : i32 to index
      %get3A_174 = arith.constant 48 : index
      %get3A_175 = tpu.vector_load %arg18[%get3A_173, %get3A_174] {strides = array<i32>} : memref<200x64xf32, #tpu.memory_space<vmem>>, vector<1x16xf32>,
      %get3A_176 = vector.shape_cast %get3A_175 : vector<1x16xf32> to vector<16xf32>
      %get3A_177 = arith.index_cast %add3A_117 : i32 to index
      %get3A_178 = arith.constant 48 : index
      %get3A_179 = tpu.vector_load %arg22[%get3A_177, %get3A_178] {strides = array<i32>} : memref<200x64xf32, #tpu.memory_space<vmem>>, vector<1x16xf32>,
      %get3A_180 = vector.shape_cast %get3A_179 : vector<1x16xf32> to vector<16xf32>
      %add3A_181 = arith.addf %get3A_176, %get3A_180 : vector<16xf32>
      %get3A_182 = arith.index_cast %add3A_117 : i32 to index
      %get3A_183 = arith.constant 48 : index
      %get3A_184 = tpu.vector_load %arg24[%get3A_182, %get3A_183] {strides = array<i32>} : memref<200x64xf32, #tpu.memory_space<vmem>>, vector<1x16xf32>,
      %get3A_185 = vector.shape_cast %get3A_184 : vector<1x16xf32> to vector<16xf32>
      %add3A_186 = arith.addf %add3A_181, %get3A_185 : vector<16xf32>
      %swap3A_187 = arith.index_cast %add3A_117 : i32 to index
      %swap3A_188 = arith.constant 48 : index
      %swap3A_189 = tpu.vector_load %arg18[%swap3A_187, %swap3A_188] {strides = array<i32>} : memref<200x64xf32, #tpu.memory_space<vmem>>, vector<1x16xf32>,
      %swap3A_190 = vector.shape_cast %swap3A_189 : vector<1x16xf32> to vector<16xf32>
      %swap3A_191 = vector.shape_cast %add3A_186 : vector<16xf32> to vector<1x16xf32>
      tpu.vector_store %arg18[%swap3A_187, %swap3A_188], %swap3A_191 {strides = array<i32>} : memref<200x64xf32, #tpu.memory_space<vmem>>, vector<1x16xf32>,
      %mul3A_192 = arith.constant 4 : i32
      %mul3A_193 = arith.muli %scan3A_113, %mul3A_192 : i32
      %add3A_194 = arith.constant 1 : i32
      %add3A_195 = arith.addi %mul3A_193, %add3A_194 : i32
      %get3A_196 = arith.index_cast %add3A_195 : i32 to index
      %get3A_197 = arith.constant 0 : index
      %get3A_198 = tpu.vector_load %arg18[%get3A_196, %get3A_197] {strides = array<i32>} : memref<200x64xf32, #tpu.memory_space<vmem>>, vector<1x16xf32>,
      %get3A_199 = vector.shape_cast %get3A_198 : vector<1x16xf32> to vector<16xf32>
      %get3A_200 = arith.index_cast %add3A_195 : i32 to index
      %get3A_201 = arith.constant 0 : index
      %get3A_202 = tpu.vector_load %arg22[%get3A_200, %get3A_201] {strides = array<i32>} : memref<200x64xf32, #tpu.memory_space<vmem>>, vector<1x16xf32>,
      %get3A_203 = vector.shape_cast %get3A_202 : vector<1x16xf32> to vector<16xf32>
      %add3A_204 = arith.addf %get3A_199, %get3A_203 : vector<16xf32>
      %get3A_205 = arith.index_cast %add3A_195 : i32 to index
      %get3A_206 = arith.constant 0 : index
      %get3A_207 = tpu.vector_load %arg24[%get3A_205, %get3A_206] {strides = array<i32>} : memref<200x64xf32, #tpu.memory_space<vmem>>, vector<1x16xf32>,
      %get3A_208 = vector.shape_cast %get3A_207 : vector<1x16xf32> to vector<16xf32>
      %add3A_209 = arith.addf %add3A_204, %get3A_208 : vector<16xf32>
      %swap3A_210 = arith.index_cast %add3A_195 : i32 to index
      %swap3A_211 = arith.constant 0 : index
      %swap3A_212 = tpu.vector_load %arg18[%swap3A_210, %swap3A_211] {strides = array<i32>} : memref<200x64xf32, #tpu.memory_space<vmem>>, vector<1x16xf32>,
      %swap3A_213 = vector.shape_cast %swap3A_212 : vector<1x16xf32> to vector<16xf32>
      %swap3A_214 = vector.shape_cast %add3A_209 : vector<16xf32> to vector<1x16xf32>
      tpu.vector_store %arg18[%swap3A_210, %swap3A_211], %swap3A_214 {strides = array<i32>} : memref<200x64xf32, #tpu.memory_space<vmem>>, vector<1x16xf32>,
      %get3A_215 = arith.index_cast %add3A_195 : i32 to index
      %get3A_216 = arith.constant 16 : index
      %get3A_217 = tpu.vector_load %arg18[%get3A_215, %get3A_216] {strides = array<i32>} : memref<200x64xf32, #tpu.memory_space<vmem>>, vector<1x16xf32>,
      %get3A_218 = vector.shape_cast %get3A_217 : vector<1x16xf32> to vector<16xf32>
      %get3A_219 = arith.index_cast %add3A_195 : i32 to index
      %get3A_220 = arith.constant 16 : index
      %get3A_221 = tpu.vector_load %arg22[%get3A_219, %get3A_220] {strides = array<i32>} : memref<200x64xf32, #tpu.memory_space<vmem>>, vector<1x16xf32>,
      %get3A_222 = vector.shape_cast %get3A_221 : vector<1x16xf32> to vector<16xf32>
      %add3A_223 = arith.addf %get3A_218, %get3A_222 : vector<16xf32>
      %get3A_224 = arith.index_cast %add3A_195 : i32 to index
      %get3A_225 = arith.constant 16 : index
      %get3A_226 = tpu.vector_load %arg24[%get3A_224, %get3A_225] {strides = array<i32>} : memref<200x64xf32, #tpu.memory_space<vmem>>, vector<1x16xf32>,
      %get3A_227 = vector.shape_cast %get3A_226 : vector<1x16xf32> to vector<16xf32>
      %add3A_228 = arith.addf %add3A_223, %get3A_227 : vector<16xf32>
      %swap3A_229 = arith.index_cast %add3A_195 : i32 to index
      %swap3A_230 = arith.constant 16 : index
      %swap3A_231 = tpu.vector_load %arg18[%swap3A_229, %swap3A_230] {strides = array<i32>} : memref<200x64xf32, #tpu.memory_space<vmem>>, vector<1x16xf32>,
      %swap3A_232 = vector.shape_cast %swap3A_231 : vector<1x16xf32> to vector<16xf32>
      %swap3A_233 = vector.shape_cast %add3A_228 : vector<16xf32> to vector<1x16xf32>
      tpu.vector_store %arg18[%swap3A_229, %swap3A_230], %swap3A_233 {strides = array<i32>} : memref<200x64xf32, #tpu.memory_space<vmem>>, vector<1x16xf32>,
      %get3A_234 = arith.index_cast %add3A_195 : i32 to index
      %get3A_235 = arith.constant 32 : index
      %get3A_236 = tpu.vector_load %arg18[%get3A_234, %get3A_235] {strides = array<i32>} : memref<200x64xf32, #tpu.memory_space<vmem>>, vector<1x16xf32>,
      %get3A_237 = vector.shape_cast %get3A_236 : vector<1x16xf32> to vector<16xf32>
      %get3A_238 = arith.index_cast %add3A_195 : i32 to index
      %get3A_239 = arith.constant 32 : index
      %get3A_240 = tpu.vector_load %arg22[%get3A_238, %get3A_239] {strides = array<i32>} : memref<200x64xf32, #tpu.memory_space<vmem>>, vector<1x16xf32>,
      %get3A_241 = vector.shape_cast %get3A_240 : vector<1x16xf32> to vector<16xf32>
      %add3A_242 = arith.addf %get3A_237, %get3A_241 : vector<16xf32>
      %get3A_243 = arith.index_cast %add3A_195 : i32 to index
      %get3A_244 = arith.constant 32 : index
      %get3A_245 = tpu.vector_load %arg24[%get3A_243, %get3A_244] {strides = array<i32>} : memref<200x64xf32, #tpu.memory_space<vmem>>, vector<1x16xf32>,
      %get3A_246 = vector.shape_cast %get3A_245 : vector<1x16xf32> to vector<16xf32>
      %add3A_247 = arith.addf %add3A_242, %get3A_246 : vector<16xf32>
      %swap3A_248 = arith.index_cast %add3A_195 : i32 to index
      %swap3A_249 = arith.constant 32 : index
      %swap3A_250 = tpu.vector_load %arg18[%swap3A_248, %swap3A_249] {strides = array<i32>} : memref<200x64xf32, #tpu.memory_space<vmem>>, vector<1x16xf32>,
      %swap3A_251 = vector.shape_cast %swap3A_250 : vector<1x16xf32> to vector<16xf32>
      %swap3A_252 = vector.shape_cast %add3A_247 : vector<16xf32> to vector<1x16xf32>
      tpu.vector_store %arg18[%swap3A_248, %swap3A_249], %swap3A_252 {strides = array<i32>} : memref<200x64xf32, #tpu.memory_space<vmem>>, vector<1x16xf32>,
      %get3A_253 = arith.index_cast %add3A_195 : i32 to index
      %get3A_254 = arith.constant 48 : index
      %get3A_255 = tpu.vector_load %arg18[%get3A_253, %get3A_254] {strides = array<i32>} : memref<200x64xf32, #tpu.memory_space<vmem>>, vector<1x16xf32>,
      %get3A_256 = vector.shape_cast %get3A_255 : vector<1x16xf32> to vector<16xf32>
      %get3A_257 = arith.index_cast %add3A_195 : i32 to index
      %get3A_258 = arith.constant 48 : index
      %get3A_259 = tpu.vector_load %arg22[%get3A_257, %get3A_258] {strides = array<i32>} : memref<200x64xf32, #tpu.memory_space<vmem>>, vector<1x16xf32>,
      %get3A_260 = vector.shape_cast %get3A_259 : vector<1x16xf32> to vector<16xf32>
      %add3A_261 = arith.addf %get3A_256, %get3A_260 : vector<16xf32>
      %get3A_262 = arith.index_cast %add3A_195 : i32 to index
      %get3A_263 = arith.constant 48 : index
      %get3A_264 = tpu.vector_load %arg24[%get3A_262, %get3A_263] {strides = array<i32>} : memref<200x64xf32, #tpu.memory_space<vmem>>, vector<1x16xf32>,
      %get3A_265 = vector.shape_cast %get3A_264 : vector<1x16xf32> to vector<16xf32>
      %add3A_266 = arith.addf %add3A_261, %get3A_265 : vector<16xf32>
      %swap3A_267 = arith.index_cast %add3A_195 : i32 to index
      %swap3A_268 = arith.constant 48 : index
      %swap3A_269 = tpu.vector_load %arg18[%swap3A_267, %swap3A_268] {strides = array<i32>} : memref<200x64xf32, #tpu.memory_space<vmem>>, vector<1x16xf32>,
      %swap3A_270 = vector.shape_cast %swap3A_269 : vector<1x16xf32> to vector<16xf32>
      %swap3A_271 = vector.shape_cast %add3A_266 : vector<16xf32> to vector<1x16xf32>
      tpu.vector_store %arg18[%swap3A_267, %swap3A_268], %swap3A_271 {strides = array<i32>} : memref<200x64xf32, #tpu.memory_space<vmem>>, vector<1x16xf32>,
      %mul3A_272 = arith.constant 4 : i32
      %mul3A_273 = arith.muli %scan3A_113, %mul3A_272 : i32
      %add3A_274 = arith.constant 2 : i32
      %add3A_275 = arith.addi %mul3A_273, %add3A_274 : i32
      %get3A_276 = arith.index_cast %add3A_275 : i32 to index
      %get3A_277 = arith.constant 0 : index
      %get3A_278 = tpu.vector_load %arg18[%get3A_276, %get3A_277] {strides = array<i32>} : memref<200x64xf32, #tpu.memory_space<vmem>>, vector<1x16xf32>,
      %get3A_279 = vector.shape_cast %get3A_278 : vector<1x16xf32> to vector<16xf32>
      %get3A_280 = arith.index_cast %add3A_275 : i32 to index
      %get3A_281 = arith.constant 0 : index
      %get3A_282 = tpu.vector_load %arg22[%get3A_280, %get3A_281] {strides = array<i32>} : memref<200x64xf32, #tpu.memory_space<vmem>>, vector<1x16xf32>,
      %get3A_283 = vector.shape_cast %get3A_282 : vector<1x16xf32> to vector<16xf32>
      %add3A_284 = arith.addf %get3A_279, %get3A_283 : vector<16xf32>
      %get3A_285 = arith.index_cast %add3A_275 : i32 to index
      %get3A_286 = arith.constant 0 : index
      %get3A_287 = tpu.vector_load %arg24[%get3A_285, %get3A_286] {strides = array<i32>} : memref<200x64xf32, #tpu.memory_space<vmem>>, vector<1x16xf32>,
      %get3A_288 = vector.shape_cast %get3A_287 : vector<1x16xf32> to vector<16xf32>
      %add3A_289 = arith.addf %add3A_284, %get3A_288 : vector<16xf32>
      %swap3A_290 = arith.index_cast %add3A_275 : i32 to index
      %swap3A_291 = arith.constant 0 : index
      %swap3A_292 = tpu.vector_load %arg18[%swap3A_290, %swap3A_291] {strides = array<i32>} : memref<200x64xf32, #tpu.memory_space<vmem>>, vector<1x16xf32>,
      %swap3A_293 = vector.shape_cast %swap3A_292 : vector<1x16xf32> to vector<16xf32>
      %swap3A_294 = vector.shape_cast %add3A_289 : vector<16xf32> to vector<1x16xf32>
      tpu.vector_store %arg18[%swap3A_290, %swap3A_291], %swap3A_294 {strides = array<i32>} : memref<200x64xf32, #tpu.memory_space<vmem>>, vector<1x16xf32>,
      %get3A_295 = arith.index_cast %add3A_275 : i32 to index
      %get3A_296 = arith.constant 16 : index
      %get3A_297 = tpu.vector_load %arg18[%get3A_295, %get3A_296] {strides = array<i32>} : memref<200x64xf32, #tpu.memory_space<vmem>>, vector<1x16xf32>,
      %get3A_298 = vector.shape_cast %get3A_297 : vector<1x16xf32> to vector<16xf32>
      %get3A_299 = arith.index_cast %add3A_275 : i32 to index
      %get3A_300 = arith.constant 16 : index
      %get3A_301 = tpu.vector_load %arg22[%get3A_299, %get3A_300] {strides = array<i32>} : memref<200x64xf32, #tpu.memory_space<vmem>>, vector<1x16xf32>,
      %get3A_302 = vector.shape_cast %get3A_301 : vector<1x16xf32> to vector<16xf32>
      %add3A_303 = arith.addf %get3A_298, %get3A_302 : vector<16xf32>
      %get3A_304 = arith.index_cast %add3A_275 : i32 to index
      %get3A_305 = arith.constant 16 : index
      %get3A_306 = tpu.vector_load %arg24[%get3A_304, %get3A_305] {strides = array<i32>} : memref<200x64xf32, #tpu.memory_space<vmem>>, vector<1x16xf32>,
      %get3A_307 = vector.shape_cast %get3A_306 : vector<1x16xf32> to vector<16xf32>
      %add3A_308 = arith.addf %add3A_303, %get3A_307 : vector<16xf32>
      %swap3A_309 = arith.index_cast %add3A_275 : i32 to index
      %swap3A_310 = arith.constant 16 : index
      %swap3A_311 = tpu.vector_load %arg18[%swap3A_309, %swap3A_310] {strides = array<i32>} : memref<200x64xf32, #tpu.memory_space<vmem>>, vector<1x16xf32>,
      %swap3A_312 = vector.shape_cast %swap3A_311 : vector<1x16xf32> to vector<16xf32>
      %swap3A_313 = vector.shape_cast %add3A_308 : vector<16xf32> to vector<1x16xf32>
      tpu.vector_store %arg18[%swap3A_309, %swap3A_310], %swap3A_313 {strides = array<i32>} : memref<200x64xf32, #tpu.memory_space<vmem>>, vector<1x16xf32>,
      %get3A_314 = arith.index_cast %add3A_275 : i32 to index
      %get3A_315 = arith.constant 32 : index
      %get3A_316 = tpu.vector_load %arg18[%get3A_314, %get3A_315] {strides = array<i32>} : memref<200x64xf32, #tpu.memory_space<vmem>>, vector<1x16xf32>,
      %get3A_317 = vector.shape_cast %get3A_316 : vector<1x16xf32> to vector<16xf32>
      %get3A_318 = arith.index_cast %add3A_275 : i32 to index
      %get3A_319 = arith.constant 32 : index
      %get3A_320 = tpu.vector_load %arg22[%get3A_318, %get3A_319] {strides = array<i32>} : memref<200x64xf32, #tpu.memory_space<vmem>>, vector<1x16xf32>,
      %get3A_321 = vector.shape_cast %get3A_320 : vector<1x16xf32> to vector<16xf32>
      %add3A_322 = arith.addf %get3A_317, %get3A_321 : vector<16xf32>
      %get3A_323 = arith.index_cast %add3A_275 : i32 to index
      %get3A_324 = arith.constant 32 : index
      %get3A_325 = tpu.vector_load %arg24[%get3A_323, %get3A_324] {strides = array<i32>} : memref<200x64xf32, #tpu.memory_space<vmem>>, vector<1x16xf32>,
      %get3A_326 = vector.shape_cast %get3A_325 : vector<1x16xf32> to vector<16xf32>
      %add3A_327 = arith.addf %add3A_322, %get3A_326 : vector<16xf32>
      %swap3A_328 = arith.index_cast %add3A_275 : i32 to index
      %swap3A_329 = arith.constant 32 : index
      %swap3A_330 = tpu.vector_load %arg18[%swap3A_328, %swap3A_329] {strides = array<i32>} : memref<200x64xf32, #tpu.memory_space<vmem>>, vector<1x16xf32>,
      %swap3A_331 = vector.shape_cast %swap3A_330 : vector<1x16xf32> to vector<16xf32>
      %swap3A_332 = vector.shape_cast %add3A_327 : vector<16xf32> to vector<1x16xf32>
      tpu.vector_store %arg18[%swap3A_328, %swap3A_329], %swap3A_332 {strides = array<i32>} : memref<200x64xf32, #tpu.memory_space<vmem>>, vector<1x16xf32>,
      %get3A_333 = arith.index_cast %add3A_275 : i32 to index
      %get3A_334 = arith.constant 48 : index
      %get3A_335 = tpu.vector_load %arg18[%get3A_333, %get3A_334] {strides = array<i32>} : memref<200x64xf32, #tpu.memory_space<vmem>>, vector<1x16xf32>,
      %get3A_336 = vector.shape_cast %get3A_335 : vector<1x16xf32> to vector<16xf32>
      %get3A_337 = arith.index_cast %add3A_275 : i32 to index
      %get3A_338 = arith.constant 48 : index
      %get3A_339 = tpu.vector_load %arg22[%get3A_337, %get3A_338] {strides = array<i32>} : memref<200x64xf32, #tpu.memory_space<vmem>>, vector<1x16xf32>,
      %get3A_340 = vector.shape_cast %get3A_339 : vector<1x16xf32> to vector<16xf32>
      %add3A_341 = arith.addf %get3A_336, %get3A_340 : vector<16xf32>
      %get3A_342 = arith.index_cast %add3A_275 : i32 to index
      %get3A_343 = arith.constant 48 : index
      %get3A_344 = tpu.vector_load %arg24[%get3A_342, %get3A_343] {strides = array<i32>} : memref<200x64xf32, #tpu.memory_space<vmem>>, vector<1x16xf32>,
      %get3A_345 = vector.shape_cast %get3A_344 : vector<1x16xf32> to vector<16xf32>
      %add3A_346 = arith.addf %add3A_341, %get3A_345 : vector<16xf32>
      %swap3A_347 = arith.index_cast %add3A_275 : i32 to index
      %swap3A_348 = arith.constant 48 : index
      %swap3A_349 = tpu.vector_load %arg18[%swap3A_347, %swap3A_348] {strides = array<i32>} : memref<200x64xf32, #tpu.memory_space<vmem>>, vector<1x16xf32>,
      %swap3A_350 = vector.shape_cast %swap3A_349 : vector<1x16xf32> to vector<16xf32>
      %swap3A_351 = vector.shape_cast %add3A_346 : vector<16xf32> to vector<1x16xf32>
      tpu.vector_store %arg18[%swap3A_347, %swap3A_348], %swap3A_351 {strides = array<i32>} : memref<200x64xf32, #tpu.memory_space<vmem>>, vector<1x16xf32>,
      %mul3A_352 = arith.constant 4 : i32
      %mul3A_353 = arith.muli %scan3A_113, %mul3A_352 : i32
      %add3A_354 = arith.constant 3 : i32
      %add3A_355 = arith.addi %mul3A_353, %add3A_354 : i32
      %get3A_356 = arith.index_cast %add3A_355 : i32 to index
      %get3A_357 = arith.constant 0 : index
      %get3A_358 = tpu.vector_load %arg18[%get3A_356, %get3A_357] {strides = array<i32>} : memref<200x64xf32, #tpu.memory_space<vmem>>, vector<1x16xf32>,
      %get3A_359 = vector.shape_cast %get3A_358 : vector<1x16xf32> to vector<16xf32>
      %get3A_360 = arith.index_cast %add3A_355 : i32 to index
      %get3A_361 = arith.constant 0 : index
      %get3A_362 = tpu.vector_load %arg22[%get3A_360, %get3A_361] {strides = array<i32>} : memref<200x64xf32, #tpu.memory_space<vmem>>, vector<1x16xf32>,
      %get3A_363 = vector.shape_cast %get3A_362 : vector<1x16xf32> to vector<16xf32>
      %add3A_364 = arith.addf %get3A_359, %get3A_363 : vector<16xf32>
      %get3A_365 = arith.index_cast %add3A_355 : i32 to index
      %get3A_366 = arith.constant 0 : index
      %get3A_367 = tpu.vector_load %arg24[%get3A_365, %get3A_366] {strides = array<i32>} : memref<200x64xf32, #tpu.memory_space<vmem>>, vector<1x16xf32>,
      %get3A_368 = vector.shape_cast %get3A_367 : vector<1x16xf32> to vector<16xf32>
      %add3A_369 = arith.addf %add3A_364, %get3A_368 : vector<16xf32>
      %swap3A_370 = arith.index_cast %add3A_355 : i32 to index
      %swap3A_371 = arith.constant 0 : index
      %swap3A_372 = tpu.vector_load %arg18[%swap3A_370, %swap3A_371] {strides = array<i32>} : memref<200x64xf32, #tpu.memory_space<vmem>>, vector<1x16xf32>,
      %swap3A_373 = vector.shape_cast %swap3A_372 : vector<1x16xf32> to vector<16xf32>
      %swap3A_374 = vector.shape_cast %add3A_369 : vector<16xf32> to vector<1x16xf32>
      tpu.vector_store %arg18[%swap3A_370, %swap3A_371], %swap3A_374 {strides = array<i32>} : memref<200x64xf32, #tpu.memory_space<vmem>>, vector<1x16xf32>,
      %get3A_375 = arith.index_cast %add3A_355 : i32 to index
      %get3A_376 = arith.constant 16 : index
      %get3A_377 = tpu.vector_load %arg18[%get3A_375, %get3A_376] {strides = array<i32>} : memref<200x64xf32, #tpu.memory_space<vmem>>, vector<1x16xf32>,
      %get3A_378 = vector.shape_cast %get3A_377 : vector<1x16xf32> to vector<16xf32>
      %get3A_379 = arith.index_cast %add3A_355 : i32 to index
      %get3A_380 = arith.constant 16 : index
      %get3A_381 = tpu.vector_load %arg22[%get3A_379, %get3A_380] {strides = array<i32>} : memref<200x64xf32, #tpu.memory_space<vmem>>, vector<1x16xf32>,
      %get3A_382 = vector.shape_cast %get3A_381 : vector<1x16xf32> to vector<16xf32>
      %add3A_383 = arith.addf %get3A_378, %get3A_382 : vector<16xf32>
      %get3A_384 = arith.index_cast %add3A_355 : i32 to index
      %get3A_385 = arith.constant 16 : index
      %get3A_386 = tpu.vector_load %arg24[%get3A_384, %get3A_385] {strides = array<i32>} : memref<200x64xf32, #tpu.memory_space<vmem>>, vector<1x16xf32>,
      %get3A_387 = vector.shape_cast %get3A_386 : vector<1x16xf32> to vector<16xf32>
      %add3A_388 = arith.addf %add3A_383, %get3A_387 : vector<16xf32>
      %swap3A_389 = arith.index_cast %add3A_355 : i32 to index
      %swap3A_390 = arith.constant 16 : index
      %swap3A_391 = tpu.vector_load %arg18[%swap3A_389, %swap3A_390] {strides = array<i32>} : memref<200x64xf32, #tpu.memory_space<vmem>>, vector<1x16xf32>,
      %swap3A_392 = vector.shape_cast %swap3A_391 : vector<1x16xf32> to vector<16xf32>
      %swap3A_393 = vector.shape_cast %add3A_388 : vector<16xf32> to vector<1x16xf32>
      tpu.vector_store %arg18[%swap3A_389, %swap3A_390], %swap3A_393 {strides = array<i32>} : memref<200x64xf32, #tpu.memory_space<vmem>>, vector<1x16xf32>,
      %get3A_394 = arith.index_cast %add3A_355 : i32 to index
      %get3A_395 = arith.constant 32 : index
      %get3A_396 = tpu.vector_load %arg18[%get3A_394, %get3A_395] {strides = array<i32>} : memref<200x64xf32, #tpu.memory_space<vmem>>, vector<1x16xf32>,
      %get3A_397 = vector.shape_cast %get3A_396 : vector<1x16xf32> to vector<16xf32>
      %get3A_398 = arith.index_cast %add3A_355 : i32 to index
      %get3A_399 = arith.constant 32 : index
      %get3A_400 = tpu.vector_load %arg22[%get3A_398, %get3A_399] {strides = array<i32>} : memref<200x64xf32, #tpu.memory_space<vmem>>, vector<1x16xf32>,
      %get3A_401 = vector.shape_cast %get3A_400 : vector<1x16xf32> to vector<16xf32>
      %add3A_402 = arith.addf %get3A_397, %get3A_401 : vector<16xf32>
      %get3A_403 = arith.index_cast %add3A_355 : i32 to index
      %get3A_404 = arith.constant 32 : index
      %get3A_405 = tpu.vector_load %arg24[%get3A_403, %get3A_404] {strides = array<i32>} : memref<200x64xf32, #tpu.memory_space<vmem>>, vector<1x16xf32>,
      %get3A_406 = vector.shape_cast %get3A_405 : vector<1x16xf32> to vector<16xf32>
      %add3A_407 = arith.addf %add3A_402, %get3A_406 : vector<16xf32>
      %swap3A_408 = arith.index_cast %add3A_355 : i32 to index
      %swap3A_409 = arith.constant 32 : index
      %swap3A_410 = tpu.vector_load %arg18[%swap3A_408, %swap3A_409] {strides = array<i32>} : memref<200x64xf32, #tpu.memory_space<vmem>>, vector<1x16xf32>,
      %swap3A_411 = vector.shape_cast %swap3A_410 : vector<1x16xf32> to vector<16xf32>
      %swap3A_412 = vector.shape_cast %add3A_407 : vector<16xf32> to vector<1x16xf32>
      tpu.vector_store %arg18[%swap3A_408, %swap3A_409], %swap3A_412 {strides = array<i32>} : memref<200x64xf32, #tpu.memory_space<vmem>>, vector<1x16xf32>,
      %get3A_413 = arith.index_cast %add3A_355 : i32 to index
      %get3A_414 = arith.constant 48 : index
      %get3A_415 = tpu.vector_load %arg18[%get3A_413, %get3A_414] {strides = array<i32>} : memref<200x64xf32, #tpu.memory_space<vmem>>, vector<1x16xf32>,
      %get3A_416 = vector.shape_cast %get3A_415 : vector<1x16xf32> to vector<16xf32>
      %get3A_417 = arith.index_cast %add3A_355 : i32 to index
      %get3A_418 = arith.constant 48 : index
      %get3A_419 = tpu.vector_load %arg22[%get3A_417, %get3A_418] {strides = array<i32>} : memref<200x64xf32, #tpu.memory_space<vmem>>, vector<1x16xf32>,
      %get3A_420 = vector.shape_cast %get3A_419 : vector<1x16xf32> to vector<16xf32>
      %add3A_421 = arith.addf %get3A_416, %get3A_420 : vector<16xf32>
      %get3A_422 = arith.index_cast %add3A_355 : i32 to index
      %get3A_423 = arith.constant 48 : index
      %get3A_424 = tpu.vector_load %arg24[%get3A_422, %get3A_423] {strides = array<i32>} : memref<200x64xf32, #tpu.memory_space<vmem>>, vector<1x16xf32>,
      %get3A_425 = vector.shape_cast %get3A_424 : vector<1x16xf32> to vector<16xf32>
      %add3A_426 = arith.addf %add3A_421, %get3A_425 : vector<16xf32>
      %swap3A_427 = arith.index_cast %add3A_355 : i32 to index
      %swap3A_428 = arith.constant 48 : index
      %swap3A_429 = tpu.vector_load %arg18[%swap3A_427, %swap3A_428] {strides = array<i32>} : memref<200x64xf32, #tpu.memory_space<vmem>>, vector<1x16xf32>,
      %swap3A_430 = vector.shape_cast %swap3A_429 : vector<1x16xf32> to vector<16xf32>
      %swap3A_431 = vector.shape_cast %add3A_426 : vector<16xf32> to vector<1x16xf32>
      tpu.vector_store %arg18[%swap3A_427, %swap3A_428], %swap3A_431 {strides = array<i32>} : memref<200x64xf32, #tpu.memory_space<vmem>>, vector<1x16xf32>,
    }
    %scan3A_34 = arith.constant 50 : i32
    %dma_start3A = arith.constant 0 : i32
    %dma_start3A_35 = arith.constant 0 : i32
    %dma_start3A_36 = tpu.memref_slice %arg7[%add3A_12, %dma_start3A, %dma_start3A_35] : memref<4096x200x64xf32, #tpu.memory_space<hbm>> -> memref<1x200x64xf32, #tpu.memory_space<hbm>>
    %dma_start3A_37 = tpu.memref_squeeze %dma_start3A_36 : memref<1x200x64xf32, #tpu.memory_space<hbm>> -> memref<200x64xf32, #tpu.memory_space<hbm>>
    %dma_start3A_38 = arith.constant 0 : i32
    %dma_start3A_39 = arith.constant 0 : i32
    %dma_start3A_40 = tpu.memref_slice %arg7[%add3A_12, %dma_start3A_38, %dma_start3A_39] : memref<4096x200x64xf32, #tpu.memory_space<hbm>> -> memref<1x200x64xf32, #tpu.memory_space<hbm>>
    %dma_start3A_41 = tpu.memref_squeeze %dma_start3A_40 : memref<1x200x64xf32, #tpu.memory_space<hbm>> -> memref<200x64xf32, #tpu.memory_space<hbm>>
    tpu.enqueue_dma source(%arg18 : memref<200x64xf32, #tpu.memory_space<vmem>>) target(%dma_start3A_41 : memref<200x64xf32, #tpu.memory_space<hbm>>) target_semaphore(%arg37 : memref<!tpu.dma_semaphore, #tpu.memory_space<semaphore_mem>>)
    %mul3A_42 = arith.constant 128 : i32
    %mul3A_43 = arith.muli %add3A, %mul3A_42 : i32
    %add3A_44 = arith.constant 127 : i32
    %add3A_45 = arith.addi %mul3A_43, %add3A_44 : i32
    %dma_wait3A_46 = arith.constant 0 : i32
    %dma_wait3A_47 = arith.constant 0 : i32
    %dma_wait3A_48 = arith.constant 0 : i32
    %dma_wait3A_49 = tpu.memref_slice %arg7[%dma_wait3A_46, %dma_wait3A_47, %dma_wait3A_48] : memref<4096x200x64xf32, #tpu.memory_space<hbm>> -> memref<1x200x64xf32, #tpu.memory_space<hbm>>
    %dma_wait3A_50 = tpu.memref_squeeze %dma_wait3A_49 : memref<1x200x64xf32, #tpu.memory_space<hbm>> -> memref<200x64xf32, #tpu.memory_space<hbm>>
    %dma_wait3A_51 = arith.constant 0 : i32
    %dma_wait3A_52 = arith.constant 0 : i32
    %dma_wait3A_53 = tpu.memref_slice %arg7[%dma_wait3A_46, %dma_wait3A_51, %dma_wait3A_52] : memref<4096x200x64xf32, #tpu.memory_space<hbm>> -> memref<1x200x64xf32, #tpu.memory_space<hbm>>
    %dma_wait3A_54 = tpu.memref_squeeze %dma_wait3A_53 : memref<1x200x64xf32, #tpu.memory_space<hbm>> -> memref<200x64xf32, #tpu.memory_space<hbm>>
    tpu.wait_dma2 semaphore(%arg34 : memref<!tpu.dma_semaphore, #tpu.memory_space<semaphore_mem>>) src(%dma_wait3A_54 : memref<200x64xf32, #tpu.memory_space<hbm>>) dst(%arg19 : memref<200x64xf32, #tpu.memory_space<vmem>>)
    %dma_wait3A_55 = arith.constant 0 : i32
    %dma_wait3A_56 = arith.constant 0 : i32
    %dma_wait3A_57 = arith.constant 0 : i32
    %dma_wait3A_58 = tpu.memref_slice %arg7[%dma_wait3A_55, %dma_wait3A_56, %dma_wait3A_57] : memref<4096x200x64xf32, #tpu.memory_space<hbm>> -> memref<1x200x64xf32, #tpu.memory_space<hbm>>
    %dma_wait3A_59 = tpu.memref_squeeze %dma_wait3A_58 : memref<1x200x64xf32, #tpu.memory_space<hbm>> -> memref<200x64xf32, #tpu.memory_space<hbm>>
    %dma_wait3A_60 = arith.constant 0 : i32
    %dma_wait3A_61 = arith.constant 0 : i32
    %dma_wait3A_62 = tpu.memref_slice %arg7[%dma_wait3A_55, %dma_wait3A_60, %dma_wait3A_61] : memref<4096x200x64xf32, #tpu.memory_space<hbm>> -> memref<1x200x64xf32, #tpu.memory_space<hbm>>
    %dma_wait3A_63 = tpu.memref_squeeze %dma_wait3A_62 : memref<1x200x64xf32, #tpu.memory_space<hbm>> -> memref<200x64xf32, #tpu.memory_space<hbm>>
    tpu.wait_dma2 semaphore(%arg34 : memref<!tpu.dma_semaphore, #tpu.memory_space<semaphore_mem>>) src(%dma_wait3A_63 : memref<200x64xf32, #tpu.memory_space<hbm>>) dst(%arg23 : memref<200x64xf32, #tpu.memory_space<vmem>>)
    %scan3A_64 = arith.constant 0 : i32
    %scan3A_65 = arith.constant 50 : i32
    %scan3A_66 = arith.addi %scan3A_64, %scan3A_65 : i32
    %scan3A_67 = arith.constant 1 : i32
    scf.for %scan3A_113 = %scan3A_64 to %scan3A_66 step %scan3A_67  : i32 {
      %mul3A_114 = arith.constant 4 : i32
      %mul3A_115 = arith.muli %scan3A_113, %mul3A_114 : i32
      %add3A_116 = arith.constant 0 : i32
      %add3A_117 = arith.addi %mul3A_115, %add3A_116 : i32
      %get3A = arith.index_cast %add3A_117 : i32 to index
      %get3A_118 = arith.constant 0 : index
      %get3A_119 = tpu.vector_load %arg19[%get3A, %get3A_118] {strides = array<i32>} : memref<200x64xf32, #tpu.memory_space<vmem>>, vector<1x16xf32>,
      %get3A_120 = vector.shape_cast %get3A_119 : vector<1x16xf32> to vector<16xf32>
      %get3A_121 = arith.index_cast %add3A_117 : i32 to index
      %get3A_122 = arith.constant 0 : index
      %get3A_123 = tpu.vector_load %arg23[%get3A_121, %get3A_122] {strides = array<i32>} : memref<200x64xf32, #tpu.memory_space<vmem>>, vector<1x16xf32>,
      %get3A_124 = vector.shape_cast %get3A_123 : vector<1x16xf32> to vector<16xf32>
      %add3A_125 = arith.addf %get3A_120, %get3A_124 : vector<16xf32>
      %get3A_126 = arith.index_cast %add3A_117 : i32 to index
      %get3A_127 = arith.constant 0 : index
      %get3A_128 = tpu.vector_load %arg24[%get3A_126, %get3A_127] {strides = array<i32>} : memref<200x64xf32, #tpu.memory_space<vmem>>, vector<1x16xf32>,
      %get3A_129 = vector.shape_cast %get3A_128 : vector<1x16xf32> to vector<16xf32>
      %add3A_130 = arith.addf %add3A_125, %get3A_129 : vector<16xf32>
      %swap3A = arith.index_cast %add3A_117 : i32 to index
      %swap3A_131 = arith.constant 0 : index
      %swap3A_132 = tpu.vector_load %arg19[%swap3A, %swap3A_131] {strides = array<i32>} : memref<200x64xf32, #tpu.memory_space<vmem>>, vector<1x16xf32>,
      %swap3A_133 = vector.shape_cast %swap3A_132 : vector<1x16xf32> to vector<16xf32>
      %swap3A_134 = vector.shape_cast %add3A_130 : vector<16xf32> to vector<1x16xf32>
      tpu.vector_store %arg19[%swap3A, %swap3A_131], %swap3A_134 {strides = array<i32>} : memref<200x64xf32, #tpu.memory_space<vmem>>, vector<1x16xf32>,
      %get3A_135 = arith.index_cast %add3A_117 : i32 to index
      %get3A_136 = arith.constant 16 : index
      %get3A_137 = tpu.vector_load %arg19[%get3A_135, %get3A_136] {strides = array<i32>} : memref<200x64xf32, #tpu.memory_space<vmem>>, vector<1x16xf32>,
      %get3A_138 = vector.shape_cast %get3A_137 : vector<1x16xf32> to vector<16xf32>
      %get3A_139 = arith.index_cast %add3A_117 : i32 to index
      %get3A_140 = arith.constant 16 : index
      %get3A_141 = tpu.vector_load %arg23[%get3A_139, %get3A_140] {strides = array<i32>} : memref<200x64xf32, #tpu.memory_space<vmem>>, vector<1x16xf32>,
      %get3A_142 = vector.shape_cast %get3A_141 : vector<1x16xf32> to vector<16xf32>
      %add3A_143 = arith.addf %get3A_138, %get3A_142 : vector<16xf32>
      %get3A_144 = arith.index_cast %add3A_117 : i32 to index
      %get3A_145 = arith.constant 16 : index
      %get3A_146 = tpu.vector_load %arg24[%get3A_144, %get3A_145] {strides = array<i32>} : memref<200x64xf32, #tpu.memory_space<vmem>>, vector<1x16xf32>,
      %get3A_147 = vector.shape_cast %get3A_146 : vector<1x16xf32> to vector<16xf32>
      %add3A_148 = arith.addf %add3A_143, %get3A_147 : vector<16xf32>
      %swap3A_149 = arith.index_cast %add3A_117 : i32 to index
      %swap3A_150 = arith.constant 16 : index
      %swap3A_151 = tpu.vector_load %arg19[%swap3A_149, %swap3A_150] {strides = array<i32>} : memref<200x64xf32, #tpu.memory_space<vmem>>, vector<1x16xf32>,
      %swap3A_152 = vector.shape_cast %swap3A_151 : vector<1x16xf32> to vector<16xf32>
      %swap3A_153 = vector.shape_cast %add3A_148 : vector<16xf32> to vector<1x16xf32>
      tpu.vector_store %arg19[%swap3A_149, %swap3A_150], %swap3A_153 {strides = array<i32>} : memref<200x64xf32, #tpu.memory_space<vmem>>, vector<1x16xf32>,
      %get3A_154 = arith.index_cast %add3A_117 : i32 to index
      %get3A_155 = arith.constant 32 : index
      %get3A_156 = tpu.vector_load %arg19[%get3A_154, %get3A_155] {strides = array<i32>} : memref<200x64xf32, #tpu.memory_space<vmem>>, vector<1x16xf32>,
      %get3A_157 = vector.shape_cast %get3A_156 : vector<1x16xf32> to vector<16xf32>
      %get3A_158 = arith.index_cast %add3A_117 : i32 to index
      %get3A_159 = arith.constant 32 : index
      %get3A_160 = tpu.vector_load %arg23[%get3A_158, %get3A_159] {strides = array<i32>} : memref<200x64xf32, #tpu.memory_space<vmem>>, vector<1x16xf32>,
      %get3A_161 = vector.shape_cast %get3A_160 : vector<1x16xf32> to vector<16xf32>
      %add3A_162 = arith.addf %get3A_157, %get3A_161 : vector<16xf32>
      %get3A_163 = arith.index_cast %add3A_117 : i32 to index
      %get3A_164 = arith.constant 32 : index
      %get3A_165 = tpu.vector_load %arg24[%get3A_163, %get3A_164] {strides = array<i32>} : memref<200x64xf32, #tpu.memory_space<vmem>>, vector<1x16xf32>,
      %get3A_166 = vector.shape_cast %get3A_165 : vector<1x16xf32> to vector<16xf32>
      %add3A_167 = arith.addf %add3A_162, %get3A_166 : vector<16xf32>
      %swap3A_168 = arith.index_cast %add3A_117 : i32 to index
      %swap3A_169 = arith.constant 32 : index
      %swap3A_170 = tpu.vector_load %arg19[%swap3A_168, %swap3A_169] {strides = array<i32>} : memref<200x64xf32, #tpu.memory_space<vmem>>, vector<1x16xf32>,
      %swap3A_171 = vector.shape_cast %swap3A_170 : vector<1x16xf32> to vector<16xf32>
      %swap3A_172 = vector.shape_cast %add3A_167 : vector<16xf32> to vector<1x16xf32>
      tpu.vector_store %arg19[%swap3A_168, %swap3A_169], %swap3A_172 {strides = array<i32>} : memref<200x64xf32, #tpu.memory_space<vmem>>, vector<1x16xf32>,
      %get3A_173 = arith.index_cast %add3A_117 : i32 to index
      %get3A_174 = arith.constant 48 : index
      %get3A_175 = tpu.vector_load %arg19[%get3A_173, %get3A_174] {strides = array<i32>} : memref<200x64xf32, #tpu.memory_space<vmem>>, vector<1x16xf32>,
      %get3A_176 = vector.shape_cast %get3A_175 : vector<1x16xf32> to vector<16xf32>
      %get3A_177 = arith.index_cast %add3A_117 : i32 to index
      %get3A_178 = arith.constant 48 : index
      %get3A_179 = tpu.vector_load %arg23[%get3A_177, %get3A_178] {strides = array<i32>} : memref<200x64xf32, #tpu.memory_space<vmem>>, vector<1x16xf32>,
      %get3A_180 = vector.shape_cast %get3A_179 : vector<1x16xf32> to vector<16xf32>
      %add3A_181 = arith.addf %get3A_176, %get3A_180 : vector<16xf32>
      %get3A_182 = arith.index_cast %add3A_117 : i32 to index
      %get3A_183 = arith.constant 48 : index
      %get3A_184 = tpu.vector_load %arg24[%get3A_182, %get3A_183] {strides = array<i32>} : memref<200x64xf32, #tpu.memory_space<vmem>>, vector<1x16xf32>,
      %get3A_185 = vector.shape_cast %get3A_184 : vector<1x16xf32> to vector<16xf32>
      %add3A_186 = arith.addf %add3A_181, %get3A_185 : vector<16xf32>
      %swap3A_187 = arith.index_cast %add3A_117 : i32 to index
      %swap3A_188 = arith.constant 48 : index
      %swap3A_189 = tpu.vector_load %arg19[%swap3A_187, %swap3A_188] {strides = array<i32>} : memref<200x64xf32, #tpu.memory_space<vmem>>, vector<1x16xf32>,
      %swap3A_190 = vector.shape_cast %swap3A_189 : vector<1x16xf32> to vector<16xf32>
      %swap3A_191 = vector.shape_cast %add3A_186 : vector<16xf32> to vector<1x16xf32>
      tpu.vector_store %arg19[%swap3A_187, %swap3A_188], %swap3A_191 {strides = array<i32>} : memref<200x64xf32, #tpu.memory_space<vmem>>, vector<1x16xf32>,
      %mul3A_192 = arith.constant 4 : i32
      %mul3A_193 = arith.muli %scan3A_113, %mul3A_192 : i32
      %add3A_194 = arith.constant 1 : i32
      %add3A_195 = arith.addi %mul3A_193, %add3A_194 : i32
      %get3A_196 = arith.index_cast %add3A_195 : i32 to index
      %get3A_197 = arith.constant 0 : index
      %get3A_198 = tpu.vector_load %arg19[%get3A_196, %get3A_197] {strides = array<i32>} : memref<200x64xf32, #tpu.memory_space<vmem>>, vector<1x16xf32>,
      %get3A_199 = vector.shape_cast %get3A_198 : vector<1x16xf32> to vector<16xf32>
      %get3A_200 = arith.index_cast %add3A_195 : i32 to index
      %get3A_201 = arith.constant 0 : index
      %get3A_202 = tpu.vector_load %arg23[%get3A_200, %get3A_201] {strides = array<i32>} : memref<200x64xf32, #tpu.memory_space<vmem>>, vector<1x16xf32>,
      %get3A_203 = vector.shape_cast %get3A_202 : vector<1x16xf32> to vector<16xf32>
      %add3A_204 = arith.addf %get3A_199, %get3A_203 : vector<16xf32>
      %get3A_205 = arith.index_cast %add3A_195 : i32 to index
      %get3A_206 = arith.constant 0 : index
      %get3A_207 = tpu.vector_load %arg24[%get3A_205, %get3A_206] {strides = array<i32>} : memref<200x64xf32, #tpu.memory_space<vmem>>, vector<1x16xf32>,
      %get3A_208 = vector.shape_cast %get3A_207 : vector<1x16xf32> to vector<16xf32>
      %add3A_209 = arith.addf %add3A_204, %get3A_208 : vector<16xf32>
      %swap3A_210 = arith.index_cast %add3A_195 : i32 to index
      %swap3A_211 = arith.constant 0 : index
      %swap3A_212 = tpu.vector_load %arg19[%swap3A_210, %swap3A_211] {strides = array<i32>} : memref<200x64xf32, #tpu.memory_space<vmem>>, vector<1x16xf32>,
      %swap3A_213 = vector.shape_cast %swap3A_212 : vector<1x16xf32> to vector<16xf32>
      %swap3A_214 = vector.shape_cast %add3A_209 : vector<16xf32> to vector<1x16xf32>
      tpu.vector_store %arg19[%swap3A_210, %swap3A_211], %swap3A_214 {strides = array<i32>} : memref<200x64xf32, #tpu.memory_space<vmem>>, vector<1x16xf32>,
      %get3A_215 = arith.index_cast %add3A_195 : i32 to index
      %get3A_216 = arith.constant 16 : index
      %get3A_217 = tpu.vector_load %arg19[%get3A_215, %get3A_216] {strides = array<i32>} : memref<200x64xf32, #tpu.memory_space<vmem>>, vector<1x16xf32>,
      %get3A_218 = vector.shape_cast %get3A_217 : vector<1x16xf32> to vector<16xf32>
      %get3A_219 = arith.index_cast %add3A_195 : i32 to index
      %get3A_220 = arith.constant 16 : index
      %get3A_221 = tpu.vector_load %arg23[%get3A_219, %get3A_220] {strides = array<i32>} : memref<200x64xf32, #tpu.memory_space<vmem>>, vector<1x16xf32>,
      %get3A_222 = vector.shape_cast %get3A_221 : vector<1x16xf32> to vector<16xf32>
      %add3A_223 = arith.addf %get3A_218, %get3A_222 : vector<16xf32>
      %get3A_224 = arith.index_cast %add3A_195 : i32 to index
      %get3A_225 = arith.constant 16 : index
      %get3A_226 = tpu.vector_load %arg24[%get3A_224, %get3A_225] {strides = array<i32>} : memref<200x64xf32, #tpu.memory_space<vmem>>, vector<1x16xf32>,
      %get3A_227 = vector.shape_cast %get3A_226 : vector<1x16xf32> to vector<16xf32>
      %add3A_228 = arith.addf %add3A_223, %get3A_227 : vector<16xf32>
      %swap3A_229 = arith.index_cast %add3A_195 : i32 to index
      %swap3A_230 = arith.constant 16 : index
      %swap3A_231 = tpu.vector_load %arg19[%swap3A_229, %swap3A_230] {strides = array<i32>} : memref<200x64xf32, #tpu.memory_space<vmem>>, vector<1x16xf32>,
      %swap3A_232 = vector.shape_cast %swap3A_231 : vector<1x16xf32> to vector<16xf32>
      %swap3A_233 = vector.shape_cast %add3A_228 : vector<16xf32> to vector<1x16xf32>
      tpu.vector_store %arg19[%swap3A_229, %swap3A_230], %swap3A_233 {strides = array<i32>} : memref<200x64xf32, #tpu.memory_space<vmem>>, vector<1x16xf32>,
      %get3A_234 = arith.index_cast %add3A_195 : i32 to index
      %get3A_235 = arith.constant 32 : index
      %get3A_236 = tpu.vector_load %arg19[%get3A_234, %get3A_235] {strides = array<i32>} : memref<200x64xf32, #tpu.memory_space<vmem>>, vector<1x16xf32>,
      %get3A_237 = vector.shape_cast %get3A_236 : vector<1x16xf32> to vector<16xf32>
      %get3A_238 = arith.index_cast %add3A_195 : i32 to index
      %get3A_239 = arith.constant 32 : index
      %get3A_240 = tpu.vector_load %arg23[%get3A_238, %get3A_239] {strides = array<i32>} : memref<200x64xf32, #tpu.memory_space<vmem>>, vector<1x16xf32>,
      %get3A_241 = vector.shape_cast %get3A_240 : vector<1x16xf32> to vector<16xf32>
      %add3A_242 = arith.addf %get3A_237, %get3A_241 : vector<16xf32>
      %get3A_243 = arith.index_cast %add3A_195 : i32 to index
      %get3A_244 = arith.constant 32 : index
      %get3A_245 = tpu.vector_load %arg24[%get3A_243, %get3A_244] {strides = array<i32>} : memref<200x64xf32, #tpu.memory_space<vmem>>, vector<1x16xf32>,
      %get3A_246 = vector.shape_cast %get3A_245 : vector<1x16xf32> to vector<16xf32>
      %add3A_247 = arith.addf %add3A_242, %get3A_246 : vector<16xf32>
      %swap3A_248 = arith.index_cast %add3A_195 : i32 to index
      %swap3A_249 = arith.constant 32 : index
      %swap3A_250 = tpu.vector_load %arg19[%swap3A_248, %swap3A_249] {strides = array<i32>} : memref<200x64xf32, #tpu.memory_space<vmem>>, vector<1x16xf32>,
      %swap3A_251 = vector.shape_cast %swap3A_250 : vector<1x16xf32> to vector<16xf32>
      %swap3A_252 = vector.shape_cast %add3A_247 : vector<16xf32> to vector<1x16xf32>
      tpu.vector_store %arg19[%swap3A_248, %swap3A_249], %swap3A_252 {strides = array<i32>} : memref<200x64xf32, #tpu.memory_space<vmem>>, vector<1x16xf32>,
      %get3A_253 = arith.index_cast %add3A_195 : i32 to index
      %get3A_254 = arith.constant 48 : index
      %get3A_255 = tpu.vector_load %arg19[%get3A_253, %get3A_254] {strides = array<i32>} : memref<200x64xf32, #tpu.memory_space<vmem>>, vector<1x16xf32>,
      %get3A_256 = vector.shape_cast %get3A_255 : vector<1x16xf32> to vector<16xf32>
      %get3A_257 = arith.index_cast %add3A_195 : i32 to index
      %get3A_258 = arith.constant 48 : index
      %get3A_259 = tpu.vector_load %arg23[%get3A_257, %get3A_258] {strides = array<i32>} : memref<200x64xf32, #tpu.memory_space<vmem>>, vector<1x16xf32>,
      %get3A_260 = vector.shape_cast %get3A_259 : vector<1x16xf32> to vector<16xf32>
      %add3A_261 = arith.addf %get3A_256, %get3A_260 : vector<16xf32>
      %get3A_262 = arith.index_cast %add3A_195 : i32 to index
      %get3A_263 = arith.constant 48 : index
      %get3A_264 = tpu.vector_load %arg24[%get3A_262, %get3A_263] {strides = array<i32>} : memref<200x64xf32, #tpu.memory_space<vmem>>, vector<1x16xf32>,
      %get3A_265 = vector.shape_cast %get3A_264 : vector<1x16xf32> to vector<16xf32>
      %add3A_266 = arith.addf %add3A_261, %get3A_265 : vector<16xf32>
      %swap3A_267 = arith.index_cast %add3A_195 : i32 to index
      %swap3A_268 = arith.constant 48 : index
      %swap3A_269 = tpu.vector_load %arg19[%swap3A_267, %swap3A_268] {strides = array<i32>} : memref<200x64xf32, #tpu.memory_space<vmem>>, vector<1x16xf32>,
      %swap3A_270 = vector.shape_cast %swap3A_269 : vector<1x16xf32> to vector<16xf32>
      %swap3A_271 = vector.shape_cast %add3A_266 : vector<16xf32> to vector<1x16xf32>
      tpu.vector_store %arg19[%swap3A_267, %swap3A_268], %swap3A_271 {strides = array<i32>} : memref<200x64xf32, #tpu.memory_space<vmem>>, vector<1x16xf32>,
      %mul3A_272 = arith.constant 4 : i32
      %mul3A_273 = arith.muli %scan3A_113, %mul3A_272 : i32
      %add3A_274 = arith.constant 2 : i32
      %add3A_275 = arith.addi %mul3A_273, %add3A_274 : i32
      %get3A_276 = arith.index_cast %add3A_275 : i32 to index
      %get3A_277 = arith.constant 0 : index
      %get3A_278 = tpu.vector_load %arg19[%get3A_276, %get3A_277] {strides = array<i32>} : memref<200x64xf32, #tpu.memory_space<vmem>>, vector<1x16xf32>,
      %get3A_279 = vector.shape_cast %get3A_278 : vector<1x16xf32> to vector<16xf32>
      %get3A_280 = arith.index_cast %add3A_275 : i32 to index
      %get3A_281 = arith.constant 0 : index
      %get3A_282 = tpu.vector_load %arg23[%get3A_280, %get3A_281] {strides = array<i32>} : memref<200x64xf32, #tpu.memory_space<vmem>>, vector<1x16xf32>,
      %get3A_283 = vector.shape_cast %get3A_282 : vector<1x16xf32> to vector<16xf32>
      %add3A_284 = arith.addf %get3A_279, %get3A_283 : vector<16xf32>
      %get3A_285 = arith.index_cast %add3A_275 : i32 to index
      %get3A_286 = arith.constant 0 : index
      %get3A_287 = tpu.vector_load %arg24[%get3A_285, %get3A_286] {strides = array<i32>} : memref<200x64xf32, #tpu.memory_space<vmem>>, vector<1x16xf32>,
      %get3A_288 = vector.shape_cast %get3A_287 : vector<1x16xf32> to vector<16xf32>
      %add3A_289 = arith.addf %add3A_284, %get3A_288 : vector<16xf32>
      %swap3A_290 = arith.index_cast %add3A_275 : i32 to index
      %swap3A_291 = arith.constant 0 : index
      %swap3A_292 = tpu.vector_load %arg19[%swap3A_290, %swap3A_291] {strides = array<i32>} : memref<200x64xf32, #tpu.memory_space<vmem>>, vector<1x16xf32>,
      %swap3A_293 = vector.shape_cast %swap3A_292 : vector<1x16xf32> to vector<16xf32>
      %swap3A_294 = vector.shape_cast %add3A_289 : vector<16xf32> to vector<1x16xf32>
      tpu.vector_store %arg19[%swap3A_290, %swap3A_291], %swap3A_294 {strides = array<i32>} : memref<200x64xf32, #tpu.memory_space<vmem>>, vector<1x16xf32>,
      %get3A_295 = arith.index_cast %add3A_275 : i32 to index
      %get3A_296 = arith.constant 16 : index
      %get3A_297 = tpu.vector_load %arg19[%get3A_295, %get3A_296] {strides = array<i32>} : memref<200x64xf32, #tpu.memory_space<vmem>>, vector<1x16xf32>,
      %get3A_298 = vector.shape_cast %get3A_297 : vector<1x16xf32> to vector<16xf32>
      %get3A_299 = arith.index_cast %add3A_275 : i32 to index
      %get3A_300 = arith.constant 16 : index
      %get3A_301 = tpu.vector_load %arg23[%get3A_299, %get3A_300] {strides = array<i32>} : memref<200x64xf32, #tpu.memory_space<vmem>>, vector<1x16xf32>,
      %get3A_302 = vector.shape_cast %get3A_301 : vector<1x16xf32> to vector<16xf32>
      %add3A_303 = arith.addf %get3A_298, %get3A_302 : vector<16xf32>
      %get3A_304 = arith.index_cast %add3A_275 : i32 to index
      %get3A_305 = arith.constant 16 : index
      %get3A_306 = tpu.vector_load %arg24[%get3A_304, %get3A_305] {strides = array<i32>} : memref<200x64xf32, #tpu.memory_space<vmem>>, vector<1x16xf32>,
      %get3A_307 = vector.shape_cast %get3A_306 : vector<1x16xf32> to vector<16xf32>
      %add3A_308 = arith.addf %add3A_303, %get3A_307 : vector<16xf32>
      %swap3A_309 = arith.index_cast %add3A_275 : i32 to index
      %swap3A_310 = arith.constant 16 : index
      %swap3A_311 = tpu.vector_load %arg19[%swap3A_309, %swap3A_310] {strides = array<i32>} : memref<200x64xf32, #tpu.memory_space<vmem>>, vector<1x16xf32>,
      %swap3A_312 = vector.shape_cast %swap3A_311 : vector<1x16xf32> to vector<16xf32>
      %swap3A_313 = vector.shape_cast %add3A_308 : vector<16xf32> to vector<1x16xf32>
      tpu.vector_store %arg19[%swap3A_309, %swap3A_310], %swap3A_313 {strides = array<i32>} : memref<200x64xf32, #tpu.memory_space<vmem>>, vector<1x16xf32>,
      %get3A_314 = arith.index_cast %add3A_275 : i32 to index
      %get3A_315 = arith.constant 32 : index
      %get3A_316 = tpu.vector_load %arg19[%get3A_314, %get3A_315] {strides = array<i32>} : memref<200x64xf32, #tpu.memory_space<vmem>>, vector<1x16xf32>,
      %get3A_317 = vector.shape_cast %get3A_316 : vector<1x16xf32> to vector<16xf32>
      %get3A_318 = arith.index_cast %add3A_275 : i32 to index
      %get3A_319 = arith.constant 32 : index
      %get3A_320 = tpu.vector_load %arg23[%get3A_318, %get3A_319] {strides = array<i32>} : memref<200x64xf32, #tpu.memory_space<vmem>>, vector<1x16xf32>,
      %get3A_321 = vector.shape_cast %get3A_320 : vector<1x16xf32> to vector<16xf32>
      %add3A_322 = arith.addf %get3A_317, %get3A_321 : vector<16xf32>
      %get3A_323 = arith.index_cast %add3A_275 : i32 to index
      %get3A_324 = arith.constant 32 : index
      %get3A_325 = tpu.vector_load %arg24[%get3A_323, %get3A_324] {strides = array<i32>} : memref<200x64xf32, #tpu.memory_space<vmem>>, vector<1x16xf32>,
      %get3A_326 = vector.shape_cast %get3A_325 : vector<1x16xf32> to vector<16xf32>
      %add3A_327 = arith.addf %add3A_322, %get3A_326 : vector<16xf32>
      %swap3A_328 = arith.index_cast %add3A_275 : i32 to index
      %swap3A_329 = arith.constant 32 : index
      %swap3A_330 = tpu.vector_load %arg19[%swap3A_328, %swap3A_329] {strides = array<i32>} : memref<200x64xf32, #tpu.memory_space<vmem>>, vector<1x16xf32>,
      %swap3A_331 = vector.shape_cast %swap3A_330 : vector<1x16xf32> to vector<16xf32>
      %swap3A_332 = vector.shape_cast %add3A_327 : vector<16xf32> to vector<1x16xf32>
      tpu.vector_store %arg19[%swap3A_328, %swap3A_329], %swap3A_332 {strides = array<i32>} : memref<200x64xf32, #tpu.memory_space<vmem>>, vector<1x16xf32>,
      %get3A_333 = arith.index_cast %add3A_275 : i32 to index
      %get3A_334 = arith.constant 48 : index
      %get3A_335 = tpu.vector_load %arg19[%get3A_333, %get3A_334] {strides = array<i32>} : memref<200x64xf32, #tpu.memory_space<vmem>>, vector<1x16xf32>,
      %get3A_336 = vector.shape_cast %get3A_335 : vector<1x16xf32> to vector<16xf32>
      %get3A_337 = arith.index_cast %add3A_275 : i32 to index
      %get3A_338 = arith.constant 48 : index
      %get3A_339 = tpu.vector_load %arg23[%get3A_337, %get3A_338] {strides = array<i32>} : memref<200x64xf32, #tpu.memory_space<vmem>>, vector<1x16xf32>,
      %get3A_340 = vector.shape_cast %get3A_339 : vector<1x16xf32> to vector<16xf32>
      %add3A_341 = arith.addf %get3A_336, %get3A_340 : vector<16xf32>
      %get3A_342 = arith.index_cast %add3A_275 : i32 to index
      %get3A_343 = arith.constant 48 : index
      %get3A_344 = tpu.vector_load %arg24[%get3A_342, %get3A_343] {strides = array<i32>} : memref<200x64xf32, #tpu.memory_space<vmem>>, vector<1x16xf32>,
      %get3A_345 = vector.shape_cast %get3A_344 : vector<1x16xf32> to vector<16xf32>
      %add3A_346 = arith.addf %add3A_341, %get3A_345 : vector<16xf32>
      %swap3A_347 = arith.index_cast %add3A_275 : i32 to index
      %swap3A_348 = arith.constant 48 : index
      %swap3A_349 = tpu.vector_load %arg19[%swap3A_347, %swap3A_348] {strides = array<i32>} : memref<200x64xf32, #tpu.memory_space<vmem>>, vector<1x16xf32>,
      %swap3A_350 = vector.shape_cast %swap3A_349 : vector<1x16xf32> to vector<16xf32>
      %swap3A_351 = vector.shape_cast %add3A_346 : vector<16xf32> to vector<1x16xf32>
      tpu.vector_store %arg19[%swap3A_347, %swap3A_348], %swap3A_351 {strides = array<i32>} : memref<200x64xf32, #tpu.memory_space<vmem>>, vector<1x16xf32>,
      %mul3A_352 = arith.constant 4 : i32
      %mul3A_353 = arith.muli %scan3A_113, %mul3A_352 : i32
      %add3A_354 = arith.constant 3 : i32
      %add3A_355 = arith.addi %mul3A_353, %add3A_354 : i32
      %get3A_356 = arith.index_cast %add3A_355 : i32 to index
      %get3A_357 = arith.constant 0 : index
      %get3A_358 = tpu.vector_load %arg19[%get3A_356, %get3A_357] {strides = array<i32>} : memref<200x64xf32, #tpu.memory_space<vmem>>, vector<1x16xf32>,
      %get3A_359 = vector.shape_cast %get3A_358 : vector<1x16xf32> to vector<16xf32>
      %get3A_360 = arith.index_cast %add3A_355 : i32 to index
      %get3A_361 = arith.constant 0 : index
      %get3A_362 = tpu.vector_load %arg23[%get3A_360, %get3A_361] {strides = array<i32>} : memref<200x64xf32, #tpu.memory_space<vmem>>, vector<1x16xf32>,
      %get3A_363 = vector.shape_cast %get3A_362 : vector<1x16xf32> to vector<16xf32>
      %add3A_364 = arith.addf %get3A_359, %get3A_363 : vector<16xf32>
      %get3A_365 = arith.index_cast %add3A_355 : i32 to index
      %get3A_366 = arith.constant 0 : index
      %get3A_367 = tpu.vector_load %arg24[%get3A_365, %get3A_366] {strides = array<i32>} : memref<200x64xf32, #tpu.memory_space<vmem>>, vector<1x16xf32>,
      %get3A_368 = vector.shape_cast %get3A_367 : vector<1x16xf32> to vector<16xf32>
      %add3A_369 = arith.addf %add3A_364, %get3A_368 : vector<16xf32>
      %swap3A_370 = arith.index_cast %add3A_355 : i32 to index
      %swap3A_371 = arith.constant 0 : index
      %swap3A_372 = tpu.vector_load %arg19[%swap3A_370, %swap3A_371] {strides = array<i32>} : memref<200x64xf32, #tpu.memory_space<vmem>>, vector<1x16xf32>,
      %swap3A_373 = vector.shape_cast %swap3A_372 : vector<1x16xf32> to vector<16xf32>
      %swap3A_374 = vector.shape_cast %add3A_369 : vector<16xf32> to vector<1x16xf32>
      tpu.vector_store %arg19[%swap3A_370, %swap3A_371], %swap3A_374 {strides = array<i32>} : memref<200x64xf32, #tpu.memory_space<vmem>>, vector<1x16xf32>,
      %get3A_375 = arith.index_cast %add3A_355 : i32 to index
      %get3A_376 = arith.constant 16 : index
      %get3A_377 = tpu.vector_load %arg19[%get3A_375, %get3A_376] {strides = array<i32>} : memref<200x64xf32, #tpu.memory_space<vmem>>, vector<1x16xf32>,
      %get3A_378 = vector.shape_cast %get3A_377 : vector<1x16xf32> to vector<16xf32>
      %get3A_379 = arith.index_cast %add3A_355 : i32 to index
      %get3A_380 = arith.constant 16 : index
      %get3A_381 = tpu.vector_load %arg23[%get3A_379, %get3A_380] {strides = array<i32>} : memref<200x64xf32, #tpu.memory_space<vmem>>, vector<1x16xf32>,
      %get3A_382 = vector.shape_cast %get3A_381 : vector<1x16xf32> to vector<16xf32>
      %add3A_383 = arith.addf %get3A_378, %get3A_382 : vector<16xf32>
      %get3A_384 = arith.index_cast %add3A_355 : i32 to index
      %get3A_385 = arith.constant 16 : index
      %get3A_386 = tpu.vector_load %arg24[%get3A_384, %get3A_385] {strides = array<i32>} : memref<200x64xf32, #tpu.memory_space<vmem>>, vector<1x16xf32>,
      %get3A_387 = vector.shape_cast %get3A_386 : vector<1x16xf32> to vector<16xf32>
      %add3A_388 = arith.addf %add3A_383, %get3A_387 : vector<16xf32>
      %swap3A_389 = arith.index_cast %add3A_355 : i32 to index
      %swap3A_390 = arith.constant 16 : index
      %swap3A_391 = tpu.vector_load %arg19[%swap3A_389, %swap3A_390] {strides = array<i32>} : memref<200x64xf32, #tpu.memory_space<vmem>>, vector<1x16xf32>,
      %swap3A_392 = vector.shape_cast %swap3A_391 : vector<1x16xf32> to vector<16xf32>
      %swap3A_393 = vector.shape_cast %add3A_388 : vector<16xf32> to vector<1x16xf32>
      tpu.vector_store %arg19[%swap3A_389, %swap3A_390], %swap3A_393 {strides = array<i32>} : memref<200x64xf32, #tpu.memory_space<vmem>>, vector<1x16xf32>,
      %get3A_394 = arith.index_cast %add3A_355 : i32 to index
      %get3A_395 = arith.constant 32 : index
      %get3A_396 = tpu.vector_load %arg19[%get3A_394, %get3A_395] {strides = array<i32>} : memref<200x64xf32, #tpu.memory_space<vmem>>, vector<1x16xf32>,
      %get3A_397 = vector.shape_cast %get3A_396 : vector<1x16xf32> to vector<16xf32>
      %get3A_398 = arith.index_cast %add3A_355 : i32 to index
      %get3A_399 = arith.constant 32 : index
      %get3A_400 = tpu.vector_load %arg23[%get3A_398, %get3A_399] {strides = array<i32>} : memref<200x64xf32, #tpu.memory_space<vmem>>, vector<1x16xf32>,
      %get3A_401 = vector.shape_cast %get3A_400 : vector<1x16xf32> to vector<16xf32>
      %add3A_402 = arith.addf %get3A_397, %get3A_401 : vector<16xf32>
      %get3A_403 = arith.index_cast %add3A_355 : i32 to index
      %get3A_404 = arith.constant 32 : index
      %get3A_405 = tpu.vector_load %arg24[%get3A_403, %get3A_404] {strides = array<i32>} : memref<200x64xf32, #tpu.memory_space<vmem>>, vector<1x16xf32>,
      %get3A_406 = vector.shape_cast %get3A_405 : vector<1x16xf32> to vector<16xf32>
      %add3A_407 = arith.addf %add3A_402, %get3A_406 : vector<16xf32>
      %swap3A_408 = arith.index_cast %add3A_355 : i32 to index
      %swap3A_409 = arith.constant 32 : index
      %swap3A_410 = tpu.vector_load %arg19[%swap3A_408, %swap3A_409] {strides = array<i32>} : memref<200x64xf32, #tpu.memory_space<vmem>>, vector<1x16xf32>,
      %swap3A_411 = vector.shape_cast %swap3A_410 : vector<1x16xf32> to vector<16xf32>
      %swap3A_412 = vector.shape_cast %add3A_407 : vector<16xf32> to vector<1x16xf32>
      tpu.vector_store %arg19[%swap3A_408, %swap3A_409], %swap3A_412 {strides = array<i32>} : memref<200x64xf32, #tpu.memory_space<vmem>>, vector<1x16xf32>,
      %get3A_413 = arith.index_cast %add3A_355 : i32 to index
      %get3A_414 = arith.constant 48 : index
      %get3A_415 = tpu.vector_load %arg19[%get3A_413, %get3A_414] {strides = array<i32>} : memref<200x64xf32, #tpu.memory_space<vmem>>, vector<1x16xf32>,
      %get3A_416 = vector.shape_cast %get3A_415 : vector<1x16xf32> to vector<16xf32>
      %get3A_417 = arith.index_cast %add3A_355 : i32 to index
      %get3A_418 = arith.constant 48 : index
      %get3A_419 = tpu.vector_load %arg23[%get3A_417, %get3A_418] {strides = array<i32>} : memref<200x64xf32, #tpu.memory_space<vmem>>, vector<1x16xf32>,
      %get3A_420 = vector.shape_cast %get3A_419 : vector<1x16xf32> to vector<16xf32>
      %add3A_421 = arith.addf %get3A_416, %get3A_420 : vector<16xf32>
      %get3A_422 = arith.index_cast %add3A_355 : i32 to index
      %get3A_423 = arith.constant 48 : index
      %get3A_424 = tpu.vector_load %arg24[%get3A_422, %get3A_423] {strides = array<i32>} : memref<200x64xf32, #tpu.memory_space<vmem>>, vector<1x16xf32>,
      %get3A_425 = vector.shape_cast %get3A_424 : vector<1x16xf32> to vector<16xf32>
      %add3A_426 = arith.addf %add3A_421, %get3A_425 : vector<16xf32>
      %swap3A_427 = arith.index_cast %add3A_355 : i32 to index
      %swap3A_428 = arith.constant 48 : index
      %swap3A_429 = tpu.vector_load %arg19[%swap3A_427, %swap3A_428] {strides = array<i32>} : memref<200x64xf32, #tpu.memory_space<vmem>>, vector<1x16xf32>,
      %swap3A_430 = vector.shape_cast %swap3A_429 : vector<1x16xf32> to vector<16xf32>
      %swap3A_431 = vector.shape_cast %add3A_426 : vector<16xf32> to vector<1x16xf32>
      tpu.vector_store %arg19[%swap3A_427, %swap3A_428], %swap3A_431 {strides = array<i32>} : memref<200x64xf32, #tpu.memory_space<vmem>>, vector<1x16xf32>,
    }
    %scan3A_68 = arith.constant 50 : i32
    %dma_start3A_69 = arith.constant 0 : i32
    %dma_start3A_70 = arith.constant 0 : i32
    %dma_start3A_71 = tpu.memref_slice %arg7[%add3A_45, %dma_start3A_69, %dma_start3A_70] : memref<4096x200x64xf32, #tpu.memory_space<hbm>> -> memref<1x200x64xf32, #tpu.memory_space<hbm>>
    %dma_start3A_72 = tpu.memref_squeeze %dma_start3A_71 : memref<1x200x64xf32, #tpu.memory_space<hbm>> -> memref<200x64xf32, #tpu.memory_space<hbm>>
    %dma_start3A_73 = arith.constant 0 : i32
    %dma_start3A_74 = arith.constant 0 : i32
    %dma_start3A_75 = tpu.memref_slice %arg7[%add3A_45, %dma_start3A_73, %dma_start3A_74] : memref<4096x200x64xf32, #tpu.memory_space<hbm>> -> memref<1x200x64xf32, #tpu.memory_space<hbm>>
    %dma_start3A_76 = tpu.memref_squeeze %dma_start3A_75 : memref<1x200x64xf32, #tpu.memory_space<hbm>> -> memref<200x64xf32, #tpu.memory_space<hbm>>
    tpu.enqueue_dma source(%arg19 : memref<200x64xf32, #tpu.memory_space<vmem>>) target(%dma_start3A_76 : memref<200x64xf32, #tpu.memory_space<hbm>>) target_semaphore(%arg38 : memref<!tpu.dma_semaphore, #tpu.memory_space<semaphore_mem>>)
    %dma_wait3A_77 = arith.constant 0 : i32
    %dma_wait3A_78 = arith.constant 0 : i32
    %dma_wait3A_79 = arith.constant 0 : i32
    %dma_wait3A_80 = tpu.memref_slice %arg7[%dma_wait3A_77, %dma_wait3A_78, %dma_wait3A_79] : memref<4096x200x64xf32, #tpu.memory_space<hbm>> -> memref<1x200x64xf32, #tpu.memory_space<hbm>>
    %dma_wait3A_81 = tpu.memref_squeeze %dma_wait3A_80 : memref<1x200x64xf32, #tpu.memory_space<hbm>> -> memref<200x64xf32, #tpu.memory_space<hbm>>
    %dma_wait3A_82 = arith.constant 0 : i32
    %dma_wait3A_83 = arith.constant 0 : i32
    %dma_wait3A_84 = tpu.memref_slice %arg7[%dma_wait3A_77, %dma_wait3A_82, %dma_wait3A_83] : memref<4096x200x64xf32, #tpu.memory_space<hbm>> -> memref<1x200x64xf32, #tpu.memory_space<hbm>>
    %dma_wait3A_85 = tpu.memref_squeeze %dma_wait3A_84 : memref<1x200x64xf32, #tpu.memory_space<hbm>> -> memref<200x64xf32, #tpu.memory_space<hbm>>
    tpu.wait_dma2 semaphore(%arg35 : memref<!tpu.dma_semaphore, #tpu.memory_space<semaphore_mem>>) src(%dma_wait3A_85 : memref<200x64xf32, #tpu.memory_space<hbm>>) dst(%arg16 : memref<200x64xf32, #tpu.memory_space<vmem>>)
    %dma_wait3A_86 = arith.constant 0 : i32
    %dma_wait3A_87 = arith.constant 0 : i32
    %dma_wait3A_88 = arith.constant 0 : i32
    %dma_wait3A_89 = tpu.memref_slice %arg7[%dma_wait3A_86, %dma_wait3A_87, %dma_wait3A_88] : memref<4096x200x64xf32, #tpu.memory_space<hbm>> -> memref<1x200x64xf32, #tpu.memory_space<hbm>>
    %dma_wait3A_90 = tpu.memref_squeeze %dma_wait3A_89 : memref<1x200x64xf32, #tpu.memory_space<hbm>> -> memref<200x64xf32, #tpu.memory_space<hbm>>
    %dma_wait3A_91 = arith.constant 0 : i32
    %dma_wait3A_92 = arith.constant 0 : i32
    %dma_wait3A_93 = tpu.memref_slice %arg7[%dma_wait3A_86, %dma_wait3A_91, %dma_wait3A_92] : memref<4096x200x64xf32, #tpu.memory_space<hbm>> -> memref<1x200x64xf32, #tpu.memory_space<hbm>>
    %dma_wait3A_94 = tpu.memref_squeeze %dma_wait3A_93 : memref<1x200x64xf32, #tpu.memory_space<hbm>> -> memref<200x64xf32, #tpu.memory_space<hbm>>
    tpu.wait_dma2 semaphore(%arg36 : memref<!tpu.dma_semaphore, #tpu.memory_space<semaphore_mem>>) src(%dma_wait3A_94 : memref<200x64xf32, #tpu.memory_space<hbm>>) dst(%arg17 : memref<200x64xf32, #tpu.memory_space<vmem>>)
    %dma_wait3A_95 = arith.constant 0 : i32
    %dma_wait3A_96 = arith.constant 0 : i32
    %dma_wait3A_97 = arith.constant 0 : i32
    %dma_wait3A_98 = tpu.memref_slice %arg7[%dma_wait3A_95, %dma_wait3A_96, %dma_wait3A_97] : memref<4096x200x64xf32, #tpu.memory_space<hbm>> -> memref<1x200x64xf32, #tpu.memory_space<hbm>>
    %dma_wait3A_99 = tpu.memref_squeeze %dma_wait3A_98 : memref<1x200x64xf32, #tpu.memory_space<hbm>> -> memref<200x64xf32, #tpu.memory_space<hbm>>
    %dma_wait3A_100 = arith.constant 0 : i32
    %dma_wait3A_101 = arith.constant 0 : i32
    %dma_wait3A_102 = tpu.memref_slice %arg7[%dma_wait3A_95, %dma_wait3A_100, %dma_wait3A_101] : memref<4096x200x64xf32, #tpu.memory_space<hbm>> -> memref<1x200x64xf32, #tpu.memory_space<hbm>>
    %dma_wait3A_103 = tpu.memref_squeeze %dma_wait3A_102 : memref<1x200x64xf32, #tpu.memory_space<hbm>> -> memref<200x64xf32, #tpu.memory_space<hbm>>
    tpu.wait_dma2 semaphore(%arg37 : memref<!tpu.dma_semaphore, #tpu.memory_space<semaphore_mem>>) src(%dma_wait3A_103 : memref<200x64xf32, #tpu.memory_space<hbm>>) dst(%arg18 : memref<200x64xf32, #tpu.memory_space<vmem>>)
    %dma_wait3A_104 = arith.constant 0 : i32
    %dma_wait3A_105 = arith.constant 0 : i32
    %dma_wait3A_106 = arith.constant 0 : i32
    %dma_wait3A_107 = tpu.memref_slice %arg7[%dma_wait3A_104, %dma_wait3A_105, %dma_wait3A_106] : memref<4096x200x64xf32, #tpu.memory_space<hbm>> -> memref<1x200x64xf32, #tpu.memory_space<hbm>>
    %dma_wait3A_108 = tpu.memref_squeeze %dma_wait3A_107 : memref<1x200x64xf32, #tpu.memory_space<hbm>> -> memref<200x64xf32, #tpu.memory_space<hbm>>
    %dma_wait3A_109 = arith.constant 0 : i32
    %dma_wait3A_110 = arith.constant 0 : i32
    %dma_wait3A_111 = tpu.memref_slice %arg7[%dma_wait3A_104, %dma_wait3A_109, %dma_wait3A_110] : memref<4096x200x64xf32, #tpu.memory_space<hbm>> -> memref<1x200x64xf32, #tpu.memory_space<hbm>>
    %dma_wait3A_112 = tpu.memref_squeeze %dma_wait3A_111 : memref<1x200x64xf32, #tpu.memory_space<hbm>> -> memref<200x64xf32, #tpu.memory_space<hbm>>
    tpu.wait_dma2 semaphore(%arg38 : memref<!tpu.dma_semaphore, #tpu.memory_space<semaphore_mem>>) src(%dma_wait3A_112 : memref<200x64xf32, #tpu.memory_space<hbm>>) dst(%arg19 : memref<200x64xf32, #tpu.memory_space<vmem>>)
    return
  }
}

</mosaic_0001>

<sc_bundles>
// kernel: kernel.3.cloned.1.call-start
scs
__scs_entry_jumppad:
0x0: {  	(pc) =	sbr.rel $0x88, $3  }
0x1: {  	(tag) =	ssettag $0x0;
	lr =	simm.s32 $0x1  }
0x2: {  	[smem:$0x3F9C] =	sst lr;
	_ =	strace $0xD0000000  }
0x3: {  	_ = 	snop  }
0x4: {  	_ = 	snop  }
0x5: {  	_ = 	snop  }
0x6: {  	_ = 	snop  }
0x7: {  	_ = 	snop  }
__scs_overlays_trampoline_lowered:
0x8: {  	[smem:$0x3FAB] =	sst s0  }
0x9: {  	[smem:$0x3FAC] =	sst s1  }
0xa: {  	[smem:$0x3FAD] =	sst s2  }
0xb: {  	[smem:$0x3FAE] =	sst s3  }
0xc: {  	[smem:$0x3FAF] =	sst s4  }
0xd: {  	[smem:$0x3FB0] =	sst s5  }
0xe: {  	[smem:$0x3FB1] =	sst s6  }
0xf: {  	[smem:$0x3FB2] =	sst s7  }
0x10: {  	[smem:$0x3FB3] =	sst s8  }
0x11: {  	[smem:$0x3FB4] =	sst s9;
	s0 =	simm.s32 @!p0 $0x0  }
0x12: {  	s1 =	sld [smem:$0x3F9A];
	s0 =	simm.s32 @p0 $0x1  }
0x13: {  	[smem:$0x3FB5] =	sst s0;
	s0 =	simm.s32 @!p1 $0x0  }
0x14: {  	s2 =	sld [smem:$0x3F99];
	s0 =	simm.s32 @p1 $0x1  }
0x15: {  	[smem:$0x3FB6] =	sst s0;
	s0 =	simm.s32 @!p2 $0x0  }
0x16: {  	s3 =	sld [smem:$0x3FDB];
	s0 =	simm.s32 @p2 $0x1  }
0x17: {  	s4 =	simm.s32 $0x1BF5;
	[smem:$0x3FB8] =	sst s0  }
0x18: {  	s0 =	sld [smem:$0x3F9B];
	_ =	swait.ge [sflag:s4], $0x0  }
0x19: {  	s7 =	sld [smem:$0x3F9C]  }
0x1a: {  	s8 =	sadd.s32 $0xFFFFE003, lr  }
0x1b: {  	s9 =	sadd.s32 $0xFFFFFEF7, lr;
	s5 =	simm.s32 $0xFFFFFFFF;
	p2 =	slt.u32 s8, $0xFFFFF086  }
0x1c: {  	p1 =	slt.u32 s9, $0xF7A;
	s5 =	simm.s32 @!p2 $0x0  }
0x1d: {  	s5 =	simm.s32 @p1 $0x1;
	p0 =	seq.s32 s7, s2  }
0x1e: {  	s7 =	smul.u32 @!p0 $0xF7A, s2;
	p2 =	seq.s32 @!p0 s5, $0x0  }
0x1f: {  	s9 =	smul.u32 $0xF7A, s1;
	s8 =	simm.s32 @!p0 $0x1BF5;
	p2 =	por !p2, p0  }
0x20: {  	[sflag:s8] =	ssyncset.s32 @!p0 $0xFFFFF086;
	s6 =	sadd.s32 @!p0 s3, s7;
	s7 =	simm.s32 @!p0 $0x108  }
0x21: {  	s3 =	sadd.s32 s3, s9;
	s6 =	sadd.s32 @!p0 $0x88, s6;
	s7 =	simm.s32 @p2 $0x1082  }
0x22: {  	[simem:s7], [sflag:s8] =	dma.local @!p0 [hbm:s6], $0xF7A  }
0x23: {  	s9 =	sor.u32 $0xD0000000, s2;
	s6 =	simm.s32 $0x108;
	_ =	swait.ge @!p0 [sflag:s8], $0x0  }
0x24: {  	s3 =	sadd.s32 $0x88, s3;
	s6 =	simm.s32 @!p1 $0x1082;
	[sflag:s4] =	ssyncset.s32 $0xFFFFF086  }
0x25: {  	[simem:s6], [sflag:s4] =	dma.local [hbm:s3], $0xF7A  }
0x26: {  	[smem:$0x3F9C] =	sst s1;
	(tag) =	ssettag s2;
	_ =	strace s9  }
0x27: {  	s1 =	sld [smem:$0x3FAC]  }
0x28: {  	s2 =	sld [smem:$0x3FAD]  }
0x29: {  	s4 =	sld [smem:$0x3FAF]  }
0x2a: {  	p0 =	seq.s32 s5, $0x0;
	s5 =	sld [smem:$0x3FB0]  }
0x2b: {  	s6 =	sld [smem:$0x3FB1]  }
0x2c: {  	s7 =	sld [smem:$0x3FB2]  }
0x2d: {  	s3 =	simm.s32 $0x108;
	s8 =	sld [smem:$0x3FB3]  }
0x2e: {  	s3 =	simm.s32 @!p0 $0x1082;
	s9 =	sld [smem:$0x3FB4]  }
0x2f: {  	lr =	sadd.s32 s0, s3;
	s0 =	sld [smem:$0x3FAB]  }
0x30: {  	s3 =	sld [smem:$0x3FAE]  }
0x31: {  	[smem:$0x3FB7] =	sst s10  }
0x32: {  	s10 =	sld [smem:$0x3FB5];
	_ =	sdelay $0x3  }
0x33: {  	p0 =	seq.s32 s10, $0x1;
	s10 =	sld [smem:$0x3FB7];
	_ =	sdelay $0x3  }
0x34: {  	[smem:$0x3FB7] =	sst s10  }
0x35: {  	s10 =	sld [smem:$0x3FB6];
	_ =	sdelay $0x3  }
0x36: {  	p1 =	seq.s32 s10, $0x1;
	s10 =	sld [smem:$0x3FB7];
	_ =	sdelay $0x3  }
0x37: {  	[smem:$0x3FB7] =	sst s10  }
0x38: {  	s10 =	sld [smem:$0x3FB8]  }
0x39: {  	_ = 	snop;
	(pc) =	sbr.ind lr, $3  }
0x3a: {  	_ = 	snop  }
0x3b: {  	_ = 	snop  }
0x3c: {  	p2 =	seq.s32 s10, $0x1;
	s10 =	sld [smem:$0x3FB7]  }
0x3d: {  	_ =	shalt  }
0x3e: {  	_ =	shalt  }
0x3f: {  	_ =	shalt  }
0x40: {  	_ =	shalt  }
0x41: {  	_ =	shalt  }
0x42: {  	_ =	shalt  }
0x43: {  	_ =	shalt  }
0x44: {  	_ =	shalt  }
0x45: {  	_ =	shalt  }
0x46: {  	_ =	shalt  }
0x47: {  	_ =	shalt  }
0x48: {  	_ =	shalt  }
0x49: {  	_ =	shalt  }
0x4a: {  	_ =	shalt  }
0x4b: {  	_ =	shalt  }
0x4c: {  	_ =	shalt  }
0x4d: {  	_ =	shalt  }
0x4e: {  	_ =	shalt  }
0x4f: {  	_ =	shalt  }
0x50: {  	_ =	shalt  }
0x51: {  	_ =	shalt  }
0x52: {  	_ =	shalt  }
0x53: {  	_ =	shalt  }
0x54: {  	_ =	shalt  }
0x55: {  	_ =	shalt  }
0x56: {  	_ =	shalt  }
0x57: {  	_ =	shalt  }
0x58: {  	_ =	shalt  }
0x59: {  	_ =	shalt  }
0x5a: {  	_ =	shalt  }
0x5b: {  	_ =	shalt  }
0x5c: {  	_ =	shalt  }
0x5d: {  	_ =	shalt  }
0x5e: {  	_ =	shalt  }
0x5f: {  	_ =	shalt  }
0x60: {  	_ =	shalt  }
0x61: {  	_ =	shalt  }
0x62: {  	_ =	shalt  }
0x63: {  	_ =	shalt  }
0x64: {  	_ =	shalt  }
0x65: {  	_ =	shalt  }
0x66: {  	_ =	shalt  }
0x67: {  	_ =	shalt  }
0x68: {  	_ =	shalt  }
0x69: {  	_ =	shalt  }
0x6a: {  	_ =	shalt  }
0x6b: {  	_ =	shalt  }
0x6c: {  	_ =	shalt  }
0x6d: {  	_ =	shalt  }
0x6e: {  	_ =	shalt  }
0x6f: {  	_ =	shalt  }
0x70: {  	_ =	shalt  }
0x71: {  	_ =	shalt  }
0x72: {  	_ =	shalt  }
0x73: {  	_ =	shalt  }
0x74: {  	_ =	shalt  }
0x75: {  	_ =	shalt  }
0x76: {  	_ =	shalt  }
0x77: {  	_ =	shalt  }
0x78: {  	_ =	shalt  }
0x79: {  	_ =	shalt  }
0x7a: {  	_ =	shalt  }
0x7b: {  	_ =	shalt  }
0x7c: {  	_ =	shalt  }
0x7d: {  	_ =	shalt  }
0x7e: {  	_ =	shalt  }
0x7f: {  	_ =	shalt  }
0x80: {  	_ =	shalt  }
0x81: {  	_ =	shalt  }
0x82: {  	_ =	shalt  }
0x83: {  	_ =	shalt  }
0x84: {  	_ =	shalt  }
0x85: {  	_ =	shalt  }
0x86: {  	_ =	shalt  }
0x87: {  	_ =	shalt  }
.Lfunc_end0:
.L_simem_size_0:
called_computation.1_lowered:
.L_overlay_start_0:
0x88: {  	s2 =	sld [smem:$0x3FD9]  }
0x89: {  	s3 =	sld [smem:$0x3FFE];
	_ =	sdelay $0x1  }
0x8a: {  	s1 =	srdreg.scid  }
0x8b: {  	s0 =	sand.u32 $0x1, s1  }
0x8c: {  	s17 =	sshll.u32 s0, $0xA;
	s2 =	sadd.s32 s3, s2  }
0x8d: {  	s2 =	sadd.s32 s2, s17  }
0x8e: {  	[smem:$0x3FC3] =	sst s2  }
0x8f: {  	_ = 	snop  }
0x90: {  	s2 =	sld [smem:$0x3FD0];
	(tm) =	ssettm $0x1  }
0x91: {  	s18 =	sld [smem:$0x3FFB];
	_ =	sdelay $0x3  }
0x92: {  	_ =	strace s18  }
0x93: {  	s3 =	sld [smem:$0x3FFC];
	_ =	sdelay $0x3  }
0x94: {  	_ =	strace s3  }
0x95: {  	s3 =	sld [smem:$0x3FFD];
	_ =	sdelay $0x3  }
0x96: {  	_ =	strace s3  }
0x97: {  	_ =	strace $0x8FFFFFFF  }
0x98: {  	s19 =	sld [smem:$0x3FDB];
	_ =	sdelay $0x1  }
0x99: {  	s4 =	simm.s32 $_scs_section_size  }
0x9a: {  	s5 =	simm.s32 $_size__tile_overlayer_lowered;
	s6 =	simm.s32 $_tile_overlayer_lowered  }
0x9b: {  	s22 =	simm.s32 $0x1BFF;
	s21 =	sshll.u32 s6, $0x1;
	s3 =	sadd.s32 s4, s19  }
0x9c: {  	s7 =	simm.s32 $0x0;
	s20 =	sshll.u32 s5, $0x1;
	s5 =	sadd.s32 s21, s3  }
0x9d: {  	[timem:s7], [sflag:s22] =	dma.local [hbm:s5], s20  }
0x9e: {  	_ =	swait.ge [sflag:s22], s20  }
0x9f: {  	s4 =	ssub.s32 $0x0, s20;
	[sflag:s22] =	ssyncset.done $0x0  }
0xa0: {  	[sflag:s22] =	ssyncadd.s32 s4;
	_ =	sdelay $0x1  }
0xa1: {  	s23 =	simm.s32 $0x1B8B  }
0xa2: {  	_ =	swait.ge [sflag:s23], $0x1  }
0xa3: {  	[sflag:s23] =	ssyncset.done $0x0  }
0xa4: {  	s25 =	simm.s32 $0x1B8E;
	s24 =	sld [smem:$0x3FFE];
	[sflag:s23] =	ssyncadd.s32 $0xFFFFFFFF  }
0xa5: {  	s26 =	simm.s32 $execute0_lowered;
	[smem:$0x3FD2] =	sst s25  }
0xa6: {  	s5 =	sshll.u32 s26, $0x1;
	_ =	strace $0x80000046;
	[dreg:$0x1] =	wrdreg $0xFFFFFFFF  }
0xa7: {  	s28 =	simm.s32 $_size_execute0_lowered;
	s3 =	sadd.s32 s3, s5;
	[dreg:$0x0] =	wrdreg $0x0  }
0xa8: {  	s5 =	sshll.u32 s28, $0x1;
	[dreg:$0x2] =	wrdreg s3  }
0xa9: {  	[dreg:$0x3] =	wrdreg s5  }
0xaa: {  	[dreg:$0x4] =	wrdreg $0xC0  }
0xab: {  	_ =	task [dreg:s7], $0x5FFFF  }
0xac: {  	[dreg:$0x1] =	wrdreg $0xFFFFFFFF  }
0xad: {  	[dreg:$0x0] =	wrdreg $0x60  }
0xae: {  	[dreg:$0x2] =	wrdreg s24  }
0xaf: {  	[dreg:$0x3] =	wrdreg s2  }
0xb0: {  	[dreg:$0x4] =	wrdreg $0x1C8400  }
0xb1: {  	[dreg:$0x5] =	wrdreg $0x1D7E00  }
0xb2: {  	[dreg:$0x6] =	wrdreg $0x9  }
0xb3: {  	_ =	task.clear_ibuf [dreg:s7], $0x7FFFF;
	_ =	strace $0x90000046  }
0xb4: {  	s29 =	simm.s32 $0x9;
	_ =	strace $0x80000048  }
0xb5: {  	_ =	swait.ge [sflag:s29], $0x1  }
0xb6: {  	[sflag:s29] =	ssyncadd.s32 $0xFFFFFFFF  }
0xb7: {  	_ =	strace $0x90000048  }
0xb8: {  	_ =	sfence  }
0xb9: {  	s30 =	sld [smem:$0x0];
	_ =	sdelay $0x2  }
0xba: {  	s31 =	sshll.u32 s1, $0xD;
	s1 =	sshrl.u32 s1, $0x2  }
0xbb: {  	s3 =	sand.u32 $0x4000, s31;
	s1 =	sadd.s32 s1, s30  }
0xbc: {  	s0 =	sor.u32 s3, s0;
	s1 =	sshll.u32 s1, $0x11  }
0xbd: {  	s0 =	sor.u32 s1, s0  }
0xbe: {  	s0 =	sadd.s32 $0x8F2B, s0  }
0xbf: {  	[sflag:s0] =	ssyncadd.remote.s32 $0x1  }
0xc0: {  	_ =	sfence.sel $0xFFFF  }
0xc1: {  	[dreg:$0x0] =	wrdreg $0xFFFFFFFF;
	(pc) =	sbr.abs _section_cstart, $3  }
0xc2: {  	[dreg:$0x1] =	wrdreg $0xFFFFFFFF  }
0xc3: {  	_ =	task.clear_ibuf [dreg:s7], $0x2FFFF;
	_ =	strace $0x9FFFFFFF  }
0xc4: {  	(tm) =	ssettm $0x7FFFFFFF  }
0xc5: {  	_ =	shalt  }
tec
execute0_lowered:
.L_overlay_start_1:
0x0: {  	(tag) =	ssettag $0x1  }
0x1: {  	s0 =	rddreg [dreg:$0x0]  }
0x2: {  	s1 =	rddreg [dreg:$0x1]  }
0x3: {  	s2 =	rddreg [dreg:$0x2]  }
0x4: {  	s3 =	rddreg [dreg:$0x3];
	s4 =	simm.s32 $0x0  }
0x5: {  	s5 =	srdreg.scid;
	s7 =	stileid.u32;
	s28 =	simm.s32 $0xC8  }
0x6: {  	s29 =	simm.s32 $0x640;
	s30 =	simm.s32 $0xB;
	s31 =	simm.s32 $0xC  }
0x7: {  	[smem:$0x7FF] =	sst s4;
	s8 =	sand.u32 $0x1, s5;
	s15 =	sshll.u32 s7, $0x1  }
0x8: {  	s5 =	sadd.s32 $0x3A00, s0;
	s6 =	sadd.s32 $0x1CA00, s0;
	s10 =	sadd.s32 $0x1A00, s0  }
0x9: {  	s16 =	sadd.s32 $0x1200, s0;
	_ =	strace $0x80000047;
	[dreg:$0x6] =	wrdreg s10  }
0xa: {  	s0 =	sadd.s32 $0xA00, s0;
	p0 =	sne.s32 s7, $0x0;
	[dreg:$0x7] =	wrdreg s16  }
0xb: {  	s9 =	sor.u32 s8, s15;
	s8 =	ssub.s32 $0x2, s8;
	[dreg:$0x8] =	wrdreg s0  }
0xc: {  	s16 =	simm.s32 $0x578;
	s11 =	smul.u32 $0x6400, s9;
	s17 =	sshrl.u32 s8, $0x1  }
0xd: {  	s13 =	sshll.u32 s9, $0x7;
	s9 =	smul.u32 $0x190000, s9;
	s0 =	ssub.s32 s8, s17  }
0xe: {  	s18 =	sshrl.u32 s11, $0x3;
	[dreg:$0x5] =	wrdreg s11;
	s21 =	sor.u32 $0xC8, s11  }
0xf: {  	s14 =	sor.u32 $0x320, s11;
	s0 =	smax.u32 s0, $0x1;
	[dreg:$0xb] =	wrdreg s21  }
0x10: {  	s9 =	sshrl.u32 s9, $0x3;
	s19 =	sadd.s32 s5, s18;
	[dreg:$0x14] =	wrdreg s0  }
0x11: {  	s20 =	sadd.s32 s6, s18;
	s8 =	sshrl.u32 s21, $0x3;
	[dreg:$0x9] =	wrdreg s19  }
0x12: {  	s22 =	sor.u32 $0x32, s18;
	[dreg:$0xa] =	wrdreg s20;
	s12 =	sadd.s32 s5, s8  }
0x13: {  	s25 =	sor.u32 $0x4B, s18;
	s8 =	sadd.s32 s6, s8;
	[dreg:$0xc] =	wrdreg s12  }
0x14: {  	s26 =	sadd.s32 s1, s9;
	s23 =	sadd.s32 s5, s22;
	[dreg:$0xd] =	wrdreg s8  }
0x15: {  	s0 =	simm.s32 $0x3E8;
	s24 =	sadd.s32 s6, s22;
	[dreg:$0xe] =	wrdreg s23  }
0x16: {  	s21 =	simm.s32 $0x8;
	s10 =	sadd.s32 s5, s25;
	[dreg:$0xf] =	wrdreg s24  }
0x17: {  	s9 =	sadd.s32 $0x31380, s26;
	s19 =	simm.s32 $0x6;
	[dreg:$0x10] =	wrdreg s10  }
0x18: {  	s20 =	simm.s32 $0x7;
	s8 =	sadd.s32 s6, s25;
	[dreg:$0x12] =	wrdreg s9  }
0x19: {  	s25 =	simm.s32 $0x3840;
	s9 =	simm.s32 $0x190;
	s10 =	simm.s32 $0x4B0  }
0x1a: {  	s24 =	simm.s32 $0x5;
	[dreg:$0x11] =	wrdreg s8;
	s8 =	sadd.s32 $0x319C0, s26  }
0x1b: {  	s26 =	simm.s32 $0x258;
	[dreg:$0x13] =	wrdreg s8;
	s8 =	simm.s32 $0x0  }
.LBB2_1:
0x1c: {  	[dreg:$0x15] =	wrdreg s8  }
0x1d: {  	s7 =	sshrl.u32 @!p0 s2, $0x3;
	s8 =	simm.s32 @!p0 $0x1C0D;
	s11 =	rddreg [dreg:$0x6]  }
0x1e: {  	[spmem:s7], [sflag:s8] =	dma.local @!p0 [hbm:s11], $0x1F40  }
0x1f: {  	s7 =	simm.s32 @!p0 $0xD  }
0x20: {  	_ =	swait.ge @!p0 [sflag:s7], $0x1F40  }
0x21: {  	[sflag:s7] =	ssyncset.done @!p0 $0x0  }
0x22: {  	s11 =	sshrl.u32 @!p0 s3, $0x3;
	s12 =	rddreg [dreg:$0x7];
	[sflag:s7] =	ssyncadd.s32 @!p0 $0xFFFFE0C0  }
0x23: {  	[spmem:s11], [sflag:s8] =	dma.local @!p0 [hbm:s12], $0x648  }
0x24: {  	_ =	swait.ge @!p0 [sflag:s7], $0x648  }
0x25: {  	s22 =	simm.s32 $0x19640;
	[sflag:s7] =	ssyncset.done @!p0 $0x0  }
0x26: {  	s23 =	simm.s32 $0xD;
	s18 =	rddreg [dreg:$0x8];
	[sflag:s7] =	ssyncadd.s32 @!p0 $0xFFFFF9B8  }
0x27: {  	[tilespmem:s22], [sflag:$0xD] =	stream.linear.gather [hbm4b:s18+s4], $0x3200, $0x38;
	[tilespmem:$0x1DB08] =	vst v63  }
0x28: {  	_ =	swait.ge [sflag:s23], $0x3200  }
0x29: {  	[sflag:s23] =	ssyncset.done $0x0  }
0x2a: {  	[sflag:s23] =	ssyncadd.s32 $0xFFFFCE00  }
0x2b: {  	s8 =	simm.s32 $0x0;
	[bflag:$0x0] =	sbarrier.arrive $0xFFFF  }
.LBB2_2:
0x2c: {  	p1 =	seq.s32 s8, $0x0  }
0x2d: {  	s11 =	rddreg [dreg:$0x9];
	s7 =	simm.s32 @p1 $0x0  }
0x2e: {  	[tilespmem:s7], [sflag:$0xD] =	stream.linear.gather @p1 [hbm4b:s11+s7], $0xC8, $0x38;
	[tilespmem:$0x1DB08] =	vst v63  }
0x2f: {  	s11 =	simm.s32 @p1 $0xD  }
0x30: {  	_ =	swait.ge @p1 [sflag:s11], $0xC8  }
0x31: {  	[sflag:s11] =	ssyncset.done @p1 $0x0  }
0x32: {  	s12 =	rddreg [dreg:$0xa];
	[sflag:s11] =	ssyncadd.s32 @p1 $0xFFFFFF38;
	s11 =	simm.s32 @p1 $0x320  }
0x33: {  	[tilespmem:s11], [sflag:$0xD] =	stream.linear.gather @p1 [hbm4b:s12+s7], $0xC8, $0x38;
	[tilespmem:$0x1DB08] =	vst v63  }
0x34: {  	s7 =	simm.s32 @!p1 $0x9  }
0x35: {  	_ =	swait.ge @!p1 [sflag:s7], $0x3200  }
0x36: {  	[sflag:s7] =	ssyncset.done @!p1 $0x0  }
0x37: {  	[sflag:s7] =	ssyncadd.s32 @!p1 $0xFFFFCE00;
	s7 =	simm.s32 @!p1 $0x1  }
0x38: {  	_ =	swait.ge @!p1 [sflag:s7], $0xC8  }
0x39: {  	[sflag:s7] =	ssyncset.done @!p1 $0x0  }
0x3a: {  	[sflag:s7] =	ssyncadd.s32 @!p1 $0xFFFFFF38;
	s7 =	simm.s32 @p1 $0xD  }
0x3b: {  	p2 =	sne.s32 s8, $0x0;
	_ =	swait.ge [sflag:s7], $0xC8  }
.Ltmp0:
0x3c: {  	[sflag:s7] =	ssyncset.done $0x0;
	(pc) =	sbr.rel @!p2 .LBB2_3-.Ltmp0, $4  }
0x3d: {  	[sflag:s7] =	ssyncadd.s32 $0xFFFFFF38  }
0x3e: {  	[tilespmem:s29], [sflag:$0x5] =	stream.indirect.gather [spmem:s2], $0x40, s4, s28, $0xb8;
	[tilespmem:$0x1DB08] =	vst v63  }
0x3f: {  	s22 =	simm.s32 $0x320;
	s23 =	simm.s32 $0xCE40;
	s7 =	sshll.u32 s8, $0x2  }
0x40: {  	[tilespmem:s23], [sflag:$0x5] =	stream.indirect.gather [spmem:s3], $0x40, s22, s28, $0xb8;
	[tilespmem:$0x1DB08] =	vst v63  }
0x41: {  	_ =	swait.ge [sflag:s20], $0x3200  }
0x42: {  	[sflag:s20] =	ssyncset.done $0x0  }
0x43: {  	[sflag:s20] =	ssyncadd.s32 $0xFFFFCE00  }
0x44: {  	_ =	swait.ge [sflag:s20], $0x3200  }
0x45: {  	[sflag:s20] =	ssyncset.done $0x0  }
0x46: {  	s18 =	simm.s32 $0x0;
	[sflag:s20] =	ssyncadd.s32 $0xFFFFCE00  }
0x47: {  	v12 =	vld [tilespmem:s18+$0x19640]  }
0x48: {  	v13 =	vld [tilespmem:s18+$0x19650]  }
0x49: {  	v14 =	vld [tilespmem:s18+$0x19660]  }
0x4a: {  	v15 =	vld [tilespmem:s18+$0x19670]  }
0x4b: {  	v16 =	vld [tilespmem:s18+$0x19680]  }
0x4c: {  	v17 =	vld [tilespmem:s18+$0x19690]  }
0x4d: {  	v18 =	vld [tilespmem:s18+$0x196A0]  }
0x4e: {  	v19 =	vld [tilespmem:s18+$0x196B0]  }
0x4f: {  	v5 =	vld [tilespmem:s18+$0x196C0]  }
0x50: {  	v4 =	vld [tilespmem:s18+$0x196D0]  }
0x51: {  	v3 =	vld [tilespmem:s18+$0x196E0]  }
0x52: {  	v2 =	vld [tilespmem:s18+$0x196F0]  }
0x53: {  	v1 =	vld [tilespmem:s18+$0x19700]  }
0x54: {  	v0 =	vld [tilespmem:s18+$0x19710]  }
0x55: {  	v20 =	vld [tilespmem:s18+$0x13240]  }
0x56: {  	v21 =	vld [tilespmem:s18+$0x13250]  }
0x57: {  	v22 =	vld [tilespmem:s18+$0x13260]  }
0x58: {  	v23 =	vld [tilespmem:s18+$0x13270]  }
0x59: {  	v24 =	vld [tilespmem:s18+$0x13280]  }
0x5a: {  	v25 =	vld [tilespmem:s18+$0x13290]  }
0x5b: {  	v26 =	vld [tilespmem:s18+$0x132A0]  }
0x5c: {  	v27 =	vld [tilespmem:s18+$0x132B0]  }
0x5d: {  	v28 =	vld [tilespmem:s18+$0x132C0]  }
0x5e: {  	v29 =	vld [tilespmem:s18+$0x132D0]  }
0x5f: {  	v11 =	vld [tilespmem:s18+$0x132E0]  }
0x60: {  	v10 =	vld [tilespmem:s18+$0x132F0]  }
0x61: {  	v9 =	vld [tilespmem:s18+$0x13300]  }
0x62: {  	v8 =	vld [tilespmem:s18+$0x13310]  }
0x63: {  	v30 =	vld [tilespmem:s18+$0x6A40]  }
0x64: {  	v31 =	vld [tilespmem:s18+$0x6A50]  }
0x65: {  	v32 =	vld [tilespmem:s18+$0x6A60]  }
0x66: {  	v33 =	vld [tilespmem:s18+$0x6A70]  }
0x67: {  	v7 =	vld [tilespmem:s18+$0x13320]  }
0x68: {  	v34 =	vld [tilespmem:s18+$0x6A80]  }
0x69: {  	v6 =	vld [tilespmem:s18+$0x13330]  }
0x6a: {  	v62 =	vld [tilespmem:s18+$0x6A90];
	v20 =	vadd.f32 v20, v30;
	v21 =	vadd.f32 v21, v31  }
0x6b: {  	v35 =	vld [tilespmem:s18+$0x6AA0];
	v22 =	vadd.f32 v22, v32;
	v23 =	vadd.f32 v23, v33  }
0x6c: {  	v12 =	vadd.f32 v12, v20;
	v20 =	vld [tilespmem:s18+$0x6AB0];
	v13 =	vadd.f32 v13, v21  }
0x6d: {  	v63 =	vld [tilespmem:s18+$0x6AC0];
	v14 =	vadd.f32 v14, v22;
	v22 =	vadd.f32 v24, v34  }
0x6e: {  	v21 =	vld [tilespmem:s18+$0x6AD0];
	v15 =	vadd.f32 v15, v23;
	[tilespmem:s18+$0x6A40] =	vst v12  }
0x6f: {  	v23 =	vadd.f32 v25, v62;
	[tilespmem:s18+$0x6A50] =	vst v13;
	v12 =	vld [tilespmem:s18+$0x6AE0];
	v16 =	vadd.f32 v16, v22  }
0x70: {  	[tilespmem:s18+$0x6A60] =	vst v14;
	v13 =	vld [tilespmem:s18+$0x6AF0];
	v22 =	vadd.f32 v26, v35  }
0x71: {  	v14 =	vld [tilespmem:s18+$0x6B00];
	v23 =	vadd.f32 v17, v23;
	[tilespmem:s18+$0x6A80] =	vst v16;
	v16 =	vadd.f32 v27, v20  }
0x72: {  	s11 =	sadd.s32 $0xFFFFFFFE, s7;
	[tilespmem:s18+$0x6A70] =	vst v15;
	v15 =	vld [tilespmem:s18+$0x6B10];
	v17 =	vadd.f32 v28, v63;
	v18 =	vadd.f32 v18, v22  }
0x73: {  	s17 =	smul.u32 $0xC8, s11;
	s22 =	sadd.s32 s13, s11;
	s11 =	simm.s32 $0x400;
	[tilespmem:s18+$0x6A90] =	vst v23;
	v20 =	vadd.f32 v19, v16;
	v19 =	vadd.f32 v29, v21;
	v16 =	vld [tilespmem:s18+$0x6B20]  }
.LBB2_5:
0x74: {  	p2 =	sne.s32 s11, $0xC400;
	[tilespmem:s18+$0x6AA0] =	vst v18;
	v5 =	vadd.f32 v5, v17;
	v11 =	vadd.f32 v11, v12;
	v12 =	vld [tilespmem:s18+$0x6B30]  }
0x75: {  	[tilespmem:s18+$0x6AB0] =	vst v20;
	v4 =	vadd.f32 v4, v19;
	v10 =	vadd.f32 v10, v13;
	v13 =	vld [tilespmem:s18+$0x19720]  }
0x76: {  	s12 =	sshra.s32 s11, $0x2;
	[tilespmem:s18+$0x6AC0] =	vst v5;
	v3 =	vadd.f32 v3, v11;
	v5 =	vadd.f32 v9, v14;
	v9 =	vld [tilespmem:s18+$0x19730]  }
0x77: {  	v14 =	vld [tilespmem:s12+$0x19640];
	[tilespmem:s18+$0x6AD0] =	vst v4;
	v2 =	vadd.f32 v2, v10;
	v4 =	vadd.f32 v8, v15  }
0x78: {  	v15 =	vld [tilespmem:s12+$0x19650];
	[tilespmem:s18+$0x6AE0] =	vst v3;
	v1 =	vadd.f32 v1, v5;
	v3 =	vadd.f32 v7, v16  }
0x79: {  	v16 =	vld [tilespmem:s12+$0x19660];
	[tilespmem:s18+$0x6AF0] =	vst v2;
	v0 =	vadd.f32 v0, v4;
	v2 =	vadd.f32 v6, v12  }
0x7a: {  	v12 =	vld [tilespmem:s12+$0x19670];
	[tilespmem:s18+$0x6B00] =	vst v1;
	v1 =	vadd.f32 v13, v3  }
0x7b: {  	v13 =	vld [tilespmem:s12+$0x19680];
	[tilespmem:s18+$0x6B10] =	vst v0;
	v0 =	vadd.f32 v9, v2  }
0x7c: {  	v17 =	vld [tilespmem:s12+$0x19690];
	[tilespmem:s18+$0x6B20] =	vst v1  }
0x7d: {  	v18 =	vld [tilespmem:s12+$0x196A0];
	[tilespmem:s18+$0x6B30] =	vst v0;
	s18 =	smov.u32 s12  }
0x7e: {  	v19 =	vld [tilespmem:s18+$0x196B0]  }
0x7f: {  	v5 =	vld [tilespmem:s18+$0x196C0]  }
0x80: {  	v4 =	vld [tilespmem:s18+$0x196D0]  }
0x81: {  	v3 =	vld [tilespmem:s18+$0x196E0]  }
0x82: {  	v2 =	vld [tilespmem:s18+$0x196F0]  }
0x83: {  	v1 =	vld [tilespmem:s18+$0x19700]  }
0x84: {  	v0 =	vld [tilespmem:s18+$0x19710]  }
0x85: {  	v20 =	vld [tilespmem:s18+$0x13240]  }
0x86: {  	v21 =	vld [tilespmem:s18+$0x13250]  }
0x87: {  	v22 =	vld [tilespmem:s18+$0x13260]  }
0x88: {  	v23 =	vld [tilespmem:s18+$0x13270]  }
0x89: {  	v24 =	vld [tilespmem:s18+$0x13280]  }
0x8a: {  	v25 =	vld [tilespmem:s18+$0x13290]  }
0x8b: {  	v26 =	vld [tilespmem:s18+$0x132A0]  }
0x8c: {  	v27 =	vld [tilespmem:s18+$0x132B0]  }
0x8d: {  	v28 =	vld [tilespmem:s18+$0x132C0]  }
0x8e: {  	v29 =	vld [tilespmem:s18+$0x132D0]  }
0x8f: {  	v11 =	vld [tilespmem:s18+$0x132E0]  }
0x90: {  	v10 =	vld [tilespmem:s18+$0x132F0]  }
0x91: {  	v9 =	vld [tilespmem:s18+$0x13300]  }
0x92: {  	v8 =	vld [tilespmem:s18+$0x13310]  }
0x93: {  	v7 =	vld [tilespmem:s18+$0x13320]  }
0x94: {  	v6 =	vld [tilespmem:s18+$0x13330]  }
0x95: {  	v30 =	vld [tilespmem:s18+$0x6A40]  }
0x96: {  	v31 =	vld [tilespmem:s18+$0x6A50]  }
0x97: {  	v32 =	vld [tilespmem:s18+$0x6A60]  }
0x98: {  	v33 =	vld [tilespmem:s18+$0x6A70]  }
0x99: {  	v34 =	vld [tilespmem:s18+$0x6A80]  }
0x9a: {  	v20 =	vadd.f32 v20, v30;
	v30 =	vld [tilespmem:s18+$0x6A90]  }
0x9b: {  	v21 =	vadd.f32 v21, v31;
	v31 =	vld [tilespmem:s18+$0x6AA0]  }
0x9c: {  	v14 =	vadd.f32 v14, v20;
	v20 =	vadd.f32 v22, v32;
	v22 =	vld [tilespmem:s18+$0x6AB0]  }
0x9d: {  	v15 =	vadd.f32 v15, v21;
	v21 =	vadd.f32 v23, v33;
	v23 =	vld [tilespmem:s18+$0x6AC0]  }
0x9e: {  	[tilespmem:s18+$0x6A40] =	vst v14;
	v14 =	vadd.f32 v16, v20;
	v16 =	vadd.f32 v24, v34;
	v24 =	vld [tilespmem:s18+$0x6AD0]  }
.Ltmp1:
0x9f: {  	[tilespmem:s18+$0x6A50] =	vst v15;
	v15 =	vadd.f32 v12, v21;
	v20 =	vadd.f32 v25, v30;
	v12 =	vld [tilespmem:s18+$0x6AE0];
	(pc) =	sbr.rel @p2 .LBB2_5-.Ltmp1, $4  }
0xa0: {  	[tilespmem:s18+$0x6A60] =	vst v14;
	v16 =	vadd.f32 v13, v16;
	v21 =	vadd.f32 v26, v31;
	v13 =	vld [tilespmem:s18+$0x6AF0]  }
0xa1: {  	[tilespmem:s18+$0x6A70] =	vst v15;
	v20 =	vadd.f32 v17, v20;
	v22 =	vadd.f32 v27, v22;
	v14 =	vld [tilespmem:s18+$0x6B00]  }
0xa2: {  	[tilespmem:s18+$0x6A80] =	vst v16;
	v18 =	vadd.f32 v18, v21;
	v17 =	vadd.f32 v28, v23;
	v15 =	vld [tilespmem:s18+$0x6B10]  }
0xa3: {  	s11 =	sadd.s32 $0x400, s11;
	[tilespmem:s18+$0x6A90] =	vst v20;
	v20 =	vadd.f32 v19, v22;
	v19 =	vadd.f32 v29, v24;
	v16 =	vld [tilespmem:s18+$0x6B20]  }
0xa4: {  	[tilespmem:s18+$0x6AA0] =	vst v18;
	v55 =	vld [tilespmem:s18+$0x6B30];
	v5 =	vadd.f32 v5, v17;
	v11 =	vadd.f32 v11, v12  }
0xa5: {  	v56 =	vld [tilespmem:s18+$0x19720];
	[tilespmem:s18+$0x6AB0] =	vst v20;
	v4 =	vadd.f32 v4, v19;
	v10 =	vadd.f32 v10, v13  }
0xa6: {  	v58 =	vld [tilespmem:s18+$0x19730];
	[tilespmem:s18+$0x6AC0] =	vst v5;
	v3 =	vadd.f32 v3, v11;
	v57 =	vadd.f32 v9, v14  }
0xa7: {  	[tilespmem:s18+$0x6AD0] =	vst v4;
	v2 =	vadd.f32 v2, v10;
	v59 =	vadd.f32 v8, v15  }
0xa8: {  	[tilespmem:s18+$0x6AE0] =	vst v3;
	v1 =	vadd.f32 v1, v57;
	v60 =	vadd.f32 v7, v16  }
0xa9: {  	[tilespmem:s18+$0x6AF0] =	vst v2;
	v0 =	vadd.f32 v0, v59;
	v61 =	vadd.f32 v6, v55  }
0xaa: {  	s11 =	smul.u32 $0x3200, s22;
	[tilespmem:s18+$0x6B00] =	vst v1;
	v62 =	vadd.f32 v56, v60  }
0xab: {  	[tilespmem:s18+$0x6B10] =	vst v0;
	v63 =	vadd.f32 v58, v61  }
0xac: {  	s11 =	sshrl.u32 s11, $0x3;
	[tilespmem:s18+$0x6B20] =	vst v62  }
0xad: {  	s12 =	simm.s32 $0x6A40;
	s17 =	sadd.s32 s17, s14;
	s11 =	sadd.s32 s1, s11;
	[tilespmem:s18+$0x6B30] =	vst v63  }
0xae: {  	[hbm4b:s11+s4] =	stream.linear.scatter [tilespmem:s12], [sflag:$0xB], $0x3200, $0x38;
	[tilespmem:$0x1DB08] =	vst v63  }
0xaf: {  	s11 =	sshrl.u32 s17, $0x3  }
0xb0: {  	s18 =	sadd.s32 s5, s11  }
0xb1: {  	[tilespmem:s9], [sflag:$0x3] =	stream.linear.gather [hbm4b:s18+s4], $0xC8, $0x38;
	[tilespmem:$0x1DB08] =	vst v63  }
0xb2: {  	s22 =	simm.s32 $0xA;
	s11 =	sadd.s32 s6, s11  }
0xb3: {  	[tilespmem:s10], [sflag:$0x3] =	stream.linear.gather [hbm4b:s11+s4], $0xC8, $0x38;
	[tilespmem:$0x1DB08] =	vst v63  }
0xb4: {  	_ =	swait.ge [sflag:s22], $0x3200  }
.Ltmp2:
0xb5: {  	[sflag:s22] =	ssyncset.done $0x0;
	(pc) =	sbr.rel .LBB2_7-.Ltmp2, $4  }
0xb6: {  	s18 =	sor.u32 $0x1, s7;
	s11 =	simm.s32 $0x2;
	[sflag:s22] =	ssyncadd.s32 $0xFFFFCE00  }
0xb7: {  	s23 =	smul.u32 $0xC8, s18;
	_ =	swait.ge [sflag:s11], $0xC8  }
0xb8: {  	[sflag:s11] =	ssyncset.done $0x0;
	s15 =	rddreg [dreg:$0x5]  }
0xb9: {  	s23 =	sadd.s32 s15, s23;
	[sflag:s11] =	ssyncadd.s32 $0xFFFFFF38  }
.LBB2_3:
0xba: {  	s11 =	rddreg [dreg:$0xc]  }
0xbb: {  	[tilespmem:s28], [sflag:$0xD] =	stream.linear.gather [hbm4b:s11+s4], $0xC8, $0x38;
	[tilespmem:$0x1DB08] =	vst v63  }
0xbc: {  	s11 =	simm.s32 $0xD  }
0xbd: {  	_ =	swait.ge [sflag:s11], $0xC8  }
0xbe: {  	[sflag:s11] =	ssyncset.done $0x0;
	s12 =	rddreg [dreg:$0xd]  }
0xbf: {  	s18 =	simm.s32 $0x1;
	s23 =	rddreg [dreg:$0xb];
	[sflag:s11] =	ssyncadd.s32 $0xFFFFFF38  }
0xc0: {  	[tilespmem:s0], [sflag:$0xD] =	stream.linear.gather [hbm4b:s12+s4], $0xC8, $0x38;
	[tilespmem:$0x1DB08] =	vst v63  }
.LBB2_7:
0xc1: {  	_ =	swait.ge [sflag:s11], $0xC8  }
.Ltmp3:
0xc2: {  	[sflag:s11] =	ssyncset.done $0x0;
	(pc) =	sbr.rel @p1 .LBB2_11-.Ltmp3, $4  }
0xc3: {  	[sflag:s11] =	ssyncadd.s32 $0xFFFFFF38  }
0xc4: {  	[tilespmem:s25], [sflag:$0x6] =	stream.indirect.gather [spmem:s2], $0x40, s28, s28, $0xb8;
	[tilespmem:$0x1DB08] =	vst v63  }
0xc5: {  	s22 =	simm.s32 $0x10040  }
0xc6: {  	[tilespmem:s22], [sflag:$0x6] =	stream.indirect.gather [spmem:s3], $0x40, s0, s28, $0xb8;
	[tilespmem:$0x1DB08] =	vst v63  }
0xc7: {  	_ =	swait.ge [sflag:s21], $0x3200  }
0xc8: {  	[sflag:s21] =	ssyncset.done $0x0  }
0xc9: {  	[sflag:s21] =	ssyncadd.s32 $0xFFFFCE00  }
0xca: {  	_ =	swait.ge [sflag:s21], $0x3200  }
0xcb: {  	[sflag:s21] =	ssyncset.done $0x0  }
0xcc: {  	s22 =	simm.s32 $0x0;
	[sflag:s21] =	ssyncadd.s32 $0xFFFFCE00  }
0xcd: {  	v12 =	vld [tilespmem:s22+$0x19640]  }
0xce: {  	v13 =	vld [tilespmem:s22+$0x19650]  }
0xcf: {  	v14 =	vld [tilespmem:s22+$0x19660]  }
0xd0: {  	v15 =	vld [tilespmem:s22+$0x19670]  }
0xd1: {  	v16 =	vld [tilespmem:s22+$0x19680]  }
0xd2: {  	v17 =	vld [tilespmem:s22+$0x19690]  }
0xd3: {  	v18 =	vld [tilespmem:s22+$0x196A0]  }
0xd4: {  	v19 =	vld [tilespmem:s22+$0x196B0]  }
0xd5: {  	v5 =	vld [tilespmem:s22+$0x196C0]  }
0xd6: {  	v4 =	vld [tilespmem:s22+$0x196D0]  }
0xd7: {  	v3 =	vld [tilespmem:s22+$0x196E0]  }
0xd8: {  	v2 =	vld [tilespmem:s22+$0x196F0]  }
0xd9: {  	v1 =	vld [tilespmem:s22+$0x19700]  }
0xda: {  	v0 =	vld [tilespmem:s22+$0x19710]  }
0xdb: {  	v20 =	vld [tilespmem:s22+$0x16440]  }
0xdc: {  	v21 =	vld [tilespmem:s22+$0x16450]  }
0xdd: {  	v22 =	vld [tilespmem:s22+$0x16460]  }
0xde: {  	v23 =	vld [tilespmem:s22+$0x16470]  }
0xdf: {  	v24 =	vld [tilespmem:s22+$0x16480]  }
0xe0: {  	v25 =	vld [tilespmem:s22+$0x16490]  }
0xe1: {  	v26 =	vld [tilespmem:s22+$0x164A0]  }
0xe2: {  	v27 =	vld [tilespmem:s22+$0x164B0]  }
0xe3: {  	v28 =	vld [tilespmem:s22+$0x164C0]  }
0xe4: {  	v29 =	vld [tilespmem:s22+$0x164D0]  }
0xe5: {  	v11 =	vld [tilespmem:s22+$0x164E0]  }
0xe6: {  	v10 =	vld [tilespmem:s22+$0x164F0]  }
0xe7: {  	v9 =	vld [tilespmem:s22+$0x16500]  }
0xe8: {  	v8 =	vld [tilespmem:s22+$0x16510]  }
0xe9: {  	v30 =	vld [tilespmem:s22+$0x9C40]  }
0xea: {  	v31 =	vld [tilespmem:s22+$0x9C50]  }
0xeb: {  	v32 =	vld [tilespmem:s22+$0x9C60]  }
0xec: {  	v33 =	vld [tilespmem:s22+$0x9C70]  }
0xed: {  	v7 =	vld [tilespmem:s22+$0x16520]  }
0xee: {  	v34 =	vld [tilespmem:s22+$0x9C80]  }
0xef: {  	v6 =	vld [tilespmem:s22+$0x16530]  }
0xf0: {  	v62 =	vld [tilespmem:s22+$0x9C90];
	v20 =	vadd.f32 v20, v30;
	v21 =	vadd.f32 v21, v31  }
0xf1: {  	v35 =	vld [tilespmem:s22+$0x9CA0];
	v22 =	vadd.f32 v22, v32;
	v23 =	vadd.f32 v23, v33  }
0xf2: {  	v12 =	vadd.f32 v12, v20;
	v20 =	vld [tilespmem:s22+$0x9CB0];
	v13 =	vadd.f32 v13, v21  }
0xf3: {  	v63 =	vld [tilespmem:s22+$0x9CC0];
	v14 =	vadd.f32 v14, v22;
	v22 =	vadd.f32 v24, v34  }
0xf4: {  	v21 =	vld [tilespmem:s22+$0x9CD0];
	v15 =	vadd.f32 v15, v23;
	[tilespmem:s22+$0x9C40] =	vst v12  }
0xf5: {  	v23 =	vadd.f32 v25, v62;
	[tilespmem:s22+$0x9C50] =	vst v13;
	v12 =	vld [tilespmem:s22+$0x9CE0];
	v16 =	vadd.f32 v16, v22  }
0xf6: {  	[tilespmem:s22+$0x9C60] =	vst v14;
	v13 =	vld [tilespmem:s22+$0x9CF0];
	v22 =	vadd.f32 v26, v35  }
0xf7: {  	v14 =	vld [tilespmem:s22+$0x9D00];
	v23 =	vadd.f32 v17, v23;
	[tilespmem:s22+$0x9C80] =	vst v16;
	v16 =	vadd.f32 v27, v20  }
0xf8: {  	s11 =	sadd.s32 $0xFFFFFFFF, s7;
	[tilespmem:s22+$0x9C70] =	vst v15;
	v15 =	vld [tilespmem:s22+$0x9D10];
	v17 =	vadd.f32 v28, v63;
	v18 =	vadd.f32 v18, v22  }
0xf9: {  	s12 =	simm.s32 $0x400;
	s17 =	smul.u32 $0xC8, s11;
	s11 =	sadd.s32 s13, s11;
	[tilespmem:s22+$0x9C90] =	vst v23;
	v20 =	vadd.f32 v19, v16;
	v19 =	vadd.f32 v29, v21;
	v16 =	vld [tilespmem:s22+$0x9D20]  }
.LBB2_9:
0xfa: {  	p1 =	sne.s32 s12, $0xC400;
	[tilespmem:s22+$0x9CA0] =	vst v18;
	v5 =	vadd.f32 v5, v17;
	v11 =	vadd.f32 v11, v12;
	v12 =	vld [tilespmem:s22+$0x9D30]  }
0xfb: {  	[tilespmem:s22+$0x9CB0] =	vst v20;
	v4 =	vadd.f32 v4, v19;
	v10 =	vadd.f32 v10, v13;
	v13 =	vld [tilespmem:s22+$0x19720]  }
0xfc: {  	s15 =	sshra.s32 s12, $0x2;
	[tilespmem:s22+$0x9CC0] =	vst v5;
	v3 =	vadd.f32 v3, v11;
	v5 =	vadd.f32 v9, v14;
	v9 =	vld [tilespmem:s22+$0x19730]  }
0xfd: {  	v14 =	vld [tilespmem:s15+$0x19640];
	[tilespmem:s22+$0x9CD0] =	vst v4;
	v2 =	vadd.f32 v2, v10;
	v4 =	vadd.f32 v8, v15  }
0xfe: {  	v15 =	vld [tilespmem:s15+$0x19650];
	[tilespmem:s22+$0x9CE0] =	vst v3;
	v1 =	vadd.f32 v1, v5;
	v3 =	vadd.f32 v7, v16  }
0xff: {  	v16 =	vld [tilespmem:s15+$0x19660];
	[tilespmem:s22+$0x9CF0] =	vst v2;
	v0 =	vadd.f32 v0, v4;
	v2 =	vadd.f32 v6, v12  }
0x100: {  	v12 =	vld [tilespmem:s15+$0x19670];
	[tilespmem:s22+$0x9D00] =	vst v1;
	v1 =	vadd.f32 v13, v3  }
0x101: {  	v13 =	vld [tilespmem:s15+$0x19680];
	[tilespmem:s22+$0x9D10] =	vst v0;
	v0 =	vadd.f32 v9, v2  }
0x102: {  	v17 =	vld [tilespmem:s15+$0x19690];
	[tilespmem:s22+$0x9D20] =	vst v1  }
0x103: {  	v18 =	vld [tilespmem:s15+$0x196A0];
	[tilespmem:s22+$0x9D30] =	vst v0;
	s22 =	smov.u32 s15  }
0x104: {  	v19 =	vld [tilespmem:s22+$0x196B0]  }
0x105: {  	v5 =	vld [tilespmem:s22+$0x196C0]  }
0x106: {  	v4 =	vld [tilespmem:s22+$0x196D0]  }
0x107: {  	v3 =	vld [tilespmem:s22+$0x196E0]  }
0x108: {  	v2 =	vld [tilespmem:s22+$0x196F0]  }
0x109: {  	v1 =	vld [tilespmem:s22+$0x19700]  }
0x10a: {  	v0 =	vld [tilespmem:s22+$0x19710]  }
0x10b: {  	v20 =	vld [tilespmem:s22+$0x16440]  }
0x10c: {  	v21 =	vld [tilespmem:s22+$0x16450]  }
0x10d: {  	v22 =	vld [tilespmem:s22+$0x16460]  }
0x10e: {  	v23 =	vld [tilespmem:s22+$0x16470]  }
0x10f: {  	v24 =	vld [tilespmem:s22+$0x16480]  }
0x110: {  	v25 =	vld [tilespmem:s22+$0x16490]  }
0x111: {  	v26 =	vld [tilespmem:s22+$0x164A0]  }
0x112: {  	v27 =	vld [tilespmem:s22+$0x164B0]  }
0x113: {  	v28 =	vld [tilespmem:s22+$0x164C0]  }
0x114: {  	v29 =	vld [tilespmem:s22+$0x164D0]  }
0x115: {  	v11 =	vld [tilespmem:s22+$0x164E0]  }
0x116: {  	v10 =	vld [tilespmem:s22+$0x164F0]  }
0x117: {  	v9 =	vld [tilespmem:s22+$0x16500]  }
0x118: {  	v8 =	vld [tilespmem:s22+$0x16510]  }
0x119: {  	v7 =	vld [tilespmem:s22+$0x16520]  }
0x11a: {  	v6 =	vld [tilespmem:s22+$0x16530]  }
0x11b: {  	v30 =	vld [tilespmem:s22+$0x9C40]  }
0x11c: {  	v31 =	vld [tilespmem:s22+$0x9C50]  }
0x11d: {  	v32 =	vld [tilespmem:s22+$0x9C60]  }
0x11e: {  	v33 =	vld [tilespmem:s22+$0x9C70]  }
0x11f: {  	v34 =	vld [tilespmem:s22+$0x9C80]  }
0x120: {  	v20 =	vadd.f32 v20, v30;
	v30 =	vld [tilespmem:s22+$0x9C90]  }
0x121: {  	v21 =	vadd.f32 v21, v31;
	v31 =	vld [tilespmem:s22+$0x9CA0]  }
0x122: {  	v14 =	vadd.f32 v14, v20;
	v20 =	vadd.f32 v22, v32;
	v22 =	vld [tilespmem:s22+$0x9CB0]  }
0x123: {  	v15 =	vadd.f32 v15, v21;
	v21 =	vadd.f32 v23, v33;
	v23 =	vld [tilespmem:s22+$0x9CC0]  }
0x124: {  	[tilespmem:s22+$0x9C40] =	vst v14;
	v14 =	vadd.f32 v16, v20;
	v16 =	vadd.f32 v24, v34;
	v24 =	vld [tilespmem:s22+$0x9CD0]  }
.Ltmp4:
0x125: {  	[tilespmem:s22+$0x9C50] =	vst v15;
	v15 =	vadd.f32 v12, v21;
	v20 =	vadd.f32 v25, v30;
	v12 =	vld [tilespmem:s22+$0x9CE0];
	(pc) =	sbr.rel @p1 .LBB2_9-.Ltmp4, $4  }
0x126: {  	[tilespmem:s22+$0x9C60] =	vst v14;
	v16 =	vadd.f32 v13, v16;
	v21 =	vadd.f32 v26, v31;
	v13 =	vld [tilespmem:s22+$0x9CF0]  }
0x127: {  	[tilespmem:s22+$0x9C70] =	vst v15;
	v20 =	vadd.f32 v17, v20;
	v22 =	vadd.f32 v27, v22;
	v14 =	vld [tilespmem:s22+$0x9D00]  }
0x128: {  	[tilespmem:s22+$0x9C80] =	vst v16;
	v18 =	vadd.f32 v18, v21;
	v17 =	vadd.f32 v28, v23;
	v15 =	vld [tilespmem:s22+$0x9D10]  }
0x129: {  	s12 =	sadd.s32 $0x400, s12;
	[tilespmem:s22+$0x9C90] =	vst v20;
	v20 =	vadd.f32 v19, v22;
	v19 =	vadd.f32 v29, v24;
	v16 =	vld [tilespmem:s22+$0x9D20]  }
0x12a: {  	[tilespmem:s22+$0x9CA0] =	vst v18;
	v55 =	vld [tilespmem:s22+$0x9D30];
	v5 =	vadd.f32 v5, v17;
	v11 =	vadd.f32 v11, v12  }
0x12b: {  	v56 =	vld [tilespmem:s22+$0x19720];
	[tilespmem:s22+$0x9CB0] =	vst v20;
	v4 =	vadd.f32 v4, v19;
	v10 =	vadd.f32 v10, v13  }
0x12c: {  	v58 =	vld [tilespmem:s22+$0x19730];
	[tilespmem:s22+$0x9CC0] =	vst v5;
	v3 =	vadd.f32 v3, v11;
	v57 =	vadd.f32 v9, v14  }
0x12d: {  	[tilespmem:s22+$0x9CD0] =	vst v4;
	v2 =	vadd.f32 v2, v10;
	v59 =	vadd.f32 v8, v15  }
0x12e: {  	[tilespmem:s22+$0x9CE0] =	vst v3;
	v1 =	vadd.f32 v1, v57;
	v60 =	vadd.f32 v7, v16  }
0x12f: {  	[tilespmem:s22+$0x9CF0] =	vst v2;
	v0 =	vadd.f32 v0, v59;
	v61 =	vadd.f32 v6, v55  }
0x130: {  	s11 =	smul.u32 $0x3200, s11;
	[tilespmem:s22+$0x9D00] =	vst v1;
	v62 =	vadd.f32 v56, v60  }
0x131: {  	[tilespmem:s22+$0x9D10] =	vst v0;
	v63 =	vadd.f32 v58, v61  }
0x132: {  	s11 =	sshrl.u32 s11, $0x3;
	[tilespmem:s22+$0x9D20] =	vst v62  }
0x133: {  	s12 =	simm.s32 $0x9C40;
	s17 =	sadd.s32 s17, s14;
	s11 =	sadd.s32 s1, s11;
	[tilespmem:s22+$0x9D30] =	vst v63  }
0x134: {  	[hbm4b:s11+s4] =	stream.linear.scatter [tilespmem:s12], [sflag:$0xC], $0x3200, $0x38;
	[tilespmem:$0x1DB08] =	vst v63  }
0x135: {  	s11 =	sshrl.u32 s17, $0x3  }
0x136: {  	s22 =	sadd.s32 s5, s11  }
0x137: {  	[tilespmem:s26], [sflag:$0x4] =	stream.linear.gather [hbm4b:s22+s4], $0xC8, $0x38;
	[tilespmem:$0x1DB08] =	vst v63  }
0x138: {  	s11 =	sadd.s32 s6, s11  }
0x139: {  	[tilespmem:s16], [sflag:$0x4] =	stream.linear.gather [hbm4b:s11+s4], $0xC8, $0x38;
	[tilespmem:$0x1DB08] =	vst v63  }
0x13a: {  	_ =	swait.ge [sflag:s30], $0x3200  }
.Ltmp5:
0x13b: {  	[sflag:s30] =	ssyncset.done $0x0;
	(pc) =	sbr.rel .LBB2_12-.Ltmp5, $4  }
0x13c: {  	s11 =	simm.s32 $0x3;
	[sflag:s30] =	ssyncadd.s32 $0xFFFFCE00  }
0x13d: {  	_ =	swait.ge [sflag:s11], $0xC8  }
0x13e: {  	[sflag:s11] =	ssyncset.done $0x0  }
0x13f: {  	[sflag:s11] =	ssyncadd.s32 $0xFFFFFF38  }
.LBB2_11:
0x140: {  	s11 =	rddreg [dreg:$0xe]  }
0x141: {  	[tilespmem:s9], [sflag:$0xD] =	stream.linear.gather [hbm4b:s11+s4], $0xC8, $0x38;
	[tilespmem:$0x1DB08] =	vst v63  }
0x142: {  	s11 =	simm.s32 $0xD  }
0x143: {  	_ =	swait.ge [sflag:s11], $0xC8  }
0x144: {  	[sflag:s11] =	ssyncset.done $0x0  }
0x145: {  	s12 =	rddreg [dreg:$0xf];
	[sflag:s11] =	ssyncadd.s32 $0xFFFFFF38  }
0x146: {  	[tilespmem:s10], [sflag:$0xD] =	stream.linear.gather [hbm4b:s12+s4], $0xC8, $0x38;
	[tilespmem:$0x1DB08] =	vst v63  }
.LBB2_12:
0x147: {  	_ =	swait.ge [sflag:s11], $0xC8  }
0x148: {  	[sflag:s11] =	ssyncset.done $0x0  }
0x149: {  	s17 =	simm.s32 $0x6A40;
	[sflag:s11] =	ssyncadd.s32 $0xFFFFFF38  }
0x14a: {  	[tilespmem:s17], [sflag:$0x7] =	stream.indirect.gather [spmem:s2], $0x40, s9, s28, $0xb8;
	[tilespmem:$0x1DB08] =	vst v63  }
0x14b: {  	s22 =	simm.s32 $0x13240  }
0x14c: {  	[tilespmem:s22], [sflag:$0x7] =	stream.indirect.gather [spmem:s3], $0x40, s10, s28, $0xb8;
	[tilespmem:$0x1DB08] =	vst v63  }
0x14d: {  	_ =	swait.ge [sflag:s24], $0x3200  }
0x14e: {  	[sflag:s24] =	ssyncset.done $0x0  }
0x14f: {  	[sflag:s24] =	ssyncadd.s32 $0xFFFFCE00  }
0x150: {  	_ =	swait.ge [sflag:s24], $0x3200  }
0x151: {  	[sflag:s24] =	ssyncset.done $0x0  }
0x152: {  	s22 =	simm.s32 $0x0;
	[sflag:s24] =	ssyncadd.s32 $0xFFFFCE00  }
0x153: {  	v12 =	vld [tilespmem:s22+$0x19640]  }
0x154: {  	v13 =	vld [tilespmem:s22+$0x19650]  }
0x155: {  	v14 =	vld [tilespmem:s22+$0x19660]  }
0x156: {  	v15 =	vld [tilespmem:s22+$0x19670]  }
0x157: {  	v16 =	vld [tilespmem:s22+$0x19680]  }
0x158: {  	v17 =	vld [tilespmem:s22+$0x19690]  }
0x159: {  	v18 =	vld [tilespmem:s22+$0x196A0]  }
0x15a: {  	v20 =	vld [tilespmem:s22+$0x196B0]  }
0x15b: {  	v5 =	vld [tilespmem:s22+$0x196C0]  }
0x15c: {  	v4 =	vld [tilespmem:s22+$0x196D0]  }
0x15d: {  	v3 =	vld [tilespmem:s22+$0x196E0]  }
0x15e: {  	v2 =	vld [tilespmem:s22+$0x196F0]  }
0x15f: {  	v1 =	vld [tilespmem:s22+$0x19700]  }
0x160: {  	v0 =	vld [tilespmem:s22+$0x19710]  }
0x161: {  	v19 =	vld [tilespmem:s22+$0xCE40]  }
0x162: {  	v21 =	vld [tilespmem:s22+$0xCE50]  }
0x163: {  	v22 =	vld [tilespmem:s22+$0xCE60]  }
0x164: {  	v23 =	vld [tilespmem:s22+$0xCE70]  }
0x165: {  	v24 =	vld [tilespmem:s22+$0xCE80]  }
0x166: {  	v25 =	vld [tilespmem:s22+$0xCE90]  }
0x167: {  	v26 =	vld [tilespmem:s22+$0xCEA0]  }
0x168: {  	v27 =	vld [tilespmem:s22+$0xCEB0]  }
0x169: {  	v28 =	vld [tilespmem:s22+$0xCEC0]  }
0x16a: {  	v29 =	vld [tilespmem:s22+$0xCED0]  }
0x16b: {  	v11 =	vld [tilespmem:s22+$0xCEE0]  }
0x16c: {  	v10 =	vld [tilespmem:s22+$0xCEF0]  }
0x16d: {  	v9 =	vld [tilespmem:s22+$0xCF00]  }
0x16e: {  	v8 =	vld [tilespmem:s22+$0xCF10]  }
0x16f: {  	v30 =	vld [tilespmem:s22+$0x640]  }
0x170: {  	v31 =	vld [tilespmem:s22+$0x650]  }
0x171: {  	v32 =	vld [tilespmem:s22+$0x660]  }
0x172: {  	v33 =	vld [tilespmem:s22+$0x670]  }
0x173: {  	v7 =	vld [tilespmem:s22+$0xCF20]  }
0x174: {  	v34 =	vld [tilespmem:s22+$0x680]  }
0x175: {  	v6 =	vld [tilespmem:s22+$0xCF30]  }
0x176: {  	v62 =	vld [tilespmem:s22+$0x690];
	v19 =	vadd.f32 v19, v30;
	v21 =	vadd.f32 v21, v31  }
0x177: {  	v35 =	vld [tilespmem:s22+$0x6A0];
	v22 =	vadd.f32 v22, v32;
	v23 =	vadd.f32 v23, v33  }
0x178: {  	v12 =	vadd.f32 v12, v19;
	v19 =	vld [tilespmem:s22+$0x6B0];
	v13 =	vadd.f32 v13, v21  }
0x179: {  	v63 =	vld [tilespmem:s22+$0x6C0];
	v14 =	vadd.f32 v14, v22;
	v22 =	vadd.f32 v24, v34  }
0x17a: {  	v21 =	vld [tilespmem:s22+$0x6D0];
	v15 =	vadd.f32 v15, v23;
	[tilespmem:s22+$0x640] =	vst v12  }
0x17b: {  	v23 =	vadd.f32 v25, v62;
	[tilespmem:s22+$0x650] =	vst v13;
	v12 =	vld [tilespmem:s22+$0x6E0];
	v16 =	vadd.f32 v16, v22  }
0x17c: {  	[tilespmem:s22+$0x660] =	vst v14;
	v13 =	vld [tilespmem:s22+$0x6F0];
	v22 =	vadd.f32 v26, v35  }
0x17d: {  	v14 =	vld [tilespmem:s22+$0x700];
	v23 =	vadd.f32 v17, v23;
	[tilespmem:s22+$0x680] =	vst v16;
	v16 =	vadd.f32 v27, v19  }
0x17e: {  	[tilespmem:s22+$0x670] =	vst v15;
	v15 =	vld [tilespmem:s22+$0x710];
	v17 =	vadd.f32 v28, v63;
	v19 =	vadd.f32 v18, v22  }
0x17f: {  	s11 =	simm.s32 $0x400;
	s17 =	smul.u32 $0x320, s8;
	[tilespmem:s22+$0x690] =	vst v23;
	v18 =	vadd.f32 v29, v21;
	v20 =	vadd.f32 v20, v16;
	v16 =	vld [tilespmem:s22+$0x720]  }
.LBB2_13:
0x180: {  	p1 =	sne.s32 s11, $0xC400;
	[tilespmem:s22+$0x6A0] =	vst v19;
	v5 =	vadd.f32 v5, v17;
	v11 =	vadd.f32 v11, v12;
	v12 =	vld [tilespmem:s22+$0x730]  }
0x181: {  	[tilespmem:s22+$0x6B0] =	vst v20;
	v4 =	vadd.f32 v4, v18;
	v10 =	vadd.f32 v10, v13;
	v13 =	vld [tilespmem:s22+$0x19720]  }
0x182: {  	s12 =	sshra.s32 s11, $0x2;
	[tilespmem:s22+$0x6C0] =	vst v5;
	v3 =	vadd.f32 v3, v11;
	v5 =	vadd.f32 v9, v14;
	v9 =	vld [tilespmem:s22+$0x19730]  }
0x183: {  	v14 =	vld [tilespmem:s12+$0x19640];
	[tilespmem:s22+$0x6D0] =	vst v4;
	v2 =	vadd.f32 v2, v10;
	v4 =	vadd.f32 v8, v15  }
0x184: {  	v15 =	vld [tilespmem:s12+$0x19650];
	[tilespmem:s22+$0x6E0] =	vst v3;
	v1 =	vadd.f32 v1, v5;
	v3 =	vadd.f32 v7, v16  }
0x185: {  	v16 =	vld [tilespmem:s12+$0x19660];
	[tilespmem:s22+$0x6F0] =	vst v2;
	v0 =	vadd.f32 v0, v4;
	v2 =	vadd.f32 v6, v12  }
0x186: {  	v12 =	vld [tilespmem:s12+$0x19670];
	[tilespmem:s22+$0x700] =	vst v1;
	v1 =	vadd.f32 v13, v3  }
0x187: {  	v13 =	vld [tilespmem:s12+$0x19680];
	[tilespmem:s22+$0x710] =	vst v0;
	v0 =	vadd.f32 v9, v2  }
0x188: {  	v17 =	vld [tilespmem:s12+$0x19690];
	[tilespmem:s22+$0x720] =	vst v1  }
0x189: {  	v18 =	vld [tilespmem:s12+$0x196A0];
	[tilespmem:s22+$0x730] =	vst v0;
	s22 =	smov.u32 s12  }
0x18a: {  	v20 =	vld [tilespmem:s22+$0x196B0]  }
0x18b: {  	v5 =	vld [tilespmem:s22+$0x196C0]  }
0x18c: {  	v4 =	vld [tilespmem:s22+$0x196D0]  }
0x18d: {  	v3 =	vld [tilespmem:s22+$0x196E0]  }
0x18e: {  	v2 =	vld [tilespmem:s22+$0x196F0]  }
0x18f: {  	v1 =	vld [tilespmem:s22+$0x19700]  }
0x190: {  	v0 =	vld [tilespmem:s22+$0x19710]  }
0x191: {  	v19 =	vld [tilespmem:s22+$0xCE40]  }
0x192: {  	v21 =	vld [tilespmem:s22+$0xCE50]  }
0x193: {  	v22 =	vld [tilespmem:s22+$0xCE60]  }
0x194: {  	v23 =	vld [tilespmem:s22+$0xCE70]  }
0x195: {  	v24 =	vld [tilespmem:s22+$0xCE80]  }
0x196: {  	v25 =	vld [tilespmem:s22+$0xCE90]  }
0x197: {  	v26 =	vld [tilespmem:s22+$0xCEA0]  }
0x198: {  	v27 =	vld [tilespmem:s22+$0xCEB0]  }
0x199: {  	v28 =	vld [tilespmem:s22+$0xCEC0]  }
0x19a: {  	v29 =	vld [tilespmem:s22+$0xCED0]  }
0x19b: {  	v11 =	vld [tilespmem:s22+$0xCEE0]  }
0x19c: {  	v10 =	vld [tilespmem:s22+$0xCEF0]  }
0x19d: {  	v9 =	vld [tilespmem:s22+$0xCF00]  }
0x19e: {  	v8 =	vld [tilespmem:s22+$0xCF10]  }
0x19f: {  	v7 =	vld [tilespmem:s22+$0xCF20]  }
0x1a0: {  	v6 =	vld [tilespmem:s22+$0xCF30]  }
0x1a1: {  	v30 =	vld [tilespmem:s22+$0x640]  }
0x1a2: {  	v31 =	vld [tilespmem:s22+$0x650]  }
0x1a3: {  	v32 =	vld [tilespmem:s22+$0x660]  }
0x1a4: {  	v33 =	vld [tilespmem:s22+$0x670]  }
0x1a5: {  	v34 =	vld [tilespmem:s22+$0x680]  }
0x1a6: {  	v19 =	vadd.f32 v19, v30;
	v30 =	vld [tilespmem:s22+$0x690]  }
0x1a7: {  	v21 =	vadd.f32 v21, v31;
	v31 =	vld [tilespmem:s22+$0x6A0]  }
0x1a8: {  	v14 =	vadd.f32 v14, v19;
	v19 =	vadd.f32 v22, v32;
	v22 =	vld [tilespmem:s22+$0x6B0]  }
0x1a9: {  	v15 =	vadd.f32 v15, v21;
	v21 =	vadd.f32 v23, v33;
	v23 =	vld [tilespmem:s22+$0x6C0]  }
0x1aa: {  	[tilespmem:s22+$0x640] =	vst v14;
	v14 =	vadd.f32 v16, v19;
	v16 =	vadd.f32 v24, v34;
	v24 =	vld [tilespmem:s22+$0x6D0]  }
.Ltmp6:
0x1ab: {  	[tilespmem:s22+$0x650] =	vst v15;
	v15 =	vadd.f32 v12, v21;
	v19 =	vadd.f32 v25, v30;
	v12 =	vld [tilespmem:s22+$0x6E0];
	(pc) =	sbr.rel @p1 .LBB2_13-.Ltmp6, $4  }
0x1ac: {  	[tilespmem:s22+$0x660] =	vst v14;
	v16 =	vadd.f32 v13, v16;
	v21 =	vadd.f32 v26, v31;
	v13 =	vld [tilespmem:s22+$0x6F0]  }
0x1ad: {  	[tilespmem:s22+$0x670] =	vst v15;
	v25 =	vadd.f32 v17, v19;
	v22 =	vadd.f32 v27, v22;
	v14 =	vld [tilespmem:s22+$0x700]  }
0x1ae: {  	[tilespmem:s22+$0x680] =	vst v16;
	v19 =	vadd.f32 v18, v21;
	v17 =	vadd.f32 v28, v23;
	v15 =	vld [tilespmem:s22+$0x710]  }
0x1af: {  	s11 =	sadd.s32 $0x400, s11;
	[tilespmem:s22+$0x690] =	vst v25;
	v20 =	vadd.f32 v20, v22;
	v18 =	vadd.f32 v29, v24;
	v16 =	vld [tilespmem:s22+$0x720]  }
0x1b0: {  	[tilespmem:s22+$0x6A0] =	vst v19;
	v19 =	vld [tilespmem:s22+$0x730];
	v5 =	vadd.f32 v5, v17;
	v11 =	vadd.f32 v11, v12  }
0x1b1: {  	v12 =	vld [tilespmem:s22+$0x19720];
	[tilespmem:s22+$0x6B0] =	vst v20;
	v4 =	vadd.f32 v4, v18;
	v10 =	vadd.f32 v10, v13  }
0x1b2: {  	[tilespmem:s22+$0x6C0] =	vst v5;
	v3 =	vadd.f32 v3, v11;
	v5 =	vadd.f32 v9, v14;
	v9 =	vld [tilespmem:s22+$0x19730]  }
0x1b3: {  	[tilespmem:s22+$0x6D0] =	vst v4;
	v2 =	vadd.f32 v2, v10;
	v4 =	vadd.f32 v8, v15  }
0x1b4: {  	[tilespmem:s22+$0x6E0] =	vst v3;
	v1 =	vadd.f32 v1, v5;
	v3 =	vadd.f32 v7, v16  }
0x1b5: {  	[tilespmem:s22+$0x6F0] =	vst v2;
	v0 =	vadd.f32 v0, v4;
	v2 =	vadd.f32 v6, v19  }
0x1b6: {  	s7 =	sadd.s32 s13, s7;
	[tilespmem:s22+$0x700] =	vst v1;
	v1 =	vadd.f32 v12, v3  }
0x1b7: {  	s7 =	smul.u32 $0x640, s7;
	[tilespmem:s22+$0x710] =	vst v0;
	v0 =	vadd.f32 v9, v2  }
0x1b8: {  	[tilespmem:s22+$0x720] =	vst v1  }
0x1b9: {  	p1 =	seq.s32 s8, $0x1F;
	s7 =	sadd.s32 s1, s7;
	[tilespmem:s22+$0x730] =	vst v0  }
0x1ba: {  	[hbm4b:s7+s4] =	stream.linear.scatter [tilespmem:s29], [sflag:$0x9], $0x3200, $0x38;
	[tilespmem:$0x1DB08] =	vst v63  }
0x1bb: {  	s7 =	sadd.s32 @!p1 s17, s14  }
0x1bc: {  	s7 =	sshrl.u32 @!p1 s7, $0x3  }
0x1bd: {  	s12 =	simm.s32 @!p1 $0x0;
	p2 =	seq.s32 @!p1 s8, $0x0;
	s11 =	sadd.s32 @!p1 s5, s7  }
0x1be: {  	[tilespmem:s12], [sflag:$0x1] =	stream.linear.gather @!p1 [hbm4b:s11+s12], $0xC8, $0x38;
	[tilespmem:$0x1DB08] =	vst v63  }
0x1bf: {  	p2 =	por p1, !p2;
	s7 =	sadd.s32 @!p1 s6, s7;
	s11 =	simm.s32 @!p1 $0x320  }
0x1c0: {  	[tilespmem:s11], [sflag:$0x1] =	stream.linear.gather @!p1 [hbm4b:s7+s12], $0xC8, $0x38;
	[tilespmem:$0x1DB08] =	vst v63  }
0x1c1: {  	s7 =	rddreg @!p2 [dreg:$0x10]  }
0x1c2: {  	[tilespmem:s26], [sflag:$0xD] =	stream.linear.gather @!p2 [hbm4b:s7+s4], $0xC8, $0x38;
	[tilespmem:$0x1DB08] =	vst v63  }
0x1c3: {  	s7 =	simm.s32 @!p2 $0xD  }
0x1c4: {  	_ =	swait.ge @!p2 [sflag:s7], $0xC8  }
0x1c5: {  	[sflag:s7] =	ssyncset.done @!p2 $0x0  }
0x1c6: {  	s11 =	rddreg @!p2 [dreg:$0x11];
	[sflag:s7] =	ssyncadd.s32 @!p2 $0xFFFFFF38  }
0x1c7: {  	[tilespmem:s16], [sflag:$0xD] =	stream.linear.gather @!p2 [hbm4b:s11+s4], $0xC8, $0x38;
	[tilespmem:$0x1DB08] =	vst v63  }
0x1c8: {  	_ =	swait.ge @p2 [sflag:s31], $0x3200  }
0x1c9: {  	[sflag:s31] =	ssyncset.done @p2 $0x0  }
0x1ca: {  	s7 =	simm.s32 @p2 $0x4;
	[sflag:s31] =	ssyncadd.s32 @p2 $0xFFFFCE00  }
0x1cb: {  	_ =	swait.ge @p2 [sflag:s7], $0xC8  }
0x1cc: {  	[sflag:s7] =	ssyncset.done @p2 $0x0  }
0x1cd: {  	[sflag:s7] =	ssyncadd.s32 @p2 $0xFFFFFF38  }
0x1ce: {  	_ =	swait.ge [sflag:s7], $0xC8  }
0x1cf: {  	[sflag:s7] =	ssyncset.done $0x0  }
0x1d0: {  	s17 =	simm.s32 $0x9C40;
	[sflag:s7] =	ssyncadd.s32 $0xFFFFFF38  }
0x1d1: {  	[tilespmem:s17], [sflag:$0x8] =	stream.indirect.gather [spmem:s2], $0x40, s26, s28, $0xb8;
	[tilespmem:$0x1DB08] =	vst v63  }
0x1d2: {  	s22 =	simm.s32 $0x16440  }
0x1d3: {  	[tilespmem:s22], [sflag:$0x8] =	stream.indirect.gather [spmem:s3], $0x40, s16, s28, $0xb8;
	[tilespmem:$0x1DB08] =	vst v63  }
0x1d4: {  	_ =	swait.ge [sflag:s19], $0x3200  }
0x1d5: {  	[sflag:s19] =	ssyncset.done $0x0  }
0x1d6: {  	[sflag:s19] =	ssyncadd.s32 $0xFFFFCE00  }
0x1d7: {  	_ =	swait.ge [sflag:s19], $0x3200  }
0x1d8: {  	[sflag:s19] =	ssyncset.done $0x0  }
0x1d9: {  	s7 =	simm.s32 $0x0;
	[sflag:s19] =	ssyncadd.s32 $0xFFFFCE00  }
0x1da: {  	v12 =	vld [tilespmem:s7+$0x19640]  }
0x1db: {  	v13 =	vld [tilespmem:s7+$0x19650]  }
0x1dc: {  	v14 =	vld [tilespmem:s7+$0x19660]  }
0x1dd: {  	v15 =	vld [tilespmem:s7+$0x19670]  }
0x1de: {  	v16 =	vld [tilespmem:s7+$0x19680]  }
0x1df: {  	v17 =	vld [tilespmem:s7+$0x19690]  }
0x1e0: {  	v18 =	vld [tilespmem:s7+$0x196A0]  }
0x1e1: {  	v20 =	vld [tilespmem:s7+$0x196B0]  }
0x1e2: {  	v5 =	vld [tilespmem:s7+$0x196C0]  }
0x1e3: {  	v4 =	vld [tilespmem:s7+$0x196D0]  }
0x1e4: {  	v3 =	vld [tilespmem:s7+$0x196E0]  }
0x1e5: {  	v2 =	vld [tilespmem:s7+$0x196F0]  }
0x1e6: {  	v1 =	vld [tilespmem:s7+$0x19700]  }
0x1e7: {  	v0 =	vld [tilespmem:s7+$0x19710]  }
0x1e8: {  	v19 =	vld [tilespmem:s7+$0x10040]  }
0x1e9: {  	v21 =	vld [tilespmem:s7+$0x10050]  }
0x1ea: {  	v22 =	vld [tilespmem:s7+$0x10060]  }
0x1eb: {  	v23 =	vld [tilespmem:s7+$0x10070]  }
0x1ec: {  	v24 =	vld [tilespmem:s7+$0x10080]  }
0x1ed: {  	v25 =	vld [tilespmem:s7+$0x10090]  }
0x1ee: {  	v26 =	vld [tilespmem:s7+$0x100A0]  }
0x1ef: {  	v27 =	vld [tilespmem:s7+$0x100B0]  }
0x1f0: {  	v28 =	vld [tilespmem:s7+$0x100C0]  }
0x1f1: {  	v29 =	vld [tilespmem:s7+$0x100D0]  }
0x1f2: {  	v11 =	vld [tilespmem:s7+$0x100E0]  }
0x1f3: {  	v10 =	vld [tilespmem:s7+$0x100F0]  }
0x1f4: {  	v9 =	vld [tilespmem:s7+$0x10100]  }
0x1f5: {  	v8 =	vld [tilespmem:s7+$0x10110]  }
0x1f6: {  	v30 =	vld [tilespmem:s7+$0x3840]  }
0x1f7: {  	v31 =	vld [tilespmem:s7+$0x3850]  }
0x1f8: {  	v32 =	vld [tilespmem:s7+$0x3860]  }
0x1f9: {  	v33 =	vld [tilespmem:s7+$0x3870]  }
0x1fa: {  	v7 =	vld [tilespmem:s7+$0x10120]  }
0x1fb: {  	v34 =	vld [tilespmem:s7+$0x3880]  }
0x1fc: {  	v6 =	vld [tilespmem:s7+$0x10130]  }
0x1fd: {  	v62 =	vld [tilespmem:s7+$0x3890];
	v19 =	vadd.f32 v19, v30;
	v21 =	vadd.f32 v21, v31  }
0x1fe: {  	v35 =	vld [tilespmem:s7+$0x38A0];
	v22 =	vadd.f32 v22, v32;
	v23 =	vadd.f32 v23, v33  }
0x1ff: {  	v12 =	vadd.f32 v12, v19;
	v19 =	vld [tilespmem:s7+$0x38B0];
	v13 =	vadd.f32 v13, v21  }
0x200: {  	v63 =	vld [tilespmem:s7+$0x38C0];
	v14 =	vadd.f32 v14, v22;
	v22 =	vadd.f32 v24, v34  }
0x201: {  	v21 =	vld [tilespmem:s7+$0x38D0];
	v15 =	vadd.f32 v15, v23;
	[tilespmem:s7+$0x3840] =	vst v12  }
0x202: {  	v23 =	vadd.f32 v25, v62;
	[tilespmem:s7+$0x3850] =	vst v13;
	v12 =	vld [tilespmem:s7+$0x38E0];
	v16 =	vadd.f32 v16, v22  }
0x203: {  	[tilespmem:s7+$0x3860] =	vst v14;
	v13 =	vld [tilespmem:s7+$0x38F0];
	v22 =	vadd.f32 v26, v35  }
0x204: {  	v14 =	vld [tilespmem:s7+$0x3900];
	v17 =	vadd.f32 v17, v23;
	[tilespmem:s7+$0x3880] =	vst v16;
	v16 =	vadd.f32 v27, v19  }
0x205: {  	[tilespmem:s7+$0x3870] =	vst v15;
	v15 =	vld [tilespmem:s7+$0x3910];
	v19 =	vadd.f32 v18, v22;
	v18 =	vadd.f32 v28, v63  }
0x206: {  	s11 =	simm.s32 $0x400;
	[tilespmem:s7+$0x3890] =	vst v17;
	v17 =	vadd.f32 v29, v21;
	v20 =	vadd.f32 v20, v16;
	v16 =	vld [tilespmem:s7+$0x3920]  }
.LBB2_15:
0x207: {  	p2 =	sne.s32 s11, $0xC400;
	[tilespmem:s7+$0x38A0] =	vst v19;
	v5 =	vadd.f32 v5, v18;
	v11 =	vadd.f32 v11, v12;
	v12 =	vld [tilespmem:s7+$0x3930]  }
0x208: {  	[tilespmem:s7+$0x38B0] =	vst v20;
	v4 =	vadd.f32 v4, v17;
	v10 =	vadd.f32 v10, v13;
	v13 =	vld [tilespmem:s7+$0x19720]  }
0x209: {  	s12 =	sshra.s32 s11, $0x2;
	[tilespmem:s7+$0x38C0] =	vst v5;
	v3 =	vadd.f32 v3, v11;
	v5 =	vadd.f32 v9, v14;
	v9 =	vld [tilespmem:s7+$0x19730]  }
0x20a: {  	v14 =	vld [tilespmem:s12+$0x19640];
	[tilespmem:s7+$0x38D0] =	vst v4;
	v2 =	vadd.f32 v2, v10;
	v4 =	vadd.f32 v8, v15  }
0x20b: {  	v15 =	vld [tilespmem:s12+$0x19650];
	[tilespmem:s7+$0x38E0] =	vst v3;
	v1 =	vadd.f32 v1, v5;
	v3 =	vadd.f32 v7, v16  }
0x20c: {  	v16 =	vld [tilespmem:s12+$0x19660];
	[tilespmem:s7+$0x38F0] =	vst v2;
	v0 =	vadd.f32 v0, v4;
	v2 =	vadd.f32 v6, v12  }
0x20d: {  	v12 =	vld [tilespmem:s12+$0x19670];
	[tilespmem:s7+$0x3900] =	vst v1;
	v1 =	vadd.f32 v13, v3  }
0x20e: {  	v13 =	vld [tilespmem:s12+$0x19680];
	[tilespmem:s7+$0x3910] =	vst v0;
	v0 =	vadd.f32 v9, v2  }
0x20f: {  	v17 =	vld [tilespmem:s12+$0x19690];
	[tilespmem:s7+$0x3920] =	vst v1  }
0x210: {  	v18 =	vld [tilespmem:s12+$0x196A0];
	[tilespmem:s7+$0x3930] =	vst v0;
	s7 =	smov.u32 s12  }
0x211: {  	v20 =	vld [tilespmem:s7+$0x196B0]  }
0x212: {  	v5 =	vld [tilespmem:s7+$0x196C0]  }
0x213: {  	v4 =	vld [tilespmem:s7+$0x196D0]  }
0x214: {  	v3 =	vld [tilespmem:s7+$0x196E0]  }
0x215: {  	v2 =	vld [tilespmem:s7+$0x196F0]  }
0x216: {  	v1 =	vld [tilespmem:s7+$0x19700]  }
0x217: {  	v0 =	vld [tilespmem:s7+$0x19710]  }
0x218: {  	v19 =	vld [tilespmem:s7+$0x10040]  }
0x219: {  	v21 =	vld [tilespmem:s7+$0x10050]  }
0x21a: {  	v22 =	vld [tilespmem:s7+$0x10060]  }
0x21b: {  	v23 =	vld [tilespmem:s7+$0x10070]  }
0x21c: {  	v24 =	vld [tilespmem:s7+$0x10080]  }
0x21d: {  	v25 =	vld [tilespmem:s7+$0x10090]  }
0x21e: {  	v26 =	vld [tilespmem:s7+$0x100A0]  }
0x21f: {  	v27 =	vld [tilespmem:s7+$0x100B0]  }
0x220: {  	v28 =	vld [tilespmem:s7+$0x100C0]  }
0x221: {  	v29 =	vld [tilespmem:s7+$0x100D0]  }
0x222: {  	v11 =	vld [tilespmem:s7+$0x100E0]  }
0x223: {  	v10 =	vld [tilespmem:s7+$0x100F0]  }
0x224: {  	v9 =	vld [tilespmem:s7+$0x10100]  }
0x225: {  	v8 =	vld [tilespmem:s7+$0x10110]  }
0x226: {  	v7 =	vld [tilespmem:s7+$0x10120]  }
0x227: {  	v6 =	vld [tilespmem:s7+$0x10130]  }
0x228: {  	v30 =	vld [tilespmem:s7+$0x3840]  }
0x229: {  	v31 =	vld [tilespmem:s7+$0x3850]  }
0x22a: {  	v32 =	vld [tilespmem:s7+$0x3860]  }
0x22b: {  	v33 =	vld [tilespmem:s7+$0x3870]  }
0x22c: {  	v34 =	vld [tilespmem:s7+$0x3880]  }
0x22d: {  	v19 =	vadd.f32 v19, v30;
	v30 =	vld [tilespmem:s7+$0x3890]  }
0x22e: {  	v21 =	vadd.f32 v21, v31;
	v31 =	vld [tilespmem:s7+$0x38A0]  }
0x22f: {  	v14 =	vadd.f32 v14, v19;
	v19 =	vadd.f32 v22, v32;
	v22 =	vld [tilespmem:s7+$0x38B0]  }
0x230: {  	v15 =	vadd.f32 v15, v21;
	v21 =	vadd.f32 v23, v33;
	v23 =	vld [tilespmem:s7+$0x38C0]  }
0x231: {  	[tilespmem:s7+$0x3840] =	vst v14;
	v14 =	vadd.f32 v16, v19;
	v16 =	vadd.f32 v24, v34;
	v24 =	vld [tilespmem:s7+$0x38D0]  }
.Ltmp7:
0x232: {  	[tilespmem:s7+$0x3850] =	vst v15;
	v15 =	vadd.f32 v12, v21;
	v19 =	vadd.f32 v25, v30;
	v12 =	vld [tilespmem:s7+$0x38E0];
	(pc) =	sbr.rel @p2 .LBB2_15-.Ltmp7, $4  }
0x233: {  	[tilespmem:s7+$0x3860] =	vst v14;
	v16 =	vadd.f32 v13, v16;
	v21 =	vadd.f32 v26, v31;
	v13 =	vld [tilespmem:s7+$0x38F0]  }
0x234: {  	[tilespmem:s7+$0x3870] =	vst v15;
	v17 =	vadd.f32 v17, v19;
	v22 =	vadd.f32 v27, v22;
	v14 =	vld [tilespmem:s7+$0x3900]  }
0x235: {  	[tilespmem:s7+$0x3880] =	vst v16;
	v19 =	vadd.f32 v18, v21;
	v18 =	vadd.f32 v28, v23;
	v15 =	vld [tilespmem:s7+$0x3910]  }
0x236: {  	s11 =	sadd.s32 $0x400, s11;
	[tilespmem:s7+$0x3890] =	vst v17;
	v20 =	vadd.f32 v20, v22;
	v17 =	vadd.f32 v29, v24;
	v16 =	vld [tilespmem:s7+$0x3920]  }
0x237: {  	[tilespmem:s7+$0x38A0] =	vst v19;
	v55 =	vld [tilespmem:s7+$0x3930];
	v5 =	vadd.f32 v5, v18;
	v11 =	vadd.f32 v11, v12  }
0x238: {  	v56 =	vld [tilespmem:s7+$0x19720];
	[tilespmem:s7+$0x38B0] =	vst v20;
	v4 =	vadd.f32 v4, v17;
	v10 =	vadd.f32 v10, v13  }
0x239: {  	v58 =	vld [tilespmem:s7+$0x19730];
	[tilespmem:s7+$0x38C0] =	vst v5;
	v3 =	vadd.f32 v3, v11;
	v57 =	vadd.f32 v9, v14  }
0x23a: {  	[tilespmem:s7+$0x38D0] =	vst v4;
	v2 =	vadd.f32 v2, v10;
	v59 =	vadd.f32 v8, v15  }
0x23b: {  	[tilespmem:s7+$0x38E0] =	vst v3;
	v1 =	vadd.f32 v1, v57;
	v60 =	vadd.f32 v7, v16  }
0x23c: {  	[tilespmem:s7+$0x38F0] =	vst v2;
	v0 =	vadd.f32 v0, v59;
	v61 =	vadd.f32 v6, v55  }
.Ltmp8:
0x23d: {  	s11 =	sadd.s32 s13, s18;
	[tilespmem:s7+$0x3900] =	vst v1;
	v62 =	vadd.f32 v56, v60;
	(pc) =	sbr.rel @p1 .LBB2_18-.Ltmp8, $4  }
0x23e: {  	s11 =	smul.u32 $0x640, s11;
	[tilespmem:s7+$0x3910] =	vst v0;
	v63 =	vadd.f32 v58, v61  }
0x23f: {  	[tilespmem:s7+$0x3920] =	vst v62  }
0x240: {  	s22 =	sadd.s32 s1, s11;
	[tilespmem:s7+$0x3930] =	vst v63  }
0x241: {  	[hbm4b:s22+s4] =	stream.linear.scatter [tilespmem:s25], [sflag:$0xA], $0x3200, $0x38;
	[tilespmem:$0x1DB08] =	vst v63  }
0x242: {  	s7 =	sshrl.u32 s23, $0x3  }
.Ltmp9:
0x243: {  	s7 =	sadd.s32 $0x64, s7;
	(pc) =	sbr.rel .LBB2_2-.Ltmp9, $4  }
0x244: {  	s11 =	sadd.s32 s5, s7  }
0x245: {  	[tilespmem:s28], [sflag:$0x2] =	stream.linear.gather [hbm4b:s11+s4], $0xC8, $0x38;
	[tilespmem:$0x1DB08] =	vst v63  }
0x246: {  	s8 =	sadd.s32 $0x1, s8;
	s7 =	sadd.s32 s6, s7  }
0x247: {  	[tilespmem:s0], [sflag:$0x2] =	stream.linear.gather [hbm4b:s7+s4], $0xC8, $0x38;
	[tilespmem:$0x1DB08] =	vst v63  }
.LBB2_18:
0x248: {  	_ =	swait.ge [sflag:s20], $0x3200  }
0x249: {  	[sflag:s20] =	ssyncset.done $0x0  }
0x24a: {  	[sflag:s20] =	ssyncadd.s32 $0xFFFFCE00  }
0x24b: {  	_ =	swait.ge [sflag:s20], $0x3200  }
0x24c: {  	[sflag:s20] =	ssyncset.done $0x0  }
0x24d: {  	s7 =	simm.s32 $0x0;
	[sflag:s20] =	ssyncadd.s32 $0xFFFFCE00  }
0x24e: {  	v12 =	vld [tilespmem:s7+$0x19640]  }
0x24f: {  	v13 =	vld [tilespmem:s7+$0x19650]  }
0x250: {  	v14 =	vld [tilespmem:s7+$0x19660]  }
0x251: {  	v15 =	vld [tilespmem:s7+$0x19670]  }
0x252: {  	v16 =	vld [tilespmem:s7+$0x19680]  }
0x253: {  	v17 =	vld [tilespmem:s7+$0x19690]  }
0x254: {  	v18 =	vld [tilespmem:s7+$0x196A0]  }
0x255: {  	v20 =	vld [tilespmem:s7+$0x196B0]  }
0x256: {  	v5 =	vld [tilespmem:s7+$0x196C0]  }
0x257: {  	v4 =	vld [tilespmem:s7+$0x196D0]  }
0x258: {  	v3 =	vld [tilespmem:s7+$0x196E0]  }
0x259: {  	v2 =	vld [tilespmem:s7+$0x196F0]  }
0x25a: {  	v1 =	vld [tilespmem:s7+$0x19700]  }
0x25b: {  	v0 =	vld [tilespmem:s7+$0x19710]  }
0x25c: {  	v19 =	vld [tilespmem:s7+$0x13240]  }
0x25d: {  	v21 =	vld [tilespmem:s7+$0x13250]  }
0x25e: {  	v22 =	vld [tilespmem:s7+$0x13260]  }
0x25f: {  	v23 =	vld [tilespmem:s7+$0x13270]  }
0x260: {  	v24 =	vld [tilespmem:s7+$0x13280]  }
0x261: {  	v25 =	vld [tilespmem:s7+$0x13290]  }
0x262: {  	v26 =	vld [tilespmem:s7+$0x132A0]  }
0x263: {  	v27 =	vld [tilespmem:s7+$0x132B0]  }
0x264: {  	v28 =	vld [tilespmem:s7+$0x132C0]  }
0x265: {  	v29 =	vld [tilespmem:s7+$0x132D0]  }
0x266: {  	v11 =	vld [tilespmem:s7+$0x132E0]  }
0x267: {  	v10 =	vld [tilespmem:s7+$0x132F0]  }
0x268: {  	v9 =	vld [tilespmem:s7+$0x13300]  }
0x269: {  	v8 =	vld [tilespmem:s7+$0x13310]  }
0x26a: {  	v30 =	vld [tilespmem:s7+$0x6A40]  }
0x26b: {  	v31 =	vld [tilespmem:s7+$0x6A50]  }
0x26c: {  	v32 =	vld [tilespmem:s7+$0x6A60]  }
0x26d: {  	v33 =	vld [tilespmem:s7+$0x6A70]  }
0x26e: {  	v7 =	vld [tilespmem:s7+$0x13320]  }
0x26f: {  	v34 =	vld [tilespmem:s7+$0x6A80]  }
0x270: {  	v6 =	vld [tilespmem:s7+$0x13330]  }
0x271: {  	v62 =	vld [tilespmem:s7+$0x6A90];
	v19 =	vadd.f32 v19, v30;
	v21 =	vadd.f32 v21, v31  }
0x272: {  	v35 =	vld [tilespmem:s7+$0x6AA0];
	v22 =	vadd.f32 v22, v32;
	v23 =	vadd.f32 v23, v33  }
0x273: {  	v12 =	vadd.f32 v12, v19;
	v19 =	vld [tilespmem:s7+$0x6AB0];
	v13 =	vadd.f32 v13, v21  }
0x274: {  	v63 =	vld [tilespmem:s7+$0x6AC0];
	v14 =	vadd.f32 v14, v22;
	v22 =	vadd.f32 v24, v34  }
0x275: {  	v21 =	vld [tilespmem:s7+$0x6AD0];
	v15 =	vadd.f32 v15, v23;
	[tilespmem:s7+$0x6A40] =	vst v12  }
0x276: {  	v23 =	vadd.f32 v25, v62;
	[tilespmem:s7+$0x6A50] =	vst v13;
	v12 =	vld [tilespmem:s7+$0x6AE0];
	v16 =	vadd.f32 v16, v22  }
0x277: {  	[tilespmem:s7+$0x6A60] =	vst v14;
	v13 =	vld [tilespmem:s7+$0x6AF0];
	v22 =	vadd.f32 v26, v35  }
0x278: {  	v14 =	vld [tilespmem:s7+$0x6B00];
	v17 =	vadd.f32 v17, v23;
	[tilespmem:s7+$0x6A80] =	vst v16;
	v16 =	vadd.f32 v27, v19  }
0x279: {  	[tilespmem:s7+$0x6A70] =	vst v15;
	v15 =	vld [tilespmem:s7+$0x6B10];
	v19 =	vadd.f32 v18, v22;
	v18 =	vadd.f32 v28, v63  }
0x27a: {  	s8 =	simm.s32 $0x400;
	[tilespmem:s7+$0x6A90] =	vst v17;
	v17 =	vadd.f32 v29, v21;
	v20 =	vadd.f32 v20, v16;
	v16 =	vld [tilespmem:s7+$0x6B20]  }
.LBB2_19:
0x27b: {  	p1 =	sne.s32 s8, $0xC400;
	[tilespmem:s7+$0x6AA0] =	vst v19;
	v5 =	vadd.f32 v5, v18;
	v11 =	vadd.f32 v11, v12;
	v12 =	vld [tilespmem:s7+$0x6B30]  }
0x27c: {  	[tilespmem:s7+$0x6AB0] =	vst v20;
	v4 =	vadd.f32 v4, v17;
	v10 =	vadd.f32 v10, v13;
	v13 =	vld [tilespmem:s7+$0x19720]  }
0x27d: {  	s11 =	sshra.s32 s8, $0x2;
	[tilespmem:s7+$0x6AC0] =	vst v5;
	v3 =	vadd.f32 v3, v11;
	v5 =	vadd.f32 v9, v14;
	v9 =	vld [tilespmem:s7+$0x19730]  }
0x27e: {  	v14 =	vld [tilespmem:s11+$0x19640];
	[tilespmem:s7+$0x6AD0] =	vst v4;
	v2 =	vadd.f32 v2, v10;
	v4 =	vadd.f32 v8, v15  }
0x27f: {  	v15 =	vld [tilespmem:s11+$0x19650];
	[tilespmem:s7+$0x6AE0] =	vst v3;
	v1 =	vadd.f32 v1, v5;
	v3 =	vadd.f32 v7, v16  }
0x280: {  	v16 =	vld [tilespmem:s11+$0x19660];
	[tilespmem:s7+$0x6AF0] =	vst v2;
	v0 =	vadd.f32 v0, v4;
	v2 =	vadd.f32 v6, v12  }
0x281: {  	v12 =	vld [tilespmem:s11+$0x19670];
	[tilespmem:s7+$0x6B00] =	vst v1;
	v1 =	vadd.f32 v13, v3  }
0x282: {  	v13 =	vld [tilespmem:s11+$0x19680];
	[tilespmem:s7+$0x6B10] =	vst v0;
	v0 =	vadd.f32 v9, v2  }
0x283: {  	v17 =	vld [tilespmem:s11+$0x19690];
	[tilespmem:s7+$0x6B20] =	vst v1  }
0x284: {  	v18 =	vld [tilespmem:s11+$0x196A0];
	[tilespmem:s7+$0x6B30] =	vst v0;
	s7 =	smov.u32 s11  }
0x285: {  	v20 =	vld [tilespmem:s7+$0x196B0]  }
0x286: {  	v5 =	vld [tilespmem:s7+$0x196C0]  }
0x287: {  	v4 =	vld [tilespmem:s7+$0x196D0]  }
0x288: {  	v3 =	vld [tilespmem:s7+$0x196E0]  }
0x289: {  	v2 =	vld [tilespmem:s7+$0x196F0]  }
0x28a: {  	v1 =	vld [tilespmem:s7+$0x19700]  }
0x28b: {  	v0 =	vld [tilespmem:s7+$0x19710]  }
0x28c: {  	v19 =	vld [tilespmem:s7+$0x13240]  }
0x28d: {  	v21 =	vld [tilespmem:s7+$0x13250]  }
0x28e: {  	v22 =	vld [tilespmem:s7+$0x13260]  }
0x28f: {  	v23 =	vld [tilespmem:s7+$0x13270]  }
0x290: {  	v24 =	vld [tilespmem:s7+$0x13280]  }
0x291: {  	v25 =	vld [tilespmem:s7+$0x13290]  }
0x292: {  	v26 =	vld [tilespmem:s7+$0x132A0]  }
0x293: {  	v27 =	vld [tilespmem:s7+$0x132B0]  }
0x294: {  	v28 =	vld [tilespmem:s7+$0x132C0]  }
0x295: {  	v29 =	vld [tilespmem:s7+$0x132D0]  }
0x296: {  	v11 =	vld [tilespmem:s7+$0x132E0]  }
0x297: {  	v10 =	vld [tilespmem:s7+$0x132F0]  }
0x298: {  	v9 =	vld [tilespmem:s7+$0x13300]  }
0x299: {  	v8 =	vld [tilespmem:s7+$0x13310]  }
0x29a: {  	v7 =	vld [tilespmem:s7+$0x13320]  }
0x29b: {  	v6 =	vld [tilespmem:s7+$0x13330]  }
0x29c: {  	v30 =	vld [tilespmem:s7+$0x6A40]  }
0x29d: {  	v31 =	vld [tilespmem:s7+$0x6A50]  }
0x29e: {  	v32 =	vld [tilespmem:s7+$0x6A60]  }
0x29f: {  	v33 =	vld [tilespmem:s7+$0x6A70]  }
0x2a0: {  	v34 =	vld [tilespmem:s7+$0x6A80]  }
0x2a1: {  	v19 =	vadd.f32 v19, v30;
	v30 =	vld [tilespmem:s7+$0x6A90]  }
0x2a2: {  	v21 =	vadd.f32 v21, v31;
	v31 =	vld [tilespmem:s7+$0x6AA0]  }
0x2a3: {  	v14 =	vadd.f32 v14, v19;
	v19 =	vadd.f32 v22, v32;
	v22 =	vld [tilespmem:s7+$0x6AB0]  }
0x2a4: {  	v15 =	vadd.f32 v15, v21;
	v21 =	vadd.f32 v23, v33;
	v23 =	vld [tilespmem:s7+$0x6AC0]  }
0x2a5: {  	[tilespmem:s7+$0x6A40] =	vst v14;
	v14 =	vadd.f32 v16, v19;
	v16 =	vadd.f32 v24, v34;
	v24 =	vld [tilespmem:s7+$0x6AD0]  }
.Ltmp10:
0x2a6: {  	[tilespmem:s7+$0x6A50] =	vst v15;
	v15 =	vadd.f32 v12, v21;
	v19 =	vadd.f32 v25, v30;
	v12 =	vld [tilespmem:s7+$0x6AE0];
	(pc) =	sbr.rel @p1 .LBB2_19-.Ltmp10, $4  }
0x2a7: {  	[tilespmem:s7+$0x6A60] =	vst v14;
	v16 =	vadd.f32 v13, v16;
	v21 =	vadd.f32 v26, v31;
	v13 =	vld [tilespmem:s7+$0x6AF0]  }
0x2a8: {  	[tilespmem:s7+$0x6A70] =	vst v15;
	v17 =	vadd.f32 v17, v19;
	v22 =	vadd.f32 v27, v22;
	v14 =	vld [tilespmem:s7+$0x6B00]  }
0x2a9: {  	[tilespmem:s7+$0x6A80] =	vst v16;
	v19 =	vadd.f32 v18, v21;
	v18 =	vadd.f32 v28, v23;
	v15 =	vld [tilespmem:s7+$0x6B10]  }
0x2aa: {  	s8 =	sadd.s32 $0x400, s8;
	[tilespmem:s7+$0x6A90] =	vst v17;
	v20 =	vadd.f32 v20, v22;
	v17 =	vadd.f32 v29, v24;
	v16 =	vld [tilespmem:s7+$0x6B20]  }
0x2ab: {  	[tilespmem:s7+$0x6AA0] =	vst v19;
	v19 =	vld [tilespmem:s7+$0x6B30];
	v5 =	vadd.f32 v5, v18;
	v11 =	vadd.f32 v11, v12  }
0x2ac: {  	v12 =	vld [tilespmem:s7+$0x19720];
	[tilespmem:s7+$0x6AB0] =	vst v20;
	v4 =	vadd.f32 v4, v17;
	v10 =	vadd.f32 v10, v13  }
0x2ad: {  	[tilespmem:s7+$0x6AC0] =	vst v5;
	v3 =	vadd.f32 v3, v11;
	v5 =	vadd.f32 v9, v14;
	v9 =	vld [tilespmem:s7+$0x19730]  }
0x2ae: {  	[tilespmem:s7+$0x6AD0] =	vst v4;
	v2 =	vadd.f32 v2, v10;
	v4 =	vadd.f32 v8, v15  }
0x2af: {  	[tilespmem:s7+$0x6AE0] =	vst v3;
	v1 =	vadd.f32 v1, v5;
	v3 =	vadd.f32 v7, v16  }
0x2b0: {  	[tilespmem:s7+$0x6AF0] =	vst v2;
	v0 =	vadd.f32 v0, v4;
	v2 =	vadd.f32 v6, v19  }
0x2b1: {  	[tilespmem:s7+$0x6B00] =	vst v1;
	v1 =	vadd.f32 v12, v3  }
0x2b2: {  	[tilespmem:s7+$0x6B10] =	vst v0;
	v0 =	vadd.f32 v9, v2  }
0x2b3: {  	[tilespmem:s7+$0x6B20] =	vst v1  }
0x2b4: {  	s23 =	simm.s32 $0x0;
	s8 =	rddreg [dreg:$0x12];
	s11 =	simm.s32 $0x6A40;
	[tilespmem:s7+$0x6B30] =	vst v0  }
0x2b5: {  	[hbm4b:s8+s23] =	stream.linear.scatter [tilespmem:s11], [sflag:$0xB], $0x3200, $0x38;
	[tilespmem:$0x1DB08] =	vst v63  }
0x2b6: {  	_ =	swait.ge [sflag:s21], $0x3200  }
0x2b7: {  	[sflag:s21] =	ssyncset.done $0x0  }
0x2b8: {  	[sflag:s21] =	ssyncadd.s32 $0xFFFFCE00  }
0x2b9: {  	_ =	swait.ge [sflag:s21], $0x3200  }
0x2ba: {  	[sflag:s21] =	ssyncset.done $0x0  }
0x2bb: {  	s7 =	simm.s32 $0x0;
	[sflag:s21] =	ssyncadd.s32 $0xFFFFCE00  }
0x2bc: {  	v12 =	vld [tilespmem:s7+$0x19640]  }
0x2bd: {  	v13 =	vld [tilespmem:s7+$0x19650]  }
0x2be: {  	v14 =	vld [tilespmem:s7+$0x19660]  }
0x2bf: {  	v15 =	vld [tilespmem:s7+$0x19670]  }
0x2c0: {  	v16 =	vld [tilespmem:s7+$0x19680]  }
0x2c1: {  	v17 =	vld [tilespmem:s7+$0x19690]  }
0x2c2: {  	v18 =	vld [tilespmem:s7+$0x196A0]  }
0x2c3: {  	v20 =	vld [tilespmem:s7+$0x196B0]  }
0x2c4: {  	v5 =	vld [tilespmem:s7+$0x196C0]  }
0x2c5: {  	v4 =	vld [tilespmem:s7+$0x196D0]  }
0x2c6: {  	v3 =	vld [tilespmem:s7+$0x196E0]  }
0x2c7: {  	v2 =	vld [tilespmem:s7+$0x196F0]  }
0x2c8: {  	v1 =	vld [tilespmem:s7+$0x19700]  }
0x2c9: {  	v0 =	vld [tilespmem:s7+$0x19710]  }
0x2ca: {  	v19 =	vld [tilespmem:s7+$0x16440]  }
0x2cb: {  	v21 =	vld [tilespmem:s7+$0x16450]  }
0x2cc: {  	v22 =	vld [tilespmem:s7+$0x16460]  }
0x2cd: {  	v23 =	vld [tilespmem:s7+$0x16470]  }
0x2ce: {  	v24 =	vld [tilespmem:s7+$0x16480]  }
0x2cf: {  	v25 =	vld [tilespmem:s7+$0x16490]  }
0x2d0: {  	v26 =	vld [tilespmem:s7+$0x164A0]  }
0x2d1: {  	v27 =	vld [tilespmem:s7+$0x164B0]  }
0x2d2: {  	v28 =	vld [tilespmem:s7+$0x164C0]  }
0x2d3: {  	v29 =	vld [tilespmem:s7+$0x164D0]  }
0x2d4: {  	v11 =	vld [tilespmem:s7+$0x164E0]  }
0x2d5: {  	v10 =	vld [tilespmem:s7+$0x164F0]  }
0x2d6: {  	v9 =	vld [tilespmem:s7+$0x16500]  }
0x2d7: {  	v8 =	vld [tilespmem:s7+$0x16510]  }
0x2d8: {  	v30 =	vld [tilespmem:s7+$0x9C40]  }
0x2d9: {  	v31 =	vld [tilespmem:s7+$0x9C50]  }
0x2da: {  	v32 =	vld [tilespmem:s7+$0x9C60]  }
0x2db: {  	v33 =	vld [tilespmem:s7+$0x9C70]  }
0x2dc: {  	v7 =	vld [tilespmem:s7+$0x16520]  }
0x2dd: {  	v34 =	vld [tilespmem:s7+$0x9C80]  }
0x2de: {  	v6 =	vld [tilespmem:s7+$0x16530]  }
0x2df: {  	v62 =	vld [tilespmem:s7+$0x9C90];
	v19 =	vadd.f32 v19, v30;
	v21 =	vadd.f32 v21, v31  }
0x2e0: {  	v35 =	vld [tilespmem:s7+$0x9CA0];
	v22 =	vadd.f32 v22, v32;
	v23 =	vadd.f32 v23, v33  }
0x2e1: {  	v12 =	vadd.f32 v12, v19;
	v19 =	vld [tilespmem:s7+$0x9CB0];
	v13 =	vadd.f32 v13, v21  }
0x2e2: {  	v63 =	vld [tilespmem:s7+$0x9CC0];
	v14 =	vadd.f32 v14, v22;
	v22 =	vadd.f32 v24, v34  }
0x2e3: {  	v21 =	vld [tilespmem:s7+$0x9CD0];
	v15 =	vadd.f32 v15, v23;
	[tilespmem:s7+$0x9C40] =	vst v12  }
0x2e4: {  	v23 =	vadd.f32 v25, v62;
	[tilespmem:s7+$0x9C50] =	vst v13;
	v12 =	vld [tilespmem:s7+$0x9CE0];
	v16 =	vadd.f32 v16, v22  }
0x2e5: {  	[tilespmem:s7+$0x9C60] =	vst v14;
	v13 =	vld [tilespmem:s7+$0x9CF0];
	v22 =	vadd.f32 v26, v35  }
0x2e6: {  	v14 =	vld [tilespmem:s7+$0x9D00];
	v17 =	vadd.f32 v17, v23;
	[tilespmem:s7+$0x9C80] =	vst v16;
	v16 =	vadd.f32 v27, v19  }
0x2e7: {  	[tilespmem:s7+$0x9C70] =	vst v15;
	v15 =	vld [tilespmem:s7+$0x9D10];
	v19 =	vadd.f32 v18, v22;
	v18 =	vadd.f32 v28, v63  }
0x2e8: {  	s8 =	simm.s32 $0x400;
	[tilespmem:s7+$0x9C90] =	vst v17;
	v17 =	vadd.f32 v29, v21;
	v20 =	vadd.f32 v20, v16;
	v16 =	vld [tilespmem:s7+$0x9D20]  }
.LBB2_21:
0x2e9: {  	p1 =	sne.s32 s8, $0xC400;
	[tilespmem:s7+$0x9CA0] =	vst v19;
	v5 =	vadd.f32 v5, v18;
	v11 =	vadd.f32 v11, v12;
	v12 =	vld [tilespmem:s7+$0x9D30]  }
0x2ea: {  	[tilespmem:s7+$0x9CB0] =	vst v20;
	v4 =	vadd.f32 v4, v17;
	v10 =	vadd.f32 v10, v13;
	v13 =	vld [tilespmem:s7+$0x19720]  }
0x2eb: {  	s11 =	sshra.s32 s8, $0x2;
	[tilespmem:s7+$0x9CC0] =	vst v5;
	v3 =	vadd.f32 v3, v11;
	v5 =	vadd.f32 v9, v14;
	v9 =	vld [tilespmem:s7+$0x19730]  }
0x2ec: {  	v14 =	vld [tilespmem:s11+$0x19640];
	[tilespmem:s7+$0x9CD0] =	vst v4;
	v2 =	vadd.f32 v2, v10;
	v4 =	vadd.f32 v8, v15  }
0x2ed: {  	v15 =	vld [tilespmem:s11+$0x19650];
	[tilespmem:s7+$0x9CE0] =	vst v3;
	v1 =	vadd.f32 v1, v5;
	v3 =	vadd.f32 v7, v16  }
0x2ee: {  	v16 =	vld [tilespmem:s11+$0x19660];
	[tilespmem:s7+$0x9CF0] =	vst v2;
	v0 =	vadd.f32 v0, v4;
	v2 =	vadd.f32 v6, v12  }
0x2ef: {  	v12 =	vld [tilespmem:s11+$0x19670];
	[tilespmem:s7+$0x9D00] =	vst v1;
	v1 =	vadd.f32 v13, v3  }
0x2f0: {  	v13 =	vld [tilespmem:s11+$0x19680];
	[tilespmem:s7+$0x9D10] =	vst v0;
	v0 =	vadd.f32 v9, v2  }
0x2f1: {  	v17 =	vld [tilespmem:s11+$0x19690];
	[tilespmem:s7+$0x9D20] =	vst v1  }
0x2f2: {  	v18 =	vld [tilespmem:s11+$0x196A0];
	[tilespmem:s7+$0x9D30] =	vst v0;
	s7 =	smov.u32 s11  }
0x2f3: {  	v20 =	vld [tilespmem:s7+$0x196B0]  }
0x2f4: {  	v5 =	vld [tilespmem:s7+$0x196C0]  }
0x2f5: {  	v4 =	vld [tilespmem:s7+$0x196D0]  }
0x2f6: {  	v3 =	vld [tilespmem:s7+$0x196E0]  }
0x2f7: {  	v2 =	vld [tilespmem:s7+$0x196F0]  }
0x2f8: {  	v1 =	vld [tilespmem:s7+$0x19700]  }
0x2f9: {  	v0 =	vld [tilespmem:s7+$0x19710]  }
0x2fa: {  	v19 =	vld [tilespmem:s7+$0x16440]  }
0x2fb: {  	v21 =	vld [tilespmem:s7+$0x16450]  }
0x2fc: {  	v22 =	vld [tilespmem:s7+$0x16460]  }
0x2fd: {  	v23 =	vld [tilespmem:s7+$0x16470]  }
0x2fe: {  	v24 =	vld [tilespmem:s7+$0x16480]  }
0x2ff: {  	v25 =	vld [tilespmem:s7+$0x16490]  }
0x300: {  	v26 =	vld [tilespmem:s7+$0x164A0]  }
0x301: {  	v27 =	vld [tilespmem:s7+$0x164B0]  }
0x302: {  	v28 =	vld [tilespmem:s7+$0x164C0]  }
0x303: {  	v29 =	vld [tilespmem:s7+$0x164D0]  }
0x304: {  	v11 =	vld [tilespmem:s7+$0x164E0]  }
0x305: {  	v10 =	vld [tilespmem:s7+$0x164F0]  }
0x306: {  	v9 =	vld [tilespmem:s7+$0x16500]  }
0x307: {  	v8 =	vld [tilespmem:s7+$0x16510]  }
0x308: {  	v7 =	vld [tilespmem:s7+$0x16520]  }
0x309: {  	v6 =	vld [tilespmem:s7+$0x16530]  }
0x30a: {  	v30 =	vld [tilespmem:s7+$0x9C40]  }
0x30b: {  	v31 =	vld [tilespmem:s7+$0x9C50]  }
0x30c: {  	v32 =	vld [tilespmem:s7+$0x9C60]  }
0x30d: {  	v33 =	vld [tilespmem:s7+$0x9C70]  }
0x30e: {  	v34 =	vld [tilespmem:s7+$0x9C80]  }
0x30f: {  	v19 =	vadd.f32 v19, v30;
	v30 =	vld [tilespmem:s7+$0x9C90]  }
0x310: {  	v21 =	vadd.f32 v21, v31;
	v31 =	vld [tilespmem:s7+$0x9CA0]  }
0x311: {  	v14 =	vadd.f32 v14, v19;
	v19 =	vadd.f32 v22, v32;
	v22 =	vld [tilespmem:s7+$0x9CB0]  }
0x312: {  	v15 =	vadd.f32 v15, v21;
	v21 =	vadd.f32 v23, v33;
	v23 =	vld [tilespmem:s7+$0x9CC0]  }
0x313: {  	[tilespmem:s7+$0x9C40] =	vst v14;
	v14 =	vadd.f32 v16, v19;
	v16 =	vadd.f32 v24, v34;
	v24 =	vld [tilespmem:s7+$0x9CD0]  }
.Ltmp11:
0x314: {  	[tilespmem:s7+$0x9C50] =	vst v15;
	v15 =	vadd.f32 v12, v21;
	v19 =	vadd.f32 v25, v30;
	v12 =	vld [tilespmem:s7+$0x9CE0];
	(pc) =	sbr.rel @p1 .LBB2_21-.Ltmp11, $4  }
0x315: {  	[tilespmem:s7+$0x9C60] =	vst v14;
	v16 =	vadd.f32 v13, v16;
	v21 =	vadd.f32 v26, v31;
	v13 =	vld [tilespmem:s7+$0x9CF0]  }
0x316: {  	[tilespmem:s7+$0x9C70] =	vst v15;
	v17 =	vadd.f32 v17, v19;
	v22 =	vadd.f32 v27, v22;
	v14 =	vld [tilespmem:s7+$0x9D00]  }
0x317: {  	[tilespmem:s7+$0x9C80] =	vst v16;
	v19 =	vadd.f32 v18, v21;
	v18 =	vadd.f32 v28, v23;
	v15 =	vld [tilespmem:s7+$0x9D10]  }
0x318: {  	s8 =	sadd.s32 $0x400, s8;
	[tilespmem:s7+$0x9C90] =	vst v17;
	v20 =	vadd.f32 v20, v22;
	v17 =	vadd.f32 v29, v24;
	v16 =	vld [tilespmem:s7+$0x9D20]  }
0x319: {  	[tilespmem:s7+$0x9CA0] =	vst v19;
	v55 =	vld [tilespmem:s7+$0x9D30];
	v5 =	vadd.f32 v5, v18;
	v11 =	vadd.f32 v11, v12  }
0x31a: {  	v56 =	vld [tilespmem:s7+$0x19720];
	[tilespmem:s7+$0x9CB0] =	vst v20;
	v4 =	vadd.f32 v4, v17;
	v10 =	vadd.f32 v10, v13  }
0x31b: {  	v58 =	vld [tilespmem:s7+$0x19730];
	[tilespmem:s7+$0x9CC0] =	vst v5;
	v3 =	vadd.f32 v3, v11;
	v57 =	vadd.f32 v9, v14  }
0x31c: {  	[tilespmem:s7+$0x9CD0] =	vst v4;
	v2 =	vadd.f32 v2, v10;
	v59 =	vadd.f32 v8, v15  }
0x31d: {  	[tilespmem:s7+$0x9CE0] =	vst v3;
	v1 =	vadd.f32 v1, v57;
	v60 =	vadd.f32 v7, v16  }
0x31e: {  	[tilespmem:s7+$0x9CF0] =	vst v2;
	v0 =	vadd.f32 v0, v59;
	v61 =	vadd.f32 v6, v55  }
0x31f: {  	[tilespmem:s7+$0x9D00] =	vst v1;
	v62 =	vadd.f32 v56, v60  }
0x320: {  	[tilespmem:s7+$0x9D10] =	vst v0;
	v63 =	vadd.f32 v58, v61  }
0x321: {  	[tilespmem:s7+$0x9D20] =	vst v62  }
0x322: {  	s15 =	rddreg [dreg:$0x13];
	s8 =	simm.s32 $0x9C40;
	s17 =	simm.s32 $0x9;
	[tilespmem:s7+$0x9D30] =	vst v63  }
0x323: {  	[hbm4b:s15+s4] =	stream.linear.scatter [tilespmem:s8], [sflag:$0xC], $0x3200, $0x38;
	[tilespmem:$0x1DB08] =	vst v63  }
0x324: {  	_ =	swait.ge [sflag:s17], $0x3200  }
0x325: {  	[sflag:s17] =	ssyncset.done $0x0  }
0x326: {  	s18 =	simm.s32 $0xA;
	[sflag:s17] =	ssyncadd.s32 $0xFFFFCE00  }
0x327: {  	_ =	swait.ge [sflag:s18], $0x3200  }
0x328: {  	[sflag:s18] =	ssyncset.done $0x0  }
0x329: {  	[sflag:s18] =	ssyncadd.s32 $0xFFFFCE00  }
0x32a: {  	_ =	swait.ge [sflag:s30], $0x3200  }
0x32b: {  	[sflag:s30] =	ssyncset.done $0x0  }
0x32c: {  	[sflag:s30] =	ssyncadd.s32 $0xFFFFCE00  }
0x32d: {  	_ =	swait.ge [sflag:s31], $0x3200  }
0x32e: {  	s22 =	rddreg [dreg:$0x15]  }
0x32f: {  	s23 =	rddreg [dreg:$0x14];
	s8 =	sadd.s32 $0x1, s22  }
0x330: {  	p1 =	sne.s32 s8, s23  }
.Ltmp12:
0x331: {  	_ = 	snop;
	(pc) =	sbr.rel @p1 .LBB2_1-.Ltmp12, $3  }
0x332: {  	_ =	sdelay $0x1  }
0x333: {  	[sflag:s31] =	ssyncset.done $0x0  }
0x334: {  	[sflag:s31] =	ssyncadd.s32 $0xFFFFCE00  }
0x335: {  	_ =	sfence.sel $0x180000  }
0x336: {  	[bflag:$0x0] =	sbarrier.arrive $0xFFFF  }
0x337: {  	_ =	strace $0x90000047  }
0x338: {  	[bflag:$0x2] =	sbarrier.arrive $0xFFFF  }
0x339: {  	s0 =	rddreg [dreg:$0x4]  }
0x33a: {  	s0 =	sadd.s32 @!p0 $0x100000, s0  }
0x33b: {  	[sflag:s0] =	ssyncadd.tile.s32 @!p0 $0x1;
	_ =	shalt  }
.Lfunc_end2:
_tile_overlayer_lowered:
.L_overlay_start_2:
0x33c: {  	(tag) =	ssettag $0x2  }
0x33d: {  	s0 =	rddreg [dreg:$0x0];
	s2 =	stileid.u32  }
0x33e: {  	s1 =	rddreg [dreg:$0x1];
	p0 =	sne.s32 s2, $0x0  }
0x33f: {  	s3 =	rddreg [dreg:$0x2];
	[bflag:$0x3] =	sbarrier.arrive $0xFFFF;
	s2 =	simm.s32 @!p0 $0x1C0D  }
0x340: {  	[timem:s3], [sflag:s2] =	dma.local @!p0 [hbm:s0], s1  }
0x341: {  	s0 =	simm.s32 @!p0 $0xD  }
0x342: {  	_ =	swait.ge @!p0 [sflag:s0], s1  }
0x343: {  	s1 =	ssub.s32 @!p0 $0x0, s1;
	[sflag:s0] =	ssyncset.done @!p0 $0x0  }
0x344: {  	[sflag:s0] =	ssyncadd.s32 @!p0 s1  }
0x345: {  	[bflag:$0x3] =	sbarrier.arrive $0xFFFF  }
0x346: {  	_ =	shalt  }

// kernel: sparse-core-data-format-call.cloned.1.call-start
scs
called_computation_lowered:
.L_overlay_start_0:
0x0: {  	s2 =	sld [smem:$0x3FD9]  }
0x1: {  	s3 =	sld [smem:$0x3FFE];
	_ =	sdelay $0x1  }
0x2: {  	s1 =	srdreg.scid  }
0x3: {  	s0 =	sand.u32 $0x1, s1  }
0x4: {  	s18 =	sshll.u32 s0, $0xA;
	s2 =	sadd.s32 s3, s2  }
0x5: {  	s2 =	sadd.s32 s2, s18  }
0x6: {  	[smem:$0x3FC3] =	sst s2  }
0x7: {  	_ = 	snop  }
0x8: {  	s2 =	sld [smem:$0x3FD0];
	(tm) =	ssettm $0x1  }
0x9: {  	s19 =	sld [smem:$0x3FFB];
	_ =	sdelay $0x3  }
0xa: {  	_ =	strace s19  }
0xb: {  	s3 =	sld [smem:$0x3FFC];
	_ =	sdelay $0x3  }
0xc: {  	_ =	strace s3  }
0xd: {  	s3 =	sld [smem:$0x3FFD];
	_ =	sdelay $0x3  }
0xe: {  	_ =	strace s3  }
0xf: {  	_ =	strace $0x8FFFFFFF  }
0x10: {  	s20 =	sld [smem:$0x3FDB];
	_ =	sdelay $0x1  }
0x11: {  	s4 =	simm.s32 $_scs_section_size  }
0x12: {  	s5 =	simm.s32 $_size__tile_overlayer_lowered;
	s6 =	simm.s32 $_tile_overlayer_lowered  }
0x13: {  	s23 =	simm.s32 $0x1BFF;
	s22 =	sshll.u32 s6, $0x1;
	s3 =	sadd.s32 s4, s20  }
0x14: {  	s7 =	simm.s32 $0x0;
	s21 =	sshll.u32 s5, $0x1;
	s5 =	sadd.s32 s22, s3  }
0x15: {  	[timem:s7], [sflag:s23] =	dma.local [hbm:s5], s21  }
0x16: {  	_ =	swait.ge [sflag:s23], s21  }
0x17: {  	s4 =	ssub.s32 $0x0, s21;
	[sflag:s23] =	ssyncset.done $0x0  }
0x18: {  	[sflag:s23] =	ssyncadd.s32 s4;
	_ =	sdelay $0x1  }
0x19: {  	s24 =	simm.s32 $0x1B8B  }
0x1a: {  	_ =	swait.ge [sflag:s24], $0x1  }
0x1b: {  	[sflag:s24] =	ssyncset.done $0x0  }
0x1c: {  	s26 =	simm.s32 $0x1B8E;
	s25 =	sld [smem:$0x3FFE];
	[sflag:s24] =	ssyncadd.s32 $0xFFFFFFFF  }
0x1d: {  	s27 =	simm.s32 $execute0_lowered;
	[smem:$0x3FD2] =	sst s26  }
0x1e: {  	s5 =	sshll.u32 s27, $0x1;
	_ =	strace $0x80000049;
	[dreg:$0x1] =	wrdreg $0xFFFFFFFF  }
0x1f: {  	s28 =	simm.s32 $_size_execute0_lowered;
	s3 =	sadd.s32 s3, s5;
	[dreg:$0x0] =	wrdreg $0x0  }
0x20: {  	s5 =	sshll.u32 s28, $0x1;
	[dreg:$0x2] =	wrdreg s3  }
0x21: {  	[dreg:$0x3] =	wrdreg s5  }
0x22: {  	[dreg:$0x4] =	wrdreg $0xC0  }
0x23: {  	_ =	task [dreg:s7], $0x5FFFF  }
0x24: {  	[dreg:$0x1] =	wrdreg $0xFFFFFFFF  }
0x25: {  	[dreg:$0x0] =	wrdreg $0x60  }
0x26: {  	[dreg:$0x2] =	wrdreg s25  }
0x27: {  	[dreg:$0x3] =	wrdreg s2  }
0x28: {  	[dreg:$0x4] =	wrdreg $0x9  }
0x29: {  	_ =	task.clear_ibuf [dreg:s7], $0x5FFFF;
	_ =	strace $0x90000049  }
0x2a: {  	s29 =	simm.s32 $0x9;
	_ =	strace $0x8000004B  }
0x2b: {  	_ =	swait.ge [sflag:s29], $0x1  }
0x2c: {  	[sflag:s29] =	ssyncadd.s32 $0xFFFFFFFF  }
0x2d: {  	_ =	strace $0x9000004B  }
0x2e: {  	_ =	sfence  }
0x2f: {  	s30 =	sld [smem:$0x0];
	_ =	sdelay $0x2  }
0x30: {  	s31 =	sshll.u32 s1, $0xD;
	s1 =	sshrl.u32 s1, $0x2  }
0x31: {  	s3 =	sand.u32 $0x4000, s31;
	s1 =	sadd.s32 s1, s30  }
0x32: {  	s0 =	sor.u32 s3, s0;
	s1 =	sshll.u32 s1, $0x11  }
0x33: {  	s0 =	sor.u32 s1, s0  }
0x34: {  	s0 =	sadd.s32 $0x8F2B, s0  }
0x35: {  	[sflag:s0] =	ssyncadd.remote.s32 $0x1  }
0x36: {  	_ =	sfence.sel $0xFFFF  }
0x37: {  	[dreg:$0x0] =	wrdreg $0xFFFFFFFF;
	(pc) =	sbr.abs _section_cstart, $3  }
0x38: {  	[dreg:$0x1] =	wrdreg $0xFFFFFFFF  }
0x39: {  	_ =	task.clear_ibuf [dreg:s7], $0x2FFFF;
	_ =	strace $0x9FFFFFFF  }
0x3a: {  	(tm) =	ssettm $0x7FFFFFFF  }
0x3b: {  	_ =	shalt  }
tec
execute0_lowered:
.L_overlay_start_1:
0x0: {  	(tag) =	ssettag $0x1  }
0x1: {  	s0 =	srdreg.scid  }
0x2: {  	s1 =	sshll.u32 s0, $0x4  }
0x3: {  	s0 =	stileid.u32;
	s1 =	sand.u32 $0x10, s1  }
0x4: {  	s1 =	sor.u32 s0, s1  }
0x5: {  	s6 =	rddreg [dreg:$0x0];
	s4 =	simm.s32 $0x1;
	s2 =	sshll.u32 s1, $0x7  }
0x6: {  	s7 =	simm.s32 $0x2;
	s12 =	simm.s32 $0x0;
	s1 =	ssub.s32 $0x1000, s2  }
0x7: {  	s8 =	simm.s32 $0x8000;
	s13 =	simm.s32 $0x0;
	s3 =	sand.u32 $0xF80, s1  }
0x8: {  	s9 =	simm.s32 $0x0;
	s5 =	sshrl.u32 s1, $0xC;
	p0 =	sne.s32 s3, $0x0  }
.Ltmp0:
0x9: {  	s1 =	rddreg [dreg:$0x2];
	s4 =	simm.s32 @!p0 $0x0;
	(pc) =	sbr.rel .LBB1_1-.Ltmp0, $4  }
0xa: {  	s11 =	simm.s32 $0x0;
	s3 =	rddreg [dreg:$0x1];
	s5 =	sadd.s32 s4, s5  }
0xb: {  	_ =	strace $0x8000004A;
	s4 =	simm.s32 $0x1;
	s5 =	smul.u32 $0xC8, s5  }
0xc: {  	s6 =	sadd.s32 $0xA00, s6;
	s10 =	smov.u32 s2;
	[sflag:s4] =	ssyncpa.u1 $0x0  }
0xd: {  	p0 =	por $0x0, $0x0;
	[sflag:s7] =	ssyncpa.u1 $0x0;
	s7 =	sor.u32 $0x1, s5  }
.LBB1_4:
0xe: {  	s16 =	sshll.u32 s13, $0x3;
	s17 =	sand.u32 $0x78, s13  }
0xf: {  	s30 =	sand.u32 $0x7E00, s13;
	s12 =	sshll.u32 s12, $0xF;
	s16 =	sand.u32 $0xC00, s16  }
0x10: {  	[tilespmem:s15+$0x810 ss:$0x81] =	vst.msk $0xffff, v2;
	s31 =	sand.u32 $0x7, s13;
	s16 =	sor.u32 s17, s16;
	s17 =	sadd.s32 s3, s30  }
0x11: {  	[tilespmem:s15+$0x1020 ss:$0x81] =	vst.msk $0xffff, v0;
	s13 =	sshll.u32 s31, $0x12;
	s12 =	sadd.s32 s12, s17;
	s16 =	sshrl.u32 s16, $0x3  }
0x12: {  	[tilespmem:s15+$0x0 ss:$0x81] =	vst.msk $0xffff, v1;
	s13 =	sor.u32 $0x400, s13;
	s12 =	sadd.s32 s16, s12  }
0x13: {  	[hbm4b:s12+s13] =	stream.strided.scatter [tilespmem:s14], [sflag:$0x2], $0x2000, s8, s13, $0x20;
	[tilespmem:$0x8080] =	vst v63  }
.LBB1_5:
0x14: {  	s14 =	sadd.s32 $0x1, s9  }
0x15: {  	s12 =	sadd.s32 $0x1000, s10;
	s16 =	smov.u32 s10;
	p2 =	sgt.s32 s14, $0xC7  }
0x16: {  	s16 =	smov.u32 @p2 s12  }
0x17: {  	s14 =	simm.s32 @p2 $0x0;
	p2 =	sgt.s32 s16, $0xFFF  }
0x18: {  	s16 =	smov.u32 @p2 s2;
	p2 =	sne.s32 s11, s7  }
.Ltmp1:
0x19: {  	p1 =	slt.u32 s11, $0x2;
	(pc) =	sbr.rel @!p2 .LBB1_6-.Ltmp1, $4  }
0x1a: {  	s15 =	simm.s32 @!p1 $0x2  }
0x1b: {  	s13 =	smov.u32 s10;
	p0 =	por !p0, !p0;
	_ =	swait.ge @!p1 [sflag:s15], $0x2000  }
0x1c: {  	s12 =	smov.u32 s9;
	[sflag:s15] =	ssyncset.done @!p1 $0x0;
	s9 =	smov.u32 s14  }
0x1d: {  	s11 =	sadd.s32 $0x1, s11;
	[sflag:s15] =	ssyncadd.s32 @!p1 $0xFFFFE000;
	s10 =	smov.u32 s16  }
.LBB1_1:
0x1e: {  	p1 =	sge.u32 s11, s5  }
0x1f: {  	s14 =	sand.u32 @!p1 $0x1FFFFFF, s9  }
0x20: {  	s15 =	smulhi.u32 @!p1 $0x147AE15, s14;
	_ =	sdelay $0x1  }
0x21: {  	s15 =	smul.u32 @!p1 $0xC8, s15  }
0x22: {  	s16 =	sxor.u32 @!p1 $0xFFFFFFFF, s11;
	s17 =	smul.u32 @!p1 $0xC80, s10  }
0x23: {  	s31 =	sadd.s32 $0xFFFFFFFF, s11;
	s16 =	sshll.u32 @!p1 s16, $0xD;
	s14 =	ssub.s32 @!p1 s14, s15  }
0x24: {  	s15 =	sand.u32 @!p1 $0x2000, s16;
	s16 =	sadd.s32 @!p1 s6, s17;
	s14 =	sshll.u32 @!p1 s14, $0x4  }
0x25: {  	s17 =	simm.s32 @!p1 $0x6400;
	s14 =	sadd.s32 @!p1 s14, s16;
	s16 =	simm.s32 @!p1 $0x40  }
0x26: {  	[tilespmem:s15], [sflag:$0x1] =	stream.strided.gather @!p1 [hbm4b:s14+s16], $0x2000, s17, s16, $0x38;
	[tilespmem:$0x8080] =	vst v63  }
0x27: {  	p1 =	sge.u32 s31, s5  }
.Ltmp2:
0x28: {  	_ = 	snop;
	(pc) =	sbr.rel @p1 .LBB1_5-.Ltmp2, $1  }
0x29: {  	_ =	sdelay $0x3  }
0x2a: {  	s14 =	simm.s32 $0x1  }
0x2b: {  	_ =	swait.ge [sflag:s4], $0x2000;
	s14 =	simm.s32 @!p0 $0x0  }
0x2c: {  	[sflag:s4] =	ssyncset.done $0x0;
	s15 =	sshll.u32 s14, $0xD  }
0x2d: {  	[sflag:s4] =	ssyncadd.s32 $0xFFFFE000;
	s18 =	sor.u32 $0x20, s15  }
0x2e: {  	s14 =	smul.u32 $0x8100, s14;
	v3 =	vld [tilespmem:s18+$0x10]  }
0x2f: {  	s30 =	sand.u32 $0x1, s11;
	v2 =	vld [tilespmem:s18+$0xFFFFFFF0]  }
0x30: {  	s15 =	smul.u32 $0x8100, s30;
	s14 =	sshrl.u32 s14, $0x2;
	v0 =	vld [tilespmem:s18+$0x0]  }
0x31: {  	v1 =	vld [tilespmem:s18+$0xFFFFFFE0];
	s16 =	sor.u32 $0x4000, s14  }
0x32: {  	s31 =	sshrl.u32 s15, $0x2;
	s15 =	sadd.s32 $0x0, s16  }
0x33: {  	s17 =	simm.s32 $0x4;
	s18 =	sadd.s32 $0x40, s18;
	s14 =	sor.u32 $0x4000, s31;
	[tilespmem:s15+$0x1830 ss:$0x81] =	vst.msk $0xffff, v3  }
.LBB1_3:
0x34: {  	v3 =	vld [tilespmem:s18+$0x10];
	p1 =	sne.s32 s17, $0x1FC;
	[tilespmem:s15+$0x810 ss:$0x81] =	vst.msk $0xffff, v2;
	s19 =	smov.u32 s17;
	s17 =	sadd.s32 $0x4, s17  }
.Ltmp3:
0x35: {  	v2 =	vld [tilespmem:s18+$0xFFFFFFF0];
	[tilespmem:s15+$0x1020 ss:$0x81] =	vst.msk $0xffff, v0;
	(pc) =	sbr.rel @p1 .LBB1_3-.Ltmp3, $4  }
0x36: {  	v0 =	vld [tilespmem:s18+$0x0];
	[tilespmem:s15+$0x0 ss:$0x81] =	vst.msk $0xffff, v1  }
0x37: {  	s15 =	sshra.s32 s19, $0x2;
	v1 =	vld [tilespmem:s18+$0xFFFFFFE0]  }
0x38: {  	s15 =	sadd.s32 s15, s16  }
0x39: {  	s18 =	sadd.s32 $0x40, s18;
	[tilespmem:s15+$0x1830 ss:$0x81] =	vst.msk $0xffff, v3  }
.Ltmp4:
0x3a: {  	_ = 	snop;
	(pc) =	sbr.rel .LBB1_4-.Ltmp4, $1  }
0x3b: {  	_ =	sdelay $0x3  }
.LBB1_6:
0x3c: {  	_ =	sfence.sel $0x180000  }
0x3d: {  	s2 =	simm.s32 $0x1;
	[bflag:$0x0] =	sbarrier.arrive $0xFFFF  }
0x3e: {  	s31 =	simm.s32 $0x2;
	[sflag:s2] =	ssyncpa.u1 $0x1  }
0x3f: {  	[sflag:s31] =	ssyncpa.u1 $0x1  }
0x40: {  	p0 =	sne.s32 s0, $0x0;
	_ =	strace $0x9000004A  }
0x41: {  	s0 =	sadd.s32 @!p0 $0x100000, s1;
	[bflag:$0x2] =	sbarrier.arrive $0xFFFF  }
0x42: {  	[sflag:s0] =	ssyncadd.tile.s32 @!p0 $0x1;
	_ =	shalt  }
.Lfunc_end1:
_tile_overlayer_lowered:
.L_overlay_start_2:
0x43: {  	(tag) =	ssettag $0x2  }
0x44: {  	s0 =	rddreg [dreg:$0x0];
	s2 =	stileid.u32  }
0x45: {  	s1 =	rddreg [dreg:$0x1];
	p0 =	sne.s32 s2, $0x0  }
0x46: {  	s3 =	rddreg [dreg:$0x2];
	[bflag:$0x3] =	sbarrier.arrive $0xFFFF;
	s2 =	simm.s32 @!p0 $0x1C01  }
0x47: {  	[timem:s3], [sflag:s2] =	dma.local @!p0 [hbm:s0], s1  }
0x48: {  	s0 =	simm.s32 @!p0 $0x1  }
0x49: {  	_ =	swait.ge @!p0 [sflag:s0], s1  }
0x4a: {  	s1 =	ssub.s32 @!p0 $0x0, s1;
	[sflag:s0] =	ssyncset.done @!p0 $0x0  }
0x4b: {  	[sflag:s0] =	ssyncadd.s32 @!p0 s1  }
0x4c: {  	[bflag:$0x3] =	sbarrier.arrive $0xFFFF  }
0x4d: {  	_ =	shalt  }

</sc_bundles>
